<compile_context>
chip_gen: v7x
topology: tpu7x:2x2x1
jax: 0.10.2.dev20260603
libtpu: 0.0.44.dev20260713+nightly
codegen_flags: <defaults>
</compile_context>

<pallas_src>
import functools

import jax
import jax.numpy as jnp
from jax import lax
from jax.experimental import pallas as pl
from jax.experimental.pallas import tpu as pltpu
from jax.experimental.pallas import tpu_sc as plsc

N = 10000
E = 320000
F_IN = 128
H1 = 8
C1 = 16
HID = H1 * C1
NC2 = 40
R1 = HID + 16
R2 = 48
NP = 10240
NWORK = 32
EPW = E // NWORK
CHUNK = 80
NCH = EPW // CHUNK
RPT = NP // 16
ZR = 128


def _mm1_body(x_ref, wa_ref, wd_ref, t1_ref, om_ref):
    xb = x_ref[...]
    t1_ref[...] = jnp.dot(xb, wa_ref[...], preferred_element_type=jnp.float32)
    om_ref[...] = jnp.dot(xb, wd_ref[...], preferred_element_type=jnp.float32)


def _merge1_body(p_ref, e8_ref, w2a_ref, w2d_ref, b1_ref, t2_ref, om2_ref):
    p = p_ref[...]
    s = p[0] + p[1]
    num = s[:, :HID]
    den = s[:, HID:HID + H1]
    dene = jnp.dot(den, e8_ref[...], preferred_element_type=jnp.float32)
    x2 = num / (dene + 1e-16) + b1_ref[...]
    x2 = jnp.where(x2 > 0.0, x2, jnp.exp(x2) - 1.0)
    t2_ref[...] = jnp.dot(x2, w2a_ref[...], preferred_element_type=jnp.float32)
    om2_ref[...] = jnp.dot(x2, w2d_ref[...], preferred_element_type=jnp.float32)


def _final_body(p_ref, b2_ref, o_ref):
    p = p_ref[...]
    s = p[0] + p[1]
    num = s[:, :NC2]
    den = s[:, NC2:NC2 + 1]
    o = num / (den + 1e-16) + b2_ref[...]
    m = jnp.max(o, axis=1, keepdims=True)
    z = o - m
    o_ref[...] = z - jnp.log(jnp.sum(jnp.exp(z), axis=1, keepdims=True))


_GDN = lax.GatherDimensionNumbers(
    offset_dims=(), collapsed_slice_dims=(0,), start_index_map=(0,))


def _lane_bcast(v, k):
    idx = jnp.full((16, 1), k, dtype=jnp.int32)
    return lax.gather(v, idx, _GDN, (1,),
                      mode=lax.GatherScatterMode.PROMISE_IN_BOUNDS)


def _edge_body_l1(ts, od, lane, n):
    @plsc.parallel_loop(0, n, unroll=4)
    def _(e):
        tv = ts[e, pl.ds(HID, 16)] + od[e, :]
        tv = jnp.where(tv > 0.0, tv, 0.2 * tv)
        w16 = jnp.exp(tv)
        ts[e, pl.ds(HID, 16)] = w16
        for k in range(H1):
            wk = _lane_bcast(w16, k)
            ts[e, pl.ds(k * 16, 16)] = ts[e, pl.ds(k * 16, 16)] * wk


def _edge_body_l2(ts, od, lane, n):
    @plsc.parallel_loop(0, n, unroll=4)
    def _(e):
        tv = ts[e, pl.ds(32, 16)] + od[e, :]
        tv = jnp.where(tv > 0.0, tv, 0.2 * tv)
        w16 = jnp.exp(tv)
        w = w16[8]
        ts[e, pl.ds(0, 16)] = ts[e, pl.ds(0, 16)] * w
        ts[e, pl.ds(16, 16)] = ts[e, pl.ds(16, 16)] * w
        v2 = ts[e, pl.ds(32, 16)] * w
        ts[e, pl.ds(32, 16)] = jnp.where(lane == 8, w16, v2)


def _make_edge_kernel(row, body, chunk):
    nfull = EPW // chunk
    tail = EPW - nfull * chunk

    def kern(tab_hbm, om_hbm, src_hbm, dst_hbm, out_hbm,
             sidx0, didx0, ts0, od0, sd0, sidx1, didx1, ts1, od1, sd1,
             tsi, tdi, acc, semi0, semg0, sems0, semi1, semg1, sems1):
        cid = lax.axis_index("c")
        sid = lax.axis_index("s")
        wid = cid * 16 + sid
        lane = lax.broadcasted_iota(jnp.int32, (16,), 0)

        def zrow(r, _):
            for v in range(row // 16):
                ts0[r, pl.ds(v * 16, 16)] = jnp.zeros((16,), jnp.float32)
            return 0
        lax.fori_loop(0, 80, zrow, 0)
        for j in range(RPT // 80):
            pltpu.sync_copy(ts0.at[pl.ds(0, 80)],
                            acc.at[pl.ds(sid * RPT + j * 80, 80)])
        plsc.subcore_barrier()

        base0 = wid * EPW
        BUF = ((sidx0, didx0, ts0, od0, sd0, semi0, semg0, sems0),
               (sidx1, didx1, ts1, od1, sd1, semi1, semg1, sems1))

        def snap_didx(p):
            d_ = BUF[p][1]
            sd_ = BUF[p][4]
            for v in range(chunk // 16):
                sd_[pl.ds(v * 16, 16)] = d_[pl.ds(v * 16, 16)]

        def issue_idx(ci, p):
            b = base0 + ci * chunk
            s_, d_, _, _, _, si, _, _ = BUF[p]
            pltpu.async_copy(src_hbm.at[pl.ds(b, chunk)], s_, si)
            pltpu.async_copy(dst_hbm.at[pl.ds(b, chunk)], d_, si)

        def wait_idx(p):
            s_, d_, _, _, _, si, _, _ = BUF[p]
            pltpu.make_async_copy(src_hbm.at[pl.ds(0, chunk)], s_, si).wait()
            pltpu.make_async_copy(dst_hbm.at[pl.ds(0, chunk)], d_, si).wait()

        def issue_gathers(p):
            s_, d_, ts_, od_, _, _, sg, _ = BUF[p]
            pltpu.async_copy(tab_hbm.at[s_], ts_, sg)
            pltpu.async_copy(om_hbm.at[d_], od_, sg)

        def wait_gathers(p):
            s_, d_, ts_, od_, _, _, sg, _ = BUF[p]
            pltpu.make_async_copy(tab_hbm.at[s_], ts_, sg).wait()
            pltpu.make_async_copy(om_hbm.at[d_], od_, sg).wait()

        def issue_scatter(p):
            ts_ = BUF[p][2]
            sd_ = BUF[p][4]
            ss = BUF[p][7]
            pltpu.async_copy(ts_, acc.at[sd_], ss, add=True)

        def wait_scatter(p):
            ts_ = BUF[p][2]
            sd_ = BUF[p][4]
            ss = BUF[p][7]
            pltpu.make_async_copy(ts_, acc.at[sd_], ss).wait()

        issue_idx(0, 0)
        wait_idx(0)
        issue_gathers(0)
        if nfull > 1:
            issue_idx(1, 1)

        def step(ci, p):
            q = 1 - p
            wait_gathers(p)
            snap_didx(p)

            @pl.when(ci >= 1)
            def _():
                wait_scatter(q)

            @pl.when(ci + 1 < nfull)
            def _():
                wait_idx(q)
                issue_gathers(q)

            @pl.when(ci + 2 < nfull)
            def _():
                issue_idx(ci + 2, p)
            body(BUF[p][2], BUF[p][3], lane, chunk)
            issue_scatter(p)

        def loop_body(i, _):
            step(2 * i, 0)
            step(2 * i + 1, 1)
            return 0
        lax.fori_loop(0, nfull // 2, loop_body, 0)

        if nfull % 2:
            ci = nfull - 1
            wait_gathers(0)
            snap_didx(0)
            if ci >= 1:
                wait_scatter(1)
            body(ts0, od0, lane, chunk)
            issue_scatter(0)
            wait_scatter(0)
        else:
            wait_scatter(1)

        if tail:
            b = base0 + nfull * chunk
            pltpu.sync_copy(src_hbm.at[pl.ds(b, tail)], tsi)
            pltpu.sync_copy(dst_hbm.at[pl.ds(b, tail)], tdi)
            pltpu.async_copy(tab_hbm.at[tsi], ts0.at[pl.ds(0, tail)],
                             semg0).wait()
            pltpu.async_copy(om_hbm.at[tdi], od0.at[pl.ds(0, tail)],
                             semg0).wait()
            body(ts0, od0, lane, tail)
            pltpu.async_copy(ts0.at[pl.ds(0, tail)], acc.at[tdi], sems0,
                             add=True).wait()

        plsc.subcore_barrier()
        for j in range(RPT // ZR):
            r0 = sid * RPT + j * ZR
            pltpu.sync_copy(acc.at[pl.ds(r0, ZR)], out_hbm.at[cid, pl.ds(r0, ZR)])

    return kern


@functools.cache
def _build_edge_kernels():
    mesh = plsc.VectorSubcoreMesh(core_axis_name="c", subcore_axis_name="s")
    params = pltpu.CompilerParams(use_tc_tiling_on_sc=False)

    def make(row, body, chunk):
        tail = EPW - (EPW // chunk) * chunk
        scratch = [
            pltpu.VMEM((chunk,), jnp.int32),
            pltpu.VMEM((chunk,), jnp.int32),
            pltpu.VMEM((chunk, row), jnp.float32),
            pltpu.VMEM((chunk, 16), jnp.float32),
            pltpu.VMEM((chunk,), jnp.int32),
            pltpu.VMEM((chunk,), jnp.int32),
            pltpu.VMEM((chunk,), jnp.int32),
            pltpu.VMEM((chunk, row), jnp.float32),
            pltpu.VMEM((chunk, 16), jnp.float32),
            pltpu.VMEM((chunk,), jnp.int32),
            pltpu.VMEM((max(tail, 8),), jnp.int32),
            pltpu.VMEM((max(tail, 8),), jnp.int32),
            pltpu.VMEM_SHARED((NP, row), jnp.float32),
        ]
        scratch += [pltpu.SemaphoreType.DMA] * 6
        return functools.partial(
            pl.kernel,
            compiler_params=params,
            out_type=jax.ShapeDtypeStruct((2, NP, row), jnp.float32),
            mesh=mesh,
            scratch_types=scratch,
        )(_make_edge_kernel(row, body, chunk))

    edge1 = make(R1, _edge_body_l1, 96)
    edge2 = make(R2, _edge_body_l2, 128)
    return edge1, edge2


def kernel(x, edge_index, W1, att_src1, att_dst1, b1, W2, att_src2, att_dst2, b2):
    f32 = jnp.float32
    W1r = W1.reshape(F_IN, H1, C1)
    S1 = jnp.einsum("fkc,kc->fk", W1r, att_src1)
    D1 = jnp.einsum("fkc,kc->fk", W1r, att_dst1)
    W1aug = jnp.concatenate([W1, S1, D1], axis=1)
    W1d = jnp.concatenate([D1, jnp.zeros((F_IN, 8), f32)], axis=1)

    vs2 = W2 @ att_src2[0]
    vd2 = W2 @ att_dst2[0]
    W2aug = jnp.concatenate(
        [W2, vs2[:, None], jnp.zeros((HID, R2 - NC2 - 1), f32)], axis=1)
    W2d = jnp.concatenate(
        [jnp.zeros((HID, 8), f32), vd2[:, None], jnp.zeros((HID, 7), f32)],
        axis=1)

    E8 = jnp.repeat(jnp.eye(H1, dtype=f32), C1, axis=1)

    bn = 2000
    grid = N // bn

    t1, om1 = pl.pallas_call(
        _mm1_body,
        grid=(grid,),
        in_specs=[
            pl.BlockSpec((bn, F_IN), lambda i: (i, 0)),
            pl.BlockSpec((F_IN, R1), lambda i: (0, 0)),
            pl.BlockSpec((F_IN, 16), lambda i: (0, 0)),
        ],
        out_specs=[
            pl.BlockSpec((bn, R1), lambda i: (i, 0)),
            pl.BlockSpec((bn, 16), lambda i: (i, 0)),
        ],
        out_shape=[
            jax.ShapeDtypeStruct((N, R1), f32),
            jax.ShapeDtypeStruct((N, 16), f32),
        ],
    )(x, W1aug, W1d)

    edge1, edge2 = _build_edge_kernels()
    src, dst = edge_index[0], edge_index[1]
    parts1 = edge1(t1, om1, src, dst)

    t2, om2 = pl.pallas_call(
        _merge1_body,
        grid=(grid,),
        in_specs=[
            pl.BlockSpec((2, bn, R1), lambda i: (0, i, 0)),
            pl.BlockSpec((H1, HID), lambda i: (0, 0)),
            pl.BlockSpec((HID, R2), lambda i: (0, 0)),
            pl.BlockSpec((HID, 16), lambda i: (0, 0)),
            pl.BlockSpec((1, HID), lambda i: (0, 0)),
        ],
        out_specs=[
            pl.BlockSpec((bn, R2), lambda i: (i, 0)),
            pl.BlockSpec((bn, 16), lambda i: (i, 0)),
        ],
        out_shape=[
            jax.ShapeDtypeStruct((N, R2), f32),
            jax.ShapeDtypeStruct((N, 16), f32),
        ],
    )(parts1, E8, W2aug, W2d, b1[None, :])

    parts2 = edge2(t2, om2, src, dst)

    out = pl.pallas_call(
        _final_body,
        grid=(grid,),
        in_specs=[
            pl.BlockSpec((2, bn, R2), lambda i: (0, i, 0)),
            pl.BlockSpec((1, NC2), lambda i: (0, 0)),
        ],
        out_specs=pl.BlockSpec((bn, NC2), lambda i: (i, 0)),
        out_shape=jax.ShapeDtypeStruct((N, NC2), f32),
    )(parts2, b2[None, :])

    return out

# --- scband reference (transcript-rebuilt; emitter-appended) ---
"""Pipeline reference for scband-gat-69277822484757 (READ-ONLY COPY).

The authoritative reference and input builder live on the scoring server;
editing this copy changes nothing except your own understanding.
"""

import jax
import jax.numpy as jnp
import numpy as np

N_NODES = 10000
N_EDGES = 320000
F_IN = 128
NHID = 16
HEADS1 = 8
N_CLASSES = 40


def setup_inputs(seed: int = 0):
    key = jax.random.key(seed)
    ks = jax.random.split(key, 12)
    x = jax.random.normal(ks[0], (N_NODES, F_IN), dtype=jnp.float32)
    edge_index = jax.random.randint(ks[1], (2, N_EDGES), 0, N_NODES, dtype=jnp.int32)
    s1 = 1.0 / np.sqrt(F_IN)
    W1 = jax.random.normal(ks[2], (F_IN, HEADS1 * NHID), dtype=jnp.float32) * s1
    att_src1 = jax.random.normal(ks[3], (HEADS1, NHID), dtype=jnp.float32) * 0.1
    att_dst1 = jax.random.normal(ks[4], (HEADS1, NHID), dtype=jnp.float32) * 0.1
    b1 = jnp.zeros((HEADS1 * NHID,), dtype=jnp.float32)
    s2 = 1.0 / np.sqrt(HEADS1 * NHID)
    W2 = jax.random.normal(ks[5], (HEADS1 * NHID, N_CLASSES), dtype=jnp.float32) * s2
    att_src2 = jax.random.normal(ks[6], (1, N_CLASSES), dtype=jnp.float32) * 0.1
    att_dst2 = jax.random.normal(ks[7], (1, N_CLASSES), dtype=jnp.float32) * 0.1
    b2 = jnp.zeros((N_CLASSES,), dtype=jnp.float32)
    return {"x": x, "edge_index": edge_index, "W1": W1, "att_src1": att_src1,
            "att_dst1": att_dst1, "b1": b1, "W2": W2, "att_src2": att_src2,
            "att_dst2": att_dst2, "b2": b2}


def _gat_conv(x, edge_index, W, att_src, att_dst, bias, heads, out_ch, concat):
    # PyG GATConv semantics (eval mode, dropout disabled):
    # h = x @ W reshaped to [N, heads, out_ch]; per-edge attention
    # alpha_ij = softmax_over_dst(leaky_relu(a_src[j] + a_dst[i])); out[i] = sum_j alpha_ij * h[j]
    n = x.shape[0]
    h = (x @ W).reshape(n, heads, out_ch)
    a_src = jnp.sum(h * att_src[None, :, :], axis=-1)  # [N, H]
    a_dst = jnp.sum(h * att_dst[None, :, :], axis=-1)  # [N, H]
    src = edge_index[0]
    dst = edge_index[1]
    alpha = a_src[src] + a_dst[dst]                    # gather: [E, H]
    alpha = jax.nn.leaky_relu(alpha, negative_slope=0.2)
    amax = jax.ops.segment_max(alpha, dst, num_segments=n)
    amax = jnp.where(jnp.isfinite(amax), amax, 0.0)
    alpha = jnp.exp(alpha - jax.lax.stop_gradient(amax)[dst])
    denom = jax.ops.segment_sum(alpha, dst, num_segments=n)
    alpha = alpha / (denom[dst] + 1e-16)
    msg = h[src] * alpha[:, :, None]                   # gather + weight: [E, H, C]
    out = jax.ops.segment_sum(msg, dst, num_segments=n)  # scatter-add: [N, H, C]
    if concat:
        out = out.reshape(n, heads * out_ch)
    else:
        out = jnp.mean(out, axis=1)
    return out + bias


def reference(x, edge_index, W1, att_src1, att_dst1, b1, W2, att_src2, att_dst2, b2):
    # dropout layers are identity in eval mode
    h = _gat_conv(x, edge_index, W1, att_src1, att_dst1, b1, HEADS1, NHID, True)
    h = jax.nn.elu(h)
    out = _gat_conv(h, edge_index, W2, att_src2, att_dst2, b2, 1, N_CLASSES, False)
    return jax.nn.log_softmax(out, axis=1)

if __name__ == "__main__":
    import jax
    _d = setup_inputs()
    print(jax.jit(kernel)(*tuple(_d.values())))

</pallas_src>

<mosaic_0001>
#map = affine_map<(d0, d1) -> (0, 0)>
#map1 = affine_map<(d0, d1) -> (0)>
#map2 = affine_map<(d0, d1) -> (0, 0, 0)>
module attributes {stable_mosaic.version = 14 : i64} {
  func.func @kern(%arg0: i32, %arg1: i32, %arg2: memref<10000x144xf32, #tpu.memory_space<hbm>>, %arg3: memref<10000x16xf32, #tpu.memory_space<hbm>>, %arg4: memref<320000xi32, #tpu.memory_space<hbm>>, %arg5: memref<320000xi32, #tpu.memory_space<hbm>>, %arg6: memref<2x10240x144xf32, #tpu.memory_space<hbm>>, %arg7: memref<96xi32, #tpu.memory_space<vmem>>, %arg8: memref<96xi32, #tpu.memory_space<vmem>>, %arg9: memref<96x144xf32, #tpu.memory_space<vmem>>, %arg10: memref<96x16xf32, #tpu.memory_space<vmem>>, %arg11: memref<96xi32, #tpu.memory_space<vmem>>, %arg12: memref<96xi32, #tpu.memory_space<vmem>>, %arg13: memref<96xi32, #tpu.memory_space<vmem>>, %arg14: memref<96x144xf32, #tpu.memory_space<vmem>>, %arg15: memref<96x16xf32, #tpu.memory_space<vmem>>, %arg16: memref<96xi32, #tpu.memory_space<vmem>>, %arg17: memref<16xi32, #tpu.memory_space<vmem>>, %arg18: memref<16xi32, #tpu.memory_space<vmem>>, %arg19: memref<10240x144xf32, #tpu.memory_space<vmem_shared>>, %arg20: memref<!tpu.dma_semaphore, #tpu.memory_space<semaphore_mem>>, %arg21: memref<!tpu.dma_semaphore, #tpu.memory_space<semaphore_mem>>, %arg22: memref<!tpu.dma_semaphore, #tpu.memory_space<semaphore_mem>>, %arg23: memref<!tpu.dma_semaphore, #tpu.memory_space<semaphore_mem>>, %arg24: memref<!tpu.dma_semaphore, #tpu.memory_space<semaphore_mem>>, %arg25: memref<!tpu.dma_semaphore, #tpu.memory_space<semaphore_mem>>) attributes {dimension_semantics = [#tpu.dimension_semantics<core_parallel>, #tpu.dimension_semantics<subcore_parallel>], iteration_bounds = array<i64: 2, 16>, scalar_prefetch = 0 : i64, scratch_operands = 19 : i64, tpu.core_type = #tpu.core_type<sc_vector_subcore>, window_params = [{transform_indices = #map}, {transform_indices = #map}, {transform_indices = #map1}, {transform_indices = #map1}, {transform_indices = #map2}]} {
    %mul3A = arith.constant 16 : i32
    %mul3A_0 = arith.muli %arg0, %mul3A : i32
    %add3A = arith.addi %mul3A_0, %arg1 : i32
    %iota3A = tpu.iota {dimensions = array<i32: 0>} : vector<16xi32>
    %scan3A = arith.constant 0 : i32
    %scan3A_1 = arith.constant 0 : i32
    %scan3A_2 = arith.constant 80 : i32
    %scan3A_3 = arith.addi %scan3A_1, %scan3A_2 : i32
    %scan3A_4 = arith.constant 1 : i32
    %scan3A_5 = scf.for %scan3A_136 = %scan3A_1 to %scan3A_3 step %scan3A_4 iter_args(%scan3A_137 = %scan3A) -> (i32)  : i32 {
      %broadcast_in_dim3A = arith.constant 0.000000e+00 : f32
      %broadcast_in_dim3A_138 = vector.broadcast %broadcast_in_dim3A : f32 to vector<16xf32>
      %swap3A = arith.index_cast %scan3A_136 : i32 to index
      %swap3A_139 = arith.constant 0 : index
      %swap3A_140 = tpu.vector_load %arg9[%swap3A, %swap3A_139] {strides = array<i32>} : memref<96x144xf32, #tpu.memory_space<vmem>>, vector<1x16xf32>,
      %swap3A_141 = vector.shape_cast %swap3A_140 : vector<1x16xf32> to vector<16xf32>
      %swap3A_142 = vector.shape_cast %broadcast_in_dim3A_138 : vector<16xf32> to vector<1x16xf32>
      tpu.vector_store %arg9[%swap3A, %swap3A_139], %swap3A_142 {strides = array<i32>} : memref<96x144xf32, #tpu.memory_space<vmem>>, vector<1x16xf32>,
      %broadcast_in_dim3A_143 = arith.constant 0.000000e+00 : f32
      %broadcast_in_dim3A_144 = vector.broadcast %broadcast_in_dim3A_143 : f32 to vector<16xf32>
      %swap3A_145 = arith.index_cast %scan3A_136 : i32 to index
      %swap3A_146 = arith.constant 16 : index
      %swap3A_147 = tpu.vector_load %arg9[%swap3A_145, %swap3A_146] {strides = array<i32>} : memref<96x144xf32, #tpu.memory_space<vmem>>, vector<1x16xf32>,
      %swap3A_148 = vector.shape_cast %swap3A_147 : vector<1x16xf32> to vector<16xf32>
      %swap3A_149 = vector.shape_cast %broadcast_in_dim3A_144 : vector<16xf32> to vector<1x16xf32>
      tpu.vector_store %arg9[%swap3A_145, %swap3A_146], %swap3A_149 {strides = array<i32>} : memref<96x144xf32, #tpu.memory_space<vmem>>, vector<1x16xf32>,
      %broadcast_in_dim3A_150 = arith.constant 0.000000e+00 : f32
      %broadcast_in_dim3A_151 = vector.broadcast %broadcast_in_dim3A_150 : f32 to vector<16xf32>
      %swap3A_152 = arith.index_cast %scan3A_136 : i32 to index
      %swap3A_153 = arith.constant 32 : index
      %swap3A_154 = tpu.vector_load %arg9[%swap3A_152, %swap3A_153] {strides = array<i32>} : memref<96x144xf32, #tpu.memory_space<vmem>>, vector<1x16xf32>,
      %swap3A_155 = vector.shape_cast %swap3A_154 : vector<1x16xf32> to vector<16xf32>
      %swap3A_156 = vector.shape_cast %broadcast_in_dim3A_151 : vector<16xf32> to vector<1x16xf32>
      tpu.vector_store %arg9[%swap3A_152, %swap3A_153], %swap3A_156 {strides = array<i32>} : memref<96x144xf32, #tpu.memory_space<vmem>>, vector<1x16xf32>,
      %broadcast_in_dim3A_157 = arith.constant 0.000000e+00 : f32
      %broadcast_in_dim3A_158 = vector.broadcast %broadcast_in_dim3A_157 : f32 to vector<16xf32>
      %swap3A_159 = arith.index_cast %scan3A_136 : i32 to index
      %swap3A_160 = arith.constant 48 : index
      %swap3A_161 = tpu.vector_load %arg9[%swap3A_159, %swap3A_160] {strides = array<i32>} : memref<96x144xf32, #tpu.memory_space<vmem>>, vector<1x16xf32>,
      %swap3A_162 = vector.shape_cast %swap3A_161 : vector<1x16xf32> to vector<16xf32>
      %swap3A_163 = vector.shape_cast %broadcast_in_dim3A_158 : vector<16xf32> to vector<1x16xf32>
      tpu.vector_store %arg9[%swap3A_159, %swap3A_160], %swap3A_163 {strides = array<i32>} : memref<96x144xf32, #tpu.memory_space<vmem>>, vector<1x16xf32>,
      %broadcast_in_dim3A_164 = arith.constant 0.000000e+00 : f32
      %broadcast_in_dim3A_165 = vector.broadcast %broadcast_in_dim3A_164 : f32 to vector<16xf32>
      %swap3A_166 = arith.index_cast %scan3A_136 : i32 to index
      %swap3A_167 = arith.constant 64 : index
      %swap3A_168 = tpu.vector_load %arg9[%swap3A_166, %swap3A_167] {strides = array<i32>} : memref<96x144xf32, #tpu.memory_space<vmem>>, vector<1x16xf32>,
      %swap3A_169 = vector.shape_cast %swap3A_168 : vector<1x16xf32> to vector<16xf32>
      %swap3A_170 = vector.shape_cast %broadcast_in_dim3A_165 : vector<16xf32> to vector<1x16xf32>
      tpu.vector_store %arg9[%swap3A_166, %swap3A_167], %swap3A_170 {strides = array<i32>} : memref<96x144xf32, #tpu.memory_space<vmem>>, vector<1x16xf32>,
      %broadcast_in_dim3A_171 = arith.constant 0.000000e+00 : f32
      %broadcast_in_dim3A_172 = vector.broadcast %broadcast_in_dim3A_171 : f32 to vector<16xf32>
      %swap3A_173 = arith.index_cast %scan3A_136 : i32 to index
      %swap3A_174 = arith.constant 80 : index
      %swap3A_175 = tpu.vector_load %arg9[%swap3A_173, %swap3A_174] {strides = array<i32>} : memref<96x144xf32, #tpu.memory_space<vmem>>, vector<1x16xf32>,
      %swap3A_176 = vector.shape_cast %swap3A_175 : vector<1x16xf32> to vector<16xf32>
      %swap3A_177 = vector.shape_cast %broadcast_in_dim3A_172 : vector<16xf32> to vector<1x16xf32>
      tpu.vector_store %arg9[%swap3A_173, %swap3A_174], %swap3A_177 {strides = array<i32>} : memref<96x144xf32, #tpu.memory_space<vmem>>, vector<1x16xf32>,
      %broadcast_in_dim3A_178 = arith.constant 0.000000e+00 : f32
      %broadcast_in_dim3A_179 = vector.broadcast %broadcast_in_dim3A_178 : f32 to vector<16xf32>
      %swap3A_180 = arith.index_cast %scan3A_136 : i32 to index
      %swap3A_181 = arith.constant 96 : index
      %swap3A_182 = tpu.vector_load %arg9[%swap3A_180, %swap3A_181] {strides = array<i32>} : memref<96x144xf32, #tpu.memory_space<vmem>>, vector<1x16xf32>,
      %swap3A_183 = vector.shape_cast %swap3A_182 : vector<1x16xf32> to vector<16xf32>
      %swap3A_184 = vector.shape_cast %broadcast_in_dim3A_179 : vector<16xf32> to vector<1x16xf32>
      tpu.vector_store %arg9[%swap3A_180, %swap3A_181], %swap3A_184 {strides = array<i32>} : memref<96x144xf32, #tpu.memory_space<vmem>>, vector<1x16xf32>,
      %broadcast_in_dim3A_185 = arith.constant 0.000000e+00 : f32
      %broadcast_in_dim3A_186 = vector.broadcast %broadcast_in_dim3A_185 : f32 to vector<16xf32>
      %swap3A_187 = arith.index_cast %scan3A_136 : i32 to index
      %swap3A_188 = arith.constant 112 : index
      %swap3A_189 = tpu.vector_load %arg9[%swap3A_187, %swap3A_188] {strides = array<i32>} : memref<96x144xf32, #tpu.memory_space<vmem>>, vector<1x16xf32>,
      %swap3A_190 = vector.shape_cast %swap3A_189 : vector<1x16xf32> to vector<16xf32>
      %swap3A_191 = vector.shape_cast %broadcast_in_dim3A_186 : vector<16xf32> to vector<1x16xf32>
      tpu.vector_store %arg9[%swap3A_187, %swap3A_188], %swap3A_191 {strides = array<i32>} : memref<96x144xf32, #tpu.memory_space<vmem>>, vector<1x16xf32>,
      %broadcast_in_dim3A_192 = arith.constant 0.000000e+00 : f32
      %broadcast_in_dim3A_193 = vector.broadcast %broadcast_in_dim3A_192 : f32 to vector<16xf32>
      %swap3A_194 = arith.index_cast %scan3A_136 : i32 to index
      %swap3A_195 = arith.constant 128 : index
      %swap3A_196 = tpu.vector_load %arg9[%swap3A_194, %swap3A_195] {strides = array<i32>} : memref<96x144xf32, #tpu.memory_space<vmem>>, vector<1x16xf32>,
      %swap3A_197 = vector.shape_cast %swap3A_196 : vector<1x16xf32> to vector<16xf32>
      %swap3A_198 = vector.shape_cast %broadcast_in_dim3A_193 : vector<16xf32> to vector<1x16xf32>
      tpu.vector_store %arg9[%swap3A_194, %swap3A_195], %swap3A_198 {strides = array<i32>} : memref<96x144xf32, #tpu.memory_space<vmem>>, vector<1x16xf32>,
      %scan3A_199 = arith.constant 0 : i32
      scf.yield %scan3A_199 : i32
    }
    %scan3A_6 = arith.constant 80 : i32
    %mul3A_7 = arith.constant 640 : i32
    %mul3A_8 = arith.muli %arg1, %mul3A_7 : i32
    %add3A_9 = arith.constant 0 : i32
    %add3A_10 = arith.addi %mul3A_8, %add3A_9 : i32
    "tpu.region"() ({
      %run_scoped3A = tpu.sem_alloc : memref<!tpu.dma_semaphore, #tpu.memory_space<semaphore_mem>>
      %dma_start3A_136 = arith.constant 0 : i32
      %dma_start3A_137 = arith.constant 0 : i32
      %dma_start3A_138 = tpu.memref_slice %arg9[%dma_start3A_136, %dma_start3A_137] : memref<96x144xf32, #tpu.memory_space<vmem>> -> memref<80x144xf32, #tpu.memory_space<vmem>>
      %dma_start3A_139 = arith.constant 0 : i32
      %dma_start3A_140 = tpu.memref_slice %arg19[%add3A_10, %dma_start3A_139] : memref<10240x144xf32, #tpu.memory_space<vmem_shared>> -> memref<80x144xf32, #tpu.memory_space<vmem_shared>>
      %dma_start3A_141 = arith.constant 0 : i32
      %dma_start3A_142 = tpu.memref_slice %arg19[%add3A_10, %dma_start3A_141] : memref<10240x144xf32, #tpu.memory_space<vmem_shared>> -> memref<80x144xf32, #tpu.memory_space<vmem_shared>>
      %dma_start3A_143 = arith.constant 0 : i32
      %dma_start3A_144 = arith.constant 0 : i32
      %dma_start3A_145 = tpu.memref_slice %arg9[%dma_start3A_143, %dma_start3A_144] : memref<96x144xf32, #tpu.memory_space<vmem>> -> memref<80x144xf32, #tpu.memory_space<vmem>>
      tpu.enqueue_dma source(%dma_start3A_145 : memref<80x144xf32, #tpu.memory_space<vmem>>) target(%dma_start3A_142 : memref<80x144xf32, #tpu.memory_space<vmem_shared>>) target_semaphore(%run_scoped3A : memref<!tpu.dma_semaphore, #tpu.memory_space<semaphore_mem>>)
      %dma_wait3A_146 = arith.constant 0 : i32
      %dma_wait3A_147 = arith.constant 0 : i32
      %dma_wait3A_148 = tpu.memref_slice %arg9[%dma_wait3A_146, %dma_wait3A_147] : memref<96x144xf32, #tpu.memory_space<vmem>> -> memref<80x144xf32, #tpu.memory_space<vmem>>
      %dma_wait3A_149 = arith.constant 0 : i32
      %dma_wait3A_150 = tpu.memref_slice %arg19[%add3A_10, %dma_wait3A_149] : memref<10240x144xf32, #tpu.memory_space<vmem_shared>> -> memref<80x144xf32, #tpu.memory_space<vmem_shared>>
      %dma_wait3A_151 = arith.constant 0 : i32
      %dma_wait3A_152 = tpu.memref_slice %arg19[%add3A_10, %dma_wait3A_151] : memref<10240x144xf32, #tpu.memory_space<vmem_shared>> -> memref<80x144xf32, #tpu.memory_space<vmem_shared>>
      %dma_wait3A_153 = arith.constant 0 : i32
      %dma_wait3A_154 = arith.constant 0 : i32
      %dma_wait3A_155 = tpu.memref_slice %arg9[%dma_wait3A_153, %dma_wait3A_154] : memref<96x144xf32, #tpu.memory_space<vmem>> -> memref<80x144xf32, #tpu.memory_space<vmem>>
      tpu.wait_dma2 semaphore(%run_scoped3A : memref<!tpu.dma_semaphore, #tpu.memory_space<semaphore_mem>>) src(%dma_wait3A_155 : memref<80x144xf32, #tpu.memory_space<vmem>>) dst(%dma_wait3A_152 : memref<80x144xf32, #tpu.memory_space<vmem_shared>>)
      tpu.yield
    }) : () -> ()
    %mul3A_11 = arith.constant 640 : i32
    %mul3A_12 = arith.muli %arg1, %mul3A_11 : i32
    %add3A_13 = arith.constant 80 : i32
    %add3A_14 = arith.addi %mul3A_12, %add3A_13 : i32
    "tpu.region"() ({
      %run_scoped3A = tpu.sem_alloc : memref<!tpu.dma_semaphore, #tpu.memory_space<semaphore_mem>>
      %dma_start3A_136 = arith.constant 0 : i32
      %dma_start3A_137 = arith.constant 0 : i32
      %dma_start3A_138 = tpu.memref_slice %arg9[%dma_start3A_136, %dma_start3A_137] : memref<96x144xf32, #tpu.memory_space<vmem>> -> memref<80x144xf32, #tpu.memory_space<vmem>>
      %dma_start3A_139 = arith.constant 0 : i32
      %dma_start3A_140 = tpu.memref_slice %arg19[%add3A_14, %dma_start3A_139] : memref<10240x144xf32, #tpu.memory_space<vmem_shared>> -> memref<80x144xf32, #tpu.memory_space<vmem_shared>>
      %dma_start3A_141 = arith.constant 0 : i32
      %dma_start3A_142 = tpu.memref_slice %arg19[%add3A_14, %dma_start3A_141] : memref<10240x144xf32, #tpu.memory_space<vmem_shared>> -> memref<80x144xf32, #tpu.memory_space<vmem_shared>>
      %dma_start3A_143 = arith.constant 0 : i32
      %dma_start3A_144 = arith.constant 0 : i32
      %dma_start3A_145 = tpu.memref_slice %arg9[%dma_start3A_143, %dma_start3A_144] : memref<96x144xf32, #tpu.memory_space<vmem>> -> memref<80x144xf32, #tpu.memory_space<vmem>>
      tpu.enqueue_dma source(%dma_start3A_145 : memref<80x144xf32, #tpu.memory_space<vmem>>) target(%dma_start3A_142 : memref<80x144xf32, #tpu.memory_space<vmem_shared>>) target_semaphore(%run_scoped3A : memref<!tpu.dma_semaphore, #tpu.memory_space<semaphore_mem>>)
      %dma_wait3A_146 = arith.constant 0 : i32
      %dma_wait3A_147 = arith.constant 0 : i32
      %dma_wait3A_148 = tpu.memref_slice %arg9[%dma_wait3A_146, %dma_wait3A_147] : memref<96x144xf32, #tpu.memory_space<vmem>> -> memref<80x144xf32, #tpu.memory_space<vmem>>
      %dma_wait3A_149 = arith.constant 0 : i32
      %dma_wait3A_150 = tpu.memref_slice %arg19[%add3A_14, %dma_wait3A_149] : memref<10240x144xf32, #tpu.memory_space<vmem_shared>> -> memref<80x144xf32, #tpu.memory_space<vmem_shared>>
      %dma_wait3A_151 = arith.constant 0 : i32
      %dma_wait3A_152 = tpu.memref_slice %arg19[%add3A_14, %dma_wait3A_151] : memref<10240x144xf32, #tpu.memory_space<vmem_shared>> -> memref<80x144xf32, #tpu.memory_space<vmem_shared>>
      %dma_wait3A_153 = arith.constant 0 : i32
      %dma_wait3A_154 = arith.constant 0 : i32
      %dma_wait3A_155 = tpu.memref_slice %arg9[%dma_wait3A_153, %dma_wait3A_154] : memref<96x144xf32, #tpu.memory_space<vmem>> -> memref<80x144xf32, #tpu.memory_space<vmem>>
      tpu.wait_dma2 semaphore(%run_scoped3A : memref<!tpu.dma_semaphore, #tpu.memory_space<semaphore_mem>>) src(%dma_wait3A_155 : memref<80x144xf32, #tpu.memory_space<vmem>>) dst(%dma_wait3A_152 : memref<80x144xf32, #tpu.memory_space<vmem_shared>>)
      tpu.yield
    }) : () -> ()
    %mul3A_15 = arith.constant 640 : i32
    %mul3A_16 = arith.muli %arg1, %mul3A_15 : i32
    %add3A_17 = arith.constant 160 : i32
    %add3A_18 = arith.addi %mul3A_16, %add3A_17 : i32
    "tpu.region"() ({
      %run_scoped3A = tpu.sem_alloc : memref<!tpu.dma_semaphore, #tpu.memory_space<semaphore_mem>>
      %dma_start3A_136 = arith.constant 0 : i32
      %dma_start3A_137 = arith.constant 0 : i32
      %dma_start3A_138 = tpu.memref_slice %arg9[%dma_start3A_136, %dma_start3A_137] : memref<96x144xf32, #tpu.memory_space<vmem>> -> memref<80x144xf32, #tpu.memory_space<vmem>>
      %dma_start3A_139 = arith.constant 0 : i32
      %dma_start3A_140 = tpu.memref_slice %arg19[%add3A_18, %dma_start3A_139] : memref<10240x144xf32, #tpu.memory_space<vmem_shared>> -> memref<80x144xf32, #tpu.memory_space<vmem_shared>>
      %dma_start3A_141 = arith.constant 0 : i32
      %dma_start3A_142 = tpu.memref_slice %arg19[%add3A_18, %dma_start3A_141] : memref<10240x144xf32, #tpu.memory_space<vmem_shared>> -> memref<80x144xf32, #tpu.memory_space<vmem_shared>>
      %dma_start3A_143 = arith.constant 0 : i32
      %dma_start3A_144 = arith.constant 0 : i32
      %dma_start3A_145 = tpu.memref_slice %arg9[%dma_start3A_143, %dma_start3A_144] : memref<96x144xf32, #tpu.memory_space<vmem>> -> memref<80x144xf32, #tpu.memory_space<vmem>>
      tpu.enqueue_dma source(%dma_start3A_145 : memref<80x144xf32, #tpu.memory_space<vmem>>) target(%dma_start3A_142 : memref<80x144xf32, #tpu.memory_space<vmem_shared>>) target_semaphore(%run_scoped3A : memref<!tpu.dma_semaphore, #tpu.memory_space<semaphore_mem>>)
      %dma_wait3A_146 = arith.constant 0 : i32
      %dma_wait3A_147 = arith.constant 0 : i32
      %dma_wait3A_148 = tpu.memref_slice %arg9[%dma_wait3A_146, %dma_wait3A_147] : memref<96x144xf32, #tpu.memory_space<vmem>> -> memref<80x144xf32, #tpu.memory_space<vmem>>
      %dma_wait3A_149 = arith.constant 0 : i32
      %dma_wait3A_150 = tpu.memref_slice %arg19[%add3A_18, %dma_wait3A_149] : memref<10240x144xf32, #tpu.memory_space<vmem_shared>> -> memref<80x144xf32, #tpu.memory_space<vmem_shared>>
      %dma_wait3A_151 = arith.constant 0 : i32
      %dma_wait3A_152 = tpu.memref_slice %arg19[%add3A_18, %dma_wait3A_151] : memref<10240x144xf32, #tpu.memory_space<vmem_shared>> -> memref<80x144xf32, #tpu.memory_space<vmem_shared>>
      %dma_wait3A_153 = arith.constant 0 : i32
      %dma_wait3A_154 = arith.constant 0 : i32
      %dma_wait3A_155 = tpu.memref_slice %arg9[%dma_wait3A_153, %dma_wait3A_154] : memref<96x144xf32, #tpu.memory_space<vmem>> -> memref<80x144xf32, #tpu.memory_space<vmem>>
      tpu.wait_dma2 semaphore(%run_scoped3A : memref<!tpu.dma_semaphore, #tpu.memory_space<semaphore_mem>>) src(%dma_wait3A_155 : memref<80x144xf32, #tpu.memory_space<vmem>>) dst(%dma_wait3A_152 : memref<80x144xf32, #tpu.memory_space<vmem_shared>>)
      tpu.yield
    }) : () -> ()
    %mul3A_19 = arith.constant 640 : i32
    %mul3A_20 = arith.muli %arg1, %mul3A_19 : i32
    %add3A_21 = arith.constant 240 : i32
    %add3A_22 = arith.addi %mul3A_20, %add3A_21 : i32
    "tpu.region"() ({
      %run_scoped3A = tpu.sem_alloc : memref<!tpu.dma_semaphore, #tpu.memory_space<semaphore_mem>>
      %dma_start3A_136 = arith.constant 0 : i32
      %dma_start3A_137 = arith.constant 0 : i32
      %dma_start3A_138 = tpu.memref_slice %arg9[%dma_start3A_136, %dma_start3A_137] : memref<96x144xf32, #tpu.memory_space<vmem>> -> memref<80x144xf32, #tpu.memory_space<vmem>>
      %dma_start3A_139 = arith.constant 0 : i32
      %dma_start3A_140 = tpu.memref_slice %arg19[%add3A_22, %dma_start3A_139] : memref<10240x144xf32, #tpu.memory_space<vmem_shared>> -> memref<80x144xf32, #tpu.memory_space<vmem_shared>>
      %dma_start3A_141 = arith.constant 0 : i32
      %dma_start3A_142 = tpu.memref_slice %arg19[%add3A_22, %dma_start3A_141] : memref<10240x144xf32, #tpu.memory_space<vmem_shared>> -> memref<80x144xf32, #tpu.memory_space<vmem_shared>>
      %dma_start3A_143 = arith.constant 0 : i32
      %dma_start3A_144 = arith.constant 0 : i32
      %dma_start3A_145 = tpu.memref_slice %arg9[%dma_start3A_143, %dma_start3A_144] : memref<96x144xf32, #tpu.memory_space<vmem>> -> memref<80x144xf32, #tpu.memory_space<vmem>>
      tpu.enqueue_dma source(%dma_start3A_145 : memref<80x144xf32, #tpu.memory_space<vmem>>) target(%dma_start3A_142 : memref<80x144xf32, #tpu.memory_space<vmem_shared>>) target_semaphore(%run_scoped3A : memref<!tpu.dma_semaphore, #tpu.memory_space<semaphore_mem>>)
      %dma_wait3A_146 = arith.constant 0 : i32
      %dma_wait3A_147 = arith.constant 0 : i32
      %dma_wait3A_148 = tpu.memref_slice %arg9[%dma_wait3A_146, %dma_wait3A_147] : memref<96x144xf32, #tpu.memory_space<vmem>> -> memref<80x144xf32, #tpu.memory_space<vmem>>
      %dma_wait3A_149 = arith.constant 0 : i32
      %dma_wait3A_150 = tpu.memref_slice %arg19[%add3A_22, %dma_wait3A_149] : memref<10240x144xf32, #tpu.memory_space<vmem_shared>> -> memref<80x144xf32, #tpu.memory_space<vmem_shared>>
      %dma_wait3A_151 = arith.constant 0 : i32
      %dma_wait3A_152 = tpu.memref_slice %arg19[%add3A_22, %dma_wait3A_151] : memref<10240x144xf32, #tpu.memory_space<vmem_shared>> -> memref<80x144xf32, #tpu.memory_space<vmem_shared>>
      %dma_wait3A_153 = arith.constant 0 : i32
      %dma_wait3A_154 = arith.constant 0 : i32
      %dma_wait3A_155 = tpu.memref_slice %arg9[%dma_wait3A_153, %dma_wait3A_154] : memref<96x144xf32, #tpu.memory_space<vmem>> -> memref<80x144xf32, #tpu.memory_space<vmem>>
      tpu.wait_dma2 semaphore(%run_scoped3A : memref<!tpu.dma_semaphore, #tpu.memory_space<semaphore_mem>>) src(%dma_wait3A_155 : memref<80x144xf32, #tpu.memory_space<vmem>>) dst(%dma_wait3A_152 : memref<80x144xf32, #tpu.memory_space<vmem_shared>>)
      tpu.yield
    }) : () -> ()
    %mul3A_23 = arith.constant 640 : i32
    %mul3A_24 = arith.muli %arg1, %mul3A_23 : i32
    %add3A_25 = arith.constant 320 : i32
    %add3A_26 = arith.addi %mul3A_24, %add3A_25 : i32
    "tpu.region"() ({
      %run_scoped3A = tpu.sem_alloc : memref<!tpu.dma_semaphore, #tpu.memory_space<semaphore_mem>>
      %dma_start3A_136 = arith.constant 0 : i32
      %dma_start3A_137 = arith.constant 0 : i32
      %dma_start3A_138 = tpu.memref_slice %arg9[%dma_start3A_136, %dma_start3A_137] : memref<96x144xf32, #tpu.memory_space<vmem>> -> memref<80x144xf32, #tpu.memory_space<vmem>>
      %dma_start3A_139 = arith.constant 0 : i32
      %dma_start3A_140 = tpu.memref_slice %arg19[%add3A_26, %dma_start3A_139] : memref<10240x144xf32, #tpu.memory_space<vmem_shared>> -> memref<80x144xf32, #tpu.memory_space<vmem_shared>>
      %dma_start3A_141 = arith.constant 0 : i32
      %dma_start3A_142 = tpu.memref_slice %arg19[%add3A_26, %dma_start3A_141] : memref<10240x144xf32, #tpu.memory_space<vmem_shared>> -> memref<80x144xf32, #tpu.memory_space<vmem_shared>>
      %dma_start3A_143 = arith.constant 0 : i32
      %dma_start3A_144 = arith.constant 0 : i32
      %dma_start3A_145 = tpu.memref_slice %arg9[%dma_start3A_143, %dma_start3A_144] : memref<96x144xf32, #tpu.memory_space<vmem>> -> memref<80x144xf32, #tpu.memory_space<vmem>>
      tpu.enqueue_dma source(%dma_start3A_145 : memref<80x144xf32, #tpu.memory_space<vmem>>) target(%dma_start3A_142 : memref<80x144xf32, #tpu.memory_space<vmem_shared>>) target_semaphore(%run_scoped3A : memref<!tpu.dma_semaphore, #tpu.memory_space<semaphore_mem>>)
      %dma_wait3A_146 = arith.constant 0 : i32
      %dma_wait3A_147 = arith.constant 0 : i32
      %dma_wait3A_148 = tpu.memref_slice %arg9[%dma_wait3A_146, %dma_wait3A_147] : memref<96x144xf32, #tpu.memory_space<vmem>> -> memref<80x144xf32, #tpu.memory_space<vmem>>
      %dma_wait3A_149 = arith.constant 0 : i32
      %dma_wait3A_150 = tpu.memref_slice %arg19[%add3A_26, %dma_wait3A_149] : memref<10240x144xf32, #tpu.memory_space<vmem_shared>> -> memref<80x144xf32, #tpu.memory_space<vmem_shared>>
      %dma_wait3A_151 = arith.constant 0 : i32
      %dma_wait3A_152 = tpu.memref_slice %arg19[%add3A_26, %dma_wait3A_151] : memref<10240x144xf32, #tpu.memory_space<vmem_shared>> -> memref<80x144xf32, #tpu.memory_space<vmem_shared>>
      %dma_wait3A_153 = arith.constant 0 : i32
      %dma_wait3A_154 = arith.constant 0 : i32
      %dma_wait3A_155 = tpu.memref_slice %arg9[%dma_wait3A_153, %dma_wait3A_154] : memref<96x144xf32, #tpu.memory_space<vmem>> -> memref<80x144xf32, #tpu.memory_space<vmem>>
      tpu.wait_dma2 semaphore(%run_scoped3A : memref<!tpu.dma_semaphore, #tpu.memory_space<semaphore_mem>>) src(%dma_wait3A_155 : memref<80x144xf32, #tpu.memory_space<vmem>>) dst(%dma_wait3A_152 : memref<80x144xf32, #tpu.memory_space<vmem_shared>>)
      tpu.yield
    }) : () -> ()
    %mul3A_27 = arith.constant 640 : i32
    %mul3A_28 = arith.muli %arg1, %mul3A_27 : i32
    %add3A_29 = arith.constant 400 : i32
    %add3A_30 = arith.addi %mul3A_28, %add3A_29 : i32
    "tpu.region"() ({
      %run_scoped3A = tpu.sem_alloc : memref<!tpu.dma_semaphore, #tpu.memory_space<semaphore_mem>>
      %dma_start3A_136 = arith.constant 0 : i32
      %dma_start3A_137 = arith.constant 0 : i32
      %dma_start3A_138 = tpu.memref_slice %arg9[%dma_start3A_136, %dma_start3A_137] : memref<96x144xf32, #tpu.memory_space<vmem>> -> memref<80x144xf32, #tpu.memory_space<vmem>>
      %dma_start3A_139 = arith.constant 0 : i32
      %dma_start3A_140 = tpu.memref_slice %arg19[%add3A_30, %dma_start3A_139] : memref<10240x144xf32, #tpu.memory_space<vmem_shared>> -> memref<80x144xf32, #tpu.memory_space<vmem_shared>>
      %dma_start3A_141 = arith.constant 0 : i32
      %dma_start3A_142 = tpu.memref_slice %arg19[%add3A_30, %dma_start3A_141] : memref<10240x144xf32, #tpu.memory_space<vmem_shared>> -> memref<80x144xf32, #tpu.memory_space<vmem_shared>>
      %dma_start3A_143 = arith.constant 0 : i32
      %dma_start3A_144 = arith.constant 0 : i32
      %dma_start3A_145 = tpu.memref_slice %arg9[%dma_start3A_143, %dma_start3A_144] : memref<96x144xf32, #tpu.memory_space<vmem>> -> memref<80x144xf32, #tpu.memory_space<vmem>>
      tpu.enqueue_dma source(%dma_start3A_145 : memref<80x144xf32, #tpu.memory_space<vmem>>) target(%dma_start3A_142 : memref<80x144xf32, #tpu.memory_space<vmem_shared>>) target_semaphore(%run_scoped3A : memref<!tpu.dma_semaphore, #tpu.memory_space<semaphore_mem>>)
      %dma_wait3A_146 = arith.constant 0 : i32
      %dma_wait3A_147 = arith.constant 0 : i32
      %dma_wait3A_148 = tpu.memref_slice %arg9[%dma_wait3A_146, %dma_wait3A_147] : memref<96x144xf32, #tpu.memory_space<vmem>> -> memref<80x144xf32, #tpu.memory_space<vmem>>
      %dma_wait3A_149 = arith.constant 0 : i32
      %dma_wait3A_150 = tpu.memref_slice %arg19[%add3A_30, %dma_wait3A_149] : memref<10240x144xf32, #tpu.memory_space<vmem_shared>> -> memref<80x144xf32, #tpu.memory_space<vmem_shared>>
      %dma_wait3A_151 = arith.constant 0 : i32
      %dma_wait3A_152 = tpu.memref_slice %arg19[%add3A_30, %dma_wait3A_151] : memref<10240x144xf32, #tpu.memory_space<vmem_shared>> -> memref<80x144xf32, #tpu.memory_space<vmem_shared>>
      %dma_wait3A_153 = arith.constant 0 : i32
      %dma_wait3A_154 = arith.constant 0 : i32
      %dma_wait3A_155 = tpu.memref_slice %arg9[%dma_wait3A_153, %dma_wait3A_154] : memref<96x144xf32, #tpu.memory_space<vmem>> -> memref<80x144xf32, #tpu.memory_space<vmem>>
      tpu.wait_dma2 semaphore(%run_scoped3A : memref<!tpu.dma_semaphore, #tpu.memory_space<semaphore_mem>>) src(%dma_wait3A_155 : memref<80x144xf32, #tpu.memory_space<vmem>>) dst(%dma_wait3A_152 : memref<80x144xf32, #tpu.memory_space<vmem_shared>>)
      tpu.yield
    }) : () -> ()
    %mul3A_31 = arith.constant 640 : i32
    %mul3A_32 = arith.muli %arg1, %mul3A_31 : i32
    %add3A_33 = arith.constant 480 : i32
    %add3A_34 = arith.addi %mul3A_32, %add3A_33 : i32
    "tpu.region"() ({
      %run_scoped3A = tpu.sem_alloc : memref<!tpu.dma_semaphore, #tpu.memory_space<semaphore_mem>>
      %dma_start3A_136 = arith.constant 0 : i32
      %dma_start3A_137 = arith.constant 0 : i32
      %dma_start3A_138 = tpu.memref_slice %arg9[%dma_start3A_136, %dma_start3A_137] : memref<96x144xf32, #tpu.memory_space<vmem>> -> memref<80x144xf32, #tpu.memory_space<vmem>>
      %dma_start3A_139 = arith.constant 0 : i32
      %dma_start3A_140 = tpu.memref_slice %arg19[%add3A_34, %dma_start3A_139] : memref<10240x144xf32, #tpu.memory_space<vmem_shared>> -> memref<80x144xf32, #tpu.memory_space<vmem_shared>>
      %dma_start3A_141 = arith.constant 0 : i32
      %dma_start3A_142 = tpu.memref_slice %arg19[%add3A_34, %dma_start3A_141] : memref<10240x144xf32, #tpu.memory_space<vmem_shared>> -> memref<80x144xf32, #tpu.memory_space<vmem_shared>>
      %dma_start3A_143 = arith.constant 0 : i32
      %dma_start3A_144 = arith.constant 0 : i32
      %dma_start3A_145 = tpu.memref_slice %arg9[%dma_start3A_143, %dma_start3A_144] : memref<96x144xf32, #tpu.memory_space<vmem>> -> memref<80x144xf32, #tpu.memory_space<vmem>>
      tpu.enqueue_dma source(%dma_start3A_145 : memref<80x144xf32, #tpu.memory_space<vmem>>) target(%dma_start3A_142 : memref<80x144xf32, #tpu.memory_space<vmem_shared>>) target_semaphore(%run_scoped3A : memref<!tpu.dma_semaphore, #tpu.memory_space<semaphore_mem>>)
      %dma_wait3A_146 = arith.constant 0 : i32
      %dma_wait3A_147 = arith.constant 0 : i32
      %dma_wait3A_148 = tpu.memref_slice %arg9[%dma_wait3A_146, %dma_wait3A_147] : memref<96x144xf32, #tpu.memory_space<vmem>> -> memref<80x144xf32, #tpu.memory_space<vmem>>
      %dma_wait3A_149 = arith.constant 0 : i32
      %dma_wait3A_150 = tpu.memref_slice %arg19[%add3A_34, %dma_wait3A_149] : memref<10240x144xf32, #tpu.memory_space<vmem_shared>> -> memref<80x144xf32, #tpu.memory_space<vmem_shared>>
      %dma_wait3A_151 = arith.constant 0 : i32
      %dma_wait3A_152 = tpu.memref_slice %arg19[%add3A_34, %dma_wait3A_151] : memref<10240x144xf32, #tpu.memory_space<vmem_shared>> -> memref<80x144xf32, #tpu.memory_space<vmem_shared>>
      %dma_wait3A_153 = arith.constant 0 : i32
      %dma_wait3A_154 = arith.constant 0 : i32
      %dma_wait3A_155 = tpu.memref_slice %arg9[%dma_wait3A_153, %dma_wait3A_154] : memref<96x144xf32, #tpu.memory_space<vmem>> -> memref<80x144xf32, #tpu.memory_space<vmem>>
      tpu.wait_dma2 semaphore(%run_scoped3A : memref<!tpu.dma_semaphore, #tpu.memory_space<semaphore_mem>>) src(%dma_wait3A_155 : memref<80x144xf32, #tpu.memory_space<vmem>>) dst(%dma_wait3A_152 : memref<80x144xf32, #tpu.memory_space<vmem_shared>>)
      tpu.yield
    }) : () -> ()
    %mul3A_35 = arith.constant 640 : i32
    %mul3A_36 = arith.muli %arg1, %mul3A_35 : i32
    %add3A_37 = arith.constant 560 : i32
    %add3A_38 = arith.addi %mul3A_36, %add3A_37 : i32
    "tpu.region"() ({
      %run_scoped3A = tpu.sem_alloc : memref<!tpu.dma_semaphore, #tpu.memory_space<semaphore_mem>>
      %dma_start3A_136 = arith.constant 0 : i32
      %dma_start3A_137 = arith.constant 0 : i32
      %dma_start3A_138 = tpu.memref_slice %arg9[%dma_start3A_136, %dma_start3A_137] : memref<96x144xf32, #tpu.memory_space<vmem>> -> memref<80x144xf32, #tpu.memory_space<vmem>>
      %dma_start3A_139 = arith.constant 0 : i32
      %dma_start3A_140 = tpu.memref_slice %arg19[%add3A_38, %dma_start3A_139] : memref<10240x144xf32, #tpu.memory_space<vmem_shared>> -> memref<80x144xf32, #tpu.memory_space<vmem_shared>>
      %dma_start3A_141 = arith.constant 0 : i32
      %dma_start3A_142 = tpu.memref_slice %arg19[%add3A_38, %dma_start3A_141] : memref<10240x144xf32, #tpu.memory_space<vmem_shared>> -> memref<80x144xf32, #tpu.memory_space<vmem_shared>>
      %dma_start3A_143 = arith.constant 0 : i32
      %dma_start3A_144 = arith.constant 0 : i32
      %dma_start3A_145 = tpu.memref_slice %arg9[%dma_start3A_143, %dma_start3A_144] : memref<96x144xf32, #tpu.memory_space<vmem>> -> memref<80x144xf32, #tpu.memory_space<vmem>>
      tpu.enqueue_dma source(%dma_start3A_145 : memref<80x144xf32, #tpu.memory_space<vmem>>) target(%dma_start3A_142 : memref<80x144xf32, #tpu.memory_space<vmem_shared>>) target_semaphore(%run_scoped3A : memref<!tpu.dma_semaphore, #tpu.memory_space<semaphore_mem>>)
      %dma_wait3A_146 = arith.constant 0 : i32
      %dma_wait3A_147 = arith.constant 0 : i32
      %dma_wait3A_148 = tpu.memref_slice %arg9[%dma_wait3A_146, %dma_wait3A_147] : memref<96x144xf32, #tpu.memory_space<vmem>> -> memref<80x144xf32, #tpu.memory_space<vmem>>
      %dma_wait3A_149 = arith.constant 0 : i32
      %dma_wait3A_150 = tpu.memref_slice %arg19[%add3A_38, %dma_wait3A_149] : memref<10240x144xf32, #tpu.memory_space<vmem_shared>> -> memref<80x144xf32, #tpu.memory_space<vmem_shared>>
      %dma_wait3A_151 = arith.constant 0 : i32
      %dma_wait3A_152 = tpu.memref_slice %arg19[%add3A_38, %dma_wait3A_151] : memref<10240x144xf32, #tpu.memory_space<vmem_shared>> -> memref<80x144xf32, #tpu.memory_space<vmem_shared>>
      %dma_wait3A_153 = arith.constant 0 : i32
      %dma_wait3A_154 = arith.constant 0 : i32
      %dma_wait3A_155 = tpu.memref_slice %arg9[%dma_wait3A_153, %dma_wait3A_154] : memref<96x144xf32, #tpu.memory_space<vmem>> -> memref<80x144xf32, #tpu.memory_space<vmem>>
      tpu.wait_dma2 semaphore(%run_scoped3A : memref<!tpu.dma_semaphore, #tpu.memory_space<semaphore_mem>>) src(%dma_wait3A_155 : memref<80x144xf32, #tpu.memory_space<vmem>>) dst(%dma_wait3A_152 : memref<80x144xf32, #tpu.memory_space<vmem_shared>>)
      tpu.yield
    }) : () -> ()
    %barrier3A = arith.constant 0 : index
    tpu.barrier barrier_id(%barrier3A)
    %mul3A_39 = arith.constant 10000 : i32
    %mul3A_40 = arith.muli %add3A, %mul3A_39 : i32
    %add3A_41 = arith.constant 0 : i32
    %add3A_42 = arith.addi %mul3A_40, %add3A_41 : i32
    %dma_start3A = tpu.memref_slice %arg4[%add3A_42] : memref<320000xi32, #tpu.memory_space<hbm>> -> memref<96xi32, #tpu.memory_space<hbm>>
    %dma_start3A_43 = tpu.memref_slice %arg4[%add3A_42] : memref<320000xi32, #tpu.memory_space<hbm>> -> memref<96xi32, #tpu.memory_space<hbm>>
    tpu.enqueue_dma source(%dma_start3A_43 : memref<96xi32, #tpu.memory_space<hbm>>) target(%arg7 : memref<96xi32, #tpu.memory_space<vmem>>) target_semaphore(%arg20 : memref<!tpu.dma_semaphore, #tpu.memory_space<semaphore_mem>>)
    %dma_start3A_44 = tpu.memref_slice %arg5[%add3A_42] : memref<320000xi32, #tpu.memory_space<hbm>> -> memref<96xi32, #tpu.memory_space<hbm>>
    %dma_start3A_45 = tpu.memref_slice %arg5[%add3A_42] : memref<320000xi32, #tpu.memory_space<hbm>> -> memref<96xi32, #tpu.memory_space<hbm>>
    tpu.enqueue_dma source(%dma_start3A_45 : memref<96xi32, #tpu.memory_space<hbm>>) target(%arg8 : memref<96xi32, #tpu.memory_space<vmem>>) target_semaphore(%arg20 : memref<!tpu.dma_semaphore, #tpu.memory_space<semaphore_mem>>)
    %dma_wait3A = arith.constant 0 : i32
    %dma_wait3A_46 = tpu.memref_slice %arg4[%dma_wait3A] : memref<320000xi32, #tpu.memory_space<hbm>> -> memref<96xi32, #tpu.memory_space<hbm>>
    %dma_wait3A_47 = arith.constant 0 : i32
    %dma_wait3A_48 = tpu.memref_slice %arg4[%dma_wait3A_47] : memref<320000xi32, #tpu.memory_space<hbm>> -> memref<96xi32, #tpu.memory_space<hbm>>
    tpu.wait_dma2 semaphore(%arg20 : memref<!tpu.dma_semaphore, #tpu.memory_space<semaphore_mem>>) src(%dma_wait3A_48 : memref<96xi32, #tpu.memory_space<hbm>>) dst(%arg7 : memref<96xi32, #tpu.memory_space<vmem>>)
    %dma_wait3A_49 = arith.constant 0 : i32
    %dma_wait3A_50 = tpu.memref_slice %arg5[%dma_wait3A_49] : memref<320000xi32, #tpu.memory_space<hbm>> -> memref<96xi32, #tpu.memory_space<hbm>>
    %dma_wait3A_51 = arith.constant 0 : i32
    %dma_wait3A_52 = tpu.memref_slice %arg5[%dma_wait3A_51] : memref<320000xi32, #tpu.memory_space<hbm>> -> memref<96xi32, #tpu.memory_space<hbm>>
    tpu.wait_dma2 semaphore(%arg20 : memref<!tpu.dma_semaphore, #tpu.memory_space<semaphore_mem>>) src(%dma_wait3A_52 : memref<96xi32, #tpu.memory_space<hbm>>) dst(%arg8 : memref<96xi32, #tpu.memory_space<vmem>>)
    %dma_start3A_53 = arith.constant 0 : i32
    %dma_start3A_54 = arith.constant 0 : i32
    %dma_start3A_55 = tpu.memref_slice %arg2[%dma_start3A_53, %dma_start3A_54] : memref<10000x144xf32, #tpu.memory_space<hbm>> -> memref<10000x144xf32, #tpu.memory_space<hbm>>
    tpu.enqueue_indirect_dma source(%dma_start3A_55 : memref<10000x144xf32, #tpu.memory_space<hbm>>) target(%arg9 : memref<96x144xf32, #tpu.memory_space<vmem>>) offsets(%arg7 : memref<96xi32, #tpu.memory_space<vmem>>) semaphore(%arg21 : memref<!tpu.dma_semaphore, #tpu.memory_space<semaphore_mem>>)
    %dma_start3A_56 = arith.constant 0 : i32
    %dma_start3A_57 = arith.constant 0 : i32
    %dma_start3A_58 = tpu.memref_slice %arg3[%dma_start3A_56, %dma_start3A_57] : memref<10000x16xf32, #tpu.memory_space<hbm>> -> memref<10000x16xf32, #tpu.memory_space<hbm>>
    tpu.enqueue_indirect_dma source(%dma_start3A_58 : memref<10000x16xf32, #tpu.memory_space<hbm>>) target(%arg10 : memref<96x16xf32, #tpu.memory_space<vmem>>) offsets(%arg8 : memref<96xi32, #tpu.memory_space<vmem>>) semaphore(%arg21 : memref<!tpu.dma_semaphore, #tpu.memory_space<semaphore_mem>>)
    %add3A_59 = arith.constant 96 : i32
    %add3A_60 = arith.addi %mul3A_40, %add3A_59 : i32
    %dma_start3A_61 = tpu.memref_slice %arg4[%add3A_60] : memref<320000xi32, #tpu.memory_space<hbm>> -> memref<96xi32, #tpu.memory_space<hbm>>
    %dma_start3A_62 = tpu.memref_slice %arg4[%add3A_60] : memref<320000xi32, #tpu.memory_space<hbm>> -> memref<96xi32, #tpu.memory_space<hbm>>
    tpu.enqueue_dma source(%dma_start3A_62 : memref<96xi32, #tpu.memory_space<hbm>>) target(%arg12 : memref<96xi32, #tpu.memory_space<vmem>>) target_semaphore(%arg23 : memref<!tpu.dma_semaphore, #tpu.memory_space<semaphore_mem>>)
    %dma_start3A_63 = tpu.memref_slice %arg5[%add3A_60] : memref<320000xi32, #tpu.memory_space<hbm>> -> memref<96xi32, #tpu.memory_space<hbm>>
    %dma_start3A_64 = tpu.memref_slice %arg5[%add3A_60] : memref<320000xi32, #tpu.memory_space<hbm>> -> memref<96xi32, #tpu.memory_space<hbm>>
    tpu.enqueue_dma source(%dma_start3A_64 : memref<96xi32, #tpu.memory_space<hbm>>) target(%arg13 : memref<96xi32, #tpu.memory_space<vmem>>) target_semaphore(%arg23 : memref<!tpu.dma_semaphore, #tpu.memory_space<semaphore_mem>>)
    %scan3A_65 = arith.constant 0 : i32
    %scan3A_66 = arith.constant 0 : i32
    %scan3A_67 = arith.constant 52 : i32
    %scan3A_68 = arith.addi %scan3A_66, %scan3A_67 : i32
    %scan3A_69 = arith.constant 1 : i32
    %scan3A_70 = scf.for %scan3A_136 = %scan3A_66 to %scan3A_68 step %scan3A_69 iter_args(%scan3A_137 = %scan3A_65) -> (i32)  : i32 {
      %mul3A_138 = arith.constant 2 : i32
      %mul3A_139 = arith.muli %mul3A_138, %scan3A_136 : i32
      %dma_wait3A_140 = arith.constant 0 : i32
      %dma_wait3A_141 = arith.constant 0 : i32
      %dma_wait3A_142 = tpu.memref_slice %arg2[%dma_wait3A_140, %dma_wait3A_141] : memref<10000x144xf32, #tpu.memory_space<hbm>> -> memref<10000x144xf32, #tpu.memory_space<hbm>>
      tpu.wait_indirect_dma semaphore(%arg21 : memref<!tpu.dma_semaphore, #tpu.memory_space<semaphore_mem>>) src(%dma_wait3A_142 : memref<10000x144xf32, #tpu.memory_space<hbm>>) dst(%arg9 : memref<96x144xf32, #tpu.memory_space<vmem>>)
      %dma_wait3A_143 = arith.constant 0 : i32
      %dma_wait3A_144 = arith.constant 0 : i32
      %dma_wait3A_145 = tpu.memref_slice %arg3[%dma_wait3A_143, %dma_wait3A_144] : memref<10000x16xf32, #tpu.memory_space<hbm>> -> memref<10000x16xf32, #tpu.memory_space<hbm>>
      tpu.wait_indirect_dma semaphore(%arg21 : memref<!tpu.dma_semaphore, #tpu.memory_space<semaphore_mem>>) src(%dma_wait3A_145 : memref<10000x16xf32, #tpu.memory_space<hbm>>) dst(%arg10 : memref<96x16xf32, #tpu.memory_space<vmem>>)
      %get3A = arith.constant 0 : index
      %get3A_146 = tpu.vector_load %arg8[%get3A] {strides = array<i32>} : memref<96xi32, #tpu.memory_space<vmem>>, vector<16xi32>,
      %get3A_147 = vector.shape_cast %get3A_146 : vector<16xi32> to vector<16xi32>
      %swap3A = arith.constant 0 : index
      %swap3A_148 = tpu.vector_load %arg11[%swap3A] {strides = array<i32>} : memref<96xi32, #tpu.memory_space<vmem>>, vector<16xi32>,
      %swap3A_149 = vector.shape_cast %swap3A_148 : vector<16xi32> to vector<16xi32>
      %swap3A_150 = vector.shape_cast %get3A_147 : vector<16xi32> to vector<16xi32>
      tpu.vector_store %arg11[%swap3A], %swap3A_150 {strides = array<i32>} : memref<96xi32, #tpu.memory_space<vmem>>, vector<16xi32>,
      %get3A_151 = arith.constant 16 : index
      %get3A_152 = tpu.vector_load %arg8[%get3A_151] {strides = array<i32>} : memref<96xi32, #tpu.memory_space<vmem>>, vector<16xi32>,
      %get3A_153 = vector.shape_cast %get3A_152 : vector<16xi32> to vector<16xi32>
      %swap3A_154 = arith.constant 16 : index
      %swap3A_155 = tpu.vector_load %arg11[%swap3A_154] {strides = array<i32>} : memref<96xi32, #tpu.memory_space<vmem>>, vector<16xi32>,
      %swap3A_156 = vector.shape_cast %swap3A_155 : vector<16xi32> to vector<16xi32>
      %swap3A_157 = vector.shape_cast %get3A_153 : vector<16xi32> to vector<16xi32>
      tpu.vector_store %arg11[%swap3A_154], %swap3A_157 {strides = array<i32>} : memref<96xi32, #tpu.memory_space<vmem>>, vector<16xi32>,
      %get3A_158 = arith.constant 32 : index
      %get3A_159 = tpu.vector_load %arg8[%get3A_158] {strides = array<i32>} : memref<96xi32, #tpu.memory_space<vmem>>, vector<16xi32>,
      %get3A_160 = vector.shape_cast %get3A_159 : vector<16xi32> to vector<16xi32>
      %swap3A_161 = arith.constant 32 : index
      %swap3A_162 = tpu.vector_load %arg11[%swap3A_161] {strides = array<i32>} : memref<96xi32, #tpu.memory_space<vmem>>, vector<16xi32>,
      %swap3A_163 = vector.shape_cast %swap3A_162 : vector<16xi32> to vector<16xi32>
      %swap3A_164 = vector.shape_cast %get3A_160 : vector<16xi32> to vector<16xi32>
      tpu.vector_store %arg11[%swap3A_161], %swap3A_164 {strides = array<i32>} : memref<96xi32, #tpu.memory_space<vmem>>, vector<16xi32>,
      %get3A_165 = arith.constant 48 : index
      %get3A_166 = tpu.vector_load %arg8[%get3A_165] {strides = array<i32>} : memref<96xi32, #tpu.memory_space<vmem>>, vector<16xi32>,
      %get3A_167 = vector.shape_cast %get3A_166 : vector<16xi32> to vector<16xi32>
      %swap3A_168 = arith.constant 48 : index
      %swap3A_169 = tpu.vector_load %arg11[%swap3A_168] {strides = array<i32>} : memref<96xi32, #tpu.memory_space<vmem>>, vector<16xi32>,
      %swap3A_170 = vector.shape_cast %swap3A_169 : vector<16xi32> to vector<16xi32>
      %swap3A_171 = vector.shape_cast %get3A_167 : vector<16xi32> to vector<16xi32>
      tpu.vector_store %arg11[%swap3A_168], %swap3A_171 {strides = array<i32>} : memref<96xi32, #tpu.memory_space<vmem>>, vector<16xi32>,
      %get3A_172 = arith.constant 64 : index
      %get3A_173 = tpu.vector_load %arg8[%get3A_172] {strides = array<i32>} : memref<96xi32, #tpu.memory_space<vmem>>, vector<16xi32>,
      %get3A_174 = vector.shape_cast %get3A_173 : vector<16xi32> to vector<16xi32>
      %swap3A_175 = arith.constant 64 : index
      %swap3A_176 = tpu.vector_load %arg11[%swap3A_175] {strides = array<i32>} : memref<96xi32, #tpu.memory_space<vmem>>, vector<16xi32>,
      %swap3A_177 = vector.shape_cast %swap3A_176 : vector<16xi32> to vector<16xi32>
      %swap3A_178 = vector.shape_cast %get3A_174 : vector<16xi32> to vector<16xi32>
      tpu.vector_store %arg11[%swap3A_175], %swap3A_178 {strides = array<i32>} : memref<96xi32, #tpu.memory_space<vmem>>, vector<16xi32>,
      %get3A_179 = arith.constant 80 : index
      %get3A_180 = tpu.vector_load %arg8[%get3A_179] {strides = array<i32>} : memref<96xi32, #tpu.memory_space<vmem>>, vector<16xi32>,
      %get3A_181 = vector.shape_cast %get3A_180 : vector<16xi32> to vector<16xi32>
      %swap3A_182 = arith.constant 80 : index
      %swap3A_183 = tpu.vector_load %arg11[%swap3A_182] {strides = array<i32>} : memref<96xi32, #tpu.memory_space<vmem>>, vector<16xi32>,
      %swap3A_184 = vector.shape_cast %swap3A_183 : vector<16xi32> to vector<16xi32>
      %swap3A_185 = vector.shape_cast %get3A_181 : vector<16xi32> to vector<16xi32>
      tpu.vector_store %arg11[%swap3A_182], %swap3A_185 {strides = array<i32>} : memref<96xi32, #tpu.memory_space<vmem>>, vector<16xi32>,
      %ge3A = arith.constant 1 : i32
      %ge3A_186 = arith.cmpi sge, %mul3A_139, %ge3A : i32
      %convert_element_type3A = arith.extui %ge3A_186 : i1 to i32
      %cond3A = arith.constant 0 : i32
      %cond3A_187 = arith.cmpi ne, %convert_element_type3A, %cond3A : i32
      scf.if %cond3A_187 {
        %dma_wait3A_285 = arith.constant 0 : i32
        %dma_wait3A_286 = arith.constant 0 : i32
        %dma_wait3A_287 = tpu.memref_slice %arg19[%dma_wait3A_285, %dma_wait3A_286] : memref<10240x144xf32, #tpu.memory_space<vmem_shared>> -> memref<10240x144xf32, #tpu.memory_space<vmem_shared>>
        tpu.wait_indirect_dma semaphore(%arg25 : memref<!tpu.dma_semaphore, #tpu.memory_space<semaphore_mem>>) src(%arg14 : memref<96x144xf32, #tpu.memory_space<vmem>>) dst(%dma_wait3A_287 : memref<10240x144xf32, #tpu.memory_space<vmem_shared>>)
      } else {
      }
      %add3A_188 = arith.constant 1 : i32
      %add3A_189 = arith.addi %mul3A_139, %add3A_188 : i32
      %lt3A = arith.constant 104 : i32
      %lt3A_190 = arith.cmpi slt, %add3A_189, %lt3A : i32
      %convert_element_type3A_191 = arith.extui %lt3A_190 : i1 to i32
      %cond3A_192 = arith.constant 0 : i32
      %cond3A_193 = arith.cmpi ne, %convert_element_type3A_191, %cond3A_192 : i32
      scf.if %cond3A_193 {
        %dma_wait3A_285 = arith.constant 0 : i32
        %dma_wait3A_286 = tpu.memref_slice %arg4[%dma_wait3A_285] : memref<320000xi32, #tpu.memory_space<hbm>> -> memref<96xi32, #tpu.memory_space<hbm>>
        %dma_wait3A_287 = arith.constant 0 : i32
        %dma_wait3A_288 = tpu.memref_slice %arg4[%dma_wait3A_287] : memref<320000xi32, #tpu.memory_space<hbm>> -> memref<96xi32, #tpu.memory_space<hbm>>
        tpu.wait_dma2 semaphore(%arg23 : memref<!tpu.dma_semaphore, #tpu.memory_space<semaphore_mem>>) src(%dma_wait3A_288 : memref<96xi32, #tpu.memory_space<hbm>>) dst(%arg12 : memref<96xi32, #tpu.memory_space<vmem>>)
        %dma_wait3A_289 = arith.constant 0 : i32
        %dma_wait3A_290 = tpu.memref_slice %arg5[%dma_wait3A_289] : memref<320000xi32, #tpu.memory_space<hbm>> -> memref<96xi32, #tpu.memory_space<hbm>>
        %dma_wait3A_291 = arith.constant 0 : i32
        %dma_wait3A_292 = tpu.memref_slice %arg5[%dma_wait3A_291] : memref<320000xi32, #tpu.memory_space<hbm>> -> memref<96xi32, #tpu.memory_space<hbm>>
        tpu.wait_dma2 semaphore(%arg23 : memref<!tpu.dma_semaphore, #tpu.memory_space<semaphore_mem>>) src(%dma_wait3A_292 : memref<96xi32, #tpu.memory_space<hbm>>) dst(%arg13 : memref<96xi32, #tpu.memory_space<vmem>>)
        %dma_start3A_293 = arith.constant 0 : i32
        %dma_start3A_294 = arith.constant 0 : i32
        %dma_start3A_295 = tpu.memref_slice %arg2[%dma_start3A_293, %dma_start3A_294] : memref<10000x144xf32, #tpu.memory_space<hbm>> -> memref<10000x144xf32, #tpu.memory_space<hbm>>
        tpu.enqueue_indirect_dma source(%dma_start3A_295 : memref<10000x144xf32, #tpu.memory_space<hbm>>) target(%arg14 : memref<96x144xf32, #tpu.memory_space<vmem>>) offsets(%arg12 : memref<96xi32, #tpu.memory_space<vmem>>) semaphore(%arg24 : memref<!tpu.dma_semaphore, #tpu.memory_space<semaphore_mem>>)
        %dma_start3A_296 = arith.constant 0 : i32
        %dma_start3A_297 = arith.constant 0 : i32
        %dma_start3A_298 = tpu.memref_slice %arg3[%dma_start3A_296, %dma_start3A_297] : memref<10000x16xf32, #tpu.memory_space<hbm>> -> memref<10000x16xf32, #tpu.memory_space<hbm>>
        tpu.enqueue_indirect_dma source(%dma_start3A_298 : memref<10000x16xf32, #tpu.memory_space<hbm>>) target(%arg15 : memref<96x16xf32, #tpu.memory_space<vmem>>) offsets(%arg13 : memref<96xi32, #tpu.memory_space<vmem>>) semaphore(%arg24 : memref<!tpu.dma_semaphore, #tpu.memory_space<semaphore_mem>>)
      } else {
      }
      %add3A_194 = arith.constant 2 : i32
      %add3A_195 = arith.addi %mul3A_139, %add3A_194 : i32
      %lt3A_196 = arith.constant 104 : i32
      %lt3A_197 = arith.cmpi slt, %add3A_195, %lt3A_196 : i32
      %convert_element_type3A_198 = arith.extui %lt3A_197 : i1 to i32
      %cond3A_199 = arith.constant 0 : i32
      %cond3A_200 = arith.cmpi ne, %convert_element_type3A_198, %cond3A_199 : i32
      scf.if %cond3A_200 {
        %add3A_285 = arith.constant 2 : i32
        %add3A_286 = arith.addi %mul3A_139, %add3A_285 : i32
        %mul3A_287 = arith.constant 96 : i32
        %mul3A_288 = arith.muli %add3A_286, %mul3A_287 : i32
        %add3A_289 = arith.addi %mul3A_40, %mul3A_288 : i32
        %dma_start3A_290 = tpu.memref_slice %arg4[%add3A_289] : memref<320000xi32, #tpu.memory_space<hbm>> -> memref<96xi32, #tpu.memory_space<hbm>>
        %dma_start3A_291 = tpu.memref_slice %arg4[%add3A_289] : memref<320000xi32, #tpu.memory_space<hbm>> -> memref<96xi32, #tpu.memory_space<hbm>>
        tpu.enqueue_dma source(%dma_start3A_291 : memref<96xi32, #tpu.memory_space<hbm>>) target(%arg7 : memref<96xi32, #tpu.memory_space<vmem>>) target_semaphore(%arg20 : memref<!tpu.dma_semaphore, #tpu.memory_space<semaphore_mem>>)
        %dma_start3A_292 = tpu.memref_slice %arg5[%add3A_289] : memref<320000xi32, #tpu.memory_space<hbm>> -> memref<96xi32, #tpu.memory_space<hbm>>
        %dma_start3A_293 = tpu.memref_slice %arg5[%add3A_289] : memref<320000xi32, #tpu.memory_space<hbm>> -> memref<96xi32, #tpu.memory_space<hbm>>
        tpu.enqueue_dma source(%dma_start3A_293 : memref<96xi32, #tpu.memory_space<hbm>>) target(%arg8 : memref<96xi32, #tpu.memory_space<vmem>>) target_semaphore(%arg20 : memref<!tpu.dma_semaphore, #tpu.memory_space<semaphore_mem>>)
      } else {
      }
      %parallel_loop3A_201 = arith.constant 0 : i32
      %parallel_loop3A_202 = arith.constant 96 : i32
      %parallel_loop3A_203 = arith.constant 1 : i32
      scf.for %parallel_loop3A_285 = %parallel_loop3A_201 to %parallel_loop3A_202 step %parallel_loop3A_203  : i32 {
        %parallel_loop3A_286 = arith.index_cast %parallel_loop3A_285 : i32 to index
        %parallel_loop3A_287 = arith.constant 128 : index
        %parallel_loop3A_288 = tpu.vector_load %arg9[%parallel_loop3A_286, %parallel_loop3A_287] {strides = array<i32>} : memref<96x144xf32, #tpu.memory_space<vmem>>, vector<1x16xf32>,
        %parallel_loop3A_289 = vector.shape_cast %parallel_loop3A_288 : vector<1x16xf32> to vector<16xf32>
        %parallel_loop3A_290 = arith.index_cast %parallel_loop3A_285 : i32 to index
        %parallel_loop3A_291 = arith.constant 0 : index
        %parallel_loop3A_292 = tpu.vector_load %arg10[%parallel_loop3A_290, %parallel_loop3A_291] {strides = array<i32>} : memref<96x16xf32, #tpu.memory_space<vmem>>, vector<1x16xf32>,
        %parallel_loop3A_293 = vector.shape_cast %parallel_loop3A_292 : vector<1x16xf32> to vector<16xf32>
        %parallel_loop3A_294 = arith.addf %parallel_loop3A_289, %parallel_loop3A_293 : vector<16xf32>
        %parallel_loop3A_295 = arith.constant 0.000000e+00 : f32
        %parallel_loop3A_296 = vector.broadcast %parallel_loop3A_295 : f32 to vector<16xf32>
        %parallel_loop3A_297 = arith.cmpf ogt, %parallel_loop3A_294, %parallel_loop3A_296 : vector<16xf32>
        %parallel_loop3A_298 = arith.constant 2.000000e-01 : f32
        %parallel_loop3A_299 = vector.broadcast %parallel_loop3A_298 : f32 to vector<16xf32>
        %parallel_loop3A_300 = arith.mulf %parallel_loop3A_299, %parallel_loop3A_294 : vector<16xf32>
        %parallel_loop3A_301 = arith.select %parallel_loop3A_297, %parallel_loop3A_294, %parallel_loop3A_300 : vector<16xi1>, vector<16xf32>
        %parallel_loop3A_302 = math.exp %parallel_loop3A_301 : vector<16xf32>
        %parallel_loop3A_303 = arith.index_cast %parallel_loop3A_285 : i32 to index
        %parallel_loop3A_304 = arith.constant 128 : index
        %parallel_loop3A_305 = tpu.vector_load %arg9[%parallel_loop3A_303, %parallel_loop3A_304] {strides = array<i32>} : memref<96x144xf32, #tpu.memory_space<vmem>>, vector<1x16xf32>,
        %parallel_loop3A_306 = vector.shape_cast %parallel_loop3A_305 : vector<1x16xf32> to vector<16xf32>
        %parallel_loop3A_307 = vector.shape_cast %parallel_loop3A_302 : vector<16xf32> to vector<1x16xf32>
        tpu.vector_store %arg9[%parallel_loop3A_303, %parallel_loop3A_304], %parallel_loop3A_307 {strides = array<i32>} : memref<96x144xf32, #tpu.memory_space<vmem>>, vector<1x16xf32>,
        %parallel_loop3A_308 = arith.constant 0 : i32
        %parallel_loop3A_309 = vector.broadcast %parallel_loop3A_308 : i32 to vector<16x1xi32>
        %parallel_loop3A_310 = vector.shape_cast %parallel_loop3A_309 : vector<16x1xi32> to vector<16xi32>
        %parallel_loop3A_311 = tpu.dynamic_gather %parallel_loop3A_302[%parallel_loop3A_310] in [0] : vector<16xf32>, vector<16xi32> -> vector<16xf32>
        %parallel_loop3A_312 = arith.index_cast %parallel_loop3A_285 : i32 to index
        %parallel_loop3A_313 = arith.constant 0 : index
        %parallel_loop3A_314 = tpu.vector_load %arg9[%parallel_loop3A_312, %parallel_loop3A_313] {strides = array<i32>} : memref<96x144xf32, #tpu.memory_space<vmem>>, vector<1x16xf32>,
        %parallel_loop3A_315 = vector.shape_cast %parallel_loop3A_314 : vector<1x16xf32> to vector<16xf32>
        %parallel_loop3A_316 = arith.mulf %parallel_loop3A_315, %parallel_loop3A_311 : vector<16xf32>
        %parallel_loop3A_317 = arith.index_cast %parallel_loop3A_285 : i32 to index
        %parallel_loop3A_318 = arith.constant 0 : index
        %parallel_loop3A_319 = tpu.vector_load %arg9[%parallel_loop3A_317, %parallel_loop3A_318] {strides = array<i32>} : memref<96x144xf32, #tpu.memory_space<vmem>>, vector<1x16xf32>,
        %parallel_loop3A_320 = vector.shape_cast %parallel_loop3A_319 : vector<1x16xf32> to vector<16xf32>
        %parallel_loop3A_321 = vector.shape_cast %parallel_loop3A_316 : vector<16xf32> to vector<1x16xf32>
        tpu.vector_store %arg9[%parallel_loop3A_317, %parallel_loop3A_318], %parallel_loop3A_321 {strides = array<i32>} : memref<96x144xf32, #tpu.memory_space<vmem>>, vector<1x16xf32>,
        %parallel_loop3A_322 = arith.constant 1 : i32
        %parallel_loop3A_323 = vector.broadcast %parallel_loop3A_322 : i32 to vector<16x1xi32>
        %parallel_loop3A_324 = vector.shape_cast %parallel_loop3A_323 : vector<16x1xi32> to vector<16xi32>
        %parallel_loop3A_325 = tpu.dynamic_gather %parallel_loop3A_302[%parallel_loop3A_324] in [0] : vector<16xf32>, vector<16xi32> -> vector<16xf32>
        %parallel_loop3A_326 = arith.index_cast %parallel_loop3A_285 : i32 to index
        %parallel_loop3A_327 = arith.constant 16 : index
        %parallel_loop3A_328 = tpu.vector_load %arg9[%parallel_loop3A_326, %parallel_loop3A_327] {strides = array<i32>} : memref<96x144xf32, #tpu.memory_space<vmem>>, vector<1x16xf32>,
        %parallel_loop3A_329 = vector.shape_cast %parallel_loop3A_328 : vector<1x16xf32> to vector<16xf32>
        %parallel_loop3A_330 = arith.mulf %parallel_loop3A_329, %parallel_loop3A_325 : vector<16xf32>
        %parallel_loop3A_331 = arith.index_cast %parallel_loop3A_285 : i32 to index
        %parallel_loop3A_332 = arith.constant 16 : index
        %parallel_loop3A_333 = tpu.vector_load %arg9[%parallel_loop3A_331, %parallel_loop3A_332] {strides = array<i32>} : memref<96x144xf32, #tpu.memory_space<vmem>>, vector<1x16xf32>,
        %parallel_loop3A_334 = vector.shape_cast %parallel_loop3A_333 : vector<1x16xf32> to vector<16xf32>
        %parallel_loop3A_335 = vector.shape_cast %parallel_loop3A_330 : vector<16xf32> to vector<1x16xf32>
        tpu.vector_store %arg9[%parallel_loop3A_331, %parallel_loop3A_332], %parallel_loop3A_335 {strides = array<i32>} : memref<96x144xf32, #tpu.memory_space<vmem>>, vector<1x16xf32>,
        %parallel_loop3A_336 = arith.constant 2 : i32
        %parallel_loop3A_337 = vector.broadcast %parallel_loop3A_336 : i32 to vector<16x1xi32>
        %parallel_loop3A_338 = vector.shape_cast %parallel_loop3A_337 : vector<16x1xi32> to vector<16xi32>
        %parallel_loop3A_339 = tpu.dynamic_gather %parallel_loop3A_302[%parallel_loop3A_338] in [0] : vector<16xf32>, vector<16xi32> -> vector<16xf32>
        %parallel_loop3A_340 = arith.index_cast %parallel_loop3A_285 : i32 to index
        %parallel_loop3A_341 = arith.constant 32 : index
        %parallel_loop3A_342 = tpu.vector_load %arg9[%parallel_loop3A_340, %parallel_loop3A_341] {strides = array<i32>} : memref<96x144xf32, #tpu.memory_space<vmem>>, vector<1x16xf32>,
        %parallel_loop3A_343 = vector.shape_cast %parallel_loop3A_342 : vector<1x16xf32> to vector<16xf32>
        %parallel_loop3A_344 = arith.mulf %parallel_loop3A_343, %parallel_loop3A_339 : vector<16xf32>
        %parallel_loop3A_345 = arith.index_cast %parallel_loop3A_285 : i32 to index
        %parallel_loop3A_346 = arith.constant 32 : index
        %parallel_loop3A_347 = tpu.vector_load %arg9[%parallel_loop3A_345, %parallel_loop3A_346] {strides = array<i32>} : memref<96x144xf32, #tpu.memory_space<vmem>>, vector<1x16xf32>,
        %parallel_loop3A_348 = vector.shape_cast %parallel_loop3A_347 : vector<1x16xf32> to vector<16xf32>
        %parallel_loop3A_349 = vector.shape_cast %parallel_loop3A_344 : vector<16xf32> to vector<1x16xf32>
        tpu.vector_store %arg9[%parallel_loop3A_345, %parallel_loop3A_346], %parallel_loop3A_349 {strides = array<i32>} : memref<96x144xf32, #tpu.memory_space<vmem>>, vector<1x16xf32>,
        %parallel_loop3A_350 = arith.constant 3 : i32
        %parallel_loop3A_351 = vector.broadcast %parallel_loop3A_350 : i32 to vector<16x1xi32>
        %parallel_loop3A_352 = vector.shape_cast %parallel_loop3A_351 : vector<16x1xi32> to vector<16xi32>
        %parallel_loop3A_353 = tpu.dynamic_gather %parallel_loop3A_302[%parallel_loop3A_352] in [0] : vector<16xf32>, vector<16xi32> -> vector<16xf32>
        %parallel_loop3A_354 = arith.index_cast %parallel_loop3A_285 : i32 to index
        %parallel_loop3A_355 = arith.constant 48 : index
        %parallel_loop3A_356 = tpu.vector_load %arg9[%parallel_loop3A_354, %parallel_loop3A_355] {strides = array<i32>} : memref<96x144xf32, #tpu.memory_space<vmem>>, vector<1x16xf32>,
        %parallel_loop3A_357 = vector.shape_cast %parallel_loop3A_356 : vector<1x16xf32> to vector<16xf32>
        %parallel_loop3A_358 = arith.mulf %parallel_loop3A_357, %parallel_loop3A_353 : vector<16xf32>
        %parallel_loop3A_359 = arith.index_cast %parallel_loop3A_285 : i32 to index
        %parallel_loop3A_360 = arith.constant 48 : index
        %parallel_loop3A_361 = tpu.vector_load %arg9[%parallel_loop3A_359, %parallel_loop3A_360] {strides = array<i32>} : memref<96x144xf32, #tpu.memory_space<vmem>>, vector<1x16xf32>,
        %parallel_loop3A_362 = vector.shape_cast %parallel_loop3A_361 : vector<1x16xf32> to vector<16xf32>
        %parallel_loop3A_363 = vector.shape_cast %parallel_loop3A_358 : vector<16xf32> to vector<1x16xf32>
        tpu.vector_store %arg9[%parallel_loop3A_359, %parallel_loop3A_360], %parallel_loop3A_363 {strides = array<i32>} : memref<96x144xf32, #tpu.memory_space<vmem>>, vector<1x16xf32>,
        %parallel_loop3A_364 = arith.constant 4 : i32
        %parallel_loop3A_365 = vector.broadcast %parallel_loop3A_364 : i32 to vector<16x1xi32>
        %parallel_loop3A_366 = vector.shape_cast %parallel_loop3A_365 : vector<16x1xi32> to vector<16xi32>
        %parallel_loop3A_367 = tpu.dynamic_gather %parallel_loop3A_302[%parallel_loop3A_366] in [0] : vector<16xf32>, vector<16xi32> -> vector<16xf32>
        %parallel_loop3A_368 = arith.index_cast %parallel_loop3A_285 : i32 to index
        %parallel_loop3A_369 = arith.constant 64 : index
        %parallel_loop3A_370 = tpu.vector_load %arg9[%parallel_loop3A_368, %parallel_loop3A_369] {strides = array<i32>} : memref<96x144xf32, #tpu.memory_space<vmem>>, vector<1x16xf32>,
        %parallel_loop3A_371 = vector.shape_cast %parallel_loop3A_370 : vector<1x16xf32> to vector<16xf32>
        %parallel_loop3A_372 = arith.mulf %parallel_loop3A_371, %parallel_loop3A_367 : vector<16xf32>
        %parallel_loop3A_373 = arith.index_cast %parallel_loop3A_285 : i32 to index
        %parallel_loop3A_374 = arith.constant 64 : index
        %parallel_loop3A_375 = tpu.vector_load %arg9[%parallel_loop3A_373, %parallel_loop3A_374] {strides = array<i32>} : memref<96x144xf32, #tpu.memory_space<vmem>>, vector<1x16xf32>,
        %parallel_loop3A_376 = vector.shape_cast %parallel_loop3A_375 : vector<1x16xf32> to vector<16xf32>
        %parallel_loop3A_377 = vector.shape_cast %parallel_loop3A_372 : vector<16xf32> to vector<1x16xf32>
        tpu.vector_store %arg9[%parallel_loop3A_373, %parallel_loop3A_374], %parallel_loop3A_377 {strides = array<i32>} : memref<96x144xf32, #tpu.memory_space<vmem>>, vector<1x16xf32>,
        %parallel_loop3A_378 = arith.constant 5 : i32
        %parallel_loop3A_379 = vector.broadcast %parallel_loop3A_378 : i32 to vector<16x1xi32>
        %parallel_loop3A_380 = vector.shape_cast %parallel_loop3A_379 : vector<16x1xi32> to vector<16xi32>
        %parallel_loop3A_381 = tpu.dynamic_gather %parallel_loop3A_302[%parallel_loop3A_380] in [0] : vector<16xf32>, vector<16xi32> -> vector<16xf32>
        %parallel_loop3A_382 = arith.index_cast %parallel_loop3A_285 : i32 to index
        %parallel_loop3A_383 = arith.constant 80 : index
        %parallel_loop3A_384 = tpu.vector_load %arg9[%parallel_loop3A_382, %parallel_loop3A_383] {strides = array<i32>} : memref<96x144xf32, #tpu.memory_space<vmem>>, vector<1x16xf32>,
        %parallel_loop3A_385 = vector.shape_cast %parallel_loop3A_384 : vector<1x16xf32> to vector<16xf32>
        %parallel_loop3A_386 = arith.mulf %parallel_loop3A_385, %parallel_loop3A_381 : vector<16xf32>
        %parallel_loop3A_387 = arith.index_cast %parallel_loop3A_285 : i32 to index
        %parallel_loop3A_388 = arith.constant 80 : index
        %parallel_loop3A_389 = tpu.vector_load %arg9[%parallel_loop3A_387, %parallel_loop3A_388] {strides = array<i32>} : memref<96x144xf32, #tpu.memory_space<vmem>>, vector<1x16xf32>,
        %parallel_loop3A_390 = vector.shape_cast %parallel_loop3A_389 : vector<1x16xf32> to vector<16xf32>
        %parallel_loop3A_391 = vector.shape_cast %parallel_loop3A_386 : vector<16xf32> to vector<1x16xf32>
        tpu.vector_store %arg9[%parallel_loop3A_387, %parallel_loop3A_388], %parallel_loop3A_391 {strides = array<i32>} : memref<96x144xf32, #tpu.memory_space<vmem>>, vector<1x16xf32>,
        %parallel_loop3A_392 = arith.constant 6 : i32
        %parallel_loop3A_393 = vector.broadcast %parallel_loop3A_392 : i32 to vector<16x1xi32>
        %parallel_loop3A_394 = vector.shape_cast %parallel_loop3A_393 : vector<16x1xi32> to vector<16xi32>
        %parallel_loop3A_395 = tpu.dynamic_gather %parallel_loop3A_302[%parallel_loop3A_394] in [0] : vector<16xf32>, vector<16xi32> -> vector<16xf32>
        %parallel_loop3A_396 = arith.index_cast %parallel_loop3A_285 : i32 to index
        %parallel_loop3A_397 = arith.constant 96 : index
        %parallel_loop3A_398 = tpu.vector_load %arg9[%parallel_loop3A_396, %parallel_loop3A_397] {strides = array<i32>} : memref<96x144xf32, #tpu.memory_space<vmem>>, vector<1x16xf32>,
        %parallel_loop3A_399 = vector.shape_cast %parallel_loop3A_398 : vector<1x16xf32> to vector<16xf32>
        %parallel_loop3A_400 = arith.mulf %parallel_loop3A_399, %parallel_loop3A_395 : vector<16xf32>
        %parallel_loop3A_401 = arith.index_cast %parallel_loop3A_285 : i32 to index
        %parallel_loop3A_402 = arith.constant 96 : index
        %parallel_loop3A_403 = tpu.vector_load %arg9[%parallel_loop3A_401, %parallel_loop3A_402] {strides = array<i32>} : memref<96x144xf32, #tpu.memory_space<vmem>>, vector<1x16xf32>,
        %parallel_loop3A_404 = vector.shape_cast %parallel_loop3A_403 : vector<1x16xf32> to vector<16xf32>
        %parallel_loop3A_405 = vector.shape_cast %parallel_loop3A_400 : vector<16xf32> to vector<1x16xf32>
        tpu.vector_store %arg9[%parallel_loop3A_401, %parallel_loop3A_402], %parallel_loop3A_405 {strides = array<i32>} : memref<96x144xf32, #tpu.memory_space<vmem>>, vector<1x16xf32>,
        %parallel_loop3A_406 = arith.constant 7 : i32
        %parallel_loop3A_407 = vector.broadcast %parallel_loop3A_406 : i32 to vector<16x1xi32>
        %parallel_loop3A_408 = vector.shape_cast %parallel_loop3A_407 : vector<16x1xi32> to vector<16xi32>
        %parallel_loop3A_409 = tpu.dynamic_gather %parallel_loop3A_302[%parallel_loop3A_408] in [0] : vector<16xf32>, vector<16xi32> -> vector<16xf32>
        %parallel_loop3A_410 = arith.index_cast %parallel_loop3A_285 : i32 to index
        %parallel_loop3A_411 = arith.constant 112 : index
        %parallel_loop3A_412 = tpu.vector_load %arg9[%parallel_loop3A_410, %parallel_loop3A_411] {strides = array<i32>} : memref<96x144xf32, #tpu.memory_space<vmem>>, vector<1x16xf32>,
        %parallel_loop3A_413 = vector.shape_cast %parallel_loop3A_412 : vector<1x16xf32> to vector<16xf32>
        %parallel_loop3A_414 = arith.mulf %parallel_loop3A_413, %parallel_loop3A_409 : vector<16xf32>
        %parallel_loop3A_415 = arith.index_cast %parallel_loop3A_285 : i32 to index
        %parallel_loop3A_416 = arith.constant 112 : index
        %parallel_loop3A_417 = tpu.vector_load %arg9[%parallel_loop3A_415, %parallel_loop3A_416] {strides = array<i32>} : memref<96x144xf32, #tpu.memory_space<vmem>>, vector<1x16xf32>,
        %parallel_loop3A_418 = vector.shape_cast %parallel_loop3A_417 : vector<1x16xf32> to vector<16xf32>
        %parallel_loop3A_419 = vector.shape_cast %parallel_loop3A_414 : vector<16xf32> to vector<1x16xf32>
        tpu.vector_store %arg9[%parallel_loop3A_415, %parallel_loop3A_416], %parallel_loop3A_419 {strides = array<i32>} : memref<96x144xf32, #tpu.memory_space<vmem>>, vector<1x16xf32>,
      } {sc.loop_unroll_factor = 4 : i64, sc.parallel_access}
      %dma_start3A_204 = arith.constant 0 : i32
      %dma_start3A_205 = arith.constant 0 : i32
      %dma_start3A_206 = tpu.memref_slice %arg19[%dma_start3A_204, %dma_start3A_205] : memref<10240x144xf32, #tpu.memory_space<vmem_shared>> -> memref<10240x144xf32, #tpu.memory_space<vmem_shared>>
      tpu.enqueue_indirect_dma source(%arg9 : memref<96x144xf32, #tpu.memory_space<vmem>>) target(%dma_start3A_206 : memref<10240x144xf32, #tpu.memory_space<vmem_shared>>) offsets(%arg11 : memref<96xi32, #tpu.memory_space<vmem>>) semaphore(%arg22 : memref<!tpu.dma_semaphore, #tpu.memory_space<semaphore_mem>>) {add = true}
      %mul3A_207 = arith.constant 2 : i32
      %mul3A_208 = arith.muli %mul3A_207, %scan3A_136 : i32
      %add3A_209 = arith.constant 1 : i32
      %add3A_210 = arith.addi %mul3A_208, %add3A_209 : i32
      %dma_wait3A_211 = arith.constant 0 : i32
      %dma_wait3A_212 = arith.constant 0 : i32
      %dma_wait3A_213 = tpu.memref_slice %arg2[%dma_wait3A_211, %dma_wait3A_212] : memref<10000x144xf32, #tpu.memory_space<hbm>> -> memref<10000x144xf32, #tpu.memory_space<hbm>>
      tpu.wait_indirect_dma semaphore(%arg24 : memref<!tpu.dma_semaphore, #tpu.memory_space<semaphore_mem>>) src(%dma_wait3A_213 : memref<10000x144xf32, #tpu.memory_space<hbm>>) dst(%arg14 : memref<96x144xf32, #tpu.memory_space<vmem>>)
      %dma_wait3A_214 = arith.constant 0 : i32
      %dma_wait3A_215 = arith.constant 0 : i32
      %dma_wait3A_216 = tpu.memref_slice %arg3[%dma_wait3A_214, %dma_wait3A_215] : memref<10000x16xf32, #tpu.memory_space<hbm>> -> memref<10000x16xf32, #tpu.memory_space<hbm>>
      tpu.wait_indirect_dma semaphore(%arg24 : memref<!tpu.dma_semaphore, #tpu.memory_space<semaphore_mem>>) src(%dma_wait3A_216 : memref<10000x16xf32, #tpu.memory_space<hbm>>) dst(%arg15 : memref<96x16xf32, #tpu.memory_space<vmem>>)
      %get3A_217 = arith.constant 0 : index
      %get3A_218 = tpu.vector_load %arg13[%get3A_217] {strides = array<i32>} : memref<96xi32, #tpu.memory_space<vmem>>, vector<16xi32>,
      %get3A_219 = vector.shape_cast %get3A_218 : vector<16xi32> to vector<16xi32>
      %swap3A_220 = arith.constant 0 : index
      %swap3A_221 = tpu.vector_load %arg16[%swap3A_220] {strides = array<i32>} : memref<96xi32, #tpu.memory_space<vmem>>, vector<16xi32>,
      %swap3A_222 = vector.shape_cast %swap3A_221 : vector<16xi32> to vector<16xi32>
      %swap3A_223 = vector.shape_cast %get3A_219 : vector<16xi32> to vector<16xi32>
      tpu.vector_store %arg16[%swap3A_220], %swap3A_223 {strides = array<i32>} : memref<96xi32, #tpu.memory_space<vmem>>, vector<16xi32>,
      %get3A_224 = arith.constant 16 : index
      %get3A_225 = tpu.vector_load %arg13[%get3A_224] {strides = array<i32>} : memref<96xi32, #tpu.memory_space<vmem>>, vector<16xi32>,
      %get3A_226 = vector.shape_cast %get3A_225 : vector<16xi32> to vector<16xi32>
      %swap3A_227 = arith.constant 16 : index
      %swap3A_228 = tpu.vector_load %arg16[%swap3A_227] {strides = array<i32>} : memref<96xi32, #tpu.memory_space<vmem>>, vector<16xi32>,
      %swap3A_229 = vector.shape_cast %swap3A_228 : vector<16xi32> to vector<16xi32>
      %swap3A_230 = vector.shape_cast %get3A_226 : vector<16xi32> to vector<16xi32>
      tpu.vector_store %arg16[%swap3A_227], %swap3A_230 {strides = array<i32>} : memref<96xi32, #tpu.memory_space<vmem>>, vector<16xi32>,
      %get3A_231 = arith.constant 32 : index
      %get3A_232 = tpu.vector_load %arg13[%get3A_231] {strides = array<i32>} : memref<96xi32, #tpu.memory_space<vmem>>, vector<16xi32>,
      %get3A_233 = vector.shape_cast %get3A_232 : vector<16xi32> to vector<16xi32>
      %swap3A_234 = arith.constant 32 : index
      %swap3A_235 = tpu.vector_load %arg16[%swap3A_234] {strides = array<i32>} : memref<96xi32, #tpu.memory_space<vmem>>, vector<16xi32>,
      %swap3A_236 = vector.shape_cast %swap3A_235 : vector<16xi32> to vector<16xi32>
      %swap3A_237 = vector.shape_cast %get3A_233 : vector<16xi32> to vector<16xi32>
      tpu.vector_store %arg16[%swap3A_234], %swap3A_237 {strides = array<i32>} : memref<96xi32, #tpu.memory_space<vmem>>, vector<16xi32>,
      %get3A_238 = arith.constant 48 : index
      %get3A_239 = tpu.vector_load %arg13[%get3A_238] {strides = array<i32>} : memref<96xi32, #tpu.memory_space<vmem>>, vector<16xi32>,
      %get3A_240 = vector.shape_cast %get3A_239 : vector<16xi32> to vector<16xi32>
      %swap3A_241 = arith.constant 48 : index
      %swap3A_242 = tpu.vector_load %arg16[%swap3A_241] {strides = array<i32>} : memref<96xi32, #tpu.memory_space<vmem>>, vector<16xi32>,
      %swap3A_243 = vector.shape_cast %swap3A_242 : vector<16xi32> to vector<16xi32>
      %swap3A_244 = vector.shape_cast %get3A_240 : vector<16xi32> to vector<16xi32>
      tpu.vector_store %arg16[%swap3A_241], %swap3A_244 {strides = array<i32>} : memref<96xi32, #tpu.memory_space<vmem>>, vector<16xi32>,
      %get3A_245 = arith.constant 64 : index
      %get3A_246 = tpu.vector_load %arg13[%get3A_245] {strides = array<i32>} : memref<96xi32, #tpu.memory_space<vmem>>, vector<16xi32>,
      %get3A_247 = vector.shape_cast %get3A_246 : vector<16xi32> to vector<16xi32>
      %swap3A_248 = arith.constant 64 : index
      %swap3A_249 = tpu.vector_load %arg16[%swap3A_248] {strides = array<i32>} : memref<96xi32, #tpu.memory_space<vmem>>, vector<16xi32>,
      %swap3A_250 = vector.shape_cast %swap3A_249 : vector<16xi32> to vector<16xi32>
      %swap3A_251 = vector.shape_cast %get3A_247 : vector<16xi32> to vector<16xi32>
      tpu.vector_store %arg16[%swap3A_248], %swap3A_251 {strides = array<i32>} : memref<96xi32, #tpu.memory_space<vmem>>, vector<16xi32>,
      %get3A_252 = arith.constant 80 : index
      %get3A_253 = tpu.vector_load %arg13[%get3A_252] {strides = array<i32>} : memref<96xi32, #tpu.memory_space<vmem>>, vector<16xi32>,
      %get3A_254 = vector.shape_cast %get3A_253 : vector<16xi32> to vector<16xi32>
      %swap3A_255 = arith.constant 80 : index
      %swap3A_256 = tpu.vector_load %arg16[%swap3A_255] {strides = array<i32>} : memref<96xi32, #tpu.memory_space<vmem>>, vector<16xi32>,
      %swap3A_257 = vector.shape_cast %swap3A_256 : vector<16xi32> to vector<16xi32>
      %swap3A_258 = vector.shape_cast %get3A_254 : vector<16xi32> to vector<16xi32>
      tpu.vector_store %arg16[%swap3A_255], %swap3A_258 {strides = array<i32>} : memref<96xi32, #tpu.memory_space<vmem>>, vector<16xi32>,
      %ge3A_259 = arith.constant 1 : i32
      %ge3A_260 = arith.cmpi sge, %add3A_210, %ge3A_259 : i32
      %convert_element_type3A_261 = arith.extui %ge3A_260 : i1 to i32
      %cond3A_262 = arith.constant 0 : i32
      %cond3A_263 = arith.cmpi ne, %convert_element_type3A_261, %cond3A_262 : i32
      scf.if %cond3A_263 {
        %dma_wait3A_285 = arith.constant 0 : i32
        %dma_wait3A_286 = arith.constant 0 : i32
        %dma_wait3A_287 = tpu.memref_slice %arg19[%dma_wait3A_285, %dma_wait3A_286] : memref<10240x144xf32, #tpu.memory_space<vmem_shared>> -> memref<10240x144xf32, #tpu.memory_space<vmem_shared>>
        tpu.wait_indirect_dma semaphore(%arg22 : memref<!tpu.dma_semaphore, #tpu.memory_space<semaphore_mem>>) src(%arg9 : memref<96x144xf32, #tpu.memory_space<vmem>>) dst(%dma_wait3A_287 : memref<10240x144xf32, #tpu.memory_space<vmem_shared>>)
      } else {
      }
      %add3A_264 = arith.constant 1 : i32
      %add3A_265 = arith.addi %add3A_210, %add3A_264 : i32
      %lt3A_266 = arith.constant 104 : i32
      %lt3A_267 = arith.cmpi slt, %add3A_265, %lt3A_266 : i32
      %convert_element_type3A_268 = arith.extui %lt3A_267 : i1 to i32
      %cond3A_269 = arith.constant 0 : i32
      %cond3A_270 = arith.cmpi ne, %convert_element_type3A_268, %cond3A_269 : i32
      scf.if %cond3A_270 {
        %dma_wait3A_285 = arith.constant 0 : i32
        %dma_wait3A_286 = tpu.memref_slice %arg4[%dma_wait3A_285] : memref<320000xi32, #tpu.memory_space<hbm>> -> memref<96xi32, #tpu.memory_space<hbm>>
        %dma_wait3A_287 = arith.constant 0 : i32
        %dma_wait3A_288 = tpu.memref_slice %arg4[%dma_wait3A_287] : memref<320000xi32, #tpu.memory_space<hbm>> -> memref<96xi32, #tpu.memory_space<hbm>>
        tpu.wait_dma2 semaphore(%arg20 : memref<!tpu.dma_semaphore, #tpu.memory_space<semaphore_mem>>) src(%dma_wait3A_288 : memref<96xi32, #tpu.memory_space<hbm>>) dst(%arg7 : memref<96xi32, #tpu.memory_space<vmem>>)
        %dma_wait3A_289 = arith.constant 0 : i32
        %dma_wait3A_290 = tpu.memref_slice %arg5[%dma_wait3A_289] : memref<320000xi32, #tpu.memory_space<hbm>> -> memref<96xi32, #tpu.memory_space<hbm>>
        %dma_wait3A_291 = arith.constant 0 : i32
        %dma_wait3A_292 = tpu.memref_slice %arg5[%dma_wait3A_291] : memref<320000xi32, #tpu.memory_space<hbm>> -> memref<96xi32, #tpu.memory_space<hbm>>
        tpu.wait_dma2 semaphore(%arg20 : memref<!tpu.dma_semaphore, #tpu.memory_space<semaphore_mem>>) src(%dma_wait3A_292 : memref<96xi32, #tpu.memory_space<hbm>>) dst(%arg8 : memref<96xi32, #tpu.memory_space<vmem>>)
        %dma_start3A_293 = arith.constant 0 : i32
        %dma_start3A_294 = arith.constant 0 : i32
        %dma_start3A_295 = tpu.memref_slice %arg2[%dma_start3A_293, %dma_start3A_294] : memref<10000x144xf32, #tpu.memory_space<hbm>> -> memref<10000x144xf32, #tpu.memory_space<hbm>>
        tpu.enqueue_indirect_dma source(%dma_start3A_295 : memref<10000x144xf32, #tpu.memory_space<hbm>>) target(%arg9 : memref<96x144xf32, #tpu.memory_space<vmem>>) offsets(%arg7 : memref<96xi32, #tpu.memory_space<vmem>>) semaphore(%arg21 : memref<!tpu.dma_semaphore, #tpu.memory_space<semaphore_mem>>)
        %dma_start3A_296 = arith.constant 0 : i32
        %dma_start3A_297 = arith.constant 0 : i32
        %dma_start3A_298 = tpu.memref_slice %arg3[%dma_start3A_296, %dma_start3A_297] : memref<10000x16xf32, #tpu.memory_space<hbm>> -> memref<10000x16xf32, #tpu.memory_space<hbm>>
        tpu.enqueue_indirect_dma source(%dma_start3A_298 : memref<10000x16xf32, #tpu.memory_space<hbm>>) target(%arg10 : memref<96x16xf32, #tpu.memory_space<vmem>>) offsets(%arg8 : memref<96xi32, #tpu.memory_space<vmem>>) semaphore(%arg21 : memref<!tpu.dma_semaphore, #tpu.memory_space<semaphore_mem>>)
      } else {
      }
      %add3A_271 = arith.constant 2 : i32
      %add3A_272 = arith.addi %add3A_210, %add3A_271 : i32
      %lt3A_273 = arith.constant 104 : i32
      %lt3A_274 = arith.cmpi slt, %add3A_272, %lt3A_273 : i32
      %convert_element_type3A_275 = arith.extui %lt3A_274 : i1 to i32
      %cond3A_276 = arith.constant 0 : i32
      %cond3A_277 = arith.cmpi ne, %convert_element_type3A_275, %cond3A_276 : i32
      scf.if %cond3A_277 {
        %add3A_285 = arith.constant 2 : i32
        %add3A_286 = arith.addi %add3A_210, %add3A_285 : i32
        %mul3A_287 = arith.constant 96 : i32
        %mul3A_288 = arith.muli %add3A_286, %mul3A_287 : i32
        %add3A_289 = arith.addi %mul3A_40, %mul3A_288 : i32
        %dma_start3A_290 = tpu.memref_slice %arg4[%add3A_289] : memref<320000xi32, #tpu.memory_space<hbm>> -> memref<96xi32, #tpu.memory_space<hbm>>
        %dma_start3A_291 = tpu.memref_slice %arg4[%add3A_289] : memref<320000xi32, #tpu.memory_space<hbm>> -> memref<96xi32, #tpu.memory_space<hbm>>
        tpu.enqueue_dma source(%dma_start3A_291 : memref<96xi32, #tpu.memory_space<hbm>>) target(%arg12 : memref<96xi32, #tpu.memory_space<vmem>>) target_semaphore(%arg23 : memref<!tpu.dma_semaphore, #tpu.memory_space<semaphore_mem>>)
        %dma_start3A_292 = tpu.memref_slice %arg5[%add3A_289] : memref<320000xi32, #tpu.memory_space<hbm>> -> memref<96xi32, #tpu.memory_space<hbm>>
        %dma_start3A_293 = tpu.memref_slice %arg5[%add3A_289] : memref<320000xi32, #tpu.memory_space<hbm>> -> memref<96xi32, #tpu.memory_space<hbm>>
        tpu.enqueue_dma source(%dma_start3A_293 : memref<96xi32, #tpu.memory_space<hbm>>) target(%arg13 : memref<96xi32, #tpu.memory_space<vmem>>) target_semaphore(%arg23 : memref<!tpu.dma_semaphore, #tpu.memory_space<semaphore_mem>>)
      } else {
      }
      %parallel_loop3A_278 = arith.constant 0 : i32
      %parallel_loop3A_279 = arith.constant 96 : i32
      %parallel_loop3A_280 = arith.constant 1 : i32
      scf.for %parallel_loop3A_285 = %parallel_loop3A_278 to %parallel_loop3A_279 step %parallel_loop3A_280  : i32 {
        %parallel_loop3A_286 = arith.index_cast %parallel_loop3A_285 : i32 to index
        %parallel_loop3A_287 = arith.constant 128 : index
        %parallel_loop3A_288 = tpu.vector_load %arg14[%parallel_loop3A_286, %parallel_loop3A_287] {strides = array<i32>} : memref<96x144xf32, #tpu.memory_space<vmem>>, vector<1x16xf32>,
        %parallel_loop3A_289 = vector.shape_cast %parallel_loop3A_288 : vector<1x16xf32> to vector<16xf32>
        %parallel_loop3A_290 = arith.index_cast %parallel_loop3A_285 : i32 to index
        %parallel_loop3A_291 = arith.constant 0 : index
        %parallel_loop3A_292 = tpu.vector_load %arg15[%parallel_loop3A_290, %parallel_loop3A_291] {strides = array<i32>} : memref<96x16xf32, #tpu.memory_space<vmem>>, vector<1x16xf32>,
        %parallel_loop3A_293 = vector.shape_cast %parallel_loop3A_292 : vector<1x16xf32> to vector<16xf32>
        %parallel_loop3A_294 = arith.addf %parallel_loop3A_289, %parallel_loop3A_293 : vector<16xf32>
        %parallel_loop3A_295 = arith.constant 0.000000e+00 : f32
        %parallel_loop3A_296 = vector.broadcast %parallel_loop3A_295 : f32 to vector<16xf32>
        %parallel_loop3A_297 = arith.cmpf ogt, %parallel_loop3A_294, %parallel_loop3A_296 : vector<16xf32>
        %parallel_loop3A_298 = arith.constant 2.000000e-01 : f32
        %parallel_loop3A_299 = vector.broadcast %parallel_loop3A_298 : f32 to vector<16xf32>
        %parallel_loop3A_300 = arith.mulf %parallel_loop3A_299, %parallel_loop3A_294 : vector<16xf32>
        %parallel_loop3A_301 = arith.select %parallel_loop3A_297, %parallel_loop3A_294, %parallel_loop3A_300 : vector<16xi1>, vector<16xf32>
        %parallel_loop3A_302 = math.exp %parallel_loop3A_301 : vector<16xf32>
        %parallel_loop3A_303 = arith.index_cast %parallel_loop3A_285 : i32 to index
        %parallel_loop3A_304 = arith.constant 128 : index
        %parallel_loop3A_305 = tpu.vector_load %arg14[%parallel_loop3A_303, %parallel_loop3A_304] {strides = array<i32>} : memref<96x144xf32, #tpu.memory_space<vmem>>, vector<1x16xf32>,
        %parallel_loop3A_306 = vector.shape_cast %parallel_loop3A_305 : vector<1x16xf32> to vector<16xf32>
        %parallel_loop3A_307 = vector.shape_cast %parallel_loop3A_302 : vector<16xf32> to vector<1x16xf32>
        tpu.vector_store %arg14[%parallel_loop3A_303, %parallel_loop3A_304], %parallel_loop3A_307 {strides = array<i32>} : memref<96x144xf32, #tpu.memory_space<vmem>>, vector<1x16xf32>,
        %parallel_loop3A_308 = arith.constant 0 : i32
        %parallel_loop3A_309 = vector.broadcast %parallel_loop3A_308 : i32 to vector<16x1xi32>
        %parallel_loop3A_310 = vector.shape_cast %parallel_loop3A_309 : vector<16x1xi32> to vector<16xi32>
        %parallel_loop3A_311 = tpu.dynamic_gather %parallel_loop3A_302[%parallel_loop3A_310] in [0] : vector<16xf32>, vector<16xi32> -> vector<16xf32>
        %parallel_loop3A_312 = arith.index_cast %parallel_loop3A_285 : i32 to index
        %parallel_loop3A_313 = arith.constant 0 : index
        %parallel_loop3A_314 = tpu.vector_load %arg14[%parallel_loop3A_312, %parallel_loop3A_313] {strides = array<i32>} : memref<96x144xf32, #tpu.memory_space<vmem>>, vector<1x16xf32>,
        %parallel_loop3A_315 = vector.shape_cast %parallel_loop3A_314 : vector<1x16xf32> to vector<16xf32>
        %parallel_loop3A_316 = arith.mulf %parallel_loop3A_315, %parallel_loop3A_311 : vector<16xf32>
        %parallel_loop3A_317 = arith.index_cast %parallel_loop3A_285 : i32 to index
        %parallel_loop3A_318 = arith.constant 0 : index
        %parallel_loop3A_319 = tpu.vector_load %arg14[%parallel_loop3A_317, %parallel_loop3A_318] {strides = array<i32>} : memref<96x144xf32, #tpu.memory_space<vmem>>, vector<1x16xf32>,
        %parallel_loop3A_320 = vector.shape_cast %parallel_loop3A_319 : vector<1x16xf32> to vector<16xf32>
        %parallel_loop3A_321 = vector.shape_cast %parallel_loop3A_316 : vector<16xf32> to vector<1x16xf32>
        tpu.vector_store %arg14[%parallel_loop3A_317, %parallel_loop3A_318], %parallel_loop3A_321 {strides = array<i32>} : memref<96x144xf32, #tpu.memory_space<vmem>>, vector<1x16xf32>,
        %parallel_loop3A_322 = arith.constant 1 : i32
        %parallel_loop3A_323 = vector.broadcast %parallel_loop3A_322 : i32 to vector<16x1xi32>
        %parallel_loop3A_324 = vector.shape_cast %parallel_loop3A_323 : vector<16x1xi32> to vector<16xi32>
        %parallel_loop3A_325 = tpu.dynamic_gather %parallel_loop3A_302[%parallel_loop3A_324] in [0] : vector<16xf32>, vector<16xi32> -> vector<16xf32>
        %parallel_loop3A_326 = arith.index_cast %parallel_loop3A_285 : i32 to index
        %parallel_loop3A_327 = arith.constant 16 : index
        %parallel_loop3A_328 = tpu.vector_load %arg14[%parallel_loop3A_326, %parallel_loop3A_327] {strides = array<i32>} : memref<96x144xf32, #tpu.memory_space<vmem>>, vector<1x16xf32>,
        %parallel_loop3A_329 = vector.shape_cast %parallel_loop3A_328 : vector<1x16xf32> to vector<16xf32>
        %parallel_loop3A_330 = arith.mulf %parallel_loop3A_329, %parallel_loop3A_325 : vector<16xf32>
        %parallel_loop3A_331 = arith.index_cast %parallel_loop3A_285 : i32 to index
        %parallel_loop3A_332 = arith.constant 16 : index
        %parallel_loop3A_333 = tpu.vector_load %arg14[%parallel_loop3A_331, %parallel_loop3A_332] {strides = array<i32>} : memref<96x144xf32, #tpu.memory_space<vmem>>, vector<1x16xf32>,
        %parallel_loop3A_334 = vector.shape_cast %parallel_loop3A_333 : vector<1x16xf32> to vector<16xf32>
        %parallel_loop3A_335 = vector.shape_cast %parallel_loop3A_330 : vector<16xf32> to vector<1x16xf32>
        tpu.vector_store %arg14[%parallel_loop3A_331, %parallel_loop3A_332], %parallel_loop3A_335 {strides = array<i32>} : memref<96x144xf32, #tpu.memory_space<vmem>>, vector<1x16xf32>,
        %parallel_loop3A_336 = arith.constant 2 : i32
        %parallel_loop3A_337 = vector.broadcast %parallel_loop3A_336 : i32 to vector<16x1xi32>
        %parallel_loop3A_338 = vector.shape_cast %parallel_loop3A_337 : vector<16x1xi32> to vector<16xi32>
        %parallel_loop3A_339 = tpu.dynamic_gather %parallel_loop3A_302[%parallel_loop3A_338] in [0] : vector<16xf32>, vector<16xi32> -> vector<16xf32>
        %parallel_loop3A_340 = arith.index_cast %parallel_loop3A_285 : i32 to index
        %parallel_loop3A_341 = arith.constant 32 : index
        %parallel_loop3A_342 = tpu.vector_load %arg14[%parallel_loop3A_340, %parallel_loop3A_341] {strides = array<i32>} : memref<96x144xf32, #tpu.memory_space<vmem>>, vector<1x16xf32>,
        %parallel_loop3A_343 = vector.shape_cast %parallel_loop3A_342 : vector<1x16xf32> to vector<16xf32>
        %parallel_loop3A_344 = arith.mulf %parallel_loop3A_343, %parallel_loop3A_339 : vector<16xf32>
        %parallel_loop3A_345 = arith.index_cast %parallel_loop3A_285 : i32 to index
        %parallel_loop3A_346 = arith.constant 32 : index
        %parallel_loop3A_347 = tpu.vector_load %arg14[%parallel_loop3A_345, %parallel_loop3A_346] {strides = array<i32>} : memref<96x144xf32, #tpu.memory_space<vmem>>, vector<1x16xf32>,
        %parallel_loop3A_348 = vector.shape_cast %parallel_loop3A_347 : vector<1x16xf32> to vector<16xf32>
        %parallel_loop3A_349 = vector.shape_cast %parallel_loop3A_344 : vector<16xf32> to vector<1x16xf32>
        tpu.vector_store %arg14[%parallel_loop3A_345, %parallel_loop3A_346], %parallel_loop3A_349 {strides = array<i32>} : memref<96x144xf32, #tpu.memory_space<vmem>>, vector<1x16xf32>,
        %parallel_loop3A_350 = arith.constant 3 : i32
        %parallel_loop3A_351 = vector.broadcast %parallel_loop3A_350 : i32 to vector<16x1xi32>
        %parallel_loop3A_352 = vector.shape_cast %parallel_loop3A_351 : vector<16x1xi32> to vector<16xi32>
        %parallel_loop3A_353 = tpu.dynamic_gather %parallel_loop3A_302[%parallel_loop3A_352] in [0] : vector<16xf32>, vector<16xi32> -> vector<16xf32>
        %parallel_loop3A_354 = arith.index_cast %parallel_loop3A_285 : i32 to index
        %parallel_loop3A_355 = arith.constant 48 : index
        %parallel_loop3A_356 = tpu.vector_load %arg14[%parallel_loop3A_354, %parallel_loop3A_355] {strides = array<i32>} : memref<96x144xf32, #tpu.memory_space<vmem>>, vector<1x16xf32>,
        %parallel_loop3A_357 = vector.shape_cast %parallel_loop3A_356 : vector<1x16xf32> to vector<16xf32>
        %parallel_loop3A_358 = arith.mulf %parallel_loop3A_357, %parallel_loop3A_353 : vector<16xf32>
        %parallel_loop3A_359 = arith.index_cast %parallel_loop3A_285 : i32 to index
        %parallel_loop3A_360 = arith.constant 48 : index
        %parallel_loop3A_361 = tpu.vector_load %arg14[%parallel_loop3A_359, %parallel_loop3A_360] {strides = array<i32>} : memref<96x144xf32, #tpu.memory_space<vmem>>, vector<1x16xf32>,
        %parallel_loop3A_362 = vector.shape_cast %parallel_loop3A_361 : vector<1x16xf32> to vector<16xf32>
        %parallel_loop3A_363 = vector.shape_cast %parallel_loop3A_358 : vector<16xf32> to vector<1x16xf32>
        tpu.vector_store %arg14[%parallel_loop3A_359, %parallel_loop3A_360], %parallel_loop3A_363 {strides = array<i32>} : memref<96x144xf32, #tpu.memory_space<vmem>>, vector<1x16xf32>,
        %parallel_loop3A_364 = arith.constant 4 : i32
        %parallel_loop3A_365 = vector.broadcast %parallel_loop3A_364 : i32 to vector<16x1xi32>
        %parallel_loop3A_366 = vector.shape_cast %parallel_loop3A_365 : vector<16x1xi32> to vector<16xi32>
        %parallel_loop3A_367 = tpu.dynamic_gather %parallel_loop3A_302[%parallel_loop3A_366] in [0] : vector<16xf32>, vector<16xi32> -> vector<16xf32>
        %parallel_loop3A_368 = arith.index_cast %parallel_loop3A_285 : i32 to index
        %parallel_loop3A_369 = arith.constant 64 : index
        %parallel_loop3A_370 = tpu.vector_load %arg14[%parallel_loop3A_368, %parallel_loop3A_369] {strides = array<i32>} : memref<96x144xf32, #tpu.memory_space<vmem>>, vector<1x16xf32>,
        %parallel_loop3A_371 = vector.shape_cast %parallel_loop3A_370 : vector<1x16xf32> to vector<16xf32>
        %parallel_loop3A_372 = arith.mulf %parallel_loop3A_371, %parallel_loop3A_367 : vector<16xf32>
        %parallel_loop3A_373 = arith.index_cast %parallel_loop3A_285 : i32 to index
        %parallel_loop3A_374 = arith.constant 64 : index
        %parallel_loop3A_375 = tpu.vector_load %arg14[%parallel_loop3A_373, %parallel_loop3A_374] {strides = array<i32>} : memref<96x144xf32, #tpu.memory_space<vmem>>, vector<1x16xf32>,
        %parallel_loop3A_376 = vector.shape_cast %parallel_loop3A_375 : vector<1x16xf32> to vector<16xf32>
        %parallel_loop3A_377 = vector.shape_cast %parallel_loop3A_372 : vector<16xf32> to vector<1x16xf32>
        tpu.vector_store %arg14[%parallel_loop3A_373, %parallel_loop3A_374], %parallel_loop3A_377 {strides = array<i32>} : memref<96x144xf32, #tpu.memory_space<vmem>>, vector<1x16xf32>,
        %parallel_loop3A_378 = arith.constant 5 : i32
        %parallel_loop3A_379 = vector.broadcast %parallel_loop3A_378 : i32 to vector<16x1xi32>
        %parallel_loop3A_380 = vector.shape_cast %parallel_loop3A_379 : vector<16x1xi32> to vector<16xi32>
        %parallel_loop3A_381 = tpu.dynamic_gather %parallel_loop3A_302[%parallel_loop3A_380] in [0] : vector<16xf32>, vector<16xi32> -> vector<16xf32>
        %parallel_loop3A_382 = arith.index_cast %parallel_loop3A_285 : i32 to index
        %parallel_loop3A_383 = arith.constant 80 : index
        %parallel_loop3A_384 = tpu.vector_load %arg14[%parallel_loop3A_382, %parallel_loop3A_383] {strides = array<i32>} : memref<96x144xf32, #tpu.memory_space<vmem>>, vector<1x16xf32>,
        %parallel_loop3A_385 = vector.shape_cast %parallel_loop3A_384 : vector<1x16xf32> to vector<16xf32>
        %parallel_loop3A_386 = arith.mulf %parallel_loop3A_385, %parallel_loop3A_381 : vector<16xf32>
        %parallel_loop3A_387 = arith.index_cast %parallel_loop3A_285 : i32 to index
        %parallel_loop3A_388 = arith.constant 80 : index
        %parallel_loop3A_389 = tpu.vector_load %arg14[%parallel_loop3A_387, %parallel_loop3A_388] {strides = array<i32>} : memref<96x144xf32, #tpu.memory_space<vmem>>, vector<1x16xf32>,
        %parallel_loop3A_390 = vector.shape_cast %parallel_loop3A_389 : vector<1x16xf32> to vector<16xf32>
        %parallel_loop3A_391 = vector.shape_cast %parallel_loop3A_386 : vector<16xf32> to vector<1x16xf32>
        tpu.vector_store %arg14[%parallel_loop3A_387, %parallel_loop3A_388], %parallel_loop3A_391 {strides = array<i32>} : memref<96x144xf32, #tpu.memory_space<vmem>>, vector<1x16xf32>,
        %parallel_loop3A_392 = arith.constant 6 : i32
        %parallel_loop3A_393 = vector.broadcast %parallel_loop3A_392 : i32 to vector<16x1xi32>
        %parallel_loop3A_394 = vector.shape_cast %parallel_loop3A_393 : vector<16x1xi32> to vector<16xi32>
        %parallel_loop3A_395 = tpu.dynamic_gather %parallel_loop3A_302[%parallel_loop3A_394] in [0] : vector<16xf32>, vector<16xi32> -> vector<16xf32>
        %parallel_loop3A_396 = arith.index_cast %parallel_loop3A_285 : i32 to index
        %parallel_loop3A_397 = arith.constant 96 : index
        %parallel_loop3A_398 = tpu.vector_load %arg14[%parallel_loop3A_396, %parallel_loop3A_397] {strides = array<i32>} : memref<96x144xf32, #tpu.memory_space<vmem>>, vector<1x16xf32>,
        %parallel_loop3A_399 = vector.shape_cast %parallel_loop3A_398 : vector<1x16xf32> to vector<16xf32>
        %parallel_loop3A_400 = arith.mulf %parallel_loop3A_399, %parallel_loop3A_395 : vector<16xf32>
        %parallel_loop3A_401 = arith.index_cast %parallel_loop3A_285 : i32 to index
        %parallel_loop3A_402 = arith.constant 96 : index
        %parallel_loop3A_403 = tpu.vector_load %arg14[%parallel_loop3A_401, %parallel_loop3A_402] {strides = array<i32>} : memref<96x144xf32, #tpu.memory_space<vmem>>, vector<1x16xf32>,
        %parallel_loop3A_404 = vector.shape_cast %parallel_loop3A_403 : vector<1x16xf32> to vector<16xf32>
        %parallel_loop3A_405 = vector.shape_cast %parallel_loop3A_400 : vector<16xf32> to vector<1x16xf32>
        tpu.vector_store %arg14[%parallel_loop3A_401, %parallel_loop3A_402], %parallel_loop3A_405 {strides = array<i32>} : memref<96x144xf32, #tpu.memory_space<vmem>>, vector<1x16xf32>,
        %parallel_loop3A_406 = arith.constant 7 : i32
        %parallel_loop3A_407 = vector.broadcast %parallel_loop3A_406 : i32 to vector<16x1xi32>
        %parallel_loop3A_408 = vector.shape_cast %parallel_loop3A_407 : vector<16x1xi32> to vector<16xi32>
        %parallel_loop3A_409 = tpu.dynamic_gather %parallel_loop3A_302[%parallel_loop3A_408] in [0] : vector<16xf32>, vector<16xi32> -> vector<16xf32>
        %parallel_loop3A_410 = arith.index_cast %parallel_loop3A_285 : i32 to index
        %parallel_loop3A_411 = arith.constant 112 : index
        %parallel_loop3A_412 = tpu.vector_load %arg14[%parallel_loop3A_410, %parallel_loop3A_411] {strides = array<i32>} : memref<96x144xf32, #tpu.memory_space<vmem>>, vector<1x16xf32>,
        %parallel_loop3A_413 = vector.shape_cast %parallel_loop3A_412 : vector<1x16xf32> to vector<16xf32>
        %parallel_loop3A_414 = arith.mulf %parallel_loop3A_413, %parallel_loop3A_409 : vector<16xf32>
        %parallel_loop3A_415 = arith.index_cast %parallel_loop3A_285 : i32 to index
        %parallel_loop3A_416 = arith.constant 112 : index
        %parallel_loop3A_417 = tpu.vector_load %arg14[%parallel_loop3A_415, %parallel_loop3A_416] {strides = array<i32>} : memref<96x144xf32, #tpu.memory_space<vmem>>, vector<1x16xf32>,
        %parallel_loop3A_418 = vector.shape_cast %parallel_loop3A_417 : vector<1x16xf32> to vector<16xf32>
        %parallel_loop3A_419 = vector.shape_cast %parallel_loop3A_414 : vector<16xf32> to vector<1x16xf32>
        tpu.vector_store %arg14[%parallel_loop3A_415, %parallel_loop3A_416], %parallel_loop3A_419 {strides = array<i32>} : memref<96x144xf32, #tpu.memory_space<vmem>>, vector<1x16xf32>,
      } {sc.loop_unroll_factor = 4 : i64, sc.parallel_access}
      %dma_start3A_281 = arith.constant 0 : i32
      %dma_start3A_282 = arith.constant 0 : i32
      %dma_start3A_283 = tpu.memref_slice %arg19[%dma_start3A_281, %dma_start3A_282] : memref<10240x144xf32, #tpu.memory_space<vmem_shared>> -> memref<10240x144xf32, #tpu.memory_space<vmem_shared>>
      tpu.enqueue_indirect_dma source(%arg14 : memref<96x144xf32, #tpu.memory_space<vmem>>) target(%dma_start3A_283 : memref<10240x144xf32, #tpu.memory_space<vmem_shared>>) offsets(%arg16 : memref<96xi32, #tpu.memory_space<vmem>>) semaphore(%arg25 : memref<!tpu.dma_semaphore, #tpu.memory_space<semaphore_mem>>) {add = true}
      %scan3A_284 = arith.constant 0 : i32
      scf.yield %scan3A_284 : i32
    }
    %scan3A_71 = arith.constant 52 : i32
    %dma_wait3A_72 = arith.constant 0 : i32
    %dma_wait3A_73 = arith.constant 0 : i32
    %dma_wait3A_74 = tpu.memref_slice %arg19[%dma_wait3A_72, %dma_wait3A_73] : memref<10240x144xf32, #tpu.memory_space<vmem_shared>> -> memref<10240x144xf32, #tpu.memory_space<vmem_shared>>
    tpu.wait_indirect_dma semaphore(%arg25 : memref<!tpu.dma_semaphore, #tpu.memory_space<semaphore_mem>>) src(%arg14 : memref<96x144xf32, #tpu.memory_space<vmem>>) dst(%dma_wait3A_74 : memref<10240x144xf32, #tpu.memory_space<vmem_shared>>)
    %add3A_75 = arith.constant 9984 : i32
    %add3A_76 = arith.addi %mul3A_40, %add3A_75 : i32
    "tpu.region"() ({
      %run_scoped3A = tpu.sem_alloc : memref<!tpu.dma_semaphore, #tpu.memory_space<semaphore_mem>>
      %dma_start3A_136 = tpu.memref_slice %arg4[%add3A_76] : memref<320000xi32, #tpu.memory_space<hbm>> -> memref<16xi32, #tpu.memory_space<hbm>>
      %dma_start3A_137 = tpu.memref_slice %arg4[%add3A_76] : memref<320000xi32, #tpu.memory_space<hbm>> -> memref<16xi32, #tpu.memory_space<hbm>>
      tpu.enqueue_dma source(%dma_start3A_137 : memref<16xi32, #tpu.memory_space<hbm>>) target(%arg17 : memref<16xi32, #tpu.memory_space<vmem>>) target_semaphore(%run_scoped3A : memref<!tpu.dma_semaphore, #tpu.memory_space<semaphore_mem>>)
      %dma_wait3A_138 = tpu.memref_slice %arg4[%add3A_76] : memref<320000xi32, #tpu.memory_space<hbm>> -> memref<16xi32, #tpu.memory_space<hbm>>
      %dma_wait3A_139 = tpu.memref_slice %arg4[%add3A_76] : memref<320000xi32, #tpu.memory_space<hbm>> -> memref<16xi32, #tpu.memory_space<hbm>>
      tpu.wait_dma2 semaphore(%run_scoped3A : memref<!tpu.dma_semaphore, #tpu.memory_space<semaphore_mem>>) src(%dma_wait3A_139 : memref<16xi32, #tpu.memory_space<hbm>>) dst(%arg17 : memref<16xi32, #tpu.memory_space<vmem>>)
      tpu.yield
    }) : () -> ()
    "tpu.region"() ({
      %run_scoped3A = tpu.sem_alloc : memref<!tpu.dma_semaphore, #tpu.memory_space<semaphore_mem>>
      %dma_start3A_136 = tpu.memref_slice %arg5[%add3A_76] : memref<320000xi32, #tpu.memory_space<hbm>> -> memref<16xi32, #tpu.memory_space<hbm>>
      %dma_start3A_137 = tpu.memref_slice %arg5[%add3A_76] : memref<320000xi32, #tpu.memory_space<hbm>> -> memref<16xi32, #tpu.memory_space<hbm>>
      tpu.enqueue_dma source(%dma_start3A_137 : memref<16xi32, #tpu.memory_space<hbm>>) target(%arg18 : memref<16xi32, #tpu.memory_space<vmem>>) target_semaphore(%run_scoped3A : memref<!tpu.dma_semaphore, #tpu.memory_space<semaphore_mem>>)
      %dma_wait3A_138 = tpu.memref_slice %arg5[%add3A_76] : memref<320000xi32, #tpu.memory_space<hbm>> -> memref<16xi32, #tpu.memory_space<hbm>>
      %dma_wait3A_139 = tpu.memref_slice %arg5[%add3A_76] : memref<320000xi32, #tpu.memory_space<hbm>> -> memref<16xi32, #tpu.memory_space<hbm>>
      tpu.wait_dma2 semaphore(%run_scoped3A : memref<!tpu.dma_semaphore, #tpu.memory_space<semaphore_mem>>) src(%dma_wait3A_139 : memref<16xi32, #tpu.memory_space<hbm>>) dst(%arg18 : memref<16xi32, #tpu.memory_space<vmem>>)
      tpu.yield
    }) : () -> ()
    %dma_start3A_77 = arith.constant 0 : i32
    %dma_start3A_78 = arith.constant 0 : i32
    %dma_start3A_79 = tpu.memref_slice %arg9[%dma_start3A_77, %dma_start3A_78] : memref<96x144xf32, #tpu.memory_space<vmem>> -> memref<16x144xf32, #tpu.memory_space<vmem>>
    %dma_start3A_80 = arith.constant 0 : i32
    %dma_start3A_81 = arith.constant 0 : i32
    %dma_start3A_82 = tpu.memref_slice %arg2[%dma_start3A_80, %dma_start3A_81] : memref<10000x144xf32, #tpu.memory_space<hbm>> -> memref<10000x144xf32, #tpu.memory_space<hbm>>
    tpu.enqueue_indirect_dma source(%dma_start3A_82 : memref<10000x144xf32, #tpu.memory_space<hbm>>) target(%dma_start3A_79 : memref<16x144xf32, #tpu.memory_space<vmem>>) offsets(%arg17 : memref<16xi32, #tpu.memory_space<vmem>>) semaphore(%arg21 : memref<!tpu.dma_semaphore, #tpu.memory_space<semaphore_mem>>)
    %dma_wait3A_83 = arith.constant 0 : i32
    %dma_wait3A_84 = arith.constant 0 : i32
    %dma_wait3A_85 = tpu.memref_slice %arg9[%dma_wait3A_83, %dma_wait3A_84] : memref<96x144xf32, #tpu.memory_space<vmem>> -> memref<16x144xf32, #tpu.memory_space<vmem>>
    %dma_wait3A_86 = arith.constant 0 : i32
    %dma_wait3A_87 = arith.constant 0 : i32
    %dma_wait3A_88 = tpu.memref_slice %arg2[%dma_wait3A_86, %dma_wait3A_87] : memref<10000x144xf32, #tpu.memory_space<hbm>> -> memref<10000x144xf32, #tpu.memory_space<hbm>>
    tpu.wait_indirect_dma semaphore(%arg21 : memref<!tpu.dma_semaphore, #tpu.memory_space<semaphore_mem>>) src(%dma_wait3A_88 : memref<10000x144xf32, #tpu.memory_space<hbm>>) dst(%dma_wait3A_85 : memref<16x144xf32, #tpu.memory_space<vmem>>)
    %dma_start3A_89 = arith.constant 0 : i32
    %dma_start3A_90 = arith.constant 0 : i32
    %dma_start3A_91 = tpu.memref_slice %arg10[%dma_start3A_89, %dma_start3A_90] : memref<96x16xf32, #tpu.memory_space<vmem>> -> memref<16x16xf32, #tpu.memory_space<vmem>>
    %dma_start3A_92 = arith.constant 0 : i32
    %dma_start3A_93 = arith.constant 0 : i32
    %dma_start3A_94 = tpu.memref_slice %arg3[%dma_start3A_92, %dma_start3A_93] : memref<10000x16xf32, #tpu.memory_space<hbm>> -> memref<10000x16xf32, #tpu.memory_space<hbm>>
    tpu.enqueue_indirect_dma source(%dma_start3A_94 : memref<10000x16xf32, #tpu.memory_space<hbm>>) target(%dma_start3A_91 : memref<16x16xf32, #tpu.memory_space<vmem>>) offsets(%arg18 : memref<16xi32, #tpu.memory_space<vmem>>) semaphore(%arg21 : memref<!tpu.dma_semaphore, #tpu.memory_space<semaphore_mem>>)
    %dma_wait3A_95 = arith.constant 0 : i32
    %dma_wait3A_96 = arith.constant 0 : i32
    %dma_wait3A_97 = tpu.memref_slice %arg10[%dma_wait3A_95, %dma_wait3A_96] : memref<96x16xf32, #tpu.memory_space<vmem>> -> memref<16x16xf32, #tpu.memory_space<vmem>>
    %dma_wait3A_98 = arith.constant 0 : i32
    %dma_wait3A_99 = arith.constant 0 : i32
    %dma_wait3A_100 = tpu.memref_slice %arg3[%dma_wait3A_98, %dma_wait3A_99] : memref<10000x16xf32, #tpu.memory_space<hbm>> -> memref<10000x16xf32, #tpu.memory_space<hbm>>
    tpu.wait_indirect_dma semaphore(%arg21 : memref<!tpu.dma_semaphore, #tpu.memory_space<semaphore_mem>>) src(%dma_wait3A_100 : memref<10000x16xf32, #tpu.memory_space<hbm>>) dst(%dma_wait3A_97 : memref<16x16xf32, #tpu.memory_space<vmem>>)
    %parallel_loop3A = arith.constant 0 : i32
    %parallel_loop3A_101 = arith.constant 16 : i32
    %parallel_loop3A_102 = arith.constant 1 : i32
    scf.for %parallel_loop3A_136 = %parallel_loop3A to %parallel_loop3A_101 step %parallel_loop3A_102  : i32 {
      %parallel_loop3A_137 = arith.index_cast %parallel_loop3A_136 : i32 to index
      %parallel_loop3A_138 = arith.constant 128 : index
      %parallel_loop3A_139 = tpu.vector_load %arg9[%parallel_loop3A_137, %parallel_loop3A_138] {strides = array<i32>} : memref<96x144xf32, #tpu.memory_space<vmem>>, vector<1x16xf32>,
      %parallel_loop3A_140 = vector.shape_cast %parallel_loop3A_139 : vector<1x16xf32> to vector<16xf32>
      %parallel_loop3A_141 = arith.index_cast %parallel_loop3A_136 : i32 to index
      %parallel_loop3A_142 = arith.constant 0 : index
      %parallel_loop3A_143 = tpu.vector_load %arg10[%parallel_loop3A_141, %parallel_loop3A_142] {strides = array<i32>} : memref<96x16xf32, #tpu.memory_space<vmem>>, vector<1x16xf32>,
      %parallel_loop3A_144 = vector.shape_cast %parallel_loop3A_143 : vector<1x16xf32> to vector<16xf32>
      %parallel_loop3A_145 = arith.addf %parallel_loop3A_140, %parallel_loop3A_144 : vector<16xf32>
      %parallel_loop3A_146 = arith.constant 0.000000e+00 : f32
      %parallel_loop3A_147 = vector.broadcast %parallel_loop3A_146 : f32 to vector<16xf32>
      %parallel_loop3A_148 = arith.cmpf ogt, %parallel_loop3A_145, %parallel_loop3A_147 : vector<16xf32>
      %parallel_loop3A_149 = arith.constant 2.000000e-01 : f32
      %parallel_loop3A_150 = vector.broadcast %parallel_loop3A_149 : f32 to vector<16xf32>
      %parallel_loop3A_151 = arith.mulf %parallel_loop3A_150, %parallel_loop3A_145 : vector<16xf32>
      %parallel_loop3A_152 = arith.select %parallel_loop3A_148, %parallel_loop3A_145, %parallel_loop3A_151 : vector<16xi1>, vector<16xf32>
      %parallel_loop3A_153 = math.exp %parallel_loop3A_152 : vector<16xf32>
      %parallel_loop3A_154 = arith.index_cast %parallel_loop3A_136 : i32 to index
      %parallel_loop3A_155 = arith.constant 128 : index
      %parallel_loop3A_156 = tpu.vector_load %arg9[%parallel_loop3A_154, %parallel_loop3A_155] {strides = array<i32>} : memref<96x144xf32, #tpu.memory_space<vmem>>, vector<1x16xf32>,
      %parallel_loop3A_157 = vector.shape_cast %parallel_loop3A_156 : vector<1x16xf32> to vector<16xf32>
      %parallel_loop3A_158 = vector.shape_cast %parallel_loop3A_153 : vector<16xf32> to vector<1x16xf32>
      tpu.vector_store %arg9[%parallel_loop3A_154, %parallel_loop3A_155], %parallel_loop3A_158 {strides = array<i32>} : memref<96x144xf32, #tpu.memory_space<vmem>>, vector<1x16xf32>,
      %parallel_loop3A_159 = arith.constant 0 : i32
      %parallel_loop3A_160 = vector.broadcast %parallel_loop3A_159 : i32 to vector<16x1xi32>
      %parallel_loop3A_161 = vector.shape_cast %parallel_loop3A_160 : vector<16x1xi32> to vector<16xi32>
      %parallel_loop3A_162 = tpu.dynamic_gather %parallel_loop3A_153[%parallel_loop3A_161] in [0] : vector<16xf32>, vector<16xi32> -> vector<16xf32>
      %parallel_loop3A_163 = arith.index_cast %parallel_loop3A_136 : i32 to index
      %parallel_loop3A_164 = arith.constant 0 : index
      %parallel_loop3A_165 = tpu.vector_load %arg9[%parallel_loop3A_163, %parallel_loop3A_164] {strides = array<i32>} : memref<96x144xf32, #tpu.memory_space<vmem>>, vector<1x16xf32>,
      %parallel_loop3A_166 = vector.shape_cast %parallel_loop3A_165 : vector<1x16xf32> to vector<16xf32>
      %parallel_loop3A_167 = arith.mulf %parallel_loop3A_166, %parallel_loop3A_162 : vector<16xf32>
      %parallel_loop3A_168 = arith.index_cast %parallel_loop3A_136 : i32 to index
      %parallel_loop3A_169 = arith.constant 0 : index
      %parallel_loop3A_170 = tpu.vector_load %arg9[%parallel_loop3A_168, %parallel_loop3A_169] {strides = array<i32>} : memref<96x144xf32, #tpu.memory_space<vmem>>, vector<1x16xf32>,
      %parallel_loop3A_171 = vector.shape_cast %parallel_loop3A_170 : vector<1x16xf32> to vector<16xf32>
      %parallel_loop3A_172 = vector.shape_cast %parallel_loop3A_167 : vector<16xf32> to vector<1x16xf32>
      tpu.vector_store %arg9[%parallel_loop3A_168, %parallel_loop3A_169], %parallel_loop3A_172 {strides = array<i32>} : memref<96x144xf32, #tpu.memory_space<vmem>>, vector<1x16xf32>,
      %parallel_loop3A_173 = arith.constant 1 : i32
      %parallel_loop3A_174 = vector.broadcast %parallel_loop3A_173 : i32 to vector<16x1xi32>
      %parallel_loop3A_175 = vector.shape_cast %parallel_loop3A_174 : vector<16x1xi32> to vector<16xi32>
      %parallel_loop3A_176 = tpu.dynamic_gather %parallel_loop3A_153[%parallel_loop3A_175] in [0] : vector<16xf32>, vector<16xi32> -> vector<16xf32>
      %parallel_loop3A_177 = arith.index_cast %parallel_loop3A_136 : i32 to index
      %parallel_loop3A_178 = arith.constant 16 : index
      %parallel_loop3A_179 = tpu.vector_load %arg9[%parallel_loop3A_177, %parallel_loop3A_178] {strides = array<i32>} : memref<96x144xf32, #tpu.memory_space<vmem>>, vector<1x16xf32>,
      %parallel_loop3A_180 = vector.shape_cast %parallel_loop3A_179 : vector<1x16xf32> to vector<16xf32>
      %parallel_loop3A_181 = arith.mulf %parallel_loop3A_180, %parallel_loop3A_176 : vector<16xf32>
      %parallel_loop3A_182 = arith.index_cast %parallel_loop3A_136 : i32 to index
      %parallel_loop3A_183 = arith.constant 16 : index
      %parallel_loop3A_184 = tpu.vector_load %arg9[%parallel_loop3A_182, %parallel_loop3A_183] {strides = array<i32>} : memref<96x144xf32, #tpu.memory_space<vmem>>, vector<1x16xf32>,
      %parallel_loop3A_185 = vector.shape_cast %parallel_loop3A_184 : vector<1x16xf32> to vector<16xf32>
      %parallel_loop3A_186 = vector.shape_cast %parallel_loop3A_181 : vector<16xf32> to vector<1x16xf32>
      tpu.vector_store %arg9[%parallel_loop3A_182, %parallel_loop3A_183], %parallel_loop3A_186 {strides = array<i32>} : memref<96x144xf32, #tpu.memory_space<vmem>>, vector<1x16xf32>,
      %parallel_loop3A_187 = arith.constant 2 : i32
      %parallel_loop3A_188 = vector.broadcast %parallel_loop3A_187 : i32 to vector<16x1xi32>
      %parallel_loop3A_189 = vector.shape_cast %parallel_loop3A_188 : vector<16x1xi32> to vector<16xi32>
      %parallel_loop3A_190 = tpu.dynamic_gather %parallel_loop3A_153[%parallel_loop3A_189] in [0] : vector<16xf32>, vector<16xi32> -> vector<16xf32>
      %parallel_loop3A_191 = arith.index_cast %parallel_loop3A_136 : i32 to index
      %parallel_loop3A_192 = arith.constant 32 : index
      %parallel_loop3A_193 = tpu.vector_load %arg9[%parallel_loop3A_191, %parallel_loop3A_192] {strides = array<i32>} : memref<96x144xf32, #tpu.memory_space<vmem>>, vector<1x16xf32>,
      %parallel_loop3A_194 = vector.shape_cast %parallel_loop3A_193 : vector<1x16xf32> to vector<16xf32>
      %parallel_loop3A_195 = arith.mulf %parallel_loop3A_194, %parallel_loop3A_190 : vector<16xf32>
      %parallel_loop3A_196 = arith.index_cast %parallel_loop3A_136 : i32 to index
      %parallel_loop3A_197 = arith.constant 32 : index
      %parallel_loop3A_198 = tpu.vector_load %arg9[%parallel_loop3A_196, %parallel_loop3A_197] {strides = array<i32>} : memref<96x144xf32, #tpu.memory_space<vmem>>, vector<1x16xf32>,
      %parallel_loop3A_199 = vector.shape_cast %parallel_loop3A_198 : vector<1x16xf32> to vector<16xf32>
      %parallel_loop3A_200 = vector.shape_cast %parallel_loop3A_195 : vector<16xf32> to vector<1x16xf32>
      tpu.vector_store %arg9[%parallel_loop3A_196, %parallel_loop3A_197], %parallel_loop3A_200 {strides = array<i32>} : memref<96x144xf32, #tpu.memory_space<vmem>>, vector<1x16xf32>,
      %parallel_loop3A_201 = arith.constant 3 : i32
      %parallel_loop3A_202 = vector.broadcast %parallel_loop3A_201 : i32 to vector<16x1xi32>
      %parallel_loop3A_203 = vector.shape_cast %parallel_loop3A_202 : vector<16x1xi32> to vector<16xi32>
      %parallel_loop3A_204 = tpu.dynamic_gather %parallel_loop3A_153[%parallel_loop3A_203] in [0] : vector<16xf32>, vector<16xi32> -> vector<16xf32>
      %parallel_loop3A_205 = arith.index_cast %parallel_loop3A_136 : i32 to index
      %parallel_loop3A_206 = arith.constant 48 : index
      %parallel_loop3A_207 = tpu.vector_load %arg9[%parallel_loop3A_205, %parallel_loop3A_206] {strides = array<i32>} : memref<96x144xf32, #tpu.memory_space<vmem>>, vector<1x16xf32>,
      %parallel_loop3A_208 = vector.shape_cast %parallel_loop3A_207 : vector<1x16xf32> to vector<16xf32>
      %parallel_loop3A_209 = arith.mulf %parallel_loop3A_208, %parallel_loop3A_204 : vector<16xf32>
      %parallel_loop3A_210 = arith.index_cast %parallel_loop3A_136 : i32 to index
      %parallel_loop3A_211 = arith.constant 48 : index
      %parallel_loop3A_212 = tpu.vector_load %arg9[%parallel_loop3A_210, %parallel_loop3A_211] {strides = array<i32>} : memref<96x144xf32, #tpu.memory_space<vmem>>, vector<1x16xf32>,
      %parallel_loop3A_213 = vector.shape_cast %parallel_loop3A_212 : vector<1x16xf32> to vector<16xf32>
      %parallel_loop3A_214 = vector.shape_cast %parallel_loop3A_209 : vector<16xf32> to vector<1x16xf32>
      tpu.vector_store %arg9[%parallel_loop3A_210, %parallel_loop3A_211], %parallel_loop3A_214 {strides = array<i32>} : memref<96x144xf32, #tpu.memory_space<vmem>>, vector<1x16xf32>,
      %parallel_loop3A_215 = arith.constant 4 : i32
      %parallel_loop3A_216 = vector.broadcast %parallel_loop3A_215 : i32 to vector<16x1xi32>
      %parallel_loop3A_217 = vector.shape_cast %parallel_loop3A_216 : vector<16x1xi32> to vector<16xi32>
      %parallel_loop3A_218 = tpu.dynamic_gather %parallel_loop3A_153[%parallel_loop3A_217] in [0] : vector<16xf32>, vector<16xi32> -> vector<16xf32>
      %parallel_loop3A_219 = arith.index_cast %parallel_loop3A_136 : i32 to index
      %parallel_loop3A_220 = arith.constant 64 : index
      %parallel_loop3A_221 = tpu.vector_load %arg9[%parallel_loop3A_219, %parallel_loop3A_220] {strides = array<i32>} : memref<96x144xf32, #tpu.memory_space<vmem>>, vector<1x16xf32>,
      %parallel_loop3A_222 = vector.shape_cast %parallel_loop3A_221 : vector<1x16xf32> to vector<16xf32>
      %parallel_loop3A_223 = arith.mulf %parallel_loop3A_222, %parallel_loop3A_218 : vector<16xf32>
      %parallel_loop3A_224 = arith.index_cast %parallel_loop3A_136 : i32 to index
      %parallel_loop3A_225 = arith.constant 64 : index
      %parallel_loop3A_226 = tpu.vector_load %arg9[%parallel_loop3A_224, %parallel_loop3A_225] {strides = array<i32>} : memref<96x144xf32, #tpu.memory_space<vmem>>, vector<1x16xf32>,
      %parallel_loop3A_227 = vector.shape_cast %parallel_loop3A_226 : vector<1x16xf32> to vector<16xf32>
      %parallel_loop3A_228 = vector.shape_cast %parallel_loop3A_223 : vector<16xf32> to vector<1x16xf32>
      tpu.vector_store %arg9[%parallel_loop3A_224, %parallel_loop3A_225], %parallel_loop3A_228 {strides = array<i32>} : memref<96x144xf32, #tpu.memory_space<vmem>>, vector<1x16xf32>,
      %parallel_loop3A_229 = arith.constant 5 : i32
      %parallel_loop3A_230 = vector.broadcast %parallel_loop3A_229 : i32 to vector<16x1xi32>
      %parallel_loop3A_231 = vector.shape_cast %parallel_loop3A_230 : vector<16x1xi32> to vector<16xi32>
      %parallel_loop3A_232 = tpu.dynamic_gather %parallel_loop3A_153[%parallel_loop3A_231] in [0] : vector<16xf32>, vector<16xi32> -> vector<16xf32>
      %parallel_loop3A_233 = arith.index_cast %parallel_loop3A_136 : i32 to index
      %parallel_loop3A_234 = arith.constant 80 : index
      %parallel_loop3A_235 = tpu.vector_load %arg9[%parallel_loop3A_233, %parallel_loop3A_234] {strides = array<i32>} : memref<96x144xf32, #tpu.memory_space<vmem>>, vector<1x16xf32>,
      %parallel_loop3A_236 = vector.shape_cast %parallel_loop3A_235 : vector<1x16xf32> to vector<16xf32>
      %parallel_loop3A_237 = arith.mulf %parallel_loop3A_236, %parallel_loop3A_232 : vector<16xf32>
      %parallel_loop3A_238 = arith.index_cast %parallel_loop3A_136 : i32 to index
      %parallel_loop3A_239 = arith.constant 80 : index
      %parallel_loop3A_240 = tpu.vector_load %arg9[%parallel_loop3A_238, %parallel_loop3A_239] {strides = array<i32>} : memref<96x144xf32, #tpu.memory_space<vmem>>, vector<1x16xf32>,
      %parallel_loop3A_241 = vector.shape_cast %parallel_loop3A_240 : vector<1x16xf32> to vector<16xf32>
      %parallel_loop3A_242 = vector.shape_cast %parallel_loop3A_237 : vector<16xf32> to vector<1x16xf32>
      tpu.vector_store %arg9[%parallel_loop3A_238, %parallel_loop3A_239], %parallel_loop3A_242 {strides = array<i32>} : memref<96x144xf32, #tpu.memory_space<vmem>>, vector<1x16xf32>,
      %parallel_loop3A_243 = arith.constant 6 : i32
      %parallel_loop3A_244 = vector.broadcast %parallel_loop3A_243 : i32 to vector<16x1xi32>
      %parallel_loop3A_245 = vector.shape_cast %parallel_loop3A_244 : vector<16x1xi32> to vector<16xi32>
      %parallel_loop3A_246 = tpu.dynamic_gather %parallel_loop3A_153[%parallel_loop3A_245] in [0] : vector<16xf32>, vector<16xi32> -> vector<16xf32>
      %parallel_loop3A_247 = arith.index_cast %parallel_loop3A_136 : i32 to index
      %parallel_loop3A_248 = arith.constant 96 : index
      %parallel_loop3A_249 = tpu.vector_load %arg9[%parallel_loop3A_247, %parallel_loop3A_248] {strides = array<i32>} : memref<96x144xf32, #tpu.memory_space<vmem>>, vector<1x16xf32>,
      %parallel_loop3A_250 = vector.shape_cast %parallel_loop3A_249 : vector<1x16xf32> to vector<16xf32>
      %parallel_loop3A_251 = arith.mulf %parallel_loop3A_250, %parallel_loop3A_246 : vector<16xf32>
      %parallel_loop3A_252 = arith.index_cast %parallel_loop3A_136 : i32 to index
      %parallel_loop3A_253 = arith.constant 96 : index
      %parallel_loop3A_254 = tpu.vector_load %arg9[%parallel_loop3A_252, %parallel_loop3A_253] {strides = array<i32>} : memref<96x144xf32, #tpu.memory_space<vmem>>, vector<1x16xf32>,
      %parallel_loop3A_255 = vector.shape_cast %parallel_loop3A_254 : vector<1x16xf32> to vector<16xf32>
      %parallel_loop3A_256 = vector.shape_cast %parallel_loop3A_251 : vector<16xf32> to vector<1x16xf32>
      tpu.vector_store %arg9[%parallel_loop3A_252, %parallel_loop3A_253], %parallel_loop3A_256 {strides = array<i32>} : memref<96x144xf32, #tpu.memory_space<vmem>>, vector<1x16xf32>,
      %parallel_loop3A_257 = arith.constant 7 : i32
      %parallel_loop3A_258 = vector.broadcast %parallel_loop3A_257 : i32 to vector<16x1xi32>
      %parallel_loop3A_259 = vector.shape_cast %parallel_loop3A_258 : vector<16x1xi32> to vector<16xi32>
      %parallel_loop3A_260 = tpu.dynamic_gather %parallel_loop3A_153[%parallel_loop3A_259] in [0] : vector<16xf32>, vector<16xi32> -> vector<16xf32>
      %parallel_loop3A_261 = arith.index_cast %parallel_loop3A_136 : i32 to index
      %parallel_loop3A_262 = arith.constant 112 : index
      %parallel_loop3A_263 = tpu.vector_load %arg9[%parallel_loop3A_261, %parallel_loop3A_262] {strides = array<i32>} : memref<96x144xf32, #tpu.memory_space<vmem>>, vector<1x16xf32>,
      %parallel_loop3A_264 = vector.shape_cast %parallel_loop3A_263 : vector<1x16xf32> to vector<16xf32>
      %parallel_loop3A_265 = arith.mulf %parallel_loop3A_264, %parallel_loop3A_260 : vector<16xf32>
      %parallel_loop3A_266 = arith.index_cast %parallel_loop3A_136 : i32 to index
      %parallel_loop3A_267 = arith.constant 112 : index
      %parallel_loop3A_268 = tpu.vector_load %arg9[%parallel_loop3A_266, %parallel_loop3A_267] {strides = array<i32>} : memref<96x144xf32, #tpu.memory_space<vmem>>, vector<1x16xf32>,
      %parallel_loop3A_269 = vector.shape_cast %parallel_loop3A_268 : vector<1x16xf32> to vector<16xf32>
      %parallel_loop3A_270 = vector.shape_cast %parallel_loop3A_265 : vector<16xf32> to vector<1x16xf32>
      tpu.vector_store %arg9[%parallel_loop3A_266, %parallel_loop3A_267], %parallel_loop3A_270 {strides = array<i32>} : memref<96x144xf32, #tpu.memory_space<vmem>>, vector<1x16xf32>,
    } {sc.loop_unroll_factor = 4 : i64, sc.parallel_access}
    %dma_start3A_103 = arith.constant 0 : i32
    %dma_start3A_104 = arith.constant 0 : i32
    %dma_start3A_105 = tpu.memref_slice %arg9[%dma_start3A_103, %dma_start3A_104] : memref<96x144xf32, #tpu.memory_space<vmem>> -> memref<16x144xf32, #tpu.memory_space<vmem>>
    %dma_start3A_106 = arith.constant 0 : i32
    %dma_start3A_107 = arith.constant 0 : i32
    %dma_start3A_108 = tpu.memref_slice %arg19[%dma_start3A_106, %dma_start3A_107] : memref<10240x144xf32, #tpu.memory_space<vmem_shared>> -> memref<10240x144xf32, #tpu.memory_space<vmem_shared>>
    tpu.enqueue_indirect_dma source(%dma_start3A_105 : memref<16x144xf32, #tpu.memory_space<vmem>>) target(%dma_start3A_108 : memref<10240x144xf32, #tpu.memory_space<vmem_shared>>) offsets(%arg18 : memref<16xi32, #tpu.memory_space<vmem>>) semaphore(%arg22 : memref<!tpu.dma_semaphore, #tpu.memory_space<semaphore_mem>>) {add = true}
    %dma_wait3A_109 = arith.constant 0 : i32
    %dma_wait3A_110 = arith.constant 0 : i32
    %dma_wait3A_111 = tpu.memref_slice %arg9[%dma_wait3A_109, %dma_wait3A_110] : memref<96x144xf32, #tpu.memory_space<vmem>> -> memref<16x144xf32, #tpu.memory_space<vmem>>
    %dma_wait3A_112 = arith.constant 0 : i32
    %dma_wait3A_113 = arith.constant 0 : i32
    %dma_wait3A_114 = tpu.memref_slice %arg19[%dma_wait3A_112, %dma_wait3A_113] : memref<10240x144xf32, #tpu.memory_space<vmem_shared>> -> memref<10240x144xf32, #tpu.memory_space<vmem_shared>>
    tpu.wait_indirect_dma semaphore(%arg22 : memref<!tpu.dma_semaphore, #tpu.memory_space<semaphore_mem>>) src(%dma_wait3A_111 : memref<16x144xf32, #tpu.memory_space<vmem>>) dst(%dma_wait3A_114 : memref<10240x144xf32, #tpu.memory_space<vmem_shared>>)
    %barrier3A_115 = arith.constant 0 : index
    tpu.barrier barrier_id(%barrier3A_115)
    %mul3A_116 = arith.constant 640 : i32
    %mul3A_117 = arith.muli %arg1, %mul3A_116 : i32
    %add3A_118 = arith.constant 0 : i32
    %add3A_119 = arith.addi %mul3A_117, %add3A_118 : i32
    "tpu.region"() ({
      %run_scoped3A = tpu.sem_alloc : memref<!tpu.dma_semaphore, #tpu.memory_space<semaphore_mem>>
      %dma_start3A_136 = arith.constant 0 : i32
      %dma_start3A_137 = tpu.memref_slice %arg6[%arg0, %add3A_119, %dma_start3A_136] : memref<2x10240x144xf32, #tpu.memory_space<hbm>> -> memref<1x128x144xf32, #tpu.memory_space<hbm>>
      %dma_start3A_138 = tpu.memref_squeeze %dma_start3A_137 : memref<1x128x144xf32, #tpu.memory_space<hbm>> -> memref<128x144xf32, #tpu.memory_space<hbm>>
      %dma_start3A_139 = arith.constant 0 : i32
      %dma_start3A_140 = tpu.memref_slice %arg19[%add3A_119, %dma_start3A_139] : memref<10240x144xf32, #tpu.memory_space<vmem_shared>> -> memref<128x144xf32, #tpu.memory_space<vmem_shared>>
      tpu.enqueue_dma source(%dma_start3A_140 : memref<128x144xf32, #tpu.memory_space<vmem_shared>>) target(%dma_start3A_138 : memref<128x144xf32, #tpu.memory_space<hbm>>) target_semaphore(%run_scoped3A : memref<!tpu.dma_semaphore, #tpu.memory_space<semaphore_mem>>)
      %dma_wait3A_141 = arith.constant 0 : i32
      %dma_wait3A_142 = tpu.memref_slice %arg6[%arg0, %add3A_119, %dma_wait3A_141] : memref<2x10240x144xf32, #tpu.memory_space<hbm>> -> memref<1x128x144xf32, #tpu.memory_space<hbm>>
      %dma_wait3A_143 = tpu.memref_squeeze %dma_wait3A_142 : memref<1x128x144xf32, #tpu.memory_space<hbm>> -> memref<128x144xf32, #tpu.memory_space<hbm>>
      %dma_wait3A_144 = arith.constant 0 : i32
      %dma_wait3A_145 = tpu.memref_slice %arg19[%add3A_119, %dma_wait3A_144] : memref<10240x144xf32, #tpu.memory_space<vmem_shared>> -> memref<128x144xf32, #tpu.memory_space<vmem_shared>>
      tpu.wait_dma2 semaphore(%run_scoped3A : memref<!tpu.dma_semaphore, #tpu.memory_space<semaphore_mem>>) src(%dma_wait3A_145 : memref<128x144xf32, #tpu.memory_space<vmem_shared>>) dst(%dma_wait3A_143 : memref<128x144xf32, #tpu.memory_space<hbm>>)
      tpu.yield
    }) : () -> ()
    %mul3A_120 = arith.constant 640 : i32
    %mul3A_121 = arith.muli %arg1, %mul3A_120 : i32
    %add3A_122 = arith.constant 128 : i32
    %add3A_123 = arith.addi %mul3A_121, %add3A_122 : i32
    "tpu.region"() ({
      %run_scoped3A = tpu.sem_alloc : memref<!tpu.dma_semaphore, #tpu.memory_space<semaphore_mem>>
      %dma_start3A_136 = arith.constant 0 : i32
      %dma_start3A_137 = tpu.memref_slice %arg6[%arg0, %add3A_123, %dma_start3A_136] : memref<2x10240x144xf32, #tpu.memory_space<hbm>> -> memref<1x128x144xf32, #tpu.memory_space<hbm>>
      %dma_start3A_138 = tpu.memref_squeeze %dma_start3A_137 : memref<1x128x144xf32, #tpu.memory_space<hbm>> -> memref<128x144xf32, #tpu.memory_space<hbm>>
      %dma_start3A_139 = arith.constant 0 : i32
      %dma_start3A_140 = tpu.memref_slice %arg19[%add3A_123, %dma_start3A_139] : memref<10240x144xf32, #tpu.memory_space<vmem_shared>> -> memref<128x144xf32, #tpu.memory_space<vmem_shared>>
      tpu.enqueue_dma source(%dma_start3A_140 : memref<128x144xf32, #tpu.memory_space<vmem_shared>>) target(%dma_start3A_138 : memref<128x144xf32, #tpu.memory_space<hbm>>) target_semaphore(%run_scoped3A : memref<!tpu.dma_semaphore, #tpu.memory_space<semaphore_mem>>)
      %dma_wait3A_141 = arith.constant 0 : i32
      %dma_wait3A_142 = tpu.memref_slice %arg6[%arg0, %add3A_123, %dma_wait3A_141] : memref<2x10240x144xf32, #tpu.memory_space<hbm>> -> memref<1x128x144xf32, #tpu.memory_space<hbm>>
      %dma_wait3A_143 = tpu.memref_squeeze %dma_wait3A_142 : memref<1x128x144xf32, #tpu.memory_space<hbm>> -> memref<128x144xf32, #tpu.memory_space<hbm>>
      %dma_wait3A_144 = arith.constant 0 : i32
      %dma_wait3A_145 = tpu.memref_slice %arg19[%add3A_123, %dma_wait3A_144] : memref<10240x144xf32, #tpu.memory_space<vmem_shared>> -> memref<128x144xf32, #tpu.memory_space<vmem_shared>>
      tpu.wait_dma2 semaphore(%run_scoped3A : memref<!tpu.dma_semaphore, #tpu.memory_space<semaphore_mem>>) src(%dma_wait3A_145 : memref<128x144xf32, #tpu.memory_space<vmem_shared>>) dst(%dma_wait3A_143 : memref<128x144xf32, #tpu.memory_space<hbm>>)
      tpu.yield
    }) : () -> ()
    %mul3A_124 = arith.constant 640 : i32
    %mul3A_125 = arith.muli %arg1, %mul3A_124 : i32
    %add3A_126 = arith.constant 256 : i32
    %add3A_127 = arith.addi %mul3A_125, %add3A_126 : i32
    "tpu.region"() ({
      %run_scoped3A = tpu.sem_alloc : memref<!tpu.dma_semaphore, #tpu.memory_space<semaphore_mem>>
      %dma_start3A_136 = arith.constant 0 : i32
      %dma_start3A_137 = tpu.memref_slice %arg6[%arg0, %add3A_127, %dma_start3A_136] : memref<2x10240x144xf32, #tpu.memory_space<hbm>> -> memref<1x128x144xf32, #tpu.memory_space<hbm>>
      %dma_start3A_138 = tpu.memref_squeeze %dma_start3A_137 : memref<1x128x144xf32, #tpu.memory_space<hbm>> -> memref<128x144xf32, #tpu.memory_space<hbm>>
      %dma_start3A_139 = arith.constant 0 : i32
      %dma_start3A_140 = tpu.memref_slice %arg19[%add3A_127, %dma_start3A_139] : memref<10240x144xf32, #tpu.memory_space<vmem_shared>> -> memref<128x144xf32, #tpu.memory_space<vmem_shared>>
      tpu.enqueue_dma source(%dma_start3A_140 : memref<128x144xf32, #tpu.memory_space<vmem_shared>>) target(%dma_start3A_138 : memref<128x144xf32, #tpu.memory_space<hbm>>) target_semaphore(%run_scoped3A : memref<!tpu.dma_semaphore, #tpu.memory_space<semaphore_mem>>)
      %dma_wait3A_141 = arith.constant 0 : i32
      %dma_wait3A_142 = tpu.memref_slice %arg6[%arg0, %add3A_127, %dma_wait3A_141] : memref<2x10240x144xf32, #tpu.memory_space<hbm>> -> memref<1x128x144xf32, #tpu.memory_space<hbm>>
      %dma_wait3A_143 = tpu.memref_squeeze %dma_wait3A_142 : memref<1x128x144xf32, #tpu.memory_space<hbm>> -> memref<128x144xf32, #tpu.memory_space<hbm>>
      %dma_wait3A_144 = arith.constant 0 : i32
      %dma_wait3A_145 = tpu.memref_slice %arg19[%add3A_127, %dma_wait3A_144] : memref<10240x144xf32, #tpu.memory_space<vmem_shared>> -> memref<128x144xf32, #tpu.memory_space<vmem_shared>>
      tpu.wait_dma2 semaphore(%run_scoped3A : memref<!tpu.dma_semaphore, #tpu.memory_space<semaphore_mem>>) src(%dma_wait3A_145 : memref<128x144xf32, #tpu.memory_space<vmem_shared>>) dst(%dma_wait3A_143 : memref<128x144xf32, #tpu.memory_space<hbm>>)
      tpu.yield
    }) : () -> ()
    %mul3A_128 = arith.constant 640 : i32
    %mul3A_129 = arith.muli %arg1, %mul3A_128 : i32
    %add3A_130 = arith.constant 384 : i32
    %add3A_131 = arith.addi %mul3A_129, %add3A_130 : i32
    "tpu.region"() ({
      %run_scoped3A = tpu.sem_alloc : memref<!tpu.dma_semaphore, #tpu.memory_space<semaphore_mem>>
      %dma_start3A_136 = arith.constant 0 : i32
      %dma_start3A_137 = tpu.memref_slice %arg6[%arg0, %add3A_131, %dma_start3A_136] : memref<2x10240x144xf32, #tpu.memory_space<hbm>> -> memref<1x128x144xf32, #tpu.memory_space<hbm>>
      %dma_start3A_138 = tpu.memref_squeeze %dma_start3A_137 : memref<1x128x144xf32, #tpu.memory_space<hbm>> -> memref<128x144xf32, #tpu.memory_space<hbm>>
      %dma_start3A_139 = arith.constant 0 : i32
      %dma_start3A_140 = tpu.memref_slice %arg19[%add3A_131, %dma_start3A_139] : memref<10240x144xf32, #tpu.memory_space<vmem_shared>> -> memref<128x144xf32, #tpu.memory_space<vmem_shared>>
      tpu.enqueue_dma source(%dma_start3A_140 : memref<128x144xf32, #tpu.memory_space<vmem_shared>>) target(%dma_start3A_138 : memref<128x144xf32, #tpu.memory_space<hbm>>) target_semaphore(%run_scoped3A : memref<!tpu.dma_semaphore, #tpu.memory_space<semaphore_mem>>)
      %dma_wait3A_141 = arith.constant 0 : i32
      %dma_wait3A_142 = tpu.memref_slice %arg6[%arg0, %add3A_131, %dma_wait3A_141] : memref<2x10240x144xf32, #tpu.memory_space<hbm>> -> memref<1x128x144xf32, #tpu.memory_space<hbm>>
      %dma_wait3A_143 = tpu.memref_squeeze %dma_wait3A_142 : memref<1x128x144xf32, #tpu.memory_space<hbm>> -> memref<128x144xf32, #tpu.memory_space<hbm>>
      %dma_wait3A_144 = arith.constant 0 : i32
      %dma_wait3A_145 = tpu.memref_slice %arg19[%add3A_131, %dma_wait3A_144] : memref<10240x144xf32, #tpu.memory_space<vmem_shared>> -> memref<128x144xf32, #tpu.memory_space<vmem_shared>>
      tpu.wait_dma2 semaphore(%run_scoped3A : memref<!tpu.dma_semaphore, #tpu.memory_space<semaphore_mem>>) src(%dma_wait3A_145 : memref<128x144xf32, #tpu.memory_space<vmem_shared>>) dst(%dma_wait3A_143 : memref<128x144xf32, #tpu.memory_space<hbm>>)
      tpu.yield
    }) : () -> ()
    %mul3A_132 = arith.constant 640 : i32
    %mul3A_133 = arith.muli %arg1, %mul3A_132 : i32
    %add3A_134 = arith.constant 512 : i32
    %add3A_135 = arith.addi %mul3A_133, %add3A_134 : i32
    "tpu.region"() ({
      %run_scoped3A = tpu.sem_alloc : memref<!tpu.dma_semaphore, #tpu.memory_space<semaphore_mem>>
      %dma_start3A_136 = arith.constant 0 : i32
      %dma_start3A_137 = tpu.memref_slice %arg6[%arg0, %add3A_135, %dma_start3A_136] : memref<2x10240x144xf32, #tpu.memory_space<hbm>> -> memref<1x128x144xf32, #tpu.memory_space<hbm>>
      %dma_start3A_138 = tpu.memref_squeeze %dma_start3A_137 : memref<1x128x144xf32, #tpu.memory_space<hbm>> -> memref<128x144xf32, #tpu.memory_space<hbm>>
      %dma_start3A_139 = arith.constant 0 : i32
      %dma_start3A_140 = tpu.memref_slice %arg19[%add3A_135, %dma_start3A_139] : memref<10240x144xf32, #tpu.memory_space<vmem_shared>> -> memref<128x144xf32, #tpu.memory_space<vmem_shared>>
      tpu.enqueue_dma source(%dma_start3A_140 : memref<128x144xf32, #tpu.memory_space<vmem_shared>>) target(%dma_start3A_138 : memref<128x144xf32, #tpu.memory_space<hbm>>) target_semaphore(%run_scoped3A : memref<!tpu.dma_semaphore, #tpu.memory_space<semaphore_mem>>)
      %dma_wait3A_141 = arith.constant 0 : i32
      %dma_wait3A_142 = tpu.memref_slice %arg6[%arg0, %add3A_135, %dma_wait3A_141] : memref<2x10240x144xf32, #tpu.memory_space<hbm>> -> memref<1x128x144xf32, #tpu.memory_space<hbm>>
      %dma_wait3A_143 = tpu.memref_squeeze %dma_wait3A_142 : memref<1x128x144xf32, #tpu.memory_space<hbm>> -> memref<128x144xf32, #tpu.memory_space<hbm>>
      %dma_wait3A_144 = arith.constant 0 : i32
      %dma_wait3A_145 = tpu.memref_slice %arg19[%add3A_135, %dma_wait3A_144] : memref<10240x144xf32, #tpu.memory_space<vmem_shared>> -> memref<128x144xf32, #tpu.memory_space<vmem_shared>>
      tpu.wait_dma2 semaphore(%run_scoped3A : memref<!tpu.dma_semaphore, #tpu.memory_space<semaphore_mem>>) src(%dma_wait3A_145 : memref<128x144xf32, #tpu.memory_space<vmem_shared>>) dst(%dma_wait3A_143 : memref<128x144xf32, #tpu.memory_space<hbm>>)
      tpu.yield
    }) : () -> ()
    return
  }
}

#map = affine_map<(d0, d1) -> (0, 0)>
#map1 = affine_map<(d0, d1) -> (0)>
#map2 = affine_map<(d0, d1) -> (0, 0, 0)>
module attributes {stable_mosaic.version = 14 : i64} {
  func.func @kern(%arg0: i32, %arg1: i32, %arg2: memref<10000x48xf32, #tpu.memory_space<hbm>>, %arg3: memref<10000x16xf32, #tpu.memory_space<hbm>>, %arg4: memref<320000xi32, #tpu.memory_space<hbm>>, %arg5: memref<320000xi32, #tpu.memory_space<hbm>>, %arg6: memref<2x10240x48xf32, #tpu.memory_space<hbm>>, %arg7: memref<128xi32, #tpu.memory_space<vmem>>, %arg8: memref<128xi32, #tpu.memory_space<vmem>>, %arg9: memref<128x48xf32, #tpu.memory_space<vmem>>, %arg10: memref<128x16xf32, #tpu.memory_space<vmem>>, %arg11: memref<128xi32, #tpu.memory_space<vmem>>, %arg12: memref<128xi32, #tpu.memory_space<vmem>>, %arg13: memref<128xi32, #tpu.memory_space<vmem>>, %arg14: memref<128x48xf32, #tpu.memory_space<vmem>>, %arg15: memref<128x16xf32, #tpu.memory_space<vmem>>, %arg16: memref<128xi32, #tpu.memory_space<vmem>>, %arg17: memref<16xi32, #tpu.memory_space<vmem>>, %arg18: memref<16xi32, #tpu.memory_space<vmem>>, %arg19: memref<10240x48xf32, #tpu.memory_space<vmem_shared>>, %arg20: memref<!tpu.dma_semaphore, #tpu.memory_space<semaphore_mem>>, %arg21: memref<!tpu.dma_semaphore, #tpu.memory_space<semaphore_mem>>, %arg22: memref<!tpu.dma_semaphore, #tpu.memory_space<semaphore_mem>>, %arg23: memref<!tpu.dma_semaphore, #tpu.memory_space<semaphore_mem>>, %arg24: memref<!tpu.dma_semaphore, #tpu.memory_space<semaphore_mem>>, %arg25: memref<!tpu.dma_semaphore, #tpu.memory_space<semaphore_mem>>) attributes {dimension_semantics = [#tpu.dimension_semantics<core_parallel>, #tpu.dimension_semantics<subcore_parallel>], iteration_bounds = array<i64: 2, 16>, scalar_prefetch = 0 : i64, scratch_operands = 19 : i64, tpu.core_type = #tpu.core_type<sc_vector_subcore>, window_params = [{transform_indices = #map}, {transform_indices = #map}, {transform_indices = #map1}, {transform_indices = #map1}, {transform_indices = #map2}]} {
    %mul3A = arith.constant 16 : i32
    %mul3A_0 = arith.muli %arg0, %mul3A : i32
    %add3A = arith.addi %mul3A_0, %arg1 : i32
    %iota3A = tpu.iota {dimensions = array<i32: 0>} : vector<16xi32>
    %scan3A = arith.constant 0 : i32
    %scan3A_1 = arith.constant 0 : i32
    %scan3A_2 = arith.constant 80 : i32
    %scan3A_3 = arith.addi %scan3A_1, %scan3A_2 : i32
    %scan3A_4 = arith.constant 1 : i32
    %scan3A_5 = scf.for %scan3A_136 = %scan3A_1 to %scan3A_3 step %scan3A_4 iter_args(%scan3A_137 = %scan3A) -> (i32)  : i32 {
      %broadcast_in_dim3A = arith.constant 0.000000e+00 : f32
      %broadcast_in_dim3A_138 = vector.broadcast %broadcast_in_dim3A : f32 to vector<16xf32>
      %swap3A = arith.index_cast %scan3A_136 : i32 to index
      %swap3A_139 = arith.constant 0 : index
      %swap3A_140 = tpu.vector_load %arg9[%swap3A, %swap3A_139] {strides = array<i32>} : memref<128x48xf32, #tpu.memory_space<vmem>>, vector<1x16xf32>,
      %swap3A_141 = vector.shape_cast %swap3A_140 : vector<1x16xf32> to vector<16xf32>
      %swap3A_142 = vector.shape_cast %broadcast_in_dim3A_138 : vector<16xf32> to vector<1x16xf32>
      tpu.vector_store %arg9[%swap3A, %swap3A_139], %swap3A_142 {strides = array<i32>} : memref<128x48xf32, #tpu.memory_space<vmem>>, vector<1x16xf32>,
      %broadcast_in_dim3A_143 = arith.constant 0.000000e+00 : f32
      %broadcast_in_dim3A_144 = vector.broadcast %broadcast_in_dim3A_143 : f32 to vector<16xf32>
      %swap3A_145 = arith.index_cast %scan3A_136 : i32 to index
      %swap3A_146 = arith.constant 16 : index
      %swap3A_147 = tpu.vector_load %arg9[%swap3A_145, %swap3A_146] {strides = array<i32>} : memref<128x48xf32, #tpu.memory_space<vmem>>, vector<1x16xf32>,
      %swap3A_148 = vector.shape_cast %swap3A_147 : vector<1x16xf32> to vector<16xf32>
      %swap3A_149 = vector.shape_cast %broadcast_in_dim3A_144 : vector<16xf32> to vector<1x16xf32>
      tpu.vector_store %arg9[%swap3A_145, %swap3A_146], %swap3A_149 {strides = array<i32>} : memref<128x48xf32, #tpu.memory_space<vmem>>, vector<1x16xf32>,
      %broadcast_in_dim3A_150 = arith.constant 0.000000e+00 : f32
      %broadcast_in_dim3A_151 = vector.broadcast %broadcast_in_dim3A_150 : f32 to vector<16xf32>
      %swap3A_152 = arith.index_cast %scan3A_136 : i32 to index
      %swap3A_153 = arith.constant 32 : index
      %swap3A_154 = tpu.vector_load %arg9[%swap3A_152, %swap3A_153] {strides = array<i32>} : memref<128x48xf32, #tpu.memory_space<vmem>>, vector<1x16xf32>,
      %swap3A_155 = vector.shape_cast %swap3A_154 : vector<1x16xf32> to vector<16xf32>
      %swap3A_156 = vector.shape_cast %broadcast_in_dim3A_151 : vector<16xf32> to vector<1x16xf32>
      tpu.vector_store %arg9[%swap3A_152, %swap3A_153], %swap3A_156 {strides = array<i32>} : memref<128x48xf32, #tpu.memory_space<vmem>>, vector<1x16xf32>,
      %scan3A_157 = arith.constant 0 : i32
      scf.yield %scan3A_157 : i32
    }
    %scan3A_6 = arith.constant 80 : i32
    %mul3A_7 = arith.constant 640 : i32
    %mul3A_8 = arith.muli %arg1, %mul3A_7 : i32
    %add3A_9 = arith.constant 0 : i32
    %add3A_10 = arith.addi %mul3A_8, %add3A_9 : i32
    "tpu.region"() ({
      %run_scoped3A = tpu.sem_alloc : memref<!tpu.dma_semaphore, #tpu.memory_space<semaphore_mem>>
      %dma_start3A_136 = arith.constant 0 : i32
      %dma_start3A_137 = arith.constant 0 : i32
      %dma_start3A_138 = tpu.memref_slice %arg9[%dma_start3A_136, %dma_start3A_137] : memref<128x48xf32, #tpu.memory_space<vmem>> -> memref<80x48xf32, #tpu.memory_space<vmem>>
      %dma_start3A_139 = arith.constant 0 : i32
      %dma_start3A_140 = tpu.memref_slice %arg19[%add3A_10, %dma_start3A_139] : memref<10240x48xf32, #tpu.memory_space<vmem_shared>> -> memref<80x48xf32, #tpu.memory_space<vmem_shared>>
      %dma_start3A_141 = arith.constant 0 : i32
      %dma_start3A_142 = tpu.memref_slice %arg19[%add3A_10, %dma_start3A_141] : memref<10240x48xf32, #tpu.memory_space<vmem_shared>> -> memref<80x48xf32, #tpu.memory_space<vmem_shared>>
      %dma_start3A_143 = arith.constant 0 : i32
      %dma_start3A_144 = arith.constant 0 : i32
      %dma_start3A_145 = tpu.memref_slice %arg9[%dma_start3A_143, %dma_start3A_144] : memref<128x48xf32, #tpu.memory_space<vmem>> -> memref<80x48xf32, #tpu.memory_space<vmem>>
      tpu.enqueue_dma source(%dma_start3A_145 : memref<80x48xf32, #tpu.memory_space<vmem>>) target(%dma_start3A_142 : memref<80x48xf32, #tpu.memory_space<vmem_shared>>) target_semaphore(%run_scoped3A : memref<!tpu.dma_semaphore, #tpu.memory_space<semaphore_mem>>)
      %dma_wait3A_146 = arith.constant 0 : i32
      %dma_wait3A_147 = arith.constant 0 : i32
      %dma_wait3A_148 = tpu.memref_slice %arg9[%dma_wait3A_146, %dma_wait3A_147] : memref<128x48xf32, #tpu.memory_space<vmem>> -> memref<80x48xf32, #tpu.memory_space<vmem>>
      %dma_wait3A_149 = arith.constant 0 : i32
      %dma_wait3A_150 = tpu.memref_slice %arg19[%add3A_10, %dma_wait3A_149] : memref<10240x48xf32, #tpu.memory_space<vmem_shared>> -> memref<80x48xf32, #tpu.memory_space<vmem_shared>>
      %dma_wait3A_151 = arith.constant 0 : i32
      %dma_wait3A_152 = tpu.memref_slice %arg19[%add3A_10, %dma_wait3A_151] : memref<10240x48xf32, #tpu.memory_space<vmem_shared>> -> memref<80x48xf32, #tpu.memory_space<vmem_shared>>
      %dma_wait3A_153 = arith.constant 0 : i32
      %dma_wait3A_154 = arith.constant 0 : i32
      %dma_wait3A_155 = tpu.memref_slice %arg9[%dma_wait3A_153, %dma_wait3A_154] : memref<128x48xf32, #tpu.memory_space<vmem>> -> memref<80x48xf32, #tpu.memory_space<vmem>>
      tpu.wait_dma2 semaphore(%run_scoped3A : memref<!tpu.dma_semaphore, #tpu.memory_space<semaphore_mem>>) src(%dma_wait3A_155 : memref<80x48xf32, #tpu.memory_space<vmem>>) dst(%dma_wait3A_152 : memref<80x48xf32, #tpu.memory_space<vmem_shared>>)
      tpu.yield
    }) : () -> ()
    %mul3A_11 = arith.constant 640 : i32
    %mul3A_12 = arith.muli %arg1, %mul3A_11 : i32
    %add3A_13 = arith.constant 80 : i32
    %add3A_14 = arith.addi %mul3A_12, %add3A_13 : i32
    "tpu.region"() ({
      %run_scoped3A = tpu.sem_alloc : memref<!tpu.dma_semaphore, #tpu.memory_space<semaphore_mem>>
      %dma_start3A_136 = arith.constant 0 : i32
      %dma_start3A_137 = arith.constant 0 : i32
      %dma_start3A_138 = tpu.memref_slice %arg9[%dma_start3A_136, %dma_start3A_137] : memref<128x48xf32, #tpu.memory_space<vmem>> -> memref<80x48xf32, #tpu.memory_space<vmem>>
      %dma_start3A_139 = arith.constant 0 : i32
      %dma_start3A_140 = tpu.memref_slice %arg19[%add3A_14, %dma_start3A_139] : memref<10240x48xf32, #tpu.memory_space<vmem_shared>> -> memref<80x48xf32, #tpu.memory_space<vmem_shared>>
      %dma_start3A_141 = arith.constant 0 : i32
      %dma_start3A_142 = tpu.memref_slice %arg19[%add3A_14, %dma_start3A_141] : memref<10240x48xf32, #tpu.memory_space<vmem_shared>> -> memref<80x48xf32, #tpu.memory_space<vmem_shared>>
      %dma_start3A_143 = arith.constant 0 : i32
      %dma_start3A_144 = arith.constant 0 : i32
      %dma_start3A_145 = tpu.memref_slice %arg9[%dma_start3A_143, %dma_start3A_144] : memref<128x48xf32, #tpu.memory_space<vmem>> -> memref<80x48xf32, #tpu.memory_space<vmem>>
      tpu.enqueue_dma source(%dma_start3A_145 : memref<80x48xf32, #tpu.memory_space<vmem>>) target(%dma_start3A_142 : memref<80x48xf32, #tpu.memory_space<vmem_shared>>) target_semaphore(%run_scoped3A : memref<!tpu.dma_semaphore, #tpu.memory_space<semaphore_mem>>)
      %dma_wait3A_146 = arith.constant 0 : i32
      %dma_wait3A_147 = arith.constant 0 : i32
      %dma_wait3A_148 = tpu.memref_slice %arg9[%dma_wait3A_146, %dma_wait3A_147] : memref<128x48xf32, #tpu.memory_space<vmem>> -> memref<80x48xf32, #tpu.memory_space<vmem>>
      %dma_wait3A_149 = arith.constant 0 : i32
      %dma_wait3A_150 = tpu.memref_slice %arg19[%add3A_14, %dma_wait3A_149] : memref<10240x48xf32, #tpu.memory_space<vmem_shared>> -> memref<80x48xf32, #tpu.memory_space<vmem_shared>>
      %dma_wait3A_151 = arith.constant 0 : i32
      %dma_wait3A_152 = tpu.memref_slice %arg19[%add3A_14, %dma_wait3A_151] : memref<10240x48xf32, #tpu.memory_space<vmem_shared>> -> memref<80x48xf32, #tpu.memory_space<vmem_shared>>
      %dma_wait3A_153 = arith.constant 0 : i32
      %dma_wait3A_154 = arith.constant 0 : i32
      %dma_wait3A_155 = tpu.memref_slice %arg9[%dma_wait3A_153, %dma_wait3A_154] : memref<128x48xf32, #tpu.memory_space<vmem>> -> memref<80x48xf32, #tpu.memory_space<vmem>>
      tpu.wait_dma2 semaphore(%run_scoped3A : memref<!tpu.dma_semaphore, #tpu.memory_space<semaphore_mem>>) src(%dma_wait3A_155 : memref<80x48xf32, #tpu.memory_space<vmem>>) dst(%dma_wait3A_152 : memref<80x48xf32, #tpu.memory_space<vmem_shared>>)
      tpu.yield
    }) : () -> ()
    %mul3A_15 = arith.constant 640 : i32
    %mul3A_16 = arith.muli %arg1, %mul3A_15 : i32
    %add3A_17 = arith.constant 160 : i32
    %add3A_18 = arith.addi %mul3A_16, %add3A_17 : i32
    "tpu.region"() ({
      %run_scoped3A = tpu.sem_alloc : memref<!tpu.dma_semaphore, #tpu.memory_space<semaphore_mem>>
      %dma_start3A_136 = arith.constant 0 : i32
      %dma_start3A_137 = arith.constant 0 : i32
      %dma_start3A_138 = tpu.memref_slice %arg9[%dma_start3A_136, %dma_start3A_137] : memref<128x48xf32, #tpu.memory_space<vmem>> -> memref<80x48xf32, #tpu.memory_space<vmem>>
      %dma_start3A_139 = arith.constant 0 : i32
      %dma_start3A_140 = tpu.memref_slice %arg19[%add3A_18, %dma_start3A_139] : memref<10240x48xf32, #tpu.memory_space<vmem_shared>> -> memref<80x48xf32, #tpu.memory_space<vmem_shared>>
      %dma_start3A_141 = arith.constant 0 : i32
      %dma_start3A_142 = tpu.memref_slice %arg19[%add3A_18, %dma_start3A_141] : memref<10240x48xf32, #tpu.memory_space<vmem_shared>> -> memref<80x48xf32, #tpu.memory_space<vmem_shared>>
      %dma_start3A_143 = arith.constant 0 : i32
      %dma_start3A_144 = arith.constant 0 : i32
      %dma_start3A_145 = tpu.memref_slice %arg9[%dma_start3A_143, %dma_start3A_144] : memref<128x48xf32, #tpu.memory_space<vmem>> -> memref<80x48xf32, #tpu.memory_space<vmem>>
      tpu.enqueue_dma source(%dma_start3A_145 : memref<80x48xf32, #tpu.memory_space<vmem>>) target(%dma_start3A_142 : memref<80x48xf32, #tpu.memory_space<vmem_shared>>) target_semaphore(%run_scoped3A : memref<!tpu.dma_semaphore, #tpu.memory_space<semaphore_mem>>)
      %dma_wait3A_146 = arith.constant 0 : i32
      %dma_wait3A_147 = arith.constant 0 : i32
      %dma_wait3A_148 = tpu.memref_slice %arg9[%dma_wait3A_146, %dma_wait3A_147] : memref<128x48xf32, #tpu.memory_space<vmem>> -> memref<80x48xf32, #tpu.memory_space<vmem>>
      %dma_wait3A_149 = arith.constant 0 : i32
      %dma_wait3A_150 = tpu.memref_slice %arg19[%add3A_18, %dma_wait3A_149] : memref<10240x48xf32, #tpu.memory_space<vmem_shared>> -> memref<80x48xf32, #tpu.memory_space<vmem_shared>>
      %dma_wait3A_151 = arith.constant 0 : i32
      %dma_wait3A_152 = tpu.memref_slice %arg19[%add3A_18, %dma_wait3A_151] : memref<10240x48xf32, #tpu.memory_space<vmem_shared>> -> memref<80x48xf32, #tpu.memory_space<vmem_shared>>
      %dma_wait3A_153 = arith.constant 0 : i32
      %dma_wait3A_154 = arith.constant 0 : i32
      %dma_wait3A_155 = tpu.memref_slice %arg9[%dma_wait3A_153, %dma_wait3A_154] : memref<128x48xf32, #tpu.memory_space<vmem>> -> memref<80x48xf32, #tpu.memory_space<vmem>>
      tpu.wait_dma2 semaphore(%run_scoped3A : memref<!tpu.dma_semaphore, #tpu.memory_space<semaphore_mem>>) src(%dma_wait3A_155 : memref<80x48xf32, #tpu.memory_space<vmem>>) dst(%dma_wait3A_152 : memref<80x48xf32, #tpu.memory_space<vmem_shared>>)
      tpu.yield
    }) : () -> ()
    %mul3A_19 = arith.constant 640 : i32
    %mul3A_20 = arith.muli %arg1, %mul3A_19 : i32
    %add3A_21 = arith.constant 240 : i32
    %add3A_22 = arith.addi %mul3A_20, %add3A_21 : i32
    "tpu.region"() ({
      %run_scoped3A = tpu.sem_alloc : memref<!tpu.dma_semaphore, #tpu.memory_space<semaphore_mem>>
      %dma_start3A_136 = arith.constant 0 : i32
      %dma_start3A_137 = arith.constant 0 : i32
      %dma_start3A_138 = tpu.memref_slice %arg9[%dma_start3A_136, %dma_start3A_137] : memref<128x48xf32, #tpu.memory_space<vmem>> -> memref<80x48xf32, #tpu.memory_space<vmem>>
      %dma_start3A_139 = arith.constant 0 : i32
      %dma_start3A_140 = tpu.memref_slice %arg19[%add3A_22, %dma_start3A_139] : memref<10240x48xf32, #tpu.memory_space<vmem_shared>> -> memref<80x48xf32, #tpu.memory_space<vmem_shared>>
      %dma_start3A_141 = arith.constant 0 : i32
      %dma_start3A_142 = tpu.memref_slice %arg19[%add3A_22, %dma_start3A_141] : memref<10240x48xf32, #tpu.memory_space<vmem_shared>> -> memref<80x48xf32, #tpu.memory_space<vmem_shared>>
      %dma_start3A_143 = arith.constant 0 : i32
      %dma_start3A_144 = arith.constant 0 : i32
      %dma_start3A_145 = tpu.memref_slice %arg9[%dma_start3A_143, %dma_start3A_144] : memref<128x48xf32, #tpu.memory_space<vmem>> -> memref<80x48xf32, #tpu.memory_space<vmem>>
      tpu.enqueue_dma source(%dma_start3A_145 : memref<80x48xf32, #tpu.memory_space<vmem>>) target(%dma_start3A_142 : memref<80x48xf32, #tpu.memory_space<vmem_shared>>) target_semaphore(%run_scoped3A : memref<!tpu.dma_semaphore, #tpu.memory_space<semaphore_mem>>)
      %dma_wait3A_146 = arith.constant 0 : i32
      %dma_wait3A_147 = arith.constant 0 : i32
      %dma_wait3A_148 = tpu.memref_slice %arg9[%dma_wait3A_146, %dma_wait3A_147] : memref<128x48xf32, #tpu.memory_space<vmem>> -> memref<80x48xf32, #tpu.memory_space<vmem>>
      %dma_wait3A_149 = arith.constant 0 : i32
      %dma_wait3A_150 = tpu.memref_slice %arg19[%add3A_22, %dma_wait3A_149] : memref<10240x48xf32, #tpu.memory_space<vmem_shared>> -> memref<80x48xf32, #tpu.memory_space<vmem_shared>>
      %dma_wait3A_151 = arith.constant 0 : i32
      %dma_wait3A_152 = tpu.memref_slice %arg19[%add3A_22, %dma_wait3A_151] : memref<10240x48xf32, #tpu.memory_space<vmem_shared>> -> memref<80x48xf32, #tpu.memory_space<vmem_shared>>
      %dma_wait3A_153 = arith.constant 0 : i32
      %dma_wait3A_154 = arith.constant 0 : i32
      %dma_wait3A_155 = tpu.memref_slice %arg9[%dma_wait3A_153, %dma_wait3A_154] : memref<128x48xf32, #tpu.memory_space<vmem>> -> memref<80x48xf32, #tpu.memory_space<vmem>>
      tpu.wait_dma2 semaphore(%run_scoped3A : memref<!tpu.dma_semaphore, #tpu.memory_space<semaphore_mem>>) src(%dma_wait3A_155 : memref<80x48xf32, #tpu.memory_space<vmem>>) dst(%dma_wait3A_152 : memref<80x48xf32, #tpu.memory_space<vmem_shared>>)
      tpu.yield
    }) : () -> ()
    %mul3A_23 = arith.constant 640 : i32
    %mul3A_24 = arith.muli %arg1, %mul3A_23 : i32
    %add3A_25 = arith.constant 320 : i32
    %add3A_26 = arith.addi %mul3A_24, %add3A_25 : i32
    "tpu.region"() ({
      %run_scoped3A = tpu.sem_alloc : memref<!tpu.dma_semaphore, #tpu.memory_space<semaphore_mem>>
      %dma_start3A_136 = arith.constant 0 : i32
      %dma_start3A_137 = arith.constant 0 : i32
      %dma_start3A_138 = tpu.memref_slice %arg9[%dma_start3A_136, %dma_start3A_137] : memref<128x48xf32, #tpu.memory_space<vmem>> -> memref<80x48xf32, #tpu.memory_space<vmem>>
      %dma_start3A_139 = arith.constant 0 : i32
      %dma_start3A_140 = tpu.memref_slice %arg19[%add3A_26, %dma_start3A_139] : memref<10240x48xf32, #tpu.memory_space<vmem_shared>> -> memref<80x48xf32, #tpu.memory_space<vmem_shared>>
      %dma_start3A_141 = arith.constant 0 : i32
      %dma_start3A_142 = tpu.memref_slice %arg19[%add3A_26, %dma_start3A_141] : memref<10240x48xf32, #tpu.memory_space<vmem_shared>> -> memref<80x48xf32, #tpu.memory_space<vmem_shared>>
      %dma_start3A_143 = arith.constant 0 : i32
      %dma_start3A_144 = arith.constant 0 : i32
      %dma_start3A_145 = tpu.memref_slice %arg9[%dma_start3A_143, %dma_start3A_144] : memref<128x48xf32, #tpu.memory_space<vmem>> -> memref<80x48xf32, #tpu.memory_space<vmem>>
      tpu.enqueue_dma source(%dma_start3A_145 : memref<80x48xf32, #tpu.memory_space<vmem>>) target(%dma_start3A_142 : memref<80x48xf32, #tpu.memory_space<vmem_shared>>) target_semaphore(%run_scoped3A : memref<!tpu.dma_semaphore, #tpu.memory_space<semaphore_mem>>)
      %dma_wait3A_146 = arith.constant 0 : i32
      %dma_wait3A_147 = arith.constant 0 : i32
      %dma_wait3A_148 = tpu.memref_slice %arg9[%dma_wait3A_146, %dma_wait3A_147] : memref<128x48xf32, #tpu.memory_space<vmem>> -> memref<80x48xf32, #tpu.memory_space<vmem>>
      %dma_wait3A_149 = arith.constant 0 : i32
      %dma_wait3A_150 = tpu.memref_slice %arg19[%add3A_26, %dma_wait3A_149] : memref<10240x48xf32, #tpu.memory_space<vmem_shared>> -> memref<80x48xf32, #tpu.memory_space<vmem_shared>>
      %dma_wait3A_151 = arith.constant 0 : i32
      %dma_wait3A_152 = tpu.memref_slice %arg19[%add3A_26, %dma_wait3A_151] : memref<10240x48xf32, #tpu.memory_space<vmem_shared>> -> memref<80x48xf32, #tpu.memory_space<vmem_shared>>
      %dma_wait3A_153 = arith.constant 0 : i32
      %dma_wait3A_154 = arith.constant 0 : i32
      %dma_wait3A_155 = tpu.memref_slice %arg9[%dma_wait3A_153, %dma_wait3A_154] : memref<128x48xf32, #tpu.memory_space<vmem>> -> memref<80x48xf32, #tpu.memory_space<vmem>>
      tpu.wait_dma2 semaphore(%run_scoped3A : memref<!tpu.dma_semaphore, #tpu.memory_space<semaphore_mem>>) src(%dma_wait3A_155 : memref<80x48xf32, #tpu.memory_space<vmem>>) dst(%dma_wait3A_152 : memref<80x48xf32, #tpu.memory_space<vmem_shared>>)
      tpu.yield
    }) : () -> ()
    %mul3A_27 = arith.constant 640 : i32
    %mul3A_28 = arith.muli %arg1, %mul3A_27 : i32
    %add3A_29 = arith.constant 400 : i32
    %add3A_30 = arith.addi %mul3A_28, %add3A_29 : i32
    "tpu.region"() ({
      %run_scoped3A = tpu.sem_alloc : memref<!tpu.dma_semaphore, #tpu.memory_space<semaphore_mem>>
      %dma_start3A_136 = arith.constant 0 : i32
      %dma_start3A_137 = arith.constant 0 : i32
      %dma_start3A_138 = tpu.memref_slice %arg9[%dma_start3A_136, %dma_start3A_137] : memref<128x48xf32, #tpu.memory_space<vmem>> -> memref<80x48xf32, #tpu.memory_space<vmem>>
      %dma_start3A_139 = arith.constant 0 : i32
      %dma_start3A_140 = tpu.memref_slice %arg19[%add3A_30, %dma_start3A_139] : memref<10240x48xf32, #tpu.memory_space<vmem_shared>> -> memref<80x48xf32, #tpu.memory_space<vmem_shared>>
      %dma_start3A_141 = arith.constant 0 : i32
      %dma_start3A_142 = tpu.memref_slice %arg19[%add3A_30, %dma_start3A_141] : memref<10240x48xf32, #tpu.memory_space<vmem_shared>> -> memref<80x48xf32, #tpu.memory_space<vmem_shared>>
      %dma_start3A_143 = arith.constant 0 : i32
      %dma_start3A_144 = arith.constant 0 : i32
      %dma_start3A_145 = tpu.memref_slice %arg9[%dma_start3A_143, %dma_start3A_144] : memref<128x48xf32, #tpu.memory_space<vmem>> -> memref<80x48xf32, #tpu.memory_space<vmem>>
      tpu.enqueue_dma source(%dma_start3A_145 : memref<80x48xf32, #tpu.memory_space<vmem>>) target(%dma_start3A_142 : memref<80x48xf32, #tpu.memory_space<vmem_shared>>) target_semaphore(%run_scoped3A : memref<!tpu.dma_semaphore, #tpu.memory_space<semaphore_mem>>)
      %dma_wait3A_146 = arith.constant 0 : i32
      %dma_wait3A_147 = arith.constant 0 : i32
      %dma_wait3A_148 = tpu.memref_slice %arg9[%dma_wait3A_146, %dma_wait3A_147] : memref<128x48xf32, #tpu.memory_space<vmem>> -> memref<80x48xf32, #tpu.memory_space<vmem>>
      %dma_wait3A_149 = arith.constant 0 : i32
      %dma_wait3A_150 = tpu.memref_slice %arg19[%add3A_30, %dma_wait3A_149] : memref<10240x48xf32, #tpu.memory_space<vmem_shared>> -> memref<80x48xf32, #tpu.memory_space<vmem_shared>>
      %dma_wait3A_151 = arith.constant 0 : i32
      %dma_wait3A_152 = tpu.memref_slice %arg19[%add3A_30, %dma_wait3A_151] : memref<10240x48xf32, #tpu.memory_space<vmem_shared>> -> memref<80x48xf32, #tpu.memory_space<vmem_shared>>
      %dma_wait3A_153 = arith.constant 0 : i32
      %dma_wait3A_154 = arith.constant 0 : i32
      %dma_wait3A_155 = tpu.memref_slice %arg9[%dma_wait3A_153, %dma_wait3A_154] : memref<128x48xf32, #tpu.memory_space<vmem>> -> memref<80x48xf32, #tpu.memory_space<vmem>>
      tpu.wait_dma2 semaphore(%run_scoped3A : memref<!tpu.dma_semaphore, #tpu.memory_space<semaphore_mem>>) src(%dma_wait3A_155 : memref<80x48xf32, #tpu.memory_space<vmem>>) dst(%dma_wait3A_152 : memref<80x48xf32, #tpu.memory_space<vmem_shared>>)
      tpu.yield
    }) : () -> ()
    %mul3A_31 = arith.constant 640 : i32
    %mul3A_32 = arith.muli %arg1, %mul3A_31 : i32
    %add3A_33 = arith.constant 480 : i32
    %add3A_34 = arith.addi %mul3A_32, %add3A_33 : i32
    "tpu.region"() ({
      %run_scoped3A = tpu.sem_alloc : memref<!tpu.dma_semaphore, #tpu.memory_space<semaphore_mem>>
      %dma_start3A_136 = arith.constant 0 : i32
      %dma_start3A_137 = arith.constant 0 : i32
      %dma_start3A_138 = tpu.memref_slice %arg9[%dma_start3A_136, %dma_start3A_137] : memref<128x48xf32, #tpu.memory_space<vmem>> -> memref<80x48xf32, #tpu.memory_space<vmem>>
      %dma_start3A_139 = arith.constant 0 : i32
      %dma_start3A_140 = tpu.memref_slice %arg19[%add3A_34, %dma_start3A_139] : memref<10240x48xf32, #tpu.memory_space<vmem_shared>> -> memref<80x48xf32, #tpu.memory_space<vmem_shared>>
      %dma_start3A_141 = arith.constant 0 : i32
      %dma_start3A_142 = tpu.memref_slice %arg19[%add3A_34, %dma_start3A_141] : memref<10240x48xf32, #tpu.memory_space<vmem_shared>> -> memref<80x48xf32, #tpu.memory_space<vmem_shared>>
      %dma_start3A_143 = arith.constant 0 : i32
      %dma_start3A_144 = arith.constant 0 : i32
      %dma_start3A_145 = tpu.memref_slice %arg9[%dma_start3A_143, %dma_start3A_144] : memref<128x48xf32, #tpu.memory_space<vmem>> -> memref<80x48xf32, #tpu.memory_space<vmem>>
      tpu.enqueue_dma source(%dma_start3A_145 : memref<80x48xf32, #tpu.memory_space<vmem>>) target(%dma_start3A_142 : memref<80x48xf32, #tpu.memory_space<vmem_shared>>) target_semaphore(%run_scoped3A : memref<!tpu.dma_semaphore, #tpu.memory_space<semaphore_mem>>)
      %dma_wait3A_146 = arith.constant 0 : i32
      %dma_wait3A_147 = arith.constant 0 : i32
      %dma_wait3A_148 = tpu.memref_slice %arg9[%dma_wait3A_146, %dma_wait3A_147] : memref<128x48xf32, #tpu.memory_space<vmem>> -> memref<80x48xf32, #tpu.memory_space<vmem>>
      %dma_wait3A_149 = arith.constant 0 : i32
      %dma_wait3A_150 = tpu.memref_slice %arg19[%add3A_34, %dma_wait3A_149] : memref<10240x48xf32, #tpu.memory_space<vmem_shared>> -> memref<80x48xf32, #tpu.memory_space<vmem_shared>>
      %dma_wait3A_151 = arith.constant 0 : i32
      %dma_wait3A_152 = tpu.memref_slice %arg19[%add3A_34, %dma_wait3A_151] : memref<10240x48xf32, #tpu.memory_space<vmem_shared>> -> memref<80x48xf32, #tpu.memory_space<vmem_shared>>
      %dma_wait3A_153 = arith.constant 0 : i32
      %dma_wait3A_154 = arith.constant 0 : i32
      %dma_wait3A_155 = tpu.memref_slice %arg9[%dma_wait3A_153, %dma_wait3A_154] : memref<128x48xf32, #tpu.memory_space<vmem>> -> memref<80x48xf32, #tpu.memory_space<vmem>>
      tpu.wait_dma2 semaphore(%run_scoped3A : memref<!tpu.dma_semaphore, #tpu.memory_space<semaphore_mem>>) src(%dma_wait3A_155 : memref<80x48xf32, #tpu.memory_space<vmem>>) dst(%dma_wait3A_152 : memref<80x48xf32, #tpu.memory_space<vmem_shared>>)
      tpu.yield
    }) : () -> ()
    %mul3A_35 = arith.constant 640 : i32
    %mul3A_36 = arith.muli %arg1, %mul3A_35 : i32
    %add3A_37 = arith.constant 560 : i32
    %add3A_38 = arith.addi %mul3A_36, %add3A_37 : i32
    "tpu.region"() ({
      %run_scoped3A = tpu.sem_alloc : memref<!tpu.dma_semaphore, #tpu.memory_space<semaphore_mem>>
      %dma_start3A_136 = arith.constant 0 : i32
      %dma_start3A_137 = arith.constant 0 : i32
      %dma_start3A_138 = tpu.memref_slice %arg9[%dma_start3A_136, %dma_start3A_137] : memref<128x48xf32, #tpu.memory_space<vmem>> -> memref<80x48xf32, #tpu.memory_space<vmem>>
      %dma_start3A_139 = arith.constant 0 : i32
      %dma_start3A_140 = tpu.memref_slice %arg19[%add3A_38, %dma_start3A_139] : memref<10240x48xf32, #tpu.memory_space<vmem_shared>> -> memref<80x48xf32, #tpu.memory_space<vmem_shared>>
      %dma_start3A_141 = arith.constant 0 : i32
      %dma_start3A_142 = tpu.memref_slice %arg19[%add3A_38, %dma_start3A_141] : memref<10240x48xf32, #tpu.memory_space<vmem_shared>> -> memref<80x48xf32, #tpu.memory_space<vmem_shared>>
      %dma_start3A_143 = arith.constant 0 : i32
      %dma_start3A_144 = arith.constant 0 : i32
      %dma_start3A_145 = tpu.memref_slice %arg9[%dma_start3A_143, %dma_start3A_144] : memref<128x48xf32, #tpu.memory_space<vmem>> -> memref<80x48xf32, #tpu.memory_space<vmem>>
      tpu.enqueue_dma source(%dma_start3A_145 : memref<80x48xf32, #tpu.memory_space<vmem>>) target(%dma_start3A_142 : memref<80x48xf32, #tpu.memory_space<vmem_shared>>) target_semaphore(%run_scoped3A : memref<!tpu.dma_semaphore, #tpu.memory_space<semaphore_mem>>)
      %dma_wait3A_146 = arith.constant 0 : i32
      %dma_wait3A_147 = arith.constant 0 : i32
      %dma_wait3A_148 = tpu.memref_slice %arg9[%dma_wait3A_146, %dma_wait3A_147] : memref<128x48xf32, #tpu.memory_space<vmem>> -> memref<80x48xf32, #tpu.memory_space<vmem>>
      %dma_wait3A_149 = arith.constant 0 : i32
      %dma_wait3A_150 = tpu.memref_slice %arg19[%add3A_38, %dma_wait3A_149] : memref<10240x48xf32, #tpu.memory_space<vmem_shared>> -> memref<80x48xf32, #tpu.memory_space<vmem_shared>>
      %dma_wait3A_151 = arith.constant 0 : i32
      %dma_wait3A_152 = tpu.memref_slice %arg19[%add3A_38, %dma_wait3A_151] : memref<10240x48xf32, #tpu.memory_space<vmem_shared>> -> memref<80x48xf32, #tpu.memory_space<vmem_shared>>
      %dma_wait3A_153 = arith.constant 0 : i32
      %dma_wait3A_154 = arith.constant 0 : i32
      %dma_wait3A_155 = tpu.memref_slice %arg9[%dma_wait3A_153, %dma_wait3A_154] : memref<128x48xf32, #tpu.memory_space<vmem>> -> memref<80x48xf32, #tpu.memory_space<vmem>>
      tpu.wait_dma2 semaphore(%run_scoped3A : memref<!tpu.dma_semaphore, #tpu.memory_space<semaphore_mem>>) src(%dma_wait3A_155 : memref<80x48xf32, #tpu.memory_space<vmem>>) dst(%dma_wait3A_152 : memref<80x48xf32, #tpu.memory_space<vmem_shared>>)
      tpu.yield
    }) : () -> ()
    %barrier3A = arith.constant 0 : index
    tpu.barrier barrier_id(%barrier3A)
    %mul3A_39 = arith.constant 10000 : i32
    %mul3A_40 = arith.muli %add3A, %mul3A_39 : i32
    %add3A_41 = arith.constant 0 : i32
    %add3A_42 = arith.addi %mul3A_40, %add3A_41 : i32
    %dma_start3A = tpu.memref_slice %arg4[%add3A_42] : memref<320000xi32, #tpu.memory_space<hbm>> -> memref<128xi32, #tpu.memory_space<hbm>>
    %dma_start3A_43 = tpu.memref_slice %arg4[%add3A_42] : memref<320000xi32, #tpu.memory_space<hbm>> -> memref<128xi32, #tpu.memory_space<hbm>>
    tpu.enqueue_dma source(%dma_start3A_43 : memref<128xi32, #tpu.memory_space<hbm>>) target(%arg7 : memref<128xi32, #tpu.memory_space<vmem>>) target_semaphore(%arg20 : memref<!tpu.dma_semaphore, #tpu.memory_space<semaphore_mem>>)
    %dma_start3A_44 = tpu.memref_slice %arg5[%add3A_42] : memref<320000xi32, #tpu.memory_space<hbm>> -> memref<128xi32, #tpu.memory_space<hbm>>
    %dma_start3A_45 = tpu.memref_slice %arg5[%add3A_42] : memref<320000xi32, #tpu.memory_space<hbm>> -> memref<128xi32, #tpu.memory_space<hbm>>
    tpu.enqueue_dma source(%dma_start3A_45 : memref<128xi32, #tpu.memory_space<hbm>>) target(%arg8 : memref<128xi32, #tpu.memory_space<vmem>>) target_semaphore(%arg20 : memref<!tpu.dma_semaphore, #tpu.memory_space<semaphore_mem>>)
    %dma_wait3A = arith.constant 0 : i32
    %dma_wait3A_46 = tpu.memref_slice %arg4[%dma_wait3A] : memref<320000xi32, #tpu.memory_space<hbm>> -> memref<128xi32, #tpu.memory_space<hbm>>
    %dma_wait3A_47 = arith.constant 0 : i32
    %dma_wait3A_48 = tpu.memref_slice %arg4[%dma_wait3A_47] : memref<320000xi32, #tpu.memory_space<hbm>> -> memref<128xi32, #tpu.memory_space<hbm>>
    tpu.wait_dma2 semaphore(%arg20 : memref<!tpu.dma_semaphore, #tpu.memory_space<semaphore_mem>>) src(%dma_wait3A_48 : memref<128xi32, #tpu.memory_space<hbm>>) dst(%arg7 : memref<128xi32, #tpu.memory_space<vmem>>)
    %dma_wait3A_49 = arith.constant 0 : i32
    %dma_wait3A_50 = tpu.memref_slice %arg5[%dma_wait3A_49] : memref<320000xi32, #tpu.memory_space<hbm>> -> memref<128xi32, #tpu.memory_space<hbm>>
    %dma_wait3A_51 = arith.constant 0 : i32
    %dma_wait3A_52 = tpu.memref_slice %arg5[%dma_wait3A_51] : memref<320000xi32, #tpu.memory_space<hbm>> -> memref<128xi32, #tpu.memory_space<hbm>>
    tpu.wait_dma2 semaphore(%arg20 : memref<!tpu.dma_semaphore, #tpu.memory_space<semaphore_mem>>) src(%dma_wait3A_52 : memref<128xi32, #tpu.memory_space<hbm>>) dst(%arg8 : memref<128xi32, #tpu.memory_space<vmem>>)
    %dma_start3A_53 = arith.constant 0 : i32
    %dma_start3A_54 = arith.constant 0 : i32
    %dma_start3A_55 = tpu.memref_slice %arg2[%dma_start3A_53, %dma_start3A_54] : memref<10000x48xf32, #tpu.memory_space<hbm>> -> memref<10000x48xf32, #tpu.memory_space<hbm>>
    tpu.enqueue_indirect_dma source(%dma_start3A_55 : memref<10000x48xf32, #tpu.memory_space<hbm>>) target(%arg9 : memref<128x48xf32, #tpu.memory_space<vmem>>) offsets(%arg7 : memref<128xi32, #tpu.memory_space<vmem>>) semaphore(%arg21 : memref<!tpu.dma_semaphore, #tpu.memory_space<semaphore_mem>>)
    %dma_start3A_56 = arith.constant 0 : i32
    %dma_start3A_57 = arith.constant 0 : i32
    %dma_start3A_58 = tpu.memref_slice %arg3[%dma_start3A_56, %dma_start3A_57] : memref<10000x16xf32, #tpu.memory_space<hbm>> -> memref<10000x16xf32, #tpu.memory_space<hbm>>
    tpu.enqueue_indirect_dma source(%dma_start3A_58 : memref<10000x16xf32, #tpu.memory_space<hbm>>) target(%arg10 : memref<128x16xf32, #tpu.memory_space<vmem>>) offsets(%arg8 : memref<128xi32, #tpu.memory_space<vmem>>) semaphore(%arg21 : memref<!tpu.dma_semaphore, #tpu.memory_space<semaphore_mem>>)
    %add3A_59 = arith.constant 128 : i32
    %add3A_60 = arith.addi %mul3A_40, %add3A_59 : i32
    %dma_start3A_61 = tpu.memref_slice %arg4[%add3A_60] : memref<320000xi32, #tpu.memory_space<hbm>> -> memref<128xi32, #tpu.memory_space<hbm>>
    %dma_start3A_62 = tpu.memref_slice %arg4[%add3A_60] : memref<320000xi32, #tpu.memory_space<hbm>> -> memref<128xi32, #tpu.memory_space<hbm>>
    tpu.enqueue_dma source(%dma_start3A_62 : memref<128xi32, #tpu.memory_space<hbm>>) target(%arg12 : memref<128xi32, #tpu.memory_space<vmem>>) target_semaphore(%arg23 : memref<!tpu.dma_semaphore, #tpu.memory_space<semaphore_mem>>)
    %dma_start3A_63 = tpu.memref_slice %arg5[%add3A_60] : memref<320000xi32, #tpu.memory_space<hbm>> -> memref<128xi32, #tpu.memory_space<hbm>>
    %dma_start3A_64 = tpu.memref_slice %arg5[%add3A_60] : memref<320000xi32, #tpu.memory_space<hbm>> -> memref<128xi32, #tpu.memory_space<hbm>>
    tpu.enqueue_dma source(%dma_start3A_64 : memref<128xi32, #tpu.memory_space<hbm>>) target(%arg13 : memref<128xi32, #tpu.memory_space<vmem>>) target_semaphore(%arg23 : memref<!tpu.dma_semaphore, #tpu.memory_space<semaphore_mem>>)
    %scan3A_65 = arith.constant 0 : i32
    %scan3A_66 = arith.constant 0 : i32
    %scan3A_67 = arith.constant 39 : i32
    %scan3A_68 = arith.addi %scan3A_66, %scan3A_67 : i32
    %scan3A_69 = arith.constant 1 : i32
    %scan3A_70 = scf.for %scan3A_136 = %scan3A_66 to %scan3A_68 step %scan3A_69 iter_args(%scan3A_137 = %scan3A_65) -> (i32)  : i32 {
      %mul3A_138 = arith.constant 2 : i32
      %mul3A_139 = arith.muli %mul3A_138, %scan3A_136 : i32
      %dma_wait3A_140 = arith.constant 0 : i32
      %dma_wait3A_141 = arith.constant 0 : i32
      %dma_wait3A_142 = tpu.memref_slice %arg2[%dma_wait3A_140, %dma_wait3A_141] : memref<10000x48xf32, #tpu.memory_space<hbm>> -> memref<10000x48xf32, #tpu.memory_space<hbm>>
      tpu.wait_indirect_dma semaphore(%arg21 : memref<!tpu.dma_semaphore, #tpu.memory_space<semaphore_mem>>) src(%dma_wait3A_142 : memref<10000x48xf32, #tpu.memory_space<hbm>>) dst(%arg9 : memref<128x48xf32, #tpu.memory_space<vmem>>)
      %dma_wait3A_143 = arith.constant 0 : i32
      %dma_wait3A_144 = arith.constant 0 : i32
      %dma_wait3A_145 = tpu.memref_slice %arg3[%dma_wait3A_143, %dma_wait3A_144] : memref<10000x16xf32, #tpu.memory_space<hbm>> -> memref<10000x16xf32, #tpu.memory_space<hbm>>
      tpu.wait_indirect_dma semaphore(%arg21 : memref<!tpu.dma_semaphore, #tpu.memory_space<semaphore_mem>>) src(%dma_wait3A_145 : memref<10000x16xf32, #tpu.memory_space<hbm>>) dst(%arg10 : memref<128x16xf32, #tpu.memory_space<vmem>>)
      %get3A = arith.constant 0 : index
      %get3A_146 = tpu.vector_load %arg8[%get3A] {strides = array<i32>} : memref<128xi32, #tpu.memory_space<vmem>>, vector<16xi32>,
      %get3A_147 = vector.shape_cast %get3A_146 : vector<16xi32> to vector<16xi32>
      %swap3A = arith.constant 0 : index
      %swap3A_148 = tpu.vector_load %arg11[%swap3A] {strides = array<i32>} : memref<128xi32, #tpu.memory_space<vmem>>, vector<16xi32>,
      %swap3A_149 = vector.shape_cast %swap3A_148 : vector<16xi32> to vector<16xi32>
      %swap3A_150 = vector.shape_cast %get3A_147 : vector<16xi32> to vector<16xi32>
      tpu.vector_store %arg11[%swap3A], %swap3A_150 {strides = array<i32>} : memref<128xi32, #tpu.memory_space<vmem>>, vector<16xi32>,
      %get3A_151 = arith.constant 16 : index
      %get3A_152 = tpu.vector_load %arg8[%get3A_151] {strides = array<i32>} : memref<128xi32, #tpu.memory_space<vmem>>, vector<16xi32>,
      %get3A_153 = vector.shape_cast %get3A_152 : vector<16xi32> to vector<16xi32>
      %swap3A_154 = arith.constant 16 : index
      %swap3A_155 = tpu.vector_load %arg11[%swap3A_154] {strides = array<i32>} : memref<128xi32, #tpu.memory_space<vmem>>, vector<16xi32>,
      %swap3A_156 = vector.shape_cast %swap3A_155 : vector<16xi32> to vector<16xi32>
      %swap3A_157 = vector.shape_cast %get3A_153 : vector<16xi32> to vector<16xi32>
      tpu.vector_store %arg11[%swap3A_154], %swap3A_157 {strides = array<i32>} : memref<128xi32, #tpu.memory_space<vmem>>, vector<16xi32>,
      %get3A_158 = arith.constant 32 : index
      %get3A_159 = tpu.vector_load %arg8[%get3A_158] {strides = array<i32>} : memref<128xi32, #tpu.memory_space<vmem>>, vector<16xi32>,
      %get3A_160 = vector.shape_cast %get3A_159 : vector<16xi32> to vector<16xi32>
      %swap3A_161 = arith.constant 32 : index
      %swap3A_162 = tpu.vector_load %arg11[%swap3A_161] {strides = array<i32>} : memref<128xi32, #tpu.memory_space<vmem>>, vector<16xi32>,
      %swap3A_163 = vector.shape_cast %swap3A_162 : vector<16xi32> to vector<16xi32>
      %swap3A_164 = vector.shape_cast %get3A_160 : vector<16xi32> to vector<16xi32>
      tpu.vector_store %arg11[%swap3A_161], %swap3A_164 {strides = array<i32>} : memref<128xi32, #tpu.memory_space<vmem>>, vector<16xi32>,
      %get3A_165 = arith.constant 48 : index
      %get3A_166 = tpu.vector_load %arg8[%get3A_165] {strides = array<i32>} : memref<128xi32, #tpu.memory_space<vmem>>, vector<16xi32>,
      %get3A_167 = vector.shape_cast %get3A_166 : vector<16xi32> to vector<16xi32>
      %swap3A_168 = arith.constant 48 : index
      %swap3A_169 = tpu.vector_load %arg11[%swap3A_168] {strides = array<i32>} : memref<128xi32, #tpu.memory_space<vmem>>, vector<16xi32>,
      %swap3A_170 = vector.shape_cast %swap3A_169 : vector<16xi32> to vector<16xi32>
      %swap3A_171 = vector.shape_cast %get3A_167 : vector<16xi32> to vector<16xi32>
      tpu.vector_store %arg11[%swap3A_168], %swap3A_171 {strides = array<i32>} : memref<128xi32, #tpu.memory_space<vmem>>, vector<16xi32>,
      %get3A_172 = arith.constant 64 : index
      %get3A_173 = tpu.vector_load %arg8[%get3A_172] {strides = array<i32>} : memref<128xi32, #tpu.memory_space<vmem>>, vector<16xi32>,
      %get3A_174 = vector.shape_cast %get3A_173 : vector<16xi32> to vector<16xi32>
      %swap3A_175 = arith.constant 64 : index
      %swap3A_176 = tpu.vector_load %arg11[%swap3A_175] {strides = array<i32>} : memref<128xi32, #tpu.memory_space<vmem>>, vector<16xi32>,
      %swap3A_177 = vector.shape_cast %swap3A_176 : vector<16xi32> to vector<16xi32>
      %swap3A_178 = vector.shape_cast %get3A_174 : vector<16xi32> to vector<16xi32>
      tpu.vector_store %arg11[%swap3A_175], %swap3A_178 {strides = array<i32>} : memref<128xi32, #tpu.memory_space<vmem>>, vector<16xi32>,
      %get3A_179 = arith.constant 80 : index
      %get3A_180 = tpu.vector_load %arg8[%get3A_179] {strides = array<i32>} : memref<128xi32, #tpu.memory_space<vmem>>, vector<16xi32>,
      %get3A_181 = vector.shape_cast %get3A_180 : vector<16xi32> to vector<16xi32>
      %swap3A_182 = arith.constant 80 : index
      %swap3A_183 = tpu.vector_load %arg11[%swap3A_182] {strides = array<i32>} : memref<128xi32, #tpu.memory_space<vmem>>, vector<16xi32>,
      %swap3A_184 = vector.shape_cast %swap3A_183 : vector<16xi32> to vector<16xi32>
      %swap3A_185 = vector.shape_cast %get3A_181 : vector<16xi32> to vector<16xi32>
      tpu.vector_store %arg11[%swap3A_182], %swap3A_185 {strides = array<i32>} : memref<128xi32, #tpu.memory_space<vmem>>, vector<16xi32>,
      %get3A_186 = arith.constant 96 : index
      %get3A_187 = tpu.vector_load %arg8[%get3A_186] {strides = array<i32>} : memref<128xi32, #tpu.memory_space<vmem>>, vector<16xi32>,
      %get3A_188 = vector.shape_cast %get3A_187 : vector<16xi32> to vector<16xi32>
      %swap3A_189 = arith.constant 96 : index
      %swap3A_190 = tpu.vector_load %arg11[%swap3A_189] {strides = array<i32>} : memref<128xi32, #tpu.memory_space<vmem>>, vector<16xi32>,
      %swap3A_191 = vector.shape_cast %swap3A_190 : vector<16xi32> to vector<16xi32>
      %swap3A_192 = vector.shape_cast %get3A_188 : vector<16xi32> to vector<16xi32>
      tpu.vector_store %arg11[%swap3A_189], %swap3A_192 {strides = array<i32>} : memref<128xi32, #tpu.memory_space<vmem>>, vector<16xi32>,
      %get3A_193 = arith.constant 112 : index
      %get3A_194 = tpu.vector_load %arg8[%get3A_193] {strides = array<i32>} : memref<128xi32, #tpu.memory_space<vmem>>, vector<16xi32>,
      %get3A_195 = vector.shape_cast %get3A_194 : vector<16xi32> to vector<16xi32>
      %swap3A_196 = arith.constant 112 : index
      %swap3A_197 = tpu.vector_load %arg11[%swap3A_196] {strides = array<i32>} : memref<128xi32, #tpu.memory_space<vmem>>, vector<16xi32>,
      %swap3A_198 = vector.shape_cast %swap3A_197 : vector<16xi32> to vector<16xi32>
      %swap3A_199 = vector.shape_cast %get3A_195 : vector<16xi32> to vector<16xi32>
      tpu.vector_store %arg11[%swap3A_196], %swap3A_199 {strides = array<i32>} : memref<128xi32, #tpu.memory_space<vmem>>, vector<16xi32>,
      %ge3A = arith.constant 1 : i32
      %ge3A_200 = arith.cmpi sge, %mul3A_139, %ge3A : i32
      %convert_element_type3A = arith.extui %ge3A_200 : i1 to i32
      %cond3A = arith.constant 0 : i32
      %cond3A_201 = arith.cmpi ne, %convert_element_type3A, %cond3A : i32
      scf.if %cond3A_201 {
        %dma_wait3A_313 = arith.constant 0 : i32
        %dma_wait3A_314 = arith.constant 0 : i32
        %dma_wait3A_315 = tpu.memref_slice %arg19[%dma_wait3A_313, %dma_wait3A_314] : memref<10240x48xf32, #tpu.memory_space<vmem_shared>> -> memref<10240x48xf32, #tpu.memory_space<vmem_shared>>
        tpu.wait_indirect_dma semaphore(%arg25 : memref<!tpu.dma_semaphore, #tpu.memory_space<semaphore_mem>>) src(%arg14 : memref<128x48xf32, #tpu.memory_space<vmem>>) dst(%dma_wait3A_315 : memref<10240x48xf32, #tpu.memory_space<vmem_shared>>)
      } else {
      }
      %add3A_202 = arith.constant 1 : i32
      %add3A_203 = arith.addi %mul3A_139, %add3A_202 : i32
      %lt3A = arith.constant 78 : i32
      %lt3A_204 = arith.cmpi slt, %add3A_203, %lt3A : i32
      %convert_element_type3A_205 = arith.extui %lt3A_204 : i1 to i32
      %cond3A_206 = arith.constant 0 : i32
      %cond3A_207 = arith.cmpi ne, %convert_element_type3A_205, %cond3A_206 : i32
      scf.if %cond3A_207 {
        %dma_wait3A_313 = arith.constant 0 : i32
        %dma_wait3A_314 = tpu.memref_slice %arg4[%dma_wait3A_313] : memref<320000xi32, #tpu.memory_space<hbm>> -> memref<128xi32, #tpu.memory_space<hbm>>
        %dma_wait3A_315 = arith.constant 0 : i32
        %dma_wait3A_316 = tpu.memref_slice %arg4[%dma_wait3A_315] : memref<320000xi32, #tpu.memory_space<hbm>> -> memref<128xi32, #tpu.memory_space<hbm>>
        tpu.wait_dma2 semaphore(%arg23 : memref<!tpu.dma_semaphore, #tpu.memory_space<semaphore_mem>>) src(%dma_wait3A_316 : memref<128xi32, #tpu.memory_space<hbm>>) dst(%arg12 : memref<128xi32, #tpu.memory_space<vmem>>)
        %dma_wait3A_317 = arith.constant 0 : i32
        %dma_wait3A_318 = tpu.memref_slice %arg5[%dma_wait3A_317] : memref<320000xi32, #tpu.memory_space<hbm>> -> memref<128xi32, #tpu.memory_space<hbm>>
        %dma_wait3A_319 = arith.constant 0 : i32
        %dma_wait3A_320 = tpu.memref_slice %arg5[%dma_wait3A_319] : memref<320000xi32, #tpu.memory_space<hbm>> -> memref<128xi32, #tpu.memory_space<hbm>>
        tpu.wait_dma2 semaphore(%arg23 : memref<!tpu.dma_semaphore, #tpu.memory_space<semaphore_mem>>) src(%dma_wait3A_320 : memref<128xi32, #tpu.memory_space<hbm>>) dst(%arg13 : memref<128xi32, #tpu.memory_space<vmem>>)
        %dma_start3A_321 = arith.constant 0 : i32
        %dma_start3A_322 = arith.constant 0 : i32
        %dma_start3A_323 = tpu.memref_slice %arg2[%dma_start3A_321, %dma_start3A_322] : memref<10000x48xf32, #tpu.memory_space<hbm>> -> memref<10000x48xf32, #tpu.memory_space<hbm>>
        tpu.enqueue_indirect_dma source(%dma_start3A_323 : memref<10000x48xf32, #tpu.memory_space<hbm>>) target(%arg14 : memref<128x48xf32, #tpu.memory_space<vmem>>) offsets(%arg12 : memref<128xi32, #tpu.memory_space<vmem>>) semaphore(%arg24 : memref<!tpu.dma_semaphore, #tpu.memory_space<semaphore_mem>>)
        %dma_start3A_324 = arith.constant 0 : i32
        %dma_start3A_325 = arith.constant 0 : i32
        %dma_start3A_326 = tpu.memref_slice %arg3[%dma_start3A_324, %dma_start3A_325] : memref<10000x16xf32, #tpu.memory_space<hbm>> -> memref<10000x16xf32, #tpu.memory_space<hbm>>
        tpu.enqueue_indirect_dma source(%dma_start3A_326 : memref<10000x16xf32, #tpu.memory_space<hbm>>) target(%arg15 : memref<128x16xf32, #tpu.memory_space<vmem>>) offsets(%arg13 : memref<128xi32, #tpu.memory_space<vmem>>) semaphore(%arg24 : memref<!tpu.dma_semaphore, #tpu.memory_space<semaphore_mem>>)
      } else {
      }
      %add3A_208 = arith.constant 2 : i32
      %add3A_209 = arith.addi %mul3A_139, %add3A_208 : i32
      %lt3A_210 = arith.constant 78 : i32
      %lt3A_211 = arith.cmpi slt, %add3A_209, %lt3A_210 : i32
      %convert_element_type3A_212 = arith.extui %lt3A_211 : i1 to i32
      %cond3A_213 = arith.constant 0 : i32
      %cond3A_214 = arith.cmpi ne, %convert_element_type3A_212, %cond3A_213 : i32
      scf.if %cond3A_214 {
        %add3A_313 = arith.constant 2 : i32
        %add3A_314 = arith.addi %mul3A_139, %add3A_313 : i32
        %mul3A_315 = arith.constant 128 : i32
        %mul3A_316 = arith.muli %add3A_314, %mul3A_315 : i32
        %add3A_317 = arith.addi %mul3A_40, %mul3A_316 : i32
        %dma_start3A_318 = tpu.memref_slice %arg4[%add3A_317] : memref<320000xi32, #tpu.memory_space<hbm>> -> memref<128xi32, #tpu.memory_space<hbm>>
        %dma_start3A_319 = tpu.memref_slice %arg4[%add3A_317] : memref<320000xi32, #tpu.memory_space<hbm>> -> memref<128xi32, #tpu.memory_space<hbm>>
        tpu.enqueue_dma source(%dma_start3A_319 : memref<128xi32, #tpu.memory_space<hbm>>) target(%arg7 : memref<128xi32, #tpu.memory_space<vmem>>) target_semaphore(%arg20 : memref<!tpu.dma_semaphore, #tpu.memory_space<semaphore_mem>>)
        %dma_start3A_320 = tpu.memref_slice %arg5[%add3A_317] : memref<320000xi32, #tpu.memory_space<hbm>> -> memref<128xi32, #tpu.memory_space<hbm>>
        %dma_start3A_321 = tpu.memref_slice %arg5[%add3A_317] : memref<320000xi32, #tpu.memory_space<hbm>> -> memref<128xi32, #tpu.memory_space<hbm>>
        tpu.enqueue_dma source(%dma_start3A_321 : memref<128xi32, #tpu.memory_space<hbm>>) target(%arg8 : memref<128xi32, #tpu.memory_space<vmem>>) target_semaphore(%arg20 : memref<!tpu.dma_semaphore, #tpu.memory_space<semaphore_mem>>)
      } else {
      }
      %parallel_loop3A_215 = arith.constant 0 : i32
      %parallel_loop3A_216 = arith.constant 128 : i32
      %parallel_loop3A_217 = arith.constant 1 : i32
      scf.for %parallel_loop3A_313 = %parallel_loop3A_215 to %parallel_loop3A_216 step %parallel_loop3A_217  : i32 {
        %parallel_loop3A_314 = arith.index_cast %parallel_loop3A_313 : i32 to index
        %parallel_loop3A_315 = arith.constant 32 : index
        %parallel_loop3A_316 = tpu.vector_load %arg9[%parallel_loop3A_314, %parallel_loop3A_315] {strides = array<i32>} : memref<128x48xf32, #tpu.memory_space<vmem>>, vector<1x16xf32>,
        %parallel_loop3A_317 = vector.shape_cast %parallel_loop3A_316 : vector<1x16xf32> to vector<16xf32>
        %parallel_loop3A_318 = arith.index_cast %parallel_loop3A_313 : i32 to index
        %parallel_loop3A_319 = arith.constant 0 : index
        %parallel_loop3A_320 = tpu.vector_load %arg10[%parallel_loop3A_318, %parallel_loop3A_319] {strides = array<i32>} : memref<128x16xf32, #tpu.memory_space<vmem>>, vector<1x16xf32>,
        %parallel_loop3A_321 = vector.shape_cast %parallel_loop3A_320 : vector<1x16xf32> to vector<16xf32>
        %parallel_loop3A_322 = arith.addf %parallel_loop3A_317, %parallel_loop3A_321 : vector<16xf32>
        %parallel_loop3A_323 = arith.constant 0.000000e+00 : f32
        %parallel_loop3A_324 = vector.broadcast %parallel_loop3A_323 : f32 to vector<16xf32>
        %parallel_loop3A_325 = arith.cmpf ogt, %parallel_loop3A_322, %parallel_loop3A_324 : vector<16xf32>
        %parallel_loop3A_326 = arith.constant 2.000000e-01 : f32
        %parallel_loop3A_327 = vector.broadcast %parallel_loop3A_326 : f32 to vector<16xf32>
        %parallel_loop3A_328 = arith.mulf %parallel_loop3A_327, %parallel_loop3A_322 : vector<16xf32>
        %parallel_loop3A_329 = arith.select %parallel_loop3A_325, %parallel_loop3A_322, %parallel_loop3A_328 : vector<16xi1>, vector<16xf32>
        %parallel_loop3A_330 = math.exp %parallel_loop3A_329 : vector<16xf32>
        %parallel_loop3A_331 = vector.extract_strided_slice %parallel_loop3A_330 {offsets = [8], sizes = [1], strides = [1]} : vector<16xf32> to vector<1xf32>
        %parallel_loop3A_332 = vector.extract %parallel_loop3A_331[0] : f32 from vector<1xf32>
        %parallel_loop3A_333 = arith.index_cast %parallel_loop3A_313 : i32 to index
        %parallel_loop3A_334 = arith.constant 0 : index
        %parallel_loop3A_335 = tpu.vector_load %arg9[%parallel_loop3A_333, %parallel_loop3A_334] {strides = array<i32>} : memref<128x48xf32, #tpu.memory_space<vmem>>, vector<1x16xf32>,
        %parallel_loop3A_336 = vector.shape_cast %parallel_loop3A_335 : vector<1x16xf32> to vector<16xf32>
        %parallel_loop3A_337 = vector.broadcast %parallel_loop3A_332 : f32 to vector<16xf32>
        %parallel_loop3A_338 = arith.mulf %parallel_loop3A_336, %parallel_loop3A_337 : vector<16xf32>
        %parallel_loop3A_339 = arith.index_cast %parallel_loop3A_313 : i32 to index
        %parallel_loop3A_340 = arith.constant 0 : index
        %parallel_loop3A_341 = tpu.vector_load %arg9[%parallel_loop3A_339, %parallel_loop3A_340] {strides = array<i32>} : memref<128x48xf32, #tpu.memory_space<vmem>>, vector<1x16xf32>,
        %parallel_loop3A_342 = vector.shape_cast %parallel_loop3A_341 : vector<1x16xf32> to vector<16xf32>
        %parallel_loop3A_343 = vector.shape_cast %parallel_loop3A_338 : vector<16xf32> to vector<1x16xf32>
        tpu.vector_store %arg9[%parallel_loop3A_339, %parallel_loop3A_340], %parallel_loop3A_343 {strides = array<i32>} : memref<128x48xf32, #tpu.memory_space<vmem>>, vector<1x16xf32>,
        %parallel_loop3A_344 = arith.index_cast %parallel_loop3A_313 : i32 to index
        %parallel_loop3A_345 = arith.constant 16 : index
        %parallel_loop3A_346 = tpu.vector_load %arg9[%parallel_loop3A_344, %parallel_loop3A_345] {strides = array<i32>} : memref<128x48xf32, #tpu.memory_space<vmem>>, vector<1x16xf32>,
        %parallel_loop3A_347 = vector.shape_cast %parallel_loop3A_346 : vector<1x16xf32> to vector<16xf32>
        %parallel_loop3A_348 = vector.broadcast %parallel_loop3A_332 : f32 to vector<16xf32>
        %parallel_loop3A_349 = arith.mulf %parallel_loop3A_347, %parallel_loop3A_348 : vector<16xf32>
        %parallel_loop3A_350 = arith.index_cast %parallel_loop3A_313 : i32 to index
        %parallel_loop3A_351 = arith.constant 16 : index
        %parallel_loop3A_352 = tpu.vector_load %arg9[%parallel_loop3A_350, %parallel_loop3A_351] {strides = array<i32>} : memref<128x48xf32, #tpu.memory_space<vmem>>, vector<1x16xf32>,
        %parallel_loop3A_353 = vector.shape_cast %parallel_loop3A_352 : vector<1x16xf32> to vector<16xf32>
        %parallel_loop3A_354 = vector.shape_cast %parallel_loop3A_349 : vector<16xf32> to vector<1x16xf32>
        tpu.vector_store %arg9[%parallel_loop3A_350, %parallel_loop3A_351], %parallel_loop3A_354 {strides = array<i32>} : memref<128x48xf32, #tpu.memory_space<vmem>>, vector<1x16xf32>,
        %parallel_loop3A_355 = arith.index_cast %parallel_loop3A_313 : i32 to index
        %parallel_loop3A_356 = arith.constant 32 : index
        %parallel_loop3A_357 = tpu.vector_load %arg9[%parallel_loop3A_355, %parallel_loop3A_356] {strides = array<i32>} : memref<128x48xf32, #tpu.memory_space<vmem>>, vector<1x16xf32>,
        %parallel_loop3A_358 = vector.shape_cast %parallel_loop3A_357 : vector<1x16xf32> to vector<16xf32>
        %parallel_loop3A_359 = vector.broadcast %parallel_loop3A_332 : f32 to vector<16xf32>
        %parallel_loop3A_360 = arith.mulf %parallel_loop3A_358, %parallel_loop3A_359 : vector<16xf32>
        %parallel_loop3A_361 = arith.constant 8 : i32
        %parallel_loop3A_362 = vector.broadcast %parallel_loop3A_361 : i32 to vector<16xi32>
        %parallel_loop3A_363 = arith.cmpi eq, %iota3A, %parallel_loop3A_362 : vector<16xi32>
        %parallel_loop3A_364 = arith.select %parallel_loop3A_363, %parallel_loop3A_330, %parallel_loop3A_360 : vector<16xi1>, vector<16xf32>
        %parallel_loop3A_365 = arith.index_cast %parallel_loop3A_313 : i32 to index
        %parallel_loop3A_366 = arith.constant 32 : index
        %parallel_loop3A_367 = tpu.vector_load %arg9[%parallel_loop3A_365, %parallel_loop3A_366] {strides = array<i32>} : memref<128x48xf32, #tpu.memory_space<vmem>>, vector<1x16xf32>,
        %parallel_loop3A_368 = vector.shape_cast %parallel_loop3A_367 : vector<1x16xf32> to vector<16xf32>
        %parallel_loop3A_369 = vector.shape_cast %parallel_loop3A_364 : vector<16xf32> to vector<1x16xf32>
        tpu.vector_store %arg9[%parallel_loop3A_365, %parallel_loop3A_366], %parallel_loop3A_369 {strides = array<i32>} : memref<128x48xf32, #tpu.memory_space<vmem>>, vector<1x16xf32>,
      } {sc.loop_unroll_factor = 4 : i64, sc.parallel_access}
      %dma_start3A_218 = arith.constant 0 : i32
      %dma_start3A_219 = arith.constant 0 : i32
      %dma_start3A_220 = tpu.memref_slice %arg19[%dma_start3A_218, %dma_start3A_219] : memref<10240x48xf32, #tpu.memory_space<vmem_shared>> -> memref<10240x48xf32, #tpu.memory_space<vmem_shared>>
      tpu.enqueue_indirect_dma source(%arg9 : memref<128x48xf32, #tpu.memory_space<vmem>>) target(%dma_start3A_220 : memref<10240x48xf32, #tpu.memory_space<vmem_shared>>) offsets(%arg11 : memref<128xi32, #tpu.memory_space<vmem>>) semaphore(%arg22 : memref<!tpu.dma_semaphore, #tpu.memory_space<semaphore_mem>>) {add = true}
      %mul3A_221 = arith.constant 2 : i32
      %mul3A_222 = arith.muli %mul3A_221, %scan3A_136 : i32
      %add3A_223 = arith.constant 1 : i32
      %add3A_224 = arith.addi %mul3A_222, %add3A_223 : i32
      %dma_wait3A_225 = arith.constant 0 : i32
      %dma_wait3A_226 = arith.constant 0 : i32
      %dma_wait3A_227 = tpu.memref_slice %arg2[%dma_wait3A_225, %dma_wait3A_226] : memref<10000x48xf32, #tpu.memory_space<hbm>> -> memref<10000x48xf32, #tpu.memory_space<hbm>>
      tpu.wait_indirect_dma semaphore(%arg24 : memref<!tpu.dma_semaphore, #tpu.memory_space<semaphore_mem>>) src(%dma_wait3A_227 : memref<10000x48xf32, #tpu.memory_space<hbm>>) dst(%arg14 : memref<128x48xf32, #tpu.memory_space<vmem>>)
      %dma_wait3A_228 = arith.constant 0 : i32
      %dma_wait3A_229 = arith.constant 0 : i32
      %dma_wait3A_230 = tpu.memref_slice %arg3[%dma_wait3A_228, %dma_wait3A_229] : memref<10000x16xf32, #tpu.memory_space<hbm>> -> memref<10000x16xf32, #tpu.memory_space<hbm>>
      tpu.wait_indirect_dma semaphore(%arg24 : memref<!tpu.dma_semaphore, #tpu.memory_space<semaphore_mem>>) src(%dma_wait3A_230 : memref<10000x16xf32, #tpu.memory_space<hbm>>) dst(%arg15 : memref<128x16xf32, #tpu.memory_space<vmem>>)
      %get3A_231 = arith.constant 0 : index
      %get3A_232 = tpu.vector_load %arg13[%get3A_231] {strides = array<i32>} : memref<128xi32, #tpu.memory_space<vmem>>, vector<16xi32>,
      %get3A_233 = vector.shape_cast %get3A_232 : vector<16xi32> to vector<16xi32>
      %swap3A_234 = arith.constant 0 : index
      %swap3A_235 = tpu.vector_load %arg16[%swap3A_234] {strides = array<i32>} : memref<128xi32, #tpu.memory_space<vmem>>, vector<16xi32>,
      %swap3A_236 = vector.shape_cast %swap3A_235 : vector<16xi32> to vector<16xi32>
      %swap3A_237 = vector.shape_cast %get3A_233 : vector<16xi32> to vector<16xi32>
      tpu.vector_store %arg16[%swap3A_234], %swap3A_237 {strides = array<i32>} : memref<128xi32, #tpu.memory_space<vmem>>, vector<16xi32>,
      %get3A_238 = arith.constant 16 : index
      %get3A_239 = tpu.vector_load %arg13[%get3A_238] {strides = array<i32>} : memref<128xi32, #tpu.memory_space<vmem>>, vector<16xi32>,
      %get3A_240 = vector.shape_cast %get3A_239 : vector<16xi32> to vector<16xi32>
      %swap3A_241 = arith.constant 16 : index
      %swap3A_242 = tpu.vector_load %arg16[%swap3A_241] {strides = array<i32>} : memref<128xi32, #tpu.memory_space<vmem>>, vector<16xi32>,
      %swap3A_243 = vector.shape_cast %swap3A_242 : vector<16xi32> to vector<16xi32>
      %swap3A_244 = vector.shape_cast %get3A_240 : vector<16xi32> to vector<16xi32>
      tpu.vector_store %arg16[%swap3A_241], %swap3A_244 {strides = array<i32>} : memref<128xi32, #tpu.memory_space<vmem>>, vector<16xi32>,
      %get3A_245 = arith.constant 32 : index
      %get3A_246 = tpu.vector_load %arg13[%get3A_245] {strides = array<i32>} : memref<128xi32, #tpu.memory_space<vmem>>, vector<16xi32>,
      %get3A_247 = vector.shape_cast %get3A_246 : vector<16xi32> to vector<16xi32>
      %swap3A_248 = arith.constant 32 : index
      %swap3A_249 = tpu.vector_load %arg16[%swap3A_248] {strides = array<i32>} : memref<128xi32, #tpu.memory_space<vmem>>, vector<16xi32>,
      %swap3A_250 = vector.shape_cast %swap3A_249 : vector<16xi32> to vector<16xi32>
      %swap3A_251 = vector.shape_cast %get3A_247 : vector<16xi32> to vector<16xi32>
      tpu.vector_store %arg16[%swap3A_248], %swap3A_251 {strides = array<i32>} : memref<128xi32, #tpu.memory_space<vmem>>, vector<16xi32>,
      %get3A_252 = arith.constant 48 : index
      %get3A_253 = tpu.vector_load %arg13[%get3A_252] {strides = array<i32>} : memref<128xi32, #tpu.memory_space<vmem>>, vector<16xi32>,
      %get3A_254 = vector.shape_cast %get3A_253 : vector<16xi32> to vector<16xi32>
      %swap3A_255 = arith.constant 48 : index
      %swap3A_256 = tpu.vector_load %arg16[%swap3A_255] {strides = array<i32>} : memref<128xi32, #tpu.memory_space<vmem>>, vector<16xi32>,
      %swap3A_257 = vector.shape_cast %swap3A_256 : vector<16xi32> to vector<16xi32>
      %swap3A_258 = vector.shape_cast %get3A_254 : vector<16xi32> to vector<16xi32>
      tpu.vector_store %arg16[%swap3A_255], %swap3A_258 {strides = array<i32>} : memref<128xi32, #tpu.memory_space<vmem>>, vector<16xi32>,
      %get3A_259 = arith.constant 64 : index
      %get3A_260 = tpu.vector_load %arg13[%get3A_259] {strides = array<i32>} : memref<128xi32, #tpu.memory_space<vmem>>, vector<16xi32>,
      %get3A_261 = vector.shape_cast %get3A_260 : vector<16xi32> to vector<16xi32>
      %swap3A_262 = arith.constant 64 : index
      %swap3A_263 = tpu.vector_load %arg16[%swap3A_262] {strides = array<i32>} : memref<128xi32, #tpu.memory_space<vmem>>, vector<16xi32>,
      %swap3A_264 = vector.shape_cast %swap3A_263 : vector<16xi32> to vector<16xi32>
      %swap3A_265 = vector.shape_cast %get3A_261 : vector<16xi32> to vector<16xi32>
      tpu.vector_store %arg16[%swap3A_262], %swap3A_265 {strides = array<i32>} : memref<128xi32, #tpu.memory_space<vmem>>, vector<16xi32>,
      %get3A_266 = arith.constant 80 : index
      %get3A_267 = tpu.vector_load %arg13[%get3A_266] {strides = array<i32>} : memref<128xi32, #tpu.memory_space<vmem>>, vector<16xi32>,
      %get3A_268 = vector.shape_cast %get3A_267 : vector<16xi32> to vector<16xi32>
      %swap3A_269 = arith.constant 80 : index
      %swap3A_270 = tpu.vector_load %arg16[%swap3A_269] {strides = array<i32>} : memref<128xi32, #tpu.memory_space<vmem>>, vector<16xi32>,
      %swap3A_271 = vector.shape_cast %swap3A_270 : vector<16xi32> to vector<16xi32>
      %swap3A_272 = vector.shape_cast %get3A_268 : vector<16xi32> to vector<16xi32>
      tpu.vector_store %arg16[%swap3A_269], %swap3A_272 {strides = array<i32>} : memref<128xi32, #tpu.memory_space<vmem>>, vector<16xi32>,
      %get3A_273 = arith.constant 96 : index
      %get3A_274 = tpu.vector_load %arg13[%get3A_273] {strides = array<i32>} : memref<128xi32, #tpu.memory_space<vmem>>, vector<16xi32>,
      %get3A_275 = vector.shape_cast %get3A_274 : vector<16xi32> to vector<16xi32>
      %swap3A_276 = arith.constant 96 : index
      %swap3A_277 = tpu.vector_load %arg16[%swap3A_276] {strides = array<i32>} : memref<128xi32, #tpu.memory_space<vmem>>, vector<16xi32>,
      %swap3A_278 = vector.shape_cast %swap3A_277 : vector<16xi32> to vector<16xi32>
      %swap3A_279 = vector.shape_cast %get3A_275 : vector<16xi32> to vector<16xi32>
      tpu.vector_store %arg16[%swap3A_276], %swap3A_279 {strides = array<i32>} : memref<128xi32, #tpu.memory_space<vmem>>, vector<16xi32>,
      %get3A_280 = arith.constant 112 : index
      %get3A_281 = tpu.vector_load %arg13[%get3A_280] {strides = array<i32>} : memref<128xi32, #tpu.memory_space<vmem>>, vector<16xi32>,
      %get3A_282 = vector.shape_cast %get3A_281 : vector<16xi32> to vector<16xi32>
      %swap3A_283 = arith.constant 112 : index
      %swap3A_284 = tpu.vector_load %arg16[%swap3A_283] {strides = array<i32>} : memref<128xi32, #tpu.memory_space<vmem>>, vector<16xi32>,
      %swap3A_285 = vector.shape_cast %swap3A_284 : vector<16xi32> to vector<16xi32>
      %swap3A_286 = vector.shape_cast %get3A_282 : vector<16xi32> to vector<16xi32>
      tpu.vector_store %arg16[%swap3A_283], %swap3A_286 {strides = array<i32>} : memref<128xi32, #tpu.memory_space<vmem>>, vector<16xi32>,
      %ge3A_287 = arith.constant 1 : i32
      %ge3A_288 = arith.cmpi sge, %add3A_224, %ge3A_287 : i32
      %convert_element_type3A_289 = arith.extui %ge3A_288 : i1 to i32
      %cond3A_290 = arith.constant 0 : i32
      %cond3A_291 = arith.cmpi ne, %convert_element_type3A_289, %cond3A_290 : i32
      scf.if %cond3A_291 {
        %dma_wait3A_313 = arith.constant 0 : i32
        %dma_wait3A_314 = arith.constant 0 : i32
        %dma_wait3A_315 = tpu.memref_slice %arg19[%dma_wait3A_313, %dma_wait3A_314] : memref<10240x48xf32, #tpu.memory_space<vmem_shared>> -> memref<10240x48xf32, #tpu.memory_space<vmem_shared>>
        tpu.wait_indirect_dma semaphore(%arg22 : memref<!tpu.dma_semaphore, #tpu.memory_space<semaphore_mem>>) src(%arg9 : memref<128x48xf32, #tpu.memory_space<vmem>>) dst(%dma_wait3A_315 : memref<10240x48xf32, #tpu.memory_space<vmem_shared>>)
      } else {
      }
      %add3A_292 = arith.constant 1 : i32
      %add3A_293 = arith.addi %add3A_224, %add3A_292 : i32
      %lt3A_294 = arith.constant 78 : i32
      %lt3A_295 = arith.cmpi slt, %add3A_293, %lt3A_294 : i32
      %convert_element_type3A_296 = arith.extui %lt3A_295 : i1 to i32
      %cond3A_297 = arith.constant 0 : i32
      %cond3A_298 = arith.cmpi ne, %convert_element_type3A_296, %cond3A_297 : i32
      scf.if %cond3A_298 {
        %dma_wait3A_313 = arith.constant 0 : i32
        %dma_wait3A_314 = tpu.memref_slice %arg4[%dma_wait3A_313] : memref<320000xi32, #tpu.memory_space<hbm>> -> memref<128xi32, #tpu.memory_space<hbm>>
        %dma_wait3A_315 = arith.constant 0 : i32
        %dma_wait3A_316 = tpu.memref_slice %arg4[%dma_wait3A_315] : memref<320000xi32, #tpu.memory_space<hbm>> -> memref<128xi32, #tpu.memory_space<hbm>>
        tpu.wait_dma2 semaphore(%arg20 : memref<!tpu.dma_semaphore, #tpu.memory_space<semaphore_mem>>) src(%dma_wait3A_316 : memref<128xi32, #tpu.memory_space<hbm>>) dst(%arg7 : memref<128xi32, #tpu.memory_space<vmem>>)
        %dma_wait3A_317 = arith.constant 0 : i32
        %dma_wait3A_318 = tpu.memref_slice %arg5[%dma_wait3A_317] : memref<320000xi32, #tpu.memory_space<hbm>> -> memref<128xi32, #tpu.memory_space<hbm>>
        %dma_wait3A_319 = arith.constant 0 : i32
        %dma_wait3A_320 = tpu.memref_slice %arg5[%dma_wait3A_319] : memref<320000xi32, #tpu.memory_space<hbm>> -> memref<128xi32, #tpu.memory_space<hbm>>
        tpu.wait_dma2 semaphore(%arg20 : memref<!tpu.dma_semaphore, #tpu.memory_space<semaphore_mem>>) src(%dma_wait3A_320 : memref<128xi32, #tpu.memory_space<hbm>>) dst(%arg8 : memref<128xi32, #tpu.memory_space<vmem>>)
        %dma_start3A_321 = arith.constant 0 : i32
        %dma_start3A_322 = arith.constant 0 : i32
        %dma_start3A_323 = tpu.memref_slice %arg2[%dma_start3A_321, %dma_start3A_322] : memref<10000x48xf32, #tpu.memory_space<hbm>> -> memref<10000x48xf32, #tpu.memory_space<hbm>>
        tpu.enqueue_indirect_dma source(%dma_start3A_323 : memref<10000x48xf32, #tpu.memory_space<hbm>>) target(%arg9 : memref<128x48xf32, #tpu.memory_space<vmem>>) offsets(%arg7 : memref<128xi32, #tpu.memory_space<vmem>>) semaphore(%arg21 : memref<!tpu.dma_semaphore, #tpu.memory_space<semaphore_mem>>)
        %dma_start3A_324 = arith.constant 0 : i32
        %dma_start3A_325 = arith.constant 0 : i32
        %dma_start3A_326 = tpu.memref_slice %arg3[%dma_start3A_324, %dma_start3A_325] : memref<10000x16xf32, #tpu.memory_space<hbm>> -> memref<10000x16xf32, #tpu.memory_space<hbm>>
        tpu.enqueue_indirect_dma source(%dma_start3A_326 : memref<10000x16xf32, #tpu.memory_space<hbm>>) target(%arg10 : memref<128x16xf32, #tpu.memory_space<vmem>>) offsets(%arg8 : memref<128xi32, #tpu.memory_space<vmem>>) semaphore(%arg21 : memref<!tpu.dma_semaphore, #tpu.memory_space<semaphore_mem>>)
      } else {
      }
      %add3A_299 = arith.constant 2 : i32
      %add3A_300 = arith.addi %add3A_224, %add3A_299 : i32
      %lt3A_301 = arith.constant 78 : i32
      %lt3A_302 = arith.cmpi slt, %add3A_300, %lt3A_301 : i32
      %convert_element_type3A_303 = arith.extui %lt3A_302 : i1 to i32
      %cond3A_304 = arith.constant 0 : i32
      %cond3A_305 = arith.cmpi ne, %convert_element_type3A_303, %cond3A_304 : i32
      scf.if %cond3A_305 {
        %add3A_313 = arith.constant 2 : i32
        %add3A_314 = arith.addi %add3A_224, %add3A_313 : i32
        %mul3A_315 = arith.constant 128 : i32
        %mul3A_316 = arith.muli %add3A_314, %mul3A_315 : i32
        %add3A_317 = arith.addi %mul3A_40, %mul3A_316 : i32
        %dma_start3A_318 = tpu.memref_slice %arg4[%add3A_317] : memref<320000xi32, #tpu.memory_space<hbm>> -> memref<128xi32, #tpu.memory_space<hbm>>
        %dma_start3A_319 = tpu.memref_slice %arg4[%add3A_317] : memref<320000xi32, #tpu.memory_space<hbm>> -> memref<128xi32, #tpu.memory_space<hbm>>
        tpu.enqueue_dma source(%dma_start3A_319 : memref<128xi32, #tpu.memory_space<hbm>>) target(%arg12 : memref<128xi32, #tpu.memory_space<vmem>>) target_semaphore(%arg23 : memref<!tpu.dma_semaphore, #tpu.memory_space<semaphore_mem>>)
        %dma_start3A_320 = tpu.memref_slice %arg5[%add3A_317] : memref<320000xi32, #tpu.memory_space<hbm>> -> memref<128xi32, #tpu.memory_space<hbm>>
        %dma_start3A_321 = tpu.memref_slice %arg5[%add3A_317] : memref<320000xi32, #tpu.memory_space<hbm>> -> memref<128xi32, #tpu.memory_space<hbm>>
        tpu.enqueue_dma source(%dma_start3A_321 : memref<128xi32, #tpu.memory_space<hbm>>) target(%arg13 : memref<128xi32, #tpu.memory_space<vmem>>) target_semaphore(%arg23 : memref<!tpu.dma_semaphore, #tpu.memory_space<semaphore_mem>>)
      } else {
      }
      %parallel_loop3A_306 = arith.constant 0 : i32
      %parallel_loop3A_307 = arith.constant 128 : i32
      %parallel_loop3A_308 = arith.constant 1 : i32
      scf.for %parallel_loop3A_313 = %parallel_loop3A_306 to %parallel_loop3A_307 step %parallel_loop3A_308  : i32 {
        %parallel_loop3A_314 = arith.index_cast %parallel_loop3A_313 : i32 to index
        %parallel_loop3A_315 = arith.constant 32 : index
        %parallel_loop3A_316 = tpu.vector_load %arg14[%parallel_loop3A_314, %parallel_loop3A_315] {strides = array<i32>} : memref<128x48xf32, #tpu.memory_space<vmem>>, vector<1x16xf32>,
        %parallel_loop3A_317 = vector.shape_cast %parallel_loop3A_316 : vector<1x16xf32> to vector<16xf32>
        %parallel_loop3A_318 = arith.index_cast %parallel_loop3A_313 : i32 to index
        %parallel_loop3A_319 = arith.constant 0 : index
        %parallel_loop3A_320 = tpu.vector_load %arg15[%parallel_loop3A_318, %parallel_loop3A_319] {strides = array<i32>} : memref<128x16xf32, #tpu.memory_space<vmem>>, vector<1x16xf32>,
        %parallel_loop3A_321 = vector.shape_cast %parallel_loop3A_320 : vector<1x16xf32> to vector<16xf32>
        %parallel_loop3A_322 = arith.addf %parallel_loop3A_317, %parallel_loop3A_321 : vector<16xf32>
        %parallel_loop3A_323 = arith.constant 0.000000e+00 : f32
        %parallel_loop3A_324 = vector.broadcast %parallel_loop3A_323 : f32 to vector<16xf32>
        %parallel_loop3A_325 = arith.cmpf ogt, %parallel_loop3A_322, %parallel_loop3A_324 : vector<16xf32>
        %parallel_loop3A_326 = arith.constant 2.000000e-01 : f32
        %parallel_loop3A_327 = vector.broadcast %parallel_loop3A_326 : f32 to vector<16xf32>
        %parallel_loop3A_328 = arith.mulf %parallel_loop3A_327, %parallel_loop3A_322 : vector<16xf32>
        %parallel_loop3A_329 = arith.select %parallel_loop3A_325, %parallel_loop3A_322, %parallel_loop3A_328 : vector<16xi1>, vector<16xf32>
        %parallel_loop3A_330 = math.exp %parallel_loop3A_329 : vector<16xf32>
        %parallel_loop3A_331 = vector.extract_strided_slice %parallel_loop3A_330 {offsets = [8], sizes = [1], strides = [1]} : vector<16xf32> to vector<1xf32>
        %parallel_loop3A_332 = vector.extract %parallel_loop3A_331[0] : f32 from vector<1xf32>
        %parallel_loop3A_333 = arith.index_cast %parallel_loop3A_313 : i32 to index
        %parallel_loop3A_334 = arith.constant 0 : index
        %parallel_loop3A_335 = tpu.vector_load %arg14[%parallel_loop3A_333, %parallel_loop3A_334] {strides = array<i32>} : memref<128x48xf32, #tpu.memory_space<vmem>>, vector<1x16xf32>,
        %parallel_loop3A_336 = vector.shape_cast %parallel_loop3A_335 : vector<1x16xf32> to vector<16xf32>
        %parallel_loop3A_337 = vector.broadcast %parallel_loop3A_332 : f32 to vector<16xf32>
        %parallel_loop3A_338 = arith.mulf %parallel_loop3A_336, %parallel_loop3A_337 : vector<16xf32>
        %parallel_loop3A_339 = arith.index_cast %parallel_loop3A_313 : i32 to index
        %parallel_loop3A_340 = arith.constant 0 : index
        %parallel_loop3A_341 = tpu.vector_load %arg14[%parallel_loop3A_339, %parallel_loop3A_340] {strides = array<i32>} : memref<128x48xf32, #tpu.memory_space<vmem>>, vector<1x16xf32>,
        %parallel_loop3A_342 = vector.shape_cast %parallel_loop3A_341 : vector<1x16xf32> to vector<16xf32>
        %parallel_loop3A_343 = vector.shape_cast %parallel_loop3A_338 : vector<16xf32> to vector<1x16xf32>
        tpu.vector_store %arg14[%parallel_loop3A_339, %parallel_loop3A_340], %parallel_loop3A_343 {strides = array<i32>} : memref<128x48xf32, #tpu.memory_space<vmem>>, vector<1x16xf32>,
        %parallel_loop3A_344 = arith.index_cast %parallel_loop3A_313 : i32 to index
        %parallel_loop3A_345 = arith.constant 16 : index
        %parallel_loop3A_346 = tpu.vector_load %arg14[%parallel_loop3A_344, %parallel_loop3A_345] {strides = array<i32>} : memref<128x48xf32, #tpu.memory_space<vmem>>, vector<1x16xf32>,
        %parallel_loop3A_347 = vector.shape_cast %parallel_loop3A_346 : vector<1x16xf32> to vector<16xf32>
        %parallel_loop3A_348 = vector.broadcast %parallel_loop3A_332 : f32 to vector<16xf32>
        %parallel_loop3A_349 = arith.mulf %parallel_loop3A_347, %parallel_loop3A_348 : vector<16xf32>
        %parallel_loop3A_350 = arith.index_cast %parallel_loop3A_313 : i32 to index
        %parallel_loop3A_351 = arith.constant 16 : index
        %parallel_loop3A_352 = tpu.vector_load %arg14[%parallel_loop3A_350, %parallel_loop3A_351] {strides = array<i32>} : memref<128x48xf32, #tpu.memory_space<vmem>>, vector<1x16xf32>,
        %parallel_loop3A_353 = vector.shape_cast %parallel_loop3A_352 : vector<1x16xf32> to vector<16xf32>
        %parallel_loop3A_354 = vector.shape_cast %parallel_loop3A_349 : vector<16xf32> to vector<1x16xf32>
        tpu.vector_store %arg14[%parallel_loop3A_350, %parallel_loop3A_351], %parallel_loop3A_354 {strides = array<i32>} : memref<128x48xf32, #tpu.memory_space<vmem>>, vector<1x16xf32>,
        %parallel_loop3A_355 = arith.index_cast %parallel_loop3A_313 : i32 to index
        %parallel_loop3A_356 = arith.constant 32 : index
        %parallel_loop3A_357 = tpu.vector_load %arg14[%parallel_loop3A_355, %parallel_loop3A_356] {strides = array<i32>} : memref<128x48xf32, #tpu.memory_space<vmem>>, vector<1x16xf32>,
        %parallel_loop3A_358 = vector.shape_cast %parallel_loop3A_357 : vector<1x16xf32> to vector<16xf32>
        %parallel_loop3A_359 = vector.broadcast %parallel_loop3A_332 : f32 to vector<16xf32>
        %parallel_loop3A_360 = arith.mulf %parallel_loop3A_358, %parallel_loop3A_359 : vector<16xf32>
        %parallel_loop3A_361 = arith.constant 8 : i32
        %parallel_loop3A_362 = vector.broadcast %parallel_loop3A_361 : i32 to vector<16xi32>
        %parallel_loop3A_363 = arith.cmpi eq, %iota3A, %parallel_loop3A_362 : vector<16xi32>
        %parallel_loop3A_364 = arith.select %parallel_loop3A_363, %parallel_loop3A_330, %parallel_loop3A_360 : vector<16xi1>, vector<16xf32>
        %parallel_loop3A_365 = arith.index_cast %parallel_loop3A_313 : i32 to index
        %parallel_loop3A_366 = arith.constant 32 : index
        %parallel_loop3A_367 = tpu.vector_load %arg14[%parallel_loop3A_365, %parallel_loop3A_366] {strides = array<i32>} : memref<128x48xf32, #tpu.memory_space<vmem>>, vector<1x16xf32>,
        %parallel_loop3A_368 = vector.shape_cast %parallel_loop3A_367 : vector<1x16xf32> to vector<16xf32>
        %parallel_loop3A_369 = vector.shape_cast %parallel_loop3A_364 : vector<16xf32> to vector<1x16xf32>
        tpu.vector_store %arg14[%parallel_loop3A_365, %parallel_loop3A_366], %parallel_loop3A_369 {strides = array<i32>} : memref<128x48xf32, #tpu.memory_space<vmem>>, vector<1x16xf32>,
      } {sc.loop_unroll_factor = 4 : i64, sc.parallel_access}
      %dma_start3A_309 = arith.constant 0 : i32
      %dma_start3A_310 = arith.constant 0 : i32
      %dma_start3A_311 = tpu.memref_slice %arg19[%dma_start3A_309, %dma_start3A_310] : memref<10240x48xf32, #tpu.memory_space<vmem_shared>> -> memref<10240x48xf32, #tpu.memory_space<vmem_shared>>
      tpu.enqueue_indirect_dma source(%arg14 : memref<128x48xf32, #tpu.memory_space<vmem>>) target(%dma_start3A_311 : memref<10240x48xf32, #tpu.memory_space<vmem_shared>>) offsets(%arg16 : memref<128xi32, #tpu.memory_space<vmem>>) semaphore(%arg25 : memref<!tpu.dma_semaphore, #tpu.memory_space<semaphore_mem>>) {add = true}
      %scan3A_312 = arith.constant 0 : i32
      scf.yield %scan3A_312 : i32
    }
    %scan3A_71 = arith.constant 39 : i32
    %dma_wait3A_72 = arith.constant 0 : i32
    %dma_wait3A_73 = arith.constant 0 : i32
    %dma_wait3A_74 = tpu.memref_slice %arg19[%dma_wait3A_72, %dma_wait3A_73] : memref<10240x48xf32, #tpu.memory_space<vmem_shared>> -> memref<10240x48xf32, #tpu.memory_space<vmem_shared>>
    tpu.wait_indirect_dma semaphore(%arg25 : memref<!tpu.dma_semaphore, #tpu.memory_space<semaphore_mem>>) src(%arg14 : memref<128x48xf32, #tpu.memory_space<vmem>>) dst(%dma_wait3A_74 : memref<10240x48xf32, #tpu.memory_space<vmem_shared>>)
    %add3A_75 = arith.constant 9984 : i32
    %add3A_76 = arith.addi %mul3A_40, %add3A_75 : i32
    "tpu.region"() ({
      %run_scoped3A = tpu.sem_alloc : memref<!tpu.dma_semaphore, #tpu.memory_space<semaphore_mem>>
      %dma_start3A_136 = tpu.memref_slice %arg4[%add3A_76] : memref<320000xi32, #tpu.memory_space<hbm>> -> memref<16xi32, #tpu.memory_space<hbm>>
      %dma_start3A_137 = tpu.memref_slice %arg4[%add3A_76] : memref<320000xi32, #tpu.memory_space<hbm>> -> memref<16xi32, #tpu.memory_space<hbm>>
      tpu.enqueue_dma source(%dma_start3A_137 : memref<16xi32, #tpu.memory_space<hbm>>) target(%arg17 : memref<16xi32, #tpu.memory_space<vmem>>) target_semaphore(%run_scoped3A : memref<!tpu.dma_semaphore, #tpu.memory_space<semaphore_mem>>)
      %dma_wait3A_138 = tpu.memref_slice %arg4[%add3A_76] : memref<320000xi32, #tpu.memory_space<hbm>> -> memref<16xi32, #tpu.memory_space<hbm>>
      %dma_wait3A_139 = tpu.memref_slice %arg4[%add3A_76] : memref<320000xi32, #tpu.memory_space<hbm>> -> memref<16xi32, #tpu.memory_space<hbm>>
      tpu.wait_dma2 semaphore(%run_scoped3A : memref<!tpu.dma_semaphore, #tpu.memory_space<semaphore_mem>>) src(%dma_wait3A_139 : memref<16xi32, #tpu.memory_space<hbm>>) dst(%arg17 : memref<16xi32, #tpu.memory_space<vmem>>)
      tpu.yield
    }) : () -> ()
    "tpu.region"() ({
      %run_scoped3A = tpu.sem_alloc : memref<!tpu.dma_semaphore, #tpu.memory_space<semaphore_mem>>
      %dma_start3A_136 = tpu.memref_slice %arg5[%add3A_76] : memref<320000xi32, #tpu.memory_space<hbm>> -> memref<16xi32, #tpu.memory_space<hbm>>
      %dma_start3A_137 = tpu.memref_slice %arg5[%add3A_76] : memref<320000xi32, #tpu.memory_space<hbm>> -> memref<16xi32, #tpu.memory_space<hbm>>
      tpu.enqueue_dma source(%dma_start3A_137 : memref<16xi32, #tpu.memory_space<hbm>>) target(%arg18 : memref<16xi32, #tpu.memory_space<vmem>>) target_semaphore(%run_scoped3A : memref<!tpu.dma_semaphore, #tpu.memory_space<semaphore_mem>>)
      %dma_wait3A_138 = tpu.memref_slice %arg5[%add3A_76] : memref<320000xi32, #tpu.memory_space<hbm>> -> memref<16xi32, #tpu.memory_space<hbm>>
      %dma_wait3A_139 = tpu.memref_slice %arg5[%add3A_76] : memref<320000xi32, #tpu.memory_space<hbm>> -> memref<16xi32, #tpu.memory_space<hbm>>
      tpu.wait_dma2 semaphore(%run_scoped3A : memref<!tpu.dma_semaphore, #tpu.memory_space<semaphore_mem>>) src(%dma_wait3A_139 : memref<16xi32, #tpu.memory_space<hbm>>) dst(%arg18 : memref<16xi32, #tpu.memory_space<vmem>>)
      tpu.yield
    }) : () -> ()
    %dma_start3A_77 = arith.constant 0 : i32
    %dma_start3A_78 = arith.constant 0 : i32
    %dma_start3A_79 = tpu.memref_slice %arg9[%dma_start3A_77, %dma_start3A_78] : memref<128x48xf32, #tpu.memory_space<vmem>> -> memref<16x48xf32, #tpu.memory_space<vmem>>
    %dma_start3A_80 = arith.constant 0 : i32
    %dma_start3A_81 = arith.constant 0 : i32
    %dma_start3A_82 = tpu.memref_slice %arg2[%dma_start3A_80, %dma_start3A_81] : memref<10000x48xf32, #tpu.memory_space<hbm>> -> memref<10000x48xf32, #tpu.memory_space<hbm>>
    tpu.enqueue_indirect_dma source(%dma_start3A_82 : memref<10000x48xf32, #tpu.memory_space<hbm>>) target(%dma_start3A_79 : memref<16x48xf32, #tpu.memory_space<vmem>>) offsets(%arg17 : memref<16xi32, #tpu.memory_space<vmem>>) semaphore(%arg21 : memref<!tpu.dma_semaphore, #tpu.memory_space<semaphore_mem>>)
    %dma_wait3A_83 = arith.constant 0 : i32
    %dma_wait3A_84 = arith.constant 0 : i32
    %dma_wait3A_85 = tpu.memref_slice %arg9[%dma_wait3A_83, %dma_wait3A_84] : memref<128x48xf32, #tpu.memory_space<vmem>> -> memref<16x48xf32, #tpu.memory_space<vmem>>
    %dma_wait3A_86 = arith.constant 0 : i32
    %dma_wait3A_87 = arith.constant 0 : i32
    %dma_wait3A_88 = tpu.memref_slice %arg2[%dma_wait3A_86, %dma_wait3A_87] : memref<10000x48xf32, #tpu.memory_space<hbm>> -> memref<10000x48xf32, #tpu.memory_space<hbm>>
    tpu.wait_indirect_dma semaphore(%arg21 : memref<!tpu.dma_semaphore, #tpu.memory_space<semaphore_mem>>) src(%dma_wait3A_88 : memref<10000x48xf32, #tpu.memory_space<hbm>>) dst(%dma_wait3A_85 : memref<16x48xf32, #tpu.memory_space<vmem>>)
    %dma_start3A_89 = arith.constant 0 : i32
    %dma_start3A_90 = arith.constant 0 : i32
    %dma_start3A_91 = tpu.memref_slice %arg10[%dma_start3A_89, %dma_start3A_90] : memref<128x16xf32, #tpu.memory_space<vmem>> -> memref<16x16xf32, #tpu.memory_space<vmem>>
    %dma_start3A_92 = arith.constant 0 : i32
    %dma_start3A_93 = arith.constant 0 : i32
    %dma_start3A_94 = tpu.memref_slice %arg3[%dma_start3A_92, %dma_start3A_93] : memref<10000x16xf32, #tpu.memory_space<hbm>> -> memref<10000x16xf32, #tpu.memory_space<hbm>>
    tpu.enqueue_indirect_dma source(%dma_start3A_94 : memref<10000x16xf32, #tpu.memory_space<hbm>>) target(%dma_start3A_91 : memref<16x16xf32, #tpu.memory_space<vmem>>) offsets(%arg18 : memref<16xi32, #tpu.memory_space<vmem>>) semaphore(%arg21 : memref<!tpu.dma_semaphore, #tpu.memory_space<semaphore_mem>>)
    %dma_wait3A_95 = arith.constant 0 : i32
    %dma_wait3A_96 = arith.constant 0 : i32
    %dma_wait3A_97 = tpu.memref_slice %arg10[%dma_wait3A_95, %dma_wait3A_96] : memref<128x16xf32, #tpu.memory_space<vmem>> -> memref<16x16xf32, #tpu.memory_space<vmem>>
    %dma_wait3A_98 = arith.constant 0 : i32
    %dma_wait3A_99 = arith.constant 0 : i32
    %dma_wait3A_100 = tpu.memref_slice %arg3[%dma_wait3A_98, %dma_wait3A_99] : memref<10000x16xf32, #tpu.memory_space<hbm>> -> memref<10000x16xf32, #tpu.memory_space<hbm>>
    tpu.wait_indirect_dma semaphore(%arg21 : memref<!tpu.dma_semaphore, #tpu.memory_space<semaphore_mem>>) src(%dma_wait3A_100 : memref<10000x16xf32, #tpu.memory_space<hbm>>) dst(%dma_wait3A_97 : memref<16x16xf32, #tpu.memory_space<vmem>>)
    %parallel_loop3A = arith.constant 0 : i32
    %parallel_loop3A_101 = arith.constant 16 : i32
    %parallel_loop3A_102 = arith.constant 1 : i32
    scf.for %parallel_loop3A_136 = %parallel_loop3A to %parallel_loop3A_101 step %parallel_loop3A_102  : i32 {
      %parallel_loop3A_137 = arith.index_cast %parallel_loop3A_136 : i32 to index
      %parallel_loop3A_138 = arith.constant 32 : index
      %parallel_loop3A_139 = tpu.vector_load %arg9[%parallel_loop3A_137, %parallel_loop3A_138] {strides = array<i32>} : memref<128x48xf32, #tpu.memory_space<vmem>>, vector<1x16xf32>,
      %parallel_loop3A_140 = vector.shape_cast %parallel_loop3A_139 : vector<1x16xf32> to vector<16xf32>
      %parallel_loop3A_141 = arith.index_cast %parallel_loop3A_136 : i32 to index
      %parallel_loop3A_142 = arith.constant 0 : index
      %parallel_loop3A_143 = tpu.vector_load %arg10[%parallel_loop3A_141, %parallel_loop3A_142] {strides = array<i32>} : memref<128x16xf32, #tpu.memory_space<vmem>>, vector<1x16xf32>,
      %parallel_loop3A_144 = vector.shape_cast %parallel_loop3A_143 : vector<1x16xf32> to vector<16xf32>
      %parallel_loop3A_145 = arith.addf %parallel_loop3A_140, %parallel_loop3A_144 : vector<16xf32>
      %parallel_loop3A_146 = arith.constant 0.000000e+00 : f32
      %parallel_loop3A_147 = vector.broadcast %parallel_loop3A_146 : f32 to vector<16xf32>
      %parallel_loop3A_148 = arith.cmpf ogt, %parallel_loop3A_145, %parallel_loop3A_147 : vector<16xf32>
      %parallel_loop3A_149 = arith.constant 2.000000e-01 : f32
      %parallel_loop3A_150 = vector.broadcast %parallel_loop3A_149 : f32 to vector<16xf32>
      %parallel_loop3A_151 = arith.mulf %parallel_loop3A_150, %parallel_loop3A_145 : vector<16xf32>
      %parallel_loop3A_152 = arith.select %parallel_loop3A_148, %parallel_loop3A_145, %parallel_loop3A_151 : vector<16xi1>, vector<16xf32>
      %parallel_loop3A_153 = math.exp %parallel_loop3A_152 : vector<16xf32>
      %parallel_loop3A_154 = vector.extract_strided_slice %parallel_loop3A_153 {offsets = [8], sizes = [1], strides = [1]} : vector<16xf32> to vector<1xf32>
      %parallel_loop3A_155 = vector.extract %parallel_loop3A_154[0] : f32 from vector<1xf32>
      %parallel_loop3A_156 = arith.index_cast %parallel_loop3A_136 : i32 to index
      %parallel_loop3A_157 = arith.constant 0 : index
      %parallel_loop3A_158 = tpu.vector_load %arg9[%parallel_loop3A_156, %parallel_loop3A_157] {strides = array<i32>} : memref<128x48xf32, #tpu.memory_space<vmem>>, vector<1x16xf32>,
      %parallel_loop3A_159 = vector.shape_cast %parallel_loop3A_158 : vector<1x16xf32> to vector<16xf32>
      %parallel_loop3A_160 = vector.broadcast %parallel_loop3A_155 : f32 to vector<16xf32>
      %parallel_loop3A_161 = arith.mulf %parallel_loop3A_159, %parallel_loop3A_160 : vector<16xf32>
      %parallel_loop3A_162 = arith.index_cast %parallel_loop3A_136 : i32 to index
      %parallel_loop3A_163 = arith.constant 0 : index
      %parallel_loop3A_164 = tpu.vector_load %arg9[%parallel_loop3A_162, %parallel_loop3A_163] {strides = array<i32>} : memref<128x48xf32, #tpu.memory_space<vmem>>, vector<1x16xf32>,
      %parallel_loop3A_165 = vector.shape_cast %parallel_loop3A_164 : vector<1x16xf32> to vector<16xf32>
      %parallel_loop3A_166 = vector.shape_cast %parallel_loop3A_161 : vector<16xf32> to vector<1x16xf32>
      tpu.vector_store %arg9[%parallel_loop3A_162, %parallel_loop3A_163], %parallel_loop3A_166 {strides = array<i32>} : memref<128x48xf32, #tpu.memory_space<vmem>>, vector<1x16xf32>,
      %parallel_loop3A_167 = arith.index_cast %parallel_loop3A_136 : i32 to index
      %parallel_loop3A_168 = arith.constant 16 : index
      %parallel_loop3A_169 = tpu.vector_load %arg9[%parallel_loop3A_167, %parallel_loop3A_168] {strides = array<i32>} : memref<128x48xf32, #tpu.memory_space<vmem>>, vector<1x16xf32>,
      %parallel_loop3A_170 = vector.shape_cast %parallel_loop3A_169 : vector<1x16xf32> to vector<16xf32>
      %parallel_loop3A_171 = vector.broadcast %parallel_loop3A_155 : f32 to vector<16xf32>
      %parallel_loop3A_172 = arith.mulf %parallel_loop3A_170, %parallel_loop3A_171 : vector<16xf32>
      %parallel_loop3A_173 = arith.index_cast %parallel_loop3A_136 : i32 to index
      %parallel_loop3A_174 = arith.constant 16 : index
      %parallel_loop3A_175 = tpu.vector_load %arg9[%parallel_loop3A_173, %parallel_loop3A_174] {strides = array<i32>} : memref<128x48xf32, #tpu.memory_space<vmem>>, vector<1x16xf32>,
      %parallel_loop3A_176 = vector.shape_cast %parallel_loop3A_175 : vector<1x16xf32> to vector<16xf32>
      %parallel_loop3A_177 = vector.shape_cast %parallel_loop3A_172 : vector<16xf32> to vector<1x16xf32>
      tpu.vector_store %arg9[%parallel_loop3A_173, %parallel_loop3A_174], %parallel_loop3A_177 {strides = array<i32>} : memref<128x48xf32, #tpu.memory_space<vmem>>, vector<1x16xf32>,
      %parallel_loop3A_178 = arith.index_cast %parallel_loop3A_136 : i32 to index
      %parallel_loop3A_179 = arith.constant 32 : index
      %parallel_loop3A_180 = tpu.vector_load %arg9[%parallel_loop3A_178, %parallel_loop3A_179] {strides = array<i32>} : memref<128x48xf32, #tpu.memory_space<vmem>>, vector<1x16xf32>,
      %parallel_loop3A_181 = vector.shape_cast %parallel_loop3A_180 : vector<1x16xf32> to vector<16xf32>
      %parallel_loop3A_182 = vector.broadcast %parallel_loop3A_155 : f32 to vector<16xf32>
      %parallel_loop3A_183 = arith.mulf %parallel_loop3A_181, %parallel_loop3A_182 : vector<16xf32>
      %parallel_loop3A_184 = arith.constant 8 : i32
      %parallel_loop3A_185 = vector.broadcast %parallel_loop3A_184 : i32 to vector<16xi32>
      %parallel_loop3A_186 = arith.cmpi eq, %iota3A, %parallel_loop3A_185 : vector<16xi32>
      %parallel_loop3A_187 = arith.select %parallel_loop3A_186, %parallel_loop3A_153, %parallel_loop3A_183 : vector<16xi1>, vector<16xf32>
      %parallel_loop3A_188 = arith.index_cast %parallel_loop3A_136 : i32 to index
      %parallel_loop3A_189 = arith.constant 32 : index
      %parallel_loop3A_190 = tpu.vector_load %arg9[%parallel_loop3A_188, %parallel_loop3A_189] {strides = array<i32>} : memref<128x48xf32, #tpu.memory_space<vmem>>, vector<1x16xf32>,
      %parallel_loop3A_191 = vector.shape_cast %parallel_loop3A_190 : vector<1x16xf32> to vector<16xf32>
      %parallel_loop3A_192 = vector.shape_cast %parallel_loop3A_187 : vector<16xf32> to vector<1x16xf32>
      tpu.vector_store %arg9[%parallel_loop3A_188, %parallel_loop3A_189], %parallel_loop3A_192 {strides = array<i32>} : memref<128x48xf32, #tpu.memory_space<vmem>>, vector<1x16xf32>,
    } {sc.loop_unroll_factor = 4 : i64, sc.parallel_access}
    %dma_start3A_103 = arith.constant 0 : i32
    %dma_start3A_104 = arith.constant 0 : i32
    %dma_start3A_105 = tpu.memref_slice %arg9[%dma_start3A_103, %dma_start3A_104] : memref<128x48xf32, #tpu.memory_space<vmem>> -> memref<16x48xf32, #tpu.memory_space<vmem>>
    %dma_start3A_106 = arith.constant 0 : i32
    %dma_start3A_107 = arith.constant 0 : i32
    %dma_start3A_108 = tpu.memref_slice %arg19[%dma_start3A_106, %dma_start3A_107] : memref<10240x48xf32, #tpu.memory_space<vmem_shared>> -> memref<10240x48xf32, #tpu.memory_space<vmem_shared>>
    tpu.enqueue_indirect_dma source(%dma_start3A_105 : memref<16x48xf32, #tpu.memory_space<vmem>>) target(%dma_start3A_108 : memref<10240x48xf32, #tpu.memory_space<vmem_shared>>) offsets(%arg18 : memref<16xi32, #tpu.memory_space<vmem>>) semaphore(%arg22 : memref<!tpu.dma_semaphore, #tpu.memory_space<semaphore_mem>>) {add = true}
    %dma_wait3A_109 = arith.constant 0 : i32
    %dma_wait3A_110 = arith.constant 0 : i32
    %dma_wait3A_111 = tpu.memref_slice %arg9[%dma_wait3A_109, %dma_wait3A_110] : memref<128x48xf32, #tpu.memory_space<vmem>> -> memref<16x48xf32, #tpu.memory_space<vmem>>
    %dma_wait3A_112 = arith.constant 0 : i32
    %dma_wait3A_113 = arith.constant 0 : i32
    %dma_wait3A_114 = tpu.memref_slice %arg19[%dma_wait3A_112, %dma_wait3A_113] : memref<10240x48xf32, #tpu.memory_space<vmem_shared>> -> memref<10240x48xf32, #tpu.memory_space<vmem_shared>>
    tpu.wait_indirect_dma semaphore(%arg22 : memref<!tpu.dma_semaphore, #tpu.memory_space<semaphore_mem>>) src(%dma_wait3A_111 : memref<16x48xf32, #tpu.memory_space<vmem>>) dst(%dma_wait3A_114 : memref<10240x48xf32, #tpu.memory_space<vmem_shared>>)
    %barrier3A_115 = arith.constant 0 : index
    tpu.barrier barrier_id(%barrier3A_115)
    %mul3A_116 = arith.constant 640 : i32
    %mul3A_117 = arith.muli %arg1, %mul3A_116 : i32
    %add3A_118 = arith.constant 0 : i32
    %add3A_119 = arith.addi %mul3A_117, %add3A_118 : i32
    "tpu.region"() ({
      %run_scoped3A = tpu.sem_alloc : memref<!tpu.dma_semaphore, #tpu.memory_space<semaphore_mem>>
      %dma_start3A_136 = arith.constant 0 : i32
      %dma_start3A_137 = tpu.memref_slice %arg6[%arg0, %add3A_119, %dma_start3A_136] : memref<2x10240x48xf32, #tpu.memory_space<hbm>> -> memref<1x128x48xf32, #tpu.memory_space<hbm>>
      %dma_start3A_138 = tpu.memref_squeeze %dma_start3A_137 : memref<1x128x48xf32, #tpu.memory_space<hbm>> -> memref<128x48xf32, #tpu.memory_space<hbm>>
      %dma_start3A_139 = arith.constant 0 : i32
      %dma_start3A_140 = tpu.memref_slice %arg19[%add3A_119, %dma_start3A_139] : memref<10240x48xf32, #tpu.memory_space<vmem_shared>> -> memref<128x48xf32, #tpu.memory_space<vmem_shared>>
      tpu.enqueue_dma source(%dma_start3A_140 : memref<128x48xf32, #tpu.memory_space<vmem_shared>>) target(%dma_start3A_138 : memref<128x48xf32, #tpu.memory_space<hbm>>) target_semaphore(%run_scoped3A : memref<!tpu.dma_semaphore, #tpu.memory_space<semaphore_mem>>)
      %dma_wait3A_141 = arith.constant 0 : i32
      %dma_wait3A_142 = tpu.memref_slice %arg6[%arg0, %add3A_119, %dma_wait3A_141] : memref<2x10240x48xf32, #tpu.memory_space<hbm>> -> memref<1x128x48xf32, #tpu.memory_space<hbm>>
      %dma_wait3A_143 = tpu.memref_squeeze %dma_wait3A_142 : memref<1x128x48xf32, #tpu.memory_space<hbm>> -> memref<128x48xf32, #tpu.memory_space<hbm>>
      %dma_wait3A_144 = arith.constant 0 : i32
      %dma_wait3A_145 = tpu.memref_slice %arg19[%add3A_119, %dma_wait3A_144] : memref<10240x48xf32, #tpu.memory_space<vmem_shared>> -> memref<128x48xf32, #tpu.memory_space<vmem_shared>>
      tpu.wait_dma2 semaphore(%run_scoped3A : memref<!tpu.dma_semaphore, #tpu.memory_space<semaphore_mem>>) src(%dma_wait3A_145 : memref<128x48xf32, #tpu.memory_space<vmem_shared>>) dst(%dma_wait3A_143 : memref<128x48xf32, #tpu.memory_space<hbm>>)
      tpu.yield
    }) : () -> ()
    %mul3A_120 = arith.constant 640 : i32
    %mul3A_121 = arith.muli %arg1, %mul3A_120 : i32
    %add3A_122 = arith.constant 128 : i32
    %add3A_123 = arith.addi %mul3A_121, %add3A_122 : i32
    "tpu.region"() ({
      %run_scoped3A = tpu.sem_alloc : memref<!tpu.dma_semaphore, #tpu.memory_space<semaphore_mem>>
      %dma_start3A_136 = arith.constant 0 : i32
      %dma_start3A_137 = tpu.memref_slice %arg6[%arg0, %add3A_123, %dma_start3A_136] : memref<2x10240x48xf32, #tpu.memory_space<hbm>> -> memref<1x128x48xf32, #tpu.memory_space<hbm>>
      %dma_start3A_138 = tpu.memref_squeeze %dma_start3A_137 : memref<1x128x48xf32, #tpu.memory_space<hbm>> -> memref<128x48xf32, #tpu.memory_space<hbm>>
      %dma_start3A_139 = arith.constant 0 : i32
      %dma_start3A_140 = tpu.memref_slice %arg19[%add3A_123, %dma_start3A_139] : memref<10240x48xf32, #tpu.memory_space<vmem_shared>> -> memref<128x48xf32, #tpu.memory_space<vmem_shared>>
      tpu.enqueue_dma source(%dma_start3A_140 : memref<128x48xf32, #tpu.memory_space<vmem_shared>>) target(%dma_start3A_138 : memref<128x48xf32, #tpu.memory_space<hbm>>) target_semaphore(%run_scoped3A : memref<!tpu.dma_semaphore, #tpu.memory_space<semaphore_mem>>)
      %dma_wait3A_141 = arith.constant 0 : i32
      %dma_wait3A_142 = tpu.memref_slice %arg6[%arg0, %add3A_123, %dma_wait3A_141] : memref<2x10240x48xf32, #tpu.memory_space<hbm>> -> memref<1x128x48xf32, #tpu.memory_space<hbm>>
      %dma_wait3A_143 = tpu.memref_squeeze %dma_wait3A_142 : memref<1x128x48xf32, #tpu.memory_space<hbm>> -> memref<128x48xf32, #tpu.memory_space<hbm>>
      %dma_wait3A_144 = arith.constant 0 : i32
      %dma_wait3A_145 = tpu.memref_slice %arg19[%add3A_123, %dma_wait3A_144] : memref<10240x48xf32, #tpu.memory_space<vmem_shared>> -> memref<128x48xf32, #tpu.memory_space<vmem_shared>>
      tpu.wait_dma2 semaphore(%run_scoped3A : memref<!tpu.dma_semaphore, #tpu.memory_space<semaphore_mem>>) src(%dma_wait3A_145 : memref<128x48xf32, #tpu.memory_space<vmem_shared>>) dst(%dma_wait3A_143 : memref<128x48xf32, #tpu.memory_space<hbm>>)
      tpu.yield
    }) : () -> ()
    %mul3A_124 = arith.constant 640 : i32
    %mul3A_125 = arith.muli %arg1, %mul3A_124 : i32
    %add3A_126 = arith.constant 256 : i32
    %add3A_127 = arith.addi %mul3A_125, %add3A_126 : i32
    "tpu.region"() ({
      %run_scoped3A = tpu.sem_alloc : memref<!tpu.dma_semaphore, #tpu.memory_space<semaphore_mem>>
      %dma_start3A_136 = arith.constant 0 : i32
      %dma_start3A_137 = tpu.memref_slice %arg6[%arg0, %add3A_127, %dma_start3A_136] : memref<2x10240x48xf32, #tpu.memory_space<hbm>> -> memref<1x128x48xf32, #tpu.memory_space<hbm>>
      %dma_start3A_138 = tpu.memref_squeeze %dma_start3A_137 : memref<1x128x48xf32, #tpu.memory_space<hbm>> -> memref<128x48xf32, #tpu.memory_space<hbm>>
      %dma_start3A_139 = arith.constant 0 : i32
      %dma_start3A_140 = tpu.memref_slice %arg19[%add3A_127, %dma_start3A_139] : memref<10240x48xf32, #tpu.memory_space<vmem_shared>> -> memref<128x48xf32, #tpu.memory_space<vmem_shared>>
      tpu.enqueue_dma source(%dma_start3A_140 : memref<128x48xf32, #tpu.memory_space<vmem_shared>>) target(%dma_start3A_138 : memref<128x48xf32, #tpu.memory_space<hbm>>) target_semaphore(%run_scoped3A : memref<!tpu.dma_semaphore, #tpu.memory_space<semaphore_mem>>)
      %dma_wait3A_141 = arith.constant 0 : i32
      %dma_wait3A_142 = tpu.memref_slice %arg6[%arg0, %add3A_127, %dma_wait3A_141] : memref<2x10240x48xf32, #tpu.memory_space<hbm>> -> memref<1x128x48xf32, #tpu.memory_space<hbm>>
      %dma_wait3A_143 = tpu.memref_squeeze %dma_wait3A_142 : memref<1x128x48xf32, #tpu.memory_space<hbm>> -> memref<128x48xf32, #tpu.memory_space<hbm>>
      %dma_wait3A_144 = arith.constant 0 : i32
      %dma_wait3A_145 = tpu.memref_slice %arg19[%add3A_127, %dma_wait3A_144] : memref<10240x48xf32, #tpu.memory_space<vmem_shared>> -> memref<128x48xf32, #tpu.memory_space<vmem_shared>>
      tpu.wait_dma2 semaphore(%run_scoped3A : memref<!tpu.dma_semaphore, #tpu.memory_space<semaphore_mem>>) src(%dma_wait3A_145 : memref<128x48xf32, #tpu.memory_space<vmem_shared>>) dst(%dma_wait3A_143 : memref<128x48xf32, #tpu.memory_space<hbm>>)
      tpu.yield
    }) : () -> ()
    %mul3A_128 = arith.constant 640 : i32
    %mul3A_129 = arith.muli %arg1, %mul3A_128 : i32
    %add3A_130 = arith.constant 384 : i32
    %add3A_131 = arith.addi %mul3A_129, %add3A_130 : i32
    "tpu.region"() ({
      %run_scoped3A = tpu.sem_alloc : memref<!tpu.dma_semaphore, #tpu.memory_space<semaphore_mem>>
      %dma_start3A_136 = arith.constant 0 : i32
      %dma_start3A_137 = tpu.memref_slice %arg6[%arg0, %add3A_131, %dma_start3A_136] : memref<2x10240x48xf32, #tpu.memory_space<hbm>> -> memref<1x128x48xf32, #tpu.memory_space<hbm>>
      %dma_start3A_138 = tpu.memref_squeeze %dma_start3A_137 : memref<1x128x48xf32, #tpu.memory_space<hbm>> -> memref<128x48xf32, #tpu.memory_space<hbm>>
      %dma_start3A_139 = arith.constant 0 : i32
      %dma_start3A_140 = tpu.memref_slice %arg19[%add3A_131, %dma_start3A_139] : memref<10240x48xf32, #tpu.memory_space<vmem_shared>> -> memref<128x48xf32, #tpu.memory_space<vmem_shared>>
      tpu.enqueue_dma source(%dma_start3A_140 : memref<128x48xf32, #tpu.memory_space<vmem_shared>>) target(%dma_start3A_138 : memref<128x48xf32, #tpu.memory_space<hbm>>) target_semaphore(%run_scoped3A : memref<!tpu.dma_semaphore, #tpu.memory_space<semaphore_mem>>)
      %dma_wait3A_141 = arith.constant 0 : i32
      %dma_wait3A_142 = tpu.memref_slice %arg6[%arg0, %add3A_131, %dma_wait3A_141] : memref<2x10240x48xf32, #tpu.memory_space<hbm>> -> memref<1x128x48xf32, #tpu.memory_space<hbm>>
      %dma_wait3A_143 = tpu.memref_squeeze %dma_wait3A_142 : memref<1x128x48xf32, #tpu.memory_space<hbm>> -> memref<128x48xf32, #tpu.memory_space<hbm>>
      %dma_wait3A_144 = arith.constant 0 : i32
      %dma_wait3A_145 = tpu.memref_slice %arg19[%add3A_131, %dma_wait3A_144] : memref<10240x48xf32, #tpu.memory_space<vmem_shared>> -> memref<128x48xf32, #tpu.memory_space<vmem_shared>>
      tpu.wait_dma2 semaphore(%run_scoped3A : memref<!tpu.dma_semaphore, #tpu.memory_space<semaphore_mem>>) src(%dma_wait3A_145 : memref<128x48xf32, #tpu.memory_space<vmem_shared>>) dst(%dma_wait3A_143 : memref<128x48xf32, #tpu.memory_space<hbm>>)
      tpu.yield
    }) : () -> ()
    %mul3A_132 = arith.constant 640 : i32
    %mul3A_133 = arith.muli %arg1, %mul3A_132 : i32
    %add3A_134 = arith.constant 512 : i32
    %add3A_135 = arith.addi %mul3A_133, %add3A_134 : i32
    "tpu.region"() ({
      %run_scoped3A = tpu.sem_alloc : memref<!tpu.dma_semaphore, #tpu.memory_space<semaphore_mem>>
      %dma_start3A_136 = arith.constant 0 : i32
      %dma_start3A_137 = tpu.memref_slice %arg6[%arg0, %add3A_135, %dma_start3A_136] : memref<2x10240x48xf32, #tpu.memory_space<hbm>> -> memref<1x128x48xf32, #tpu.memory_space<hbm>>
      %dma_start3A_138 = tpu.memref_squeeze %dma_start3A_137 : memref<1x128x48xf32, #tpu.memory_space<hbm>> -> memref<128x48xf32, #tpu.memory_space<hbm>>
      %dma_start3A_139 = arith.constant 0 : i32
      %dma_start3A_140 = tpu.memref_slice %arg19[%add3A_135, %dma_start3A_139] : memref<10240x48xf32, #tpu.memory_space<vmem_shared>> -> memref<128x48xf32, #tpu.memory_space<vmem_shared>>
      tpu.enqueue_dma source(%dma_start3A_140 : memref<128x48xf32, #tpu.memory_space<vmem_shared>>) target(%dma_start3A_138 : memref<128x48xf32, #tpu.memory_space<hbm>>) target_semaphore(%run_scoped3A : memref<!tpu.dma_semaphore, #tpu.memory_space<semaphore_mem>>)
      %dma_wait3A_141 = arith.constant 0 : i32
      %dma_wait3A_142 = tpu.memref_slice %arg6[%arg0, %add3A_135, %dma_wait3A_141] : memref<2x10240x48xf32, #tpu.memory_space<hbm>> -> memref<1x128x48xf32, #tpu.memory_space<hbm>>
      %dma_wait3A_143 = tpu.memref_squeeze %dma_wait3A_142 : memref<1x128x48xf32, #tpu.memory_space<hbm>> -> memref<128x48xf32, #tpu.memory_space<hbm>>
      %dma_wait3A_144 = arith.constant 0 : i32
      %dma_wait3A_145 = tpu.memref_slice %arg19[%add3A_135, %dma_wait3A_144] : memref<10240x48xf32, #tpu.memory_space<vmem_shared>> -> memref<128x48xf32, #tpu.memory_space<vmem_shared>>
      tpu.wait_dma2 semaphore(%run_scoped3A : memref<!tpu.dma_semaphore, #tpu.memory_space<semaphore_mem>>) src(%dma_wait3A_145 : memref<128x48xf32, #tpu.memory_space<vmem_shared>>) dst(%dma_wait3A_143 : memref<128x48xf32, #tpu.memory_space<hbm>>)
      tpu.yield
    }) : () -> ()
    return
  }
}

module attributes {stable_mosaic.version = 14 : i64} {
  func.func @_mm1_body(%arg0: i32, %arg1: memref<2000x128xf32, #tpu.memory_space<vmem>>, %arg2: memref<128x144xf32, #tpu.memory_space<vmem>>, %arg3: memref<128x16xf32, #tpu.memory_space<vmem>>, %arg4: memref<2000x144xf32, #tpu.memory_space<vmem>>, %arg5: memref<2000x16xf32, #tpu.memory_space<vmem>>) attributes {dimension_semantics = [#tpu.dimension_semantics<arbitrary>], iteration_bounds = array<i64: 5>, scalar_prefetch = 0 : i64, scratch_operands = 0 : i64, tpu.core_type = #tpu.core_type<tc>, window_params = [{transform_indices = @transform_0, window_bounds = array<i64: 2000, 128>}, {pipeline_mode = #tpu.pipeline_mode<synchronous>, transform_indices = @transform_1, window_bounds = array<i64: 128, 144>}, {pipeline_mode = #tpu.pipeline_mode<synchronous>, transform_indices = @transform_2, window_bounds = array<i64: 128, 16>}, {transform_indices = @transform_3, window_bounds = array<i64: 2000, 144>}, {transform_indices = @transform_4, window_bounds = array<i64: 2000, 16>}]} {
    %get3A = arith.constant 0 : index
    %get3A_0 = arith.constant 0 : index
    %get3A_1 = vector.load %arg1[%get3A, %get3A_0] : memref<2000x128xf32, #tpu.memory_space<vmem>>, vector<2000x128xf32>
    %get3A_2 = arith.constant 0 : index
    %get3A_3 = arith.constant 0 : index
    %get3A_4 = vector.load %arg2[%get3A_2, %get3A_3] : memref<128x144xf32, #tpu.memory_space<vmem>>, vector<128x144xf32>
    %dot_general3A = arith.constant dense<0.000000e+00> : vector<2000x144xf32>
    %dot_general3A_5 = tpu.matmul %get3A_1, %get3A_4, %dot_general3A {dimension_numbers = #tpu.dot_dimension_numbers<[1], [0], [0], [1], [0, 0, 1, 1], [], []>, transpose_lhs_hint = false} : vector<2000x128xf32>, vector<128x144xf32>, vector<2000x144xf32> -> vector<2000x144xf32>
    %swap3A = arith.constant 0 : index
    %swap3A_6 = arith.constant 0 : index
    %swap3A_7 = vector.load %arg4[%swap3A, %swap3A_6] : memref<2000x144xf32, #tpu.memory_space<vmem>>, vector<2000x144xf32>
    tpu.vector_store %arg4[%swap3A, %swap3A_6], %dot_general3A_5 {strides = array<i32>} : memref<2000x144xf32, #tpu.memory_space<vmem>>, vector<2000x144xf32>,
    %get3A_8 = arith.constant 0 : index
    %get3A_9 = arith.constant 0 : index
    %get3A_10 = vector.load %arg3[%get3A_8, %get3A_9] : memref<128x16xf32, #tpu.memory_space<vmem>>, vector<128x16xf32>
    %dot_general3A_11 = arith.constant dense<0.000000e+00> : vector<2000x16xf32>
    %dot_general3A_12 = tpu.matmul %get3A_1, %get3A_10, %dot_general3A_11 {dimension_numbers = #tpu.dot_dimension_numbers<[1], [0], [0], [1], [0, 0, 1, 1], [], []>, transpose_lhs_hint = false} : vector<2000x128xf32>, vector<128x16xf32>, vector<2000x16xf32> -> vector<2000x16xf32>
    %swap3A_13 = arith.constant 0 : index
    %swap3A_14 = arith.constant 0 : index
    %swap3A_15 = vector.load %arg5[%swap3A_13, %swap3A_14] : memref<2000x16xf32, #tpu.memory_space<vmem>>, vector<2000x16xf32>
    tpu.vector_store %arg5[%swap3A_13, %swap3A_14], %dot_general3A_12 {strides = array<i32>} : memref<2000x16xf32, #tpu.memory_space<vmem>>, vector<2000x16xf32>,
    return
  }
  func.func @transform_0(%arg0: i32) -> (i32, i32) {
    %c0_i32 = arith.constant 0 : i32
    %c0_i32_0 = arith.constant 0 : i32
    return %arg0, %c0_i32 : i32, i32
  }
  func.func @transform_1(%arg0: i32) -> (i32, i32) {
    %c0_i32 = arith.constant 0 : i32
    %c0_i32_0 = arith.constant 0 : i32
    %c0_i32_1 = arith.constant 0 : i32
    return %c0_i32, %c0_i32_0 : i32, i32
  }
  func.func @transform_2(%arg0: i32) -> (i32, i32) {
    %c0_i32 = arith.constant 0 : i32
    %c0_i32_0 = arith.constant 0 : i32
    %c0_i32_1 = arith.constant 0 : i32
    return %c0_i32, %c0_i32_0 : i32, i32
  }
  func.func @transform_3(%arg0: i32) -> (i32, i32) {
    %c0_i32 = arith.constant 0 : i32
    %c0_i32_0 = arith.constant 0 : i32
    return %arg0, %c0_i32 : i32, i32
  }
  func.func @transform_4(%arg0: i32) -> (i32, i32) {
    %c0_i32 = arith.constant 0 : i32
    %c0_i32_0 = arith.constant 0 : i32
    return %arg0, %c0_i32 : i32, i32
  }
}

module attributes {stable_mosaic.version = 14 : i64} {
  func.func @_merge1_body(%arg0: i32, %arg1: memref<2x2000x144xf32, #tpu.memory_space<vmem>>, %arg2: memref<8x128xf32, #tpu.memory_space<vmem>>, %arg3: memref<128x48xf32, #tpu.memory_space<vmem>>, %arg4: memref<128x16xf32, #tpu.memory_space<vmem>>, %arg5: memref<1x128xf32, #tpu.memory_space<vmem>>, %arg6: memref<2000x48xf32, #tpu.memory_space<vmem>>, %arg7: memref<2000x16xf32, #tpu.memory_space<vmem>>) attributes {dimension_semantics = [#tpu.dimension_semantics<arbitrary>], iteration_bounds = array<i64: 5>, scalar_prefetch = 0 : i64, scratch_operands = 0 : i64, tpu.core_type = #tpu.core_type<tc>, window_params = [{transform_indices = @transform_0, window_bounds = array<i64: 2, 2000, 144>}, {pipeline_mode = #tpu.pipeline_mode<synchronous>, transform_indices = @transform_1, window_bounds = array<i64: 8, 128>}, {pipeline_mode = #tpu.pipeline_mode<synchronous>, transform_indices = @transform_2, window_bounds = array<i64: 128, 48>}, {pipeline_mode = #tpu.pipeline_mode<synchronous>, transform_indices = @transform_3, window_bounds = array<i64: 128, 16>}, {pipeline_mode = #tpu.pipeline_mode<synchronous>, transform_indices = @transform_4, window_bounds = array<i64: 1, 128>}, {transform_indices = @transform_5, window_bounds = array<i64: 2000, 48>}, {transform_indices = @transform_6, window_bounds = array<i64: 2000, 16>}]} {
    %get3A = arith.constant 0 : index
    %get3A_0 = arith.constant 0 : index
    %get3A_1 = arith.constant 0 : index
    %get3A_2 = vector.load %arg1[%get3A, %get3A_0, %get3A_1] : memref<2x2000x144xf32, #tpu.memory_space<vmem>>, vector<2x2000x144xf32>
    %slice3A = vector.extract_strided_slice %get3A_2 {offsets = [0, 0, 0], sizes = [1, 2000, 144], strides = [1, 1, 1]} : vector<2x2000x144xf32> to vector<1x2000x144xf32>
    %squeeze3A = vector.shape_cast %slice3A : vector<1x2000x144xf32> to vector<2000x144xf32>
    %slice3A_3 = vector.extract_strided_slice %get3A_2 {offsets = [1, 0, 0], sizes = [1, 2000, 144], strides = [1, 1, 1]} : vector<2x2000x144xf32> to vector<1x2000x144xf32>
    %squeeze3A_4 = vector.shape_cast %slice3A_3 : vector<1x2000x144xf32> to vector<2000x144xf32>
    %add3A = arith.addf %squeeze3A, %squeeze3A_4 : vector<2000x144xf32>
    %slice3A_5 = vector.extract_strided_slice %add3A {offsets = [0, 0], sizes = [2000, 128], strides = [1, 1]} : vector<2000x144xf32> to vector<2000x128xf32>
    %slice3A_6 = vector.extract_strided_slice %add3A {offsets = [0, 128], sizes = [2000, 8], strides = [1, 1]} : vector<2000x144xf32> to vector<2000x8xf32>
    %get3A_7 = arith.constant 0 : index
    %get3A_8 = arith.constant 0 : index
    %get3A_9 = vector.load %arg2[%get3A_7, %get3A_8] : memref<8x128xf32, #tpu.memory_space<vmem>>, vector<8x128xf32>
    %dot_general3A = arith.constant dense<0.000000e+00> : vector<2000x128xf32>
    %dot_general3A_10 = tpu.matmul %slice3A_6, %get3A_9, %dot_general3A {dimension_numbers = #tpu.dot_dimension_numbers<[1], [0], [0], [1], [0, 0, 1, 1], [], []>, transpose_lhs_hint = false} : vector<2000x8xf32>, vector<8x128xf32>, vector<2000x128xf32> -> vector<2000x128xf32>
    %add3A_11 = arith.constant 1.000000e-16 : f32
    %add3A_12 = vector.broadcast %add3A_11 : f32 to vector<2000x128xf32>
    %add3A_13 = arith.addf %dot_general3A_10, %add3A_12 : vector<2000x128xf32>
    %div3A = arith.divf %slice3A_5, %add3A_13 : vector<2000x128xf32>
    %get3A_14 = arith.constant 0 : index
    %get3A_15 = arith.constant 0 : index
    %get3A_16 = vector.load %arg5[%get3A_14, %get3A_15] : memref<1x128xf32, #tpu.memory_space<vmem>>, vector<1x128xf32>
    %add3A_17 = vector.broadcast %get3A_16 : vector<1x128xf32> to vector<2000x128xf32>
    %add3A_18 = arith.addf %div3A, %add3A_17 : vector<2000x128xf32>
    %gt3A = arith.constant 0.000000e+00 : f32
    %gt3A_19 = vector.broadcast %gt3A : f32 to vector<2000x128xf32>
    %gt3A_20 = arith.cmpf ogt, %add3A_18, %gt3A_19 : vector<2000x128xf32>
    %exp3A = math.exp %add3A_18 : vector<2000x128xf32>
    %sub3A = arith.constant 1.000000e+00 : f32
    %sub3A_21 = vector.broadcast %sub3A : f32 to vector<2000x128xf32>
    %sub3A_22 = arith.subf %exp3A, %sub3A_21 : vector<2000x128xf32>
    %select_n3A = arith.select %gt3A_20, %add3A_18, %sub3A_22 : vector<2000x128xi1>, vector<2000x128xf32>
    %get3A_23 = arith.constant 0 : index
    %get3A_24 = arith.constant 0 : index
    %get3A_25 = vector.load %arg3[%get3A_23, %get3A_24] : memref<128x48xf32, #tpu.memory_space<vmem>>, vector<128x48xf32>
    %dot_general3A_26 = arith.constant dense<0.000000e+00> : vector<2000x48xf32>
    %dot_general3A_27 = tpu.matmul %select_n3A, %get3A_25, %dot_general3A_26 {dimension_numbers = #tpu.dot_dimension_numbers<[1], [0], [0], [1], [0, 0, 1, 1], [], []>, transpose_lhs_hint = false} : vector<2000x128xf32>, vector<128x48xf32>, vector<2000x48xf32> -> vector<2000x48xf32>
    %swap3A = arith.constant 0 : index
    %swap3A_28 = arith.constant 0 : index
    %swap3A_29 = vector.load %arg6[%swap3A, %swap3A_28] : memref<2000x48xf32, #tpu.memory_space<vmem>>, vector<2000x48xf32>
    tpu.vector_store %arg6[%swap3A, %swap3A_28], %dot_general3A_27 {strides = array<i32>} : memref<2000x48xf32, #tpu.memory_space<vmem>>, vector<2000x48xf32>,
    %get3A_30 = arith.constant 0 : index
    %get3A_31 = arith.constant 0 : index
    %get3A_32 = vector.load %arg4[%get3A_30, %get3A_31] : memref<128x16xf32, #tpu.memory_space<vmem>>, vector<128x16xf32>
    %dot_general3A_33 = arith.constant dense<0.000000e+00> : vector<2000x16xf32>
    %dot_general3A_34 = tpu.matmul %select_n3A, %get3A_32, %dot_general3A_33 {dimension_numbers = #tpu.dot_dimension_numbers<[1], [0], [0], [1], [0, 0, 1, 1], [], []>, transpose_lhs_hint = false} : vector<2000x128xf32>, vector<128x16xf32>, vector<2000x16xf32> -> vector<2000x16xf32>
    %swap3A_35 = arith.constant 0 : index
    %swap3A_36 = arith.constant 0 : index
    %swap3A_37 = vector.load %arg7[%swap3A_35, %swap3A_36] : memref<2000x16xf32, #tpu.memory_space<vmem>>, vector<2000x16xf32>
    tpu.vector_store %arg7[%swap3A_35, %swap3A_36], %dot_general3A_34 {strides = array<i32>} : memref<2000x16xf32, #tpu.memory_space<vmem>>, vector<2000x16xf32>,
    return
  }
  func.func @transform_0(%arg0: i32) -> (i32, i32, i32) {
    %c0_i32 = arith.constant 0 : i32
    %c0_i32_0 = arith.constant 0 : i32
    %c0_i32_1 = arith.constant 0 : i32
    return %c0_i32, %arg0, %c0_i32_0 : i32, i32, i32
  }
  func.func @transform_1(%arg0: i32) -> (i32, i32) {
    %c0_i32 = arith.constant 0 : i32
    %c0_i32_0 = arith.constant 0 : i32
    %c0_i32_1 = arith.constant 0 : i32
    return %c0_i32, %c0_i32_0 : i32, i32
  }
  func.func @transform_2(%arg0: i32) -> (i32, i32) {
    %c0_i32 = arith.constant 0 : i32
    %c0_i32_0 = arith.constant 0 : i32
    %c0_i32_1 = arith.constant 0 : i32
    return %c0_i32, %c0_i32_0 : i32, i32
  }
  func.func @transform_3(%arg0: i32) -> (i32, i32) {
    %c0_i32 = arith.constant 0 : i32
    %c0_i32_0 = arith.constant 0 : i32
    %c0_i32_1 = arith.constant 0 : i32
    return %c0_i32, %c0_i32_0 : i32, i32
  }
  func.func @transform_4(%arg0: i32) -> (i32, i32) {
    %c0_i32 = arith.constant 0 : i32
    %c0_i32_0 = arith.constant 0 : i32
    %c0_i32_1 = arith.constant 0 : i32
    return %c0_i32, %c0_i32_0 : i32, i32
  }
  func.func @transform_5(%arg0: i32) -> (i32, i32) {
    %c0_i32 = arith.constant 0 : i32
    %c0_i32_0 = arith.constant 0 : i32
    return %arg0, %c0_i32 : i32, i32
  }
  func.func @transform_6(%arg0: i32) -> (i32, i32) {
    %c0_i32 = arith.constant 0 : i32
    %c0_i32_0 = arith.constant 0 : i32
    return %arg0, %c0_i32 : i32, i32
  }
}

module attributes {stable_mosaic.version = 14 : i64} {
  func.func @_final_body(%arg0: i32, %arg1: memref<2x2000x48xf32, #tpu.memory_space<vmem>>, %arg2: memref<1x40xf32, #tpu.memory_space<vmem>>, %arg3: memref<2000x40xf32, #tpu.memory_space<vmem>>) attributes {dimension_semantics = [#tpu.dimension_semantics<arbitrary>], iteration_bounds = array<i64: 5>, scalar_prefetch = 0 : i64, scratch_operands = 0 : i64, tpu.core_type = #tpu.core_type<tc>, window_params = [{transform_indices = @transform_0, window_bounds = array<i64: 2, 2000, 48>}, {pipeline_mode = #tpu.pipeline_mode<synchronous>, transform_indices = @transform_1, window_bounds = array<i64: 1, 40>}, {transform_indices = @transform_2, window_bounds = array<i64: 2000, 40>}]} {
    %get3A = arith.constant 0 : index
    %get3A_0 = arith.constant 0 : index
    %get3A_1 = arith.constant 0 : index
    %get3A_2 = vector.load %arg1[%get3A, %get3A_0, %get3A_1] : memref<2x2000x48xf32, #tpu.memory_space<vmem>>, vector<2x2000x48xf32>
    %slice3A = vector.extract_strided_slice %get3A_2 {offsets = [0, 0, 0], sizes = [1, 2000, 48], strides = [1, 1, 1]} : vector<2x2000x48xf32> to vector<1x2000x48xf32>
    %squeeze3A = vector.shape_cast %slice3A : vector<1x2000x48xf32> to vector<2000x48xf32>
    %slice3A_3 = vector.extract_strided_slice %get3A_2 {offsets = [1, 0, 0], sizes = [1, 2000, 48], strides = [1, 1, 1]} : vector<2x2000x48xf32> to vector<1x2000x48xf32>
    %squeeze3A_4 = vector.shape_cast %slice3A_3 : vector<1x2000x48xf32> to vector<2000x48xf32>
    %add3A = arith.addf %squeeze3A, %squeeze3A_4 : vector<2000x48xf32>
    %slice3A_5 = vector.extract_strided_slice %add3A {offsets = [0, 0], sizes = [2000, 40], strides = [1, 1]} : vector<2000x48xf32> to vector<2000x40xf32>
    %slice3A_6 = vector.extract_strided_slice %add3A {offsets = [0, 40], sizes = [2000, 1], strides = [1, 1]} : vector<2000x48xf32> to vector<2000x1xf32>
    %add3A_7 = arith.constant 1.000000e-16 : f32
    %add3A_8 = vector.broadcast %add3A_7 : f32 to vector<2000x1xf32>
    %add3A_9 = arith.addf %slice3A_6, %add3A_8 : vector<2000x1xf32>
    %div3A = vector.broadcast %add3A_9 : vector<2000x1xf32> to vector<2000x40xf32>
    %div3A_10 = arith.divf %slice3A_5, %div3A : vector<2000x40xf32>
    %get3A_11 = arith.constant 0 : index
    %get3A_12 = arith.constant 0 : index
    %get3A_13 = vector.load %arg2[%get3A_11, %get3A_12] : memref<1x40xf32, #tpu.memory_space<vmem>>, vector<1x40xf32>
    %add3A_14 = vector.broadcast %get3A_13 : vector<1x40xf32> to vector<2000x40xf32>
    %add3A_15 = arith.addf %div3A_10, %add3A_14 : vector<2000x40xf32>
    %reduce_max3A = arith.constant dense<0xFF800000> : vector<2000xf32>
    %reduce_max3A_16 = vector.multi_reduction <maximumf>, %add3A_15, %reduce_max3A [1] : vector<2000x40xf32> to vector<2000xf32>
    %broadcast_in_dim3A = vector.shape_cast %reduce_max3A_16 : vector<2000xf32> to vector<2000x1xf32>
    %sub3A = vector.broadcast %broadcast_in_dim3A : vector<2000x1xf32> to vector<2000x40xf32>
    %sub3A_17 = arith.subf %add3A_15, %sub3A : vector<2000x40xf32>
    %exp3A = math.exp %sub3A_17 : vector<2000x40xf32>
    %reduce_sum3A = arith.constant dense<0.000000e+00> : vector<2000xf32>
    %reduce_sum3A_18 = vector.multi_reduction <add>, %exp3A, %reduce_sum3A [1] : vector<2000x40xf32> to vector<2000xf32>
    %broadcast_in_dim3A_19 = vector.shape_cast %reduce_sum3A_18 : vector<2000xf32> to vector<2000x1xf32>
    %log3A = math.log %broadcast_in_dim3A_19 : vector<2000x1xf32>
    %sub3A_20 = vector.broadcast %log3A : vector<2000x1xf32> to vector<2000x40xf32>
    %sub3A_21 = arith.subf %sub3A_17, %sub3A_20 : vector<2000x40xf32>
    %swap3A = arith.constant 0 : index
    %swap3A_22 = arith.constant 0 : index
    %swap3A_23 = vector.load %arg3[%swap3A, %swap3A_22] : memref<2000x40xf32, #tpu.memory_space<vmem>>, vector<2000x40xf32>
    tpu.vector_store %arg3[%swap3A, %swap3A_22], %sub3A_21 {strides = array<i32>} : memref<2000x40xf32, #tpu.memory_space<vmem>>, vector<2000x40xf32>,
    return
  }
  func.func @transform_0(%arg0: i32) -> (i32, i32, i32) {
    %c0_i32 = arith.constant 0 : i32
    %c0_i32_0 = arith.constant 0 : i32
    %c0_i32_1 = arith.constant 0 : i32
    return %c0_i32, %arg0, %c0_i32_0 : i32, i32, i32
  }
  func.func @transform_1(%arg0: i32) -> (i32, i32) {
    %c0_i32 = arith.constant 0 : i32
    %c0_i32_0 = arith.constant 0 : i32
    %c0_i32_1 = arith.constant 0 : i32
    return %c0_i32, %c0_i32_0 : i32, i32
  }
  func.func @transform_2(%arg0: i32) -> (i32, i32) {
    %c0_i32 = arith.constant 0 : i32
    %c0_i32_0 = arith.constant 0 : i32
    return %arg0, %c0_i32 : i32, i32
  }
}

</mosaic_0001>

<sc_bundles>
// kernel: kernel.10.cloned.1.call-start
scs
__scs_entry_jumppad:
0x0: {  	(pc) =	sbr.rel $0x88, $3  }
0x1: {  	(tag) =	ssettag $0x0;
	lr =	simm.s32 $0x1  }
0x2: {  	[smem:$0x3F97] =	sst lr;
	_ =	strace $0xD0000000  }
0x3: {  	_ = 	snop  }
0x4: {  	_ = 	snop  }
0x5: {  	_ = 	snop  }
0x6: {  	_ = 	snop  }
0x7: {  	_ = 	snop  }
__scs_overlays_trampoline_lowered:
0x8: {  	[smem:$0x3FA6] =	sst s0  }
0x9: {  	[smem:$0x3FA7] =	sst s1  }
0xa: {  	[smem:$0x3FA8] =	sst s2  }
0xb: {  	[smem:$0x3FA9] =	sst s3  }
0xc: {  	[smem:$0x3FAA] =	sst s4  }
0xd: {  	[smem:$0x3FAB] =	sst s5  }
0xe: {  	[smem:$0x3FAC] =	sst s6  }
0xf: {  	[smem:$0x3FAD] =	sst s7  }
0x10: {  	[smem:$0x3FAE] =	sst s8  }
0x11: {  	[smem:$0x3FAF] =	sst s9;
	s0 =	simm.s32 @!p0 $0x0  }
0x12: {  	s1 =	sld [smem:$0x3F95];
	s0 =	simm.s32 @p0 $0x1  }
0x13: {  	[smem:$0x3FB0] =	sst s0;
	s0 =	simm.s32 @!p1 $0x0  }
0x14: {  	s2 =	sld [smem:$0x3F94];
	s0 =	simm.s32 @p1 $0x1  }
0x15: {  	[smem:$0x3FB1] =	sst s0;
	s0 =	simm.s32 @!p2 $0x0  }
0x16: {  	s3 =	sld [smem:$0x3FDB];
	s0 =	simm.s32 @p2 $0x1  }
0x17: {  	s4 =	simm.s32 $0x1BF5;
	[smem:$0x3FB3] =	sst s0  }
0x18: {  	s0 =	sld [smem:$0x3F96];
	_ =	swait.ge [sflag:s4], $0x0  }
0x19: {  	s7 =	sld [smem:$0x3F97]  }
0x1a: {  	s8 =	sadd.s32 $0xFFFFE003, lr  }
0x1b: {  	s9 =	sadd.s32 $0xFFFFFEF7, lr;
	s5 =	simm.s32 $0xFFFFFFFF;
	p2 =	slt.u32 s8, $0xFFFFF086  }
0x1c: {  	p1 =	slt.u32 s9, $0xF7A;
	s5 =	simm.s32 @!p2 $0x0  }
0x1d: {  	s5 =	simm.s32 @p1 $0x1;
	p0 =	seq.s32 s7, s2  }
0x1e: {  	s7 =	smul.u32 @!p0 $0xF7A, s2;
	p2 =	seq.s32 @!p0 s5, $0x0  }
0x1f: {  	s9 =	smul.u32 $0xF7A, s1;
	s8 =	simm.s32 @!p0 $0x1BF5;
	p2 =	por !p2, p0  }
0x20: {  	[sflag:s8] =	ssyncset.s32 @!p0 $0xFFFFF086;
	s6 =	sadd.s32 @!p0 s3, s7;
	s7 =	simm.s32 @!p0 $0x108  }
0x21: {  	s3 =	sadd.s32 s3, s9;
	s6 =	sadd.s32 @!p0 $0x88, s6;
	s7 =	simm.s32 @p2 $0x1082  }
0x22: {  	[simem:s7], [sflag:s8] =	dma.local @!p0 [hbm:s6], $0xF7A  }
0x23: {  	s9 =	sor.u32 $0xD0000000, s2;
	s6 =	simm.s32 $0x108;
	_ =	swait.ge @!p0 [sflag:s8], $0x0  }
0x24: {  	s3 =	sadd.s32 $0x88, s3;
	s6 =	simm.s32 @!p1 $0x1082;
	[sflag:s4] =	ssyncset.s32 $0xFFFFF086  }
0x25: {  	[simem:s6], [sflag:s4] =	dma.local [hbm:s3], $0xF7A  }
0x26: {  	[smem:$0x3F97] =	sst s1;
	(tag) =	ssettag s2;
	_ =	strace s9  }
0x27: {  	s1 =	sld [smem:$0x3FA7]  }
0x28: {  	s2 =	sld [smem:$0x3FA8]  }
0x29: {  	s4 =	sld [smem:$0x3FAA]  }
0x2a: {  	p0 =	seq.s32 s5, $0x0;
	s5 =	sld [smem:$0x3FAB]  }
0x2b: {  	s6 =	sld [smem:$0x3FAC]  }
0x2c: {  	s7 =	sld [smem:$0x3FAD]  }
0x2d: {  	s3 =	simm.s32 $0x108;
	s8 =	sld [smem:$0x3FAE]  }
0x2e: {  	s3 =	simm.s32 @!p0 $0x1082;
	s9 =	sld [smem:$0x3FAF]  }
0x2f: {  	lr =	sadd.s32 s0, s3;
	s0 =	sld [smem:$0x3FA6]  }
0x30: {  	s3 =	sld [smem:$0x3FA9]  }
0x31: {  	[smem:$0x3FB2] =	sst s10  }
0x32: {  	s10 =	sld [smem:$0x3FB0];
	_ =	sdelay $0x3  }
0x33: {  	p0 =	seq.s32 s10, $0x1;
	s10 =	sld [smem:$0x3FB2];
	_ =	sdelay $0x3  }
0x34: {  	[smem:$0x3FB2] =	sst s10  }
0x35: {  	s10 =	sld [smem:$0x3FB1];
	_ =	sdelay $0x3  }
0x36: {  	p1 =	seq.s32 s10, $0x1;
	s10 =	sld [smem:$0x3FB2];
	_ =	sdelay $0x3  }
0x37: {  	[smem:$0x3FB2] =	sst s10  }
0x38: {  	s10 =	sld [smem:$0x3FB3]  }
0x39: {  	_ = 	snop;
	(pc) =	sbr.ind lr, $3  }
0x3a: {  	_ = 	snop  }
0x3b: {  	_ = 	snop  }
0x3c: {  	p2 =	seq.s32 s10, $0x1;
	s10 =	sld [smem:$0x3FB2]  }
0x3d: {  	_ =	shalt  }
0x3e: {  	_ =	shalt  }
0x3f: {  	_ =	shalt  }
0x40: {  	_ =	shalt  }
0x41: {  	_ =	shalt  }
0x42: {  	_ =	shalt  }
0x43: {  	_ =	shalt  }
0x44: {  	_ =	shalt  }
0x45: {  	_ =	shalt  }
0x46: {  	_ =	shalt  }
0x47: {  	_ =	shalt  }
0x48: {  	_ =	shalt  }
0x49: {  	_ =	shalt  }
0x4a: {  	_ =	shalt  }
0x4b: {  	_ =	shalt  }
0x4c: {  	_ =	shalt  }
0x4d: {  	_ =	shalt  }
0x4e: {  	_ =	shalt  }
0x4f: {  	_ =	shalt  }
0x50: {  	_ =	shalt  }
0x51: {  	_ =	shalt  }
0x52: {  	_ =	shalt  }
0x53: {  	_ =	shalt  }
0x54: {  	_ =	shalt  }
0x55: {  	_ =	shalt  }
0x56: {  	_ =	shalt  }
0x57: {  	_ =	shalt  }
0x58: {  	_ =	shalt  }
0x59: {  	_ =	shalt  }
0x5a: {  	_ =	shalt  }
0x5b: {  	_ =	shalt  }
0x5c: {  	_ =	shalt  }
0x5d: {  	_ =	shalt  }
0x5e: {  	_ =	shalt  }
0x5f: {  	_ =	shalt  }
0x60: {  	_ =	shalt  }
0x61: {  	_ =	shalt  }
0x62: {  	_ =	shalt  }
0x63: {  	_ =	shalt  }
0x64: {  	_ =	shalt  }
0x65: {  	_ =	shalt  }
0x66: {  	_ =	shalt  }
0x67: {  	_ =	shalt  }
0x68: {  	_ =	shalt  }
0x69: {  	_ =	shalt  }
0x6a: {  	_ =	shalt  }
0x6b: {  	_ =	shalt  }
0x6c: {  	_ =	shalt  }
0x6d: {  	_ =	shalt  }
0x6e: {  	_ =	shalt  }
0x6f: {  	_ =	shalt  }
0x70: {  	_ =	shalt  }
0x71: {  	_ =	shalt  }
0x72: {  	_ =	shalt  }
0x73: {  	_ =	shalt  }
0x74: {  	_ =	shalt  }
0x75: {  	_ =	shalt  }
0x76: {  	_ =	shalt  }
0x77: {  	_ =	shalt  }
0x78: {  	_ =	shalt  }
0x79: {  	_ =	shalt  }
0x7a: {  	_ =	shalt  }
0x7b: {  	_ =	shalt  }
0x7c: {  	_ =	shalt  }
0x7d: {  	_ =	shalt  }
0x7e: {  	_ =	shalt  }
0x7f: {  	_ =	shalt  }
0x80: {  	_ =	shalt  }
0x81: {  	_ =	shalt  }
0x82: {  	_ =	shalt  }
0x83: {  	_ =	shalt  }
0x84: {  	_ =	shalt  }
0x85: {  	_ =	shalt  }
0x86: {  	_ =	shalt  }
0x87: {  	_ =	shalt  }
.Lfunc_end0:
.L_simem_size_0:
called_computation.1_lowered:
.L_overlay_start_0:
0x88: {  	s2 =	sld [smem:$0x3FD9]  }
0x89: {  	s3 =	sld [smem:$0x3FFE];
	_ =	sdelay $0x1  }
0x8a: {  	s1 =	srdreg.scid  }
0x8b: {  	s0 =	sand.u32 $0x1, s1  }
0x8c: {  	s17 =	sshll.u32 s0, $0xA;
	s2 =	sadd.s32 s3, s2  }
0x8d: {  	s2 =	sadd.s32 s2, s17  }
0x8e: {  	[smem:$0x3FBE] =	sst s2  }
0x8f: {  	_ = 	snop  }
0x90: {  	s2 =	sld [smem:$0x3FD0];
	(tm) =	ssettm $0x1  }
0x91: {  	s18 =	sld [smem:$0x3FFB];
	_ =	sdelay $0x3  }
0x92: {  	_ =	strace s18  }
0x93: {  	s3 =	sld [smem:$0x3FFC];
	_ =	sdelay $0x3  }
0x94: {  	_ =	strace s3  }
0x95: {  	s3 =	sld [smem:$0x3FFD];
	_ =	sdelay $0x3  }
0x96: {  	_ =	strace s3  }
0x97: {  	_ =	strace $0x8FFFFFFF  }
0x98: {  	s19 =	sld [smem:$0x3FDB];
	_ =	sdelay $0x1  }
0x99: {  	s4 =	simm.s32 $_scs_section_size  }
0x9a: {  	s5 =	simm.s32 $_size__tile_overlayer_lowered;
	s6 =	simm.s32 $_tile_overlayer_lowered  }
0x9b: {  	s22 =	simm.s32 $0x1BFF;
	s21 =	sshll.u32 s6, $0x1;
	s3 =	sadd.s32 s4, s19  }
0x9c: {  	s7 =	simm.s32 $0x0;
	s20 =	sshll.u32 s5, $0x1;
	s5 =	sadd.s32 s21, s3  }
0x9d: {  	[timem:s7], [sflag:s22] =	dma.local [hbm:s5], s20  }
0x9e: {  	_ =	swait.ge [sflag:s22], s20  }
0x9f: {  	s4 =	ssub.s32 $0x0, s20;
	[sflag:s22] =	ssyncset.done $0x0  }
0xa0: {  	[sflag:s22] =	ssyncadd.s32 s4;
	_ =	sdelay $0x1  }
0xa1: {  	s23 =	simm.s32 $0x1B8B  }
0xa2: {  	_ =	swait.ge [sflag:s23], $0x1  }
0xa3: {  	[sflag:s23] =	ssyncset.done $0x0  }
0xa4: {  	s25 =	simm.s32 $0x1B8E;
	s24 =	sld [smem:$0x3FFE];
	[sflag:s23] =	ssyncadd.s32 $0xFFFFFFFF  }
0xa5: {  	s26 =	simm.s32 $execute0_lowered;
	[smem:$0x3FD2] =	sst s25  }
0xa6: {  	s5 =	sshll.u32 s26, $0x1;
	_ =	strace $0x80000049;
	[dreg:$0x1] =	wrdreg $0xFFFFFFFF  }
0xa7: {  	s28 =	simm.s32 $_size_execute0_lowered;
	s3 =	sadd.s32 s3, s5;
	[dreg:$0x0] =	wrdreg $0x0  }
0xa8: {  	s5 =	sshll.u32 s28, $0x1;
	[dreg:$0x2] =	wrdreg s3  }
0xa9: {  	[dreg:$0x3] =	wrdreg s5  }
0xaa: {  	[dreg:$0x4] =	wrdreg $0xC0  }
0xab: {  	_ =	task [dreg:s7], $0x5FFFF  }
0xac: {  	[dreg:$0x1] =	wrdreg $0xFFFFFFFF  }
0xad: {  	[dreg:$0x0] =	wrdreg $0x60  }
0xae: {  	[dreg:$0x2] =	wrdreg s24  }
0xaf: {  	[dreg:$0x3] =	wrdreg s2  }
0xb0: {  	[dreg:$0x4] =	wrdreg $0x43200  }
0xb1: {  	[dreg:$0x5] =	wrdreg $0x9  }
0xb2: {  	_ =	task.clear_ibuf [dreg:s7], $0x6FFFF;
	_ =	strace $0x90000049  }
0xb3: {  	s29 =	simm.s32 $0x9;
	_ =	strace $0x8000004B  }
0xb4: {  	_ =	swait.ge [sflag:s29], $0x1  }
0xb5: {  	[sflag:s29] =	ssyncadd.s32 $0xFFFFFFFF  }
0xb6: {  	_ =	strace $0x9000004B  }
0xb7: {  	_ =	sfence  }
0xb8: {  	s30 =	sld [smem:$0x0];
	_ =	sdelay $0x2  }
0xb9: {  	s31 =	sshll.u32 s1, $0xD;
	s1 =	sshrl.u32 s1, $0x2  }
0xba: {  	s3 =	sand.u32 $0x4000, s31;
	s1 =	sadd.s32 s1, s30  }
0xbb: {  	s0 =	sor.u32 s3, s0;
	s1 =	sshll.u32 s1, $0x11  }
0xbc: {  	s0 =	sor.u32 s1, s0  }
0xbd: {  	s0 =	sadd.s32 $0x8F2B, s0  }
0xbe: {  	[sflag:s0] =	ssyncadd.remote.s32 $0x1  }
0xbf: {  	_ =	sfence.sel $0xFFFF  }
0xc0: {  	[dreg:$0x0] =	wrdreg $0xFFFFFFFF;
	(pc) =	sbr.abs _section_cstart, $3  }
0xc1: {  	[dreg:$0x1] =	wrdreg $0xFFFFFFFF  }
0xc2: {  	_ =	task.clear_ibuf [dreg:s7], $0x2FFFF;
	_ =	strace $0x9FFFFFFF  }
0xc3: {  	(tm) =	ssettm $0x7FFFFFFF  }
tec
execute0_lowered:
.L_overlay_start_1:
0x0: {  	(tag) =	ssettag $0x1  }
0x1: {  	s0 =	rddreg [dreg:$0x0]  }
0x2: {  	s1 =	rddreg [dreg:$0x1]  }
0x3: {  	s2 =	rddreg [dreg:$0x2]  }
0x4: {  	s3 =	simm.s32 $0x0;
	s14 =	srdreg.scid;
	s12 =	stileid.u32  }
0x5: {  	s28 =	simm.s32 $0x1900;
	s29 =	simm.s32 $0x10;
	s30 =	simm.s32 $0x0  }
0x6: {  	[smem:$0x7FF] =	sst s3;
	s5 =	sadd.s32 $0x1600, s0;
	s3 =	sand.u32 $0x1, s14  }
0x7: {  	s6 =	sadd.s32 $0x10200, s0;
	s8 =	smul.u32 $0x1E000, s12;
	s7 =	sadd.s32 $0x32600, s0  }
0x8: {  	s0 =	sadd.s32 $0x3C400, s0;
	s11 =	smul.u32 $0x7800, s12;
	_ =	strace $0x8000004A  }
0x9: {  	s4 =	ssub.s32 $0x2, s3;
	s10 =	sshll.u32 s3, $0x4;
	s3 =	smul.u32 $0x78000, s3  }
0xa: {  	s9 =	sshrl.u32 s4, $0x1;
	s8 =	sshrl.u32 s8, $0x2;
	s15 =	sor.u32 s12, s10  }
0xb: {  	s12 =	sadd.s32 $0x1800, s11;
	s21 =	sadd.s32 $0x3000, s11;
	s4 =	ssub.s32 s4, s9  }
0xc: {  	s10 =	sadd.s32 s8, s2;
	s8 =	sadd.s32 s11, s2;
	s19 =	sadd.s32 s11, s3  }
0xd: {  	s14 =	sadd.s32 s3, s12;
	s9 =	smul.u32 $0x2710, s15;
	s22 =	sadd.s32 s3, s21  }
0xe: {  	s15 =	sadd.s32 $0x4800, s11;
	s11 =	sadd.s32 $0x6000, s11;
	s16 =	sadd.s32 $0xF00, s10  }
0xf: {  	s17 =	sadd.s32 $0x1E00, s10;
	s18 =	sadd.s32 $0x2D00, s10;
	[dreg:$0x4] =	wrdreg s16  }
0x10: {  	s13 =	sadd.s32 $0x3C00, s10;
	s14 =	sshrl.u32 s14, $0x3;
	[dreg:$0x5] =	wrdreg s17  }
0x11: {  	s25 =	sadd.s32 $0x4B00, s10;
	s26 =	sadd.s32 $0x5A00, s10;
	[dreg:$0x6] =	wrdreg s18  }
0x12: {  	s10 =	sadd.s32 $0x6900, s10;
	s4 =	smax.u32 s4, $0x1;
	[dreg:$0x7] =	wrdreg s13  }
0x13: {  	s13 =	sshrl.u32 s19, $0x3;
	s20 =	sadd.s32 s0, s14;
	[dreg:$0xd] =	wrdreg s25  }
0x14: {  	s14 =	sshrl.u32 s22, $0x3;
	s16 =	sadd.s32 s3, s15;
	[dreg:$0xe] =	wrdreg s26  }
0x15: {  	s3 =	sadd.s32 s3, s11;
	s24 =	sshrl.u32 s9, $0x3;
	[dreg:$0xf] =	wrdreg s10  }
0x16: {  	s25 =	sadd.s32 $0x100, s9;
	s26 =	sadd.s32 $0x180, s9;
	s19 =	sadd.s32 s12, s2  }
0x17: {  	s22 =	sadd.s32 s11, s2;
	[dreg:$0x16] =	wrdreg s4;
	s9 =	simm.s32 $0x100  }
0x18: {  	s10 =	simm.s32 $0x7;
	s11 =	simm.s32 $0x80;
	s12 =	simm.s32 $0x1  }
0x19: {  	s13 =	sadd.s32 s0, s13;
	[dreg:$0x9] =	wrdreg s20;
	s14 =	sadd.s32 s0, s14  }
0x1a: {  	s23 =	sshrl.u32 s16, $0x3;
	s3 =	sshrl.u32 s3, $0x3;
	[dreg:$0x8] =	wrdreg s13  }
0x1b: {  	s31 =	sadd.s32 $0x10, s24;
	s16 =	sadd.s32 s7, s24;
	[dreg:$0xa] =	wrdreg s14  }
0x1c: {  	s17 =	sadd.s32 s1, s24;
	s20 =	sadd.s32 s21, s2;
	[dreg:$0x12] =	wrdreg s16  }
0x1d: {  	s21 =	sadd.s32 s15, s2;
	s14 =	sadd.s32 s0, s23;
	[dreg:$0x13] =	wrdreg s17  }
0x1e: {  	s15 =	simm.s32 $0x2200;
	s0 =	sadd.s32 s0, s3;
	[dreg:$0xb] =	wrdreg s14  }
0x1f: {  	s3 =	sadd.s32 s1, s31;
	s23 =	sshrl.u32 s20, $0x3;
	[dreg:$0xc] =	wrdreg s0  }
0x20: {  	s16 =	simm.s32 $0x2;
	s17 =	simm.s32 $0x4;
	[dreg:$0x11] =	wrdreg s3  }
0x21: {  	s20 =	simm.s32 $0x2100;
	s14 =	sadd.s32 s7, s31;
	[dreg:$0x18] =	wrdreg s23  }
0x22: {  	s0 =	sadd.s32 $0x4E0, s24;
	s24 =	sshrl.u32 s21, $0x3;
	[dreg:$0x10] =	wrdreg s14  }
0x23: {  	s31 =	sshrl.u32 s22, $0x3;
	s21 =	simm.s32 $0x5;
	[dreg:$0x19] =	wrdreg s24  }
0x24: {  	s22 =	simm.s32 $0x3;
	s18 =	sadd.s32 s7, s0;
	[dreg:$0x1a] =	wrdreg s31  }
0x25: {  	s23 =	simm.s32 $0x4280;
	s0 =	sadd.s32 s1, s0;
	[dreg:$0x14] =	wrdreg s18  }
0x26: {  	s14 =	simm.s32 $0x2180;
	[dreg:$0x15] =	wrdreg s0;
	s0 =	sshrl.u32 s19, $0x3  }
0x27: {  	v0 =	vimm.f32 $0.0e+00;
	vm0 =	vcmask $0x1F24;
	s18 =	simm.s32 $0x2280;
	s19 =	simm.s32 $0x3A80;
	[dreg:$0x17] =	wrdreg s0  }
.LBB2_1:
0x28: {  	s0 =	simm.s32 $0xC0;
	s3 =	simm.s32 $0x0  }
.LBB2_2:
0x29: {  	p0 =	sne.s32 s0, $0x3B40;
	[tilespmem:s3+$0x120] =	vst v0;
	s4 =	smov.u32 s0;
	s0 =	sadd.s32 $0xC0, s0  }
.Ltmp0:
0x2a: {  	[tilespmem:s3+$0x100] =	vst v0;
	(pc) =	sbr.rel @p0 .LBB2_2-.Ltmp0, $2  }
0x2b: {  	[tilespmem:s3+$0x110] =	vst v0;
	_ =	sdelay $0x2  }
0x2c: {  	s3 =	sshra.s32 s4, $0x2  }
0x2d: {  	[tilespmem:s3+$0x120] =	vst v0  }
0x2e: {  	[tilespmem:s3+$0x100] =	vst v0  }
0x2f: {  	[tilespmem:s3+$0x110] =	vst v0  }
0x30: {  	[spmem:s8] =	stream.linear.scatter [tilespmem:s9], [sflag:$0x7], $0xF00, $0x38;
	[tilespmem:$0xBB20] =	vst v63  }
0x31: {  	_ =	swait.ge [sflag:s10], $0xF00  }
0x32: {  	[sflag:s10] =	ssyncset.done $0x0  }
0x33: {  	s0 =	rddreg [dreg:$0x4];
	[sflag:s10] =	ssyncadd.s32 $0xFFFFF100  }
0x34: {  	[spmem:s0] =	stream.linear.scatter [tilespmem:s9], [sflag:$0x7], $0xF00, $0x38;
	[tilespmem:$0xBB20] =	vst v63  }
0x35: {  	_ =	swait.ge [sflag:s10], $0xF00  }
0x36: {  	[sflag:s10] =	ssyncset.done $0x0  }
0x37: {  	s24 =	rddreg [dreg:$0x5];
	[sflag:s10] =	ssyncadd.s32 $0xFFFFF100  }
0x38: {  	[spmem:s24] =	stream.linear.scatter [tilespmem:s9], [sflag:$0x7], $0xF00, $0x38;
	[tilespmem:$0xBB20] =	vst v63  }
0x39: {  	_ =	swait.ge [sflag:s10], $0xF00  }
0x3a: {  	[sflag:s10] =	ssyncset.done $0x0  }
0x3b: {  	s3 =	rddreg [dreg:$0x6];
	[sflag:s10] =	ssyncadd.s32 $0xFFFFF100  }
0x3c: {  	[spmem:s3] =	stream.linear.scatter [tilespmem:s9], [sflag:$0x7], $0xF00, $0x38;
	[tilespmem:$0xBB20] =	vst v63  }
0x3d: {  	_ =	swait.ge [sflag:s10], $0xF00  }
0x3e: {  	[sflag:s10] =	ssyncset.done $0x0  }
0x3f: {  	s4 =	rddreg [dreg:$0x7];
	[sflag:s10] =	ssyncadd.s32 $0xFFFFF100  }
0x40: {  	[spmem:s4] =	stream.linear.scatter [tilespmem:s9], [sflag:$0x7], $0xF00, $0x38;
	[tilespmem:$0xBB20] =	vst v63  }
0x41: {  	_ =	swait.ge [sflag:s10], $0xF00  }
0x42: {  	[sflag:s10] =	ssyncset.done $0x0  }
0x43: {  	s13 =	rddreg [dreg:$0xd];
	[sflag:s10] =	ssyncadd.s32 $0xFFFFF100  }
0x44: {  	[spmem:s13] =	stream.linear.scatter [tilespmem:s9], [sflag:$0x7], $0xF00, $0x38;
	[tilespmem:$0xBB20] =	vst v63  }
0x45: {  	_ =	swait.ge [sflag:s10], $0xF00  }
0x46: {  	[sflag:s10] =	ssyncset.done $0x0  }
0x47: {  	s24 =	rddreg [dreg:$0xe];
	[sflag:s10] =	ssyncadd.s32 $0xFFFFF100  }
0x48: {  	[spmem:s24] =	stream.linear.scatter [tilespmem:s9], [sflag:$0x7], $0xF00, $0x38;
	[tilespmem:$0xBB20] =	vst v63  }
0x49: {  	_ =	swait.ge [sflag:s10], $0xF00  }
0x4a: {  	[sflag:s10] =	ssyncset.done $0x0  }
0x4b: {  	s3 =	rddreg [dreg:$0xf];
	[sflag:s10] =	ssyncadd.s32 $0xFFFFF100  }
0x4c: {  	[spmem:s3] =	stream.linear.scatter [tilespmem:s9], [sflag:$0x7], $0xF00, $0x38;
	[tilespmem:$0xBB20] =	vst v63  }
0x4d: {  	_ =	swait.ge [sflag:s10], $0xF00  }
0x4e: {  	[sflag:s10] =	ssyncset.done $0x0  }
0x4f: {  	[sflag:s10] =	ssyncadd.s32 $0xFFFFF100  }
0x50: {  	[bflag:$0x0] =	sbarrier.arrive $0xFFFF  }
0x51: {  	s31 =	simm.s32 $0x0;
	s4 =	rddreg [dreg:$0x12]  }
0x52: {  	[tilespmem:s31], [sflag:$0x1] =	stream.linear.gather [hbm4b:s4+s31], $0x80, $0x38;
	[tilespmem:$0xBB20] =	vst v63  }
0x53: {  	s13 =	rddreg [dreg:$0x13]  }
0x54: {  	[tilespmem:s11], [sflag:$0x1] =	stream.linear.gather [hbm4b:s13+s31], $0x80, $0x38;
	[tilespmem:$0xBB20] =	vst v63  }
0x55: {  	_ =	swait.ge [sflag:s12], $0x80  }
0x56: {  	[sflag:s12] =	ssyncset.done $0x0  }
0x57: {  	[sflag:s12] =	ssyncadd.s32 $0xFFFFFF80  }
0x58: {  	_ =	swait.ge [sflag:s12], $0x80  }
0x59: {  	[sflag:s12] =	ssyncset.done $0x0  }
0x5a: {  	[sflag:s12] =	ssyncadd.s32 $0xFFFFFF80  }
0x5b: {  	[tilespmem:s9], [sflag:$0x2] =	stream.indirect.gather [hbm4b:s5+s11], $0x30, s31, s11, $0xb8;
	[tilespmem:$0xBB20] =	vst v63  }
0x5c: {  	_ = 	snop  }
0x5d: {  	[tilespmem:s28], [sflag:$0x2] =	stream.indirect.gather [hbm4b:s6+s11], $0x10, s11, s11, $0xb8;
	[tilespmem:$0xBB20] =	vst v63  }
0x5e: {  	s24 =	rddreg [dreg:$0x10]  }
0x5f: {  	[tilespmem:s14], [sflag:$0x4] =	stream.linear.gather [hbm4b:s24+s31], $0x80, $0x38;
	[tilespmem:$0xBB20] =	vst v63  }
0x60: {  	s28 =	rddreg [dreg:$0x11]  }
0x61: {  	[tilespmem:s15], [sflag:$0x4] =	stream.linear.gather [hbm4b:s28+s31], $0x80, $0x38;
	[tilespmem:$0xBB20] =	vst v63  }
.LBB2_4:
0x62: {  	_ =	swait.ge [sflag:s16], $0x1800  }
0x63: {  	[sflag:s16] =	ssyncset.done $0x0  }
0x64: {  	[sflag:s16] =	ssyncadd.s32 $0xFFFFE800  }
0x65: {  	_ =	swait.ge [sflag:s16], $0x800  }
0x66: {  	[sflag:s16] =	ssyncset.done $0x0  }
0x67: {  	[sflag:s16] =	ssyncadd.s32 $0xFFFFF800  }
0x68: {  	v1 =	vld [tilespmem:$0x80]  }
0x69: {  	v2 =	vld [tilespmem:$0x90]  }
0x6a: {  	v3 =	vld [tilespmem:$0xA0]  }
0x6b: {  	v4 =	vld [tilespmem:$0xB0]  }
0x6c: {  	v5 =	vld [tilespmem:$0xC0]  }
0x6d: {  	[tilespmem:$0x2100] =	vst v1;
	v1 =	vld [tilespmem:$0xD0]  }
0x6e: {  	[tilespmem:$0x2110] =	vst v2;
	v2 =	vld [tilespmem:$0xE0]  }
0x6f: {  	[tilespmem:$0x2120] =	vst v3;
	v3 =	vld [tilespmem:$0xF0]  }
0x70: {  	[tilespmem:$0x2130] =	vst v4  }
0x71: {  	[tilespmem:$0x2140] =	vst v5  }
0x72: {  	[tilespmem:$0x2150] =	vst v1  }
0x73: {  	p0 =	seq.s32 s31, $0x0;
	[tilespmem:$0x2160] =	vst v2  }
0x74: {  	s0 =	simm.s32 @!p0 $0x6;
	[tilespmem:$0x2170] =	vst v3  }
0x75: {  	_ =	swait.ge @!p0 [sflag:s0], $0x1800  }
0x76: {  	[sflag:s0] =	ssyncset.done @!p0 $0x0  }
0x77: {  	[sflag:s0] =	ssyncadd.s32 @!p0 $0xFFFFE800  }
0x78: {  	_ =	swait.ge [sflag:s17], $0x80  }
0x79: {  	[sflag:s17] =	ssyncset.done $0x0  }
0x7a: {  	[sflag:s17] =	ssyncadd.s32 $0xFFFFFF80  }
0x7b: {  	_ =	swait.ge [sflag:s17], $0x80  }
0x7c: {  	s0 =	sshll.u32 s31, $0x8;
	p0 =	seq.s32 s31, $0x26;
	[sflag:s17] =	ssyncset.done $0x0  }
0x7d: {  	s3 =	sadd.s32 @!p0 s0, s25;
	[sflag:s17] =	ssyncadd.s32 $0xFFFFFF80  }
0x7e: {  	[tilespmem:s18], [sflag:$0x5] =	stream.indirect.gather [hbm4b:s5+s11], $0x30, s14, s11, $0xb8;
	[tilespmem:$0xBB20] =	vst v63  }
0x7f: {  	s3 =	sshrl.u32 @!p0 s3, $0x3  }
0x80: {  	[tilespmem:s19], [sflag:$0x5] =	stream.indirect.gather [hbm4b:s6+s11], $0x10, s15, s11, $0xb8;
	[tilespmem:$0xBB20] =	vst v63  }
0x81: {  	s13 =	simm.s32 @!p0 $0x0;
	s4 =	sadd.s32 @!p0 s7, s3  }
0x82: {  	[tilespmem:s13], [sflag:$0x1] =	stream.linear.gather @!p0 [hbm4b:s4+s13], $0x80, $0x38;
	[tilespmem:$0xBB20] =	vst v63  }
0x83: {  	s3 =	sadd.s32 @!p0 s1, s3;
	s4 =	simm.s32 @!p0 $0x80  }
0x84: {  	[tilespmem:s4], [sflag:$0x1] =	stream.linear.gather @!p0 [hbm4b:s3+s13], $0x80, $0x38;
	[tilespmem:$0xBB20] =	vst v63  }
0x85: {  	s4 =	simm.s32 $0x160  }
0x86: {  	s24 =	simm.s32 $0x1920;
	v9 =	vld [tilespmem:s4+$0x50]  }
0x87: {  	v3 =	vld [tilespmem:s24+$0x10]  }
0x88: {  	v7 =	vld [tilespmem:s24+$0xFFFFFFE0]  }
0x89: {  	v2 =	vld [tilespmem:s4+$0xFFFFFFF0]  }
0x8a: {  	v8 =	vld [tilespmem:s24+$0xFFFFFFF0]  }
0x8b: {  	v1 =	vld [tilespmem:s4+$0x20]  }
0x8c: {  	v10 =	vld [tilespmem:s24+$0x0]  }
0x8d: {  	v5 =	vld [tilespmem:s4+$0xFFFFFFC0];
	v3 =	vadd.f32 v3, v9  }
0x8e: {  	v4 =	vld [tilespmem:s4+$0xFFFFFFA0]  }
0x8f: {  	v6 =	vld [tilespmem:s4+$0xFFFFFFB0];
	v11 =	vmul.f32 $2.000000030e-01, v3  }
0x90: {  	v16 =	vld [tilespmem:s4+$0xFFFFFFD0];
	vm1 =	vgt.f32 v3, $0.0e+00  }
0x91: {  	v14 =	vld [tilespmem:s4+$0xFFFFFFE0];
	v3 =	vsel vm1, v3, v11  }
0x92: {  	v15 =	vld [tilespmem:s4+$0x0];
	v8 =	vadd.f32 v8, v2;
	v3 =	vmul.f32 $1.442695020e+00, v3  }
0x93: {  	s13 =	simm.s32 $0x1960;
	v17 =	vld [tilespmem:s4+$0x30];
	v10 =	vadd.f32 v10, v1  }
0x94: {  	v19 =	vld [tilespmem:s13+$0x10];
	(erf) = vpow2.f32 v3;
	v3 =	vadd.f32 v7, v5;
	v7 =	vmul.f32 $2.000000030e-01, v8  }
0x95: {  	s3 =	simm.s32 $0x220;
	v21 =	vld [tilespmem:s13+$0xFFFFFFF0];
	vm1 =	vgt.f32 v8, $0.0e+00;
	v11 =	vmul.f32 $2.000000030e-01, v10  }
0x96: {  	vm2 =	vgt.f32 v10, $0.0e+00;
	v12 =	vmul.f32 $2.000000030e-01, v3;
	v8 =	vsel vm1, v8, v7;
	v7 =	vld [tilespmem:s3+$0x50]  }
0x97: {  	v10 =	vsel vm2, v10, v11;
	v11 =	vld [tilespmem:s3+$0xFFFFFFF0];
	vm1 =	vgt.f32 v3, $0.0e+00;
	v8 =	vmul.f32 $1.442695020e+00, v8  }
0x98: {  	v20 =	vld [tilespmem:s13+$0xFFFFFFE0];
	v10 =	vmul.f32 $1.442695020e+00, v10;
	v3 =	vsel vm1, v3, v12  }
0x99: {  	v12 =	vld [tilespmem:s3+$0xFFFFFFC0];
	v3 =	vmul.f32 $1.442695020e+00, v3;
	(erf) = vpow2.f32 v8  }
0x9a: {  	v18 =	vld [tilespmem:s4+$0x40];
	(erf) = vpow2.f32 v10  }
0x9b: {  	v22 =	vld [tilespmem:s13+$0x0];
	(erf) = vpow2.f32 v3;
	v19 =	vadd.f32 v19, v7  }
0x9c: {  	v27 =	vadd.f32 v21, v11;
	v3 =	vld [tilespmem:s3+$0x20]  }
0x9d: {  	v13 =	vld [tilespmem:s4+$0x10];
	v23 =	vpop (erf);
	v25 =	vmul.f32 $2.000000030e-01, v19;
	vm1 =	vgt.f32 v19, $0.0e+00  }
0x9e: {  	v8 =	vld [tilespmem:s3+$0xFFFFFFB0];
	v28 =	vadd.f32 v20, v12;
	v20 =	vmul.f32 $2.000000030e-01, v27;
	v24 =	vbroadcast v23, $0x8  }
0x9f: {  	v10 =	vld [tilespmem:s3+$0xFFFFFFA0];
	vm2 =	vgt.f32 v27, $0.0e+00;
	v19 =	vsel vm1, v19, v25  }
0xa0: {  	v27 =	vsel vm2, v27, v20;
	v20 =	vld [tilespmem:s3+$0x30];
	v21 =	vmul.f32 v24, v9;
	v25 =	vmul.f32 $1.442695020e+00, v19  }
0xa1: {  	v26 =	vmul.f32 v24, v17;
	v24 =	vmul.f32 v24, v18;
	v18 =	vld [tilespmem:s3+$0xFFFFFFE0];
	v31 =	vadd.f32 v22, v3  }
0xa2: {  	v23 =	vsel vm0, v21, v23;
	v17 =	vpop (erf);
	v21 =	vld [tilespmem:s3+$0x0]  }
0xa3: {  	v22 =	vld [tilespmem:s3+$0x10];
	v32 =	vmul.f32 $2.000000030e-01, v31;
	(erf) = vpow2.f32 v25;
	v19 =	vpop (erf)  }
0xa4: {  	vm1 =	vgt.f32 v28, $0.0e+00;
	v30 =	vmul.f32 $2.000000030e-01, v28;
	v9 =	vld [tilespmem:s3+$0xFFFFFFD0];
	vm3 =	vgt.f32 v31, $0.0e+00;
	v25 =	vpop (erf)  }
0xa5: {  	s28 =	simm.s32 $0x2E0;
	s24 =	simm.s32 $0x4;
	v29 =	vmul.f32 $1.442695020e+00, v27;
	[tilespmem:s4+$0x50] =	vst v23;
	v23 =	vld [tilespmem:s3+$0x40];
	v31 =	vsel vm3, v31, v32;
	v27 =	vbroadcast v25, $0x8  }
.LBB2_5:
0xa6: {  	v32 =	vld [tilespmem:s28+$0x50];
	v28 =	vsel vm1, v28, v30;
	v30 =	vmul.f32 $1.442695020e+00, v31;
	s13 =	sadd.s32 $0x40, s13;
	v31 =	vbroadcast v17, $0x8;
	[tilespmem:s4+$0x30] =	vst v26;
	v33 =	vmovc v18  }
0xa7: {  	s24 =	sadd.s32 $0x4, s24;
	v18 =	vld [tilespmem:s13+$0x10];
	v26 =	vmul.f32 $1.442695020e+00, v28;
	(erf) = vpow2.f32 v29;
	[tilespmem:s4+$0x40] =	vst v24;
	v29 =	vmov v21  }
0xa8: {  	p1 =	slt.u32 s24, $0x7C;
	v24 =	vbroadcast v19, $0x8;
	v21 =	vld [tilespmem:s13+$0xFFFFFFE0];
	(erf) = vpow2.f32 v30;
	v34 =	vmov v22  }
0xa9: {  	v22 =	vld [tilespmem:s28+$0xFFFFFFF0];
	(erf) = vpow2.f32 v26;
	v26 =	vmul.f32 v27, v5;
	v5 =	vmov v12  }
0xaa: {  	v30 =	vmul.f32 v31, v2;
	v2 =	vmovc v11;
	v35 =	vmul.f32 v24, v1;
	v1 =	vmov v3;
	v28 =	vld [tilespmem:s13+$0xFFFFFFF0]  }
0xab: {  	v38 =	vmul.f32 v27, v4;
	v4 =	vmovc v10;
	v27 =	vmul.f32 v27, v6;
	v3 =	vld [tilespmem:s28+$0x20];
	v26 =	vsel vm0, v26, v25  }
0xac: {  	v16 =	vmul.f32 v31, v16;
	v14 =	vmul.f32 v31, v14;
	v25 =	vld [tilespmem:s13+$0x0];
	v18 =	vadd.f32 v18, v32;
	v36 =	vpop (erf);
	[tilespmem:s4+$0xFFFFFFC0] =	vst v26  }
0xad: {  	v15 =	vmul.f32 v24, v15;
	v6 =	vmovc v8;
	v26 =	vsel vm0, v30, v17;
	v12 =	vld [tilespmem:s28+$0xFFFFFFC0];
	v31 =	vbroadcast v36, $0x8;
	[tilespmem:s4+$0xFFFFFFA0] =	vst v38  }
0xae: {  	v37 =	vmul.f32 v24, v13;
	v13 =	vsel vm0, v35, v19;
	v10 =	vld [tilespmem:s28+$0xFFFFFFA0];
	v30 =	vmul.f32 $2.000000030e-01, v18;
	[tilespmem:s4+$0xFFFFFFF0] =	vst v26;
	v11 =	vmovc v22  }
0xaf: {  	vm1 =	vgt.f32 v18, $0.0e+00;
	v8 =	vld [tilespmem:s28+$0xFFFFFFB0];
	v35 =	vadd.f32 v28, v11;
	v22 =	vmul.f32 v31, v7;
	[tilespmem:s4+$0x20] =	vst v13;
	v7 =	vmovc v32  }
0xb0: {  	v26 =	vmul.f32 v31, v20;
	v24 =	vmul.f32 v31, v23;
	v32 =	vld [tilespmem:s28+$0xFFFFFFD0];
	v13 =	vsel vm1, v18, v30;
	v17 =	vpop (erf);
	[tilespmem:s4+$0xFFFFFFB0] =	vst v27  }
.Ltmp1:
0xb1: {  	v18 =	vld [tilespmem:s28+$0xFFFFFFE0];
	v23 =	vadd.f32 v25, v3;
	v38 =	vmul.f32 $1.442695020e+00, v13;
	v20 =	vsel vm0, v22, v36;
	v19 =	vpop (erf);
	[tilespmem:s4+$0xFFFFFFD0] =	vst v16;
	(pc) =	sbr.rel @p1 .LBB2_5-.Ltmp1, $4  }
0xb2: {  	vm2 =	vgt.f32 v35, $0.0e+00;
	v27 =	vmul.f32 $2.000000030e-01, v35;
	v28 =	vadd.f32 v21, v12;
	v21 =	vld [tilespmem:s28+$0x0];
	[tilespmem:s3+$0x50] =	vst v20;
	v25 =	vpop (erf)  }
0xb3: {  	v16 =	vmovc v9;
	vm3 =	vgt.f32 v23, $0.0e+00;
	v31 =	vmul.f32 $2.000000030e-01, v23;
	v22 =	vld [tilespmem:s28+$0x10];
	(erf) = vpow2.f32 v38;
	[tilespmem:s4+$0xFFFFFFE0] =	vst v14;
	v14 =	vmovc v33  }
0xb4: {  	v33 =	vsel vm2, v35, v27;
	v13 =	vmovc v34;
	vm1 =	vgt.f32 v28, $0.0e+00;
	v30 =	vmul.f32 $2.000000030e-01, v28;
	v20 =	vld [tilespmem:s28+$0x30];
	[tilespmem:s4+$0x0] =	vst v15;
	v15 =	vmovc v29  }
0xb5: {  	v27 =	vbroadcast v25, $0x8;
	v29 =	vmul.f32 $1.442695020e+00, v33;
	v31 =	vsel vm3, v23, v31;
	v23 =	vld [tilespmem:s28+$0x40];
	[tilespmem:s4+$0x10] =	vst v37;
	v9 =	vmovc v32;
	s4 =	smov.u32 s3;
	s3 =	smov.u32 s28;
	s28 =	sadd.s32 $0xC0, s28  }
0xb6: {  	v28 =	vsel vm1, v28, v30;
	v30 =	vmul.f32 $1.442695020e+00, v31  }
0xb7: {  	[tilespmem:s4+$0x30] =	vst v26;
	v26 =	vbroadcast v19, $0x8;
	(erf) = vpow2.f32 v29  }
0xb8: {  	v29 =	vbroadcast v17, $0x8;
	v5 =	vmul.f32 v27, v5  }
0xb9: {  	v4 =	vmul.f32 v27, v4;
	(erf) = vpow2.f32 v30  }
0xba: {  	[tilespmem:s4+$0x40] =	vst v24;
	v28 =	vmul.f32 $1.442695020e+00, v28  }
0xbb: {  	v13 =	vmul.f32 v26, v13;
	v2 =	vmul.f32 v29, v2;
	v5 =	vsel vm0, v5, v25;
	[tilespmem:s4+$0xFFFFFFA0] =	vst v4  }
0xbc: {  	v1 =	vmul.f32 v26, v1;
	(erf) = vpow2.f32 v28;
	[tilespmem:s4+$0xFFFFFFC0] =	vst v5  }
0xbd: {  	[tilespmem:s4+$0x10] =	vst v13;
	v2 =	vsel vm0, v2, v17;
	v24 =	vpop (erf)  }
0xbe: {  	v1 =	vsel vm0, v1, v19;
	[tilespmem:s4+$0xFFFFFFF0] =	vst v2;
	v2 =	vmul.f32 v29, v16;
	v5 =	vbroadcast v24, $0x8  }
0xbf: {  	v4 =	vmul.f32 v27, v6;
	[tilespmem:s4+$0x20] =	vst v1  }
0xc0: {  	[tilespmem:s4+$0xFFFFFFD0] =	vst v2;
	v2 =	vmul.f32 v26, v15;
	v6 =	vmul.f32 v5, v7  }
0xc1: {  	[tilespmem:s4+$0xFFFFFFB0] =	vst v4;
	v4 =	vmul.f32 v29, v14;
	v14 =	vmul.f32 v5, v20;
	v1 =	vpop (erf)  }
0xc2: {  	v5 =	vmul.f32 v5, v23;
	[tilespmem:s4+$0x0] =	vst v2;
	v6 =	vsel vm0, v6, v24;
	v7 =	vpop (erf);
	v2 =	vbroadcast v1, $0x8  }
0xc3: {  	[tilespmem:s4+$0xFFFFFFE0] =	vst v4;
	v13 =	vbroadcast v7, $0x8  }
0xc4: {  	[tilespmem:s3+$0x40] =	vst v5;
	v5 =	vmul.f32 v2, v11  }
0xc5: {  	[tilespmem:s3+$0x50] =	vst v6;
	v6 =	vpop (erf);
	v3 =	vmul.f32 v13, v3  }
0xc6: {  	[tilespmem:s3+$0x30] =	vst v14;
	v4 =	vbroadcast v6, $0x8;
	v1 =	vsel vm0, v5, v1  }
0xc7: {  	[tilespmem:s3+$0xFFFFFFF0] =	vst v1;
	v1 =	vsel vm0, v3, v7;
	v3 =	vmul.f32 v2, v9  }
0xc8: {  	v10 =	vmul.f32 v4, v10;
	[tilespmem:s3+$0x20] =	vst v1  }
0xc9: {  	v12 =	vmul.f32 v4, v12;
	v4 =	vmul.f32 v4, v8;
	[tilespmem:s3+$0xFFFFFFD0] =	vst v3  }
0xca: {  	v1 =	vmul.f32 v2, v18;
	[tilespmem:s3+$0xFFFFFFA0] =	vst v10  }
0xcb: {  	v2 =	vmul.f32 v13, v21;
	[tilespmem:s3+$0xFFFFFFB0] =	vst v4  }
0xcc: {  	[tilespmem:s3+$0xFFFFFFE0] =	vst v1  }
0xcd: {  	v3 =	vmul.f32 v13, v22;
	v6 =	vsel vm0, v12, v6;
	[tilespmem:s3+$0x0] =	vst v2  }
0xce: {  	[tilespmem:s3+$0xFFFFFFC0] =	vst v6  }
0xcf: {  	[tilespmem:s3+$0x10] =	vst v3  }
0xd0: {  	[spmem:s2] =	stream.indirect.scatter.add.f32 [tilespmem:s9], [sflag:$0x3], $0x30, s20, s11, $0xb8;
	[tilespmem:$0xBB20] =	vst v63  }
0xd1: {  	_ =	swait.ge [sflag:s21], $0x1800  }
0xd2: {  	[sflag:s21] =	ssyncset.done $0x0  }
0xd3: {  	[sflag:s21] =	ssyncadd.s32 $0xFFFFE800  }
0xd4: {  	_ =	swait.ge [sflag:s21], $0x800  }
0xd5: {  	[sflag:s21] =	ssyncset.done $0x0  }
0xd6: {  	[sflag:s21] =	ssyncadd.s32 $0xFFFFF800  }
0xd7: {  	v1 =	vld [tilespmem:$0x2200]  }
0xd8: {  	v2 =	vld [tilespmem:$0x2210]  }
0xd9: {  	v3 =	vld [tilespmem:$0x2220]  }
0xda: {  	v4 =	vld [tilespmem:$0x2230]  }
0xdb: {  	v5 =	vld [tilespmem:$0x2240]  }
0xdc: {  	[tilespmem:$0x4280] =	vst v1;
	v1 =	vld [tilespmem:$0x2250]  }
0xdd: {  	[tilespmem:$0x4290] =	vst v2;
	v2 =	vld [tilespmem:$0x2260]  }
0xde: {  	[tilespmem:$0x42A0] =	vst v3;
	v3 =	vld [tilespmem:$0x2270]  }
0xdf: {  	[tilespmem:$0x42B0] =	vst v4  }
0xe0: {  	[tilespmem:$0x42C0] =	vst v5  }
0xe1: {  	[tilespmem:$0x42D0] =	vst v1  }
0xe2: {  	[tilespmem:$0x42E0] =	vst v2  }
0xe3: {  	[tilespmem:$0x42F0] =	vst v3  }
0xe4: {  	_ =	swait.ge [sflag:s22], $0x1800  }
0xe5: {  	[sflag:s22] =	ssyncset.done $0x0  }
0xe6: {  	s3 =	simm.s32 @!p0 $0x1;
	[sflag:s22] =	ssyncadd.s32 $0xFFFFE800  }
0xe7: {  	_ =	swait.ge @!p0 [sflag:s3], $0x80  }
0xe8: {  	[sflag:s3] =	ssyncset.done @!p0 $0x0  }
0xe9: {  	[sflag:s3] =	ssyncadd.s32 @!p0 $0xFFFFFF80  }
0xea: {  	_ =	swait.ge @!p0 [sflag:s3], $0x80  }
0xeb: {  	s13 =	simm.s32 @!p0 $0x100;
	s0 =	sadd.s32 @!p0 s0, s26;
	[sflag:s3] =	ssyncset.done @!p0 $0x0  }
0xec: {  	s4 =	simm.s32 @!p0 $0x0;
	[sflag:s3] =	ssyncadd.s32 @!p0 $0xFFFFFF80;
	s3 =	simm.s32 @!p0 $0x80  }
0xed: {  	[tilespmem:s13], [sflag:$0x2] =	stream.indirect.gather @!p0 [hbm4b:s5+s3], $0x30, s4, s3, $0xb8;
	[tilespmem:$0xBB20] =	vst v63  }
0xee: {  	s0 =	sshrl.u32 @!p0 s0, $0x3;
	s13 =	simm.s32 @!p0 $0x1900  }
0xef: {  	[tilespmem:s13], [sflag:$0x2] =	stream.indirect.gather @!p0 [hbm4b:s6+s3], $0x10, s3, s3, $0xb8;
	[tilespmem:$0xBB20] =	vst v63  }
0xf0: {  	s3 =	sadd.s32 @!p0 s7, s0;
	s13 =	simm.s32 @!p0 $0x2180  }
0xf1: {  	[tilespmem:s13], [sflag:$0x4] =	stream.linear.gather @!p0 [hbm4b:s3+s4], $0x80, $0x38;
	[tilespmem:$0xBB20] =	vst v63  }
0xf2: {  	s0 =	sadd.s32 @!p0 s1, s0;
	s3 =	simm.s32 @!p0 $0x2200  }
0xf3: {  	[tilespmem:s3], [sflag:$0x4] =	stream.linear.gather @!p0 [hbm4b:s0+s4], $0x80, $0x38;
	[tilespmem:$0xBB20] =	vst v63  }
0xf4: {  	s0 =	simm.s32 $0x22E0  }
0xf5: {  	s28 =	simm.s32 $0x3AA0;
	v9 =	vld [tilespmem:s0+$0x50]  }
0xf6: {  	v3 =	vld [tilespmem:s28+$0x10]  }
0xf7: {  	v7 =	vld [tilespmem:s28+$0xFFFFFFE0]  }
0xf8: {  	v2 =	vld [tilespmem:s0+$0xFFFFFFF0]  }
0xf9: {  	v8 =	vld [tilespmem:s28+$0xFFFFFFF0]  }
0xfa: {  	v1 =	vld [tilespmem:s0+$0x20]  }
0xfb: {  	v10 =	vld [tilespmem:s28+$0x0]  }
0xfc: {  	v5 =	vld [tilespmem:s0+$0xFFFFFFC0];
	v3 =	vadd.f32 v3, v9  }
0xfd: {  	v4 =	vld [tilespmem:s0+$0xFFFFFFA0]  }
0xfe: {  	v6 =	vld [tilespmem:s0+$0xFFFFFFB0];
	v11 =	vmul.f32 $2.000000030e-01, v3  }
0xff: {  	v16 =	vld [tilespmem:s0+$0xFFFFFFD0];
	vm1 =	vgt.f32 v3, $0.0e+00  }
0x100: {  	v14 =	vld [tilespmem:s0+$0xFFFFFFE0];
	v3 =	vsel vm1, v3, v11  }
0x101: {  	v15 =	vld [tilespmem:s0+$0x0];
	v8 =	vadd.f32 v8, v2;
	v3 =	vmul.f32 $1.442695020e+00, v3  }
0x102: {  	s4 =	simm.s32 $0x3AE0;
	v17 =	vld [tilespmem:s0+$0x30];
	v10 =	vadd.f32 v10, v1  }
0x103: {  	v19 =	vld [tilespmem:s4+$0x10];
	(erf) = vpow2.f32 v3;
	v3 =	vadd.f32 v7, v5;
	v7 =	vmul.f32 $2.000000030e-01, v8  }
0x104: {  	s3 =	simm.s32 $0x23A0;
	v21 =	vld [tilespmem:s4+$0xFFFFFFF0];
	vm1 =	vgt.f32 v8, $0.0e+00;
	v11 =	vmul.f32 $2.000000030e-01, v10  }
0x105: {  	vm2 =	vgt.f32 v10, $0.0e+00;
	v12 =	vmul.f32 $2.000000030e-01, v3;
	v8 =	vsel vm1, v8, v7;
	v7 =	vld [tilespmem:s3+$0x50]  }
0x106: {  	v10 =	vsel vm2, v10, v11;
	v11 =	vld [tilespmem:s3+$0xFFFFFFF0];
	vm1 =	vgt.f32 v3, $0.0e+00;
	v8 =	vmul.f32 $1.442695020e+00, v8  }
0x107: {  	v20 =	vld [tilespmem:s4+$0xFFFFFFE0];
	v10 =	vmul.f32 $1.442695020e+00, v10;
	v3 =	vsel vm1, v3, v12  }
0x108: {  	v12 =	vld [tilespmem:s3+$0xFFFFFFC0];
	v3 =	vmul.f32 $1.442695020e+00, v3;
	(erf) = vpow2.f32 v8  }
0x109: {  	v18 =	vld [tilespmem:s0+$0x40];
	(erf) = vpow2.f32 v10  }
0x10a: {  	v22 =	vld [tilespmem:s4+$0x0];
	(erf) = vpow2.f32 v3;
	v19 =	vadd.f32 v19, v7  }
0x10b: {  	v27 =	vadd.f32 v21, v11;
	v3 =	vld [tilespmem:s3+$0x20]  }
0x10c: {  	v13 =	vld [tilespmem:s0+$0x10];
	v23 =	vpop (erf);
	v25 =	vmul.f32 $2.000000030e-01, v19;
	vm1 =	vgt.f32 v19, $0.0e+00  }
0x10d: {  	v8 =	vld [tilespmem:s3+$0xFFFFFFB0];
	v28 =	vadd.f32 v20, v12;
	v20 =	vmul.f32 $2.000000030e-01, v27;
	v24 =	vbroadcast v23, $0x8  }
0x10e: {  	v10 =	vld [tilespmem:s3+$0xFFFFFFA0];
	vm2 =	vgt.f32 v27, $0.0e+00;
	v19 =	vsel vm1, v19, v25  }
0x10f: {  	v27 =	vsel vm2, v27, v20;
	v20 =	vld [tilespmem:s3+$0x30];
	v21 =	vmul.f32 v24, v9;
	v25 =	vmul.f32 $1.442695020e+00, v19  }
0x110: {  	v26 =	vmul.f32 v24, v17;
	v24 =	vmul.f32 v24, v18;
	v18 =	vld [tilespmem:s3+$0xFFFFFFE0];
	v31 =	vadd.f32 v22, v3  }
0x111: {  	v23 =	vsel vm0, v21, v23;
	v17 =	vpop (erf);
	v21 =	vld [tilespmem:s3+$0x0]  }
0x112: {  	v22 =	vld [tilespmem:s3+$0x10];
	v32 =	vmul.f32 $2.000000030e-01, v31;
	(erf) = vpow2.f32 v25;
	v19 =	vpop (erf)  }
0x113: {  	vm1 =	vgt.f32 v28, $0.0e+00;
	v30 =	vmul.f32 $2.000000030e-01, v28;
	v9 =	vld [tilespmem:s3+$0xFFFFFFD0];
	vm3 =	vgt.f32 v31, $0.0e+00;
	v25 =	vpop (erf)  }
0x114: {  	s24 =	simm.s32 $0x2460;
	s13 =	simm.s32 $0x4;
	v29 =	vmul.f32 $1.442695020e+00, v27;
	[tilespmem:s0+$0x50] =	vst v23;
	v23 =	vld [tilespmem:s3+$0x40];
	v31 =	vsel vm3, v31, v32;
	v27 =	vbroadcast v25, $0x8  }
.LBB2_7:
0x115: {  	v32 =	vld [tilespmem:s24+$0x50];
	v28 =	vsel vm1, v28, v30;
	v30 =	vmul.f32 $1.442695020e+00, v31;
	s4 =	sadd.s32 $0x40, s4;
	v31 =	vbroadcast v17, $0x8;
	[tilespmem:s0+$0x30] =	vst v26;
	v33 =	vmovc v18  }
0x116: {  	s13 =	sadd.s32 $0x4, s13;
	v18 =	vld [tilespmem:s4+$0x10];
	v26 =	vmul.f32 $1.442695020e+00, v28;
	(erf) = vpow2.f32 v29;
	[tilespmem:s0+$0x40] =	vst v24;
	v29 =	vmov v21  }
0x117: {  	p0 =	slt.u32 s13, $0x7C;
	v24 =	vbroadcast v19, $0x8;
	v21 =	vld [tilespmem:s4+$0xFFFFFFE0];
	(erf) = vpow2.f32 v30;
	v34 =	vmov v22  }
0x118: {  	v22 =	vld [tilespmem:s24+$0xFFFFFFF0];
	(erf) = vpow2.f32 v26;
	v26 =	vmul.f32 v27, v5;
	v5 =	vmov v12  }
0x119: {  	v30 =	vmul.f32 v31, v2;
	v2 =	vmovc v11;
	v35 =	vmul.f32 v24, v1;
	v1 =	vmov v3;
	v28 =	vld [tilespmem:s4+$0xFFFFFFF0]  }
0x11a: {  	v38 =	vmul.f32 v27, v4;
	v4 =	vmovc v10;
	v27 =	vmul.f32 v27, v6;
	v3 =	vld [tilespmem:s24+$0x20];
	v26 =	vsel vm0, v26, v25  }
0x11b: {  	v16 =	vmul.f32 v31, v16;
	v14 =	vmul.f32 v31, v14;
	v25 =	vld [tilespmem:s4+$0x0];
	v18 =	vadd.f32 v18, v32;
	v36 =	vpop (erf);
	[tilespmem:s0+$0xFFFFFFC0] =	vst v26  }
0x11c: {  	v15 =	vmul.f32 v24, v15;
	v6 =	vmovc v8;
	v26 =	vsel vm0, v30, v17;
	v12 =	vld [tilespmem:s24+$0xFFFFFFC0];
	v31 =	vbroadcast v36, $0x8;
	[tilespmem:s0+$0xFFFFFFA0] =	vst v38  }
0x11d: {  	v37 =	vmul.f32 v24, v13;
	v13 =	vsel vm0, v35, v19;
	v10 =	vld [tilespmem:s24+$0xFFFFFFA0];
	v30 =	vmul.f32 $2.000000030e-01, v18;
	[tilespmem:s0+$0xFFFFFFF0] =	vst v26;
	v11 =	vmovc v22  }
0x11e: {  	vm1 =	vgt.f32 v18, $0.0e+00;
	v8 =	vld [tilespmem:s24+$0xFFFFFFB0];
	v35 =	vadd.f32 v28, v11;
	v22 =	vmul.f32 v31, v7;
	[tilespmem:s0+$0x20] =	vst v13;
	v7 =	vmovc v32  }
0x11f: {  	v26 =	vmul.f32 v31, v20;
	v24 =	vmul.f32 v31, v23;
	v32 =	vld [tilespmem:s24+$0xFFFFFFD0];
	v13 =	vsel vm1, v18, v30;
	v17 =	vpop (erf);
	[tilespmem:s0+$0xFFFFFFB0] =	vst v27  }
.Ltmp2:
0x120: {  	v18 =	vld [tilespmem:s24+$0xFFFFFFE0];
	v23 =	vadd.f32 v25, v3;
	v38 =	vmul.f32 $1.442695020e+00, v13;
	v20 =	vsel vm0, v22, v36;
	v19 =	vpop (erf);
	[tilespmem:s0+$0xFFFFFFD0] =	vst v16;
	(pc) =	sbr.rel @p0 .LBB2_7-.Ltmp2, $4  }
0x121: {  	vm2 =	vgt.f32 v35, $0.0e+00;
	v27 =	vmul.f32 $2.000000030e-01, v35;
	v28 =	vadd.f32 v21, v12;
	v21 =	vld [tilespmem:s24+$0x0];
	[tilespmem:s3+$0x50] =	vst v20;
	v25 =	vpop (erf)  }
0x122: {  	v16 =	vmovc v9;
	vm3 =	vgt.f32 v23, $0.0e+00;
	v31 =	vmul.f32 $2.000000030e-01, v23;
	v22 =	vld [tilespmem:s24+$0x10];
	(erf) = vpow2.f32 v38;
	[tilespmem:s0+$0xFFFFFFE0] =	vst v14;
	v14 =	vmovc v33  }
0x123: {  	v33 =	vsel vm2, v35, v27;
	v13 =	vmovc v34;
	vm1 =	vgt.f32 v28, $0.0e+00;
	v30 =	vmul.f32 $2.000000030e-01, v28;
	v20 =	vld [tilespmem:s24+$0x30];
	[tilespmem:s0+$0x0] =	vst v15;
	v15 =	vmovc v29  }
0x124: {  	v27 =	vbroadcast v25, $0x8;
	v29 =	vmul.f32 $1.442695020e+00, v33;
	v31 =	vsel vm3, v23, v31;
	v23 =	vld [tilespmem:s24+$0x40];
	[tilespmem:s0+$0x10] =	vst v37;
	v9 =	vmovc v32;
	s0 =	smov.u32 s3;
	s3 =	smov.u32 s24;
	s24 =	sadd.s32 $0xC0, s24  }
0x125: {  	v28 =	vsel vm1, v28, v30;
	v50 =	vmul.f32 $1.442695020e+00, v31;
	v51 =	vbroadcast v17, $0x8  }
0x126: {  	v52 =	vbroadcast v19, $0x8;
	v28 =	vmul.f32 $1.442695020e+00, v28  }
0x127: {  	(erf) = vpow2.f32 v29;
	v5 =	vmul.f32 v27, v5  }
0x128: {  	[tilespmem:s0+$0x30] =	vst v26;
	v4 =	vmul.f32 v27, v4;
	(erf) = vpow2.f32 v50  }
0x129: {  	[tilespmem:s0+$0x40] =	vst v24;
	v55 =	vmul.f32 v27, v6;
	(erf) = vpow2.f32 v28  }
0x12a: {  	v2 =	vmul.f32 v51, v2;
	[tilespmem:s0+$0xFFFFFFA0] =	vst v4  }
0x12b: {  	v1 =	vmul.f32 v52, v1;
	v5 =	vsel vm0, v5, v25;
	[tilespmem:s0+$0xFFFFFFB0] =	vst v55  }
0x12c: {  	v57 =	vmul.f32 v51, v14;
	[tilespmem:s0+$0xFFFFFFC0] =	vst v5;
	v2 =	vsel vm0, v2, v17  }
0x12d: {  	v1 =	vsel vm0, v1, v19;
	[tilespmem:s0+$0xFFFFFFF0] =	vst v2;
	v2 =	vmul.f32 v51, v16;
	v53 =	vpop (erf)  }
0x12e: {  	[tilespmem:s0+$0xFFFFFFE0] =	vst v57;
	v54 =	vbroadcast v53, $0x8  }
0x12f: {  	[tilespmem:s0+$0xFFFFFFD0] =	vst v2;
	v2 =	vmul.f32 v52, v15  }
0x130: {  	v13 =	vmul.f32 v52, v13;
	[tilespmem:s0+$0x20] =	vst v1;
	v56 =	vmul.f32 v54, v7;
	v1 =	vpop (erf)  }
0x131: {  	v61 =	vmul.f32 v54, v20;
	[tilespmem:s0+$0x0] =	vst v2;
	v58 =	vpop (erf);
	v2 =	vbroadcast v1, $0x8  }
0x132: {  	[tilespmem:s0+$0x10] =	vst v13;
	v5 =	vmul.f32 v54, v23;
	v59 =	vpop (erf);
	v62 =	vbroadcast v58, $0x8  }
0x133: {  	[tilespmem:s3+$0x30] =	vst v61;
	v60 =	vbroadcast v59, $0x8;
	v63 =	vmul.f32 v2, v11  }
0x134: {  	v6 =	vsel vm0, v56, v53;
	[tilespmem:s3+$0x40] =	vst v5  }
0x135: {  	[tilespmem:s3+$0x50] =	vst v6;
	v3 =	vmul.f32 v62, v3;
	v10 =	vmul.f32 v60, v10;
	v1 =	vsel vm0, v63, v1  }
0x136: {  	[tilespmem:s3+$0xFFFFFFF0] =	vst v1  }
0x137: {  	v12 =	vmul.f32 v60, v12;
	v4 =	vmul.f32 v60, v8;
	v1 =	vsel vm0, v3, v58;
	[tilespmem:s3+$0xFFFFFFA0] =	vst v10  }
0x138: {  	[tilespmem:s3+$0x20] =	vst v1  }
0x139: {  	s31 =	sadd.s32 $0x1, s31;
	v3 =	vmul.f32 v2, v9;
	v6 =	vsel vm0, v12, v59;
	[tilespmem:s3+$0xFFFFFFB0] =	vst v4  }
0x13a: {  	p0 =	sne.s32 s31, $0x27;
	v1 =	vmul.f32 v2, v18;
	[tilespmem:s3+$0xFFFFFFC0] =	vst v6  }
.Ltmp3:
0x13b: {  	v2 =	vmul.f32 v62, v21;
	[tilespmem:s3+$0xFFFFFFD0] =	vst v3;
	(pc) =	sbr.rel @p0 .LBB2_4-.Ltmp3, $4  }
0x13c: {  	v3 =	vmul.f32 v62, v22;
	[tilespmem:s3+$0xFFFFFFE0] =	vst v1  }
0x13d: {  	[tilespmem:s3+$0x0] =	vst v2  }
0x13e: {  	[tilespmem:s3+$0x10] =	vst v3  }
0x13f: {  	[spmem:s2] =	stream.indirect.scatter.add.f32 [tilespmem:s18], [sflag:$0x6], $0x30, s23, s11, $0xb8;
	[tilespmem:$0xBB20] =	vst v63  }
0x140: {  	s0 =	simm.s32 $0x6  }
0x141: {  	_ =	swait.ge [sflag:s0], $0x1800  }
0x142: {  	s24 =	simm.s32 $0x0;
	[sflag:s0] =	ssyncset.done $0x0  }
0x143: {  	s4 =	simm.s32 $0x4300;
	s3 =	rddreg [dreg:$0x14];
	[sflag:s0] =	ssyncadd.s32 $0xFFFFE800  }
0x144: {  	[tilespmem:s4], [sflag:$0x7] =	stream.linear.gather [hbm4b:s3+s24], $0x10, $0x38;
	[tilespmem:$0xBB20] =	vst v63  }
0x145: {  	_ =	swait.ge [sflag:s10], $0x10  }
0x146: {  	[sflag:s10] =	ssyncset.done $0x0  }
0x147: {  	s31 =	simm.s32 $0x4310;
	s13 =	rddreg [dreg:$0x15];
	[sflag:s10] =	ssyncadd.s32 $0xFFFFFFF0  }
0x148: {  	[tilespmem:s31], [sflag:$0x7] =	stream.linear.gather [hbm4b:s13+s24], $0x10, $0x38;
	[tilespmem:$0xBB20] =	vst v63  }
0x149: {  	_ =	swait.ge [sflag:s10], $0x10  }
0x14a: {  	[sflag:s10] =	ssyncset.done $0x0  }
0x14b: {  	[sflag:s10] =	ssyncadd.s32 $0xFFFFFFF0  }
0x14c: {  	[tilespmem:s9], [sflag:$0x2] =	stream.indirect.gather [hbm4b:s5+s29], $0x30, s4, s29, $0xb8;
	[tilespmem:$0xBB20] =	vst v63  }
0x14d: {  	_ =	swait.ge [sflag:s16], $0x300  }
0x14e: {  	[sflag:s16] =	ssyncset.done $0x0  }
0x14f: {  	s28 =	simm.s32 $0x1900;
	[sflag:s16] =	ssyncadd.s32 $0xFFFFFD00  }
0x150: {  	[tilespmem:s28], [sflag:$0x2] =	stream.indirect.gather [hbm4b:s6+s29], $0x10, s31, s29, $0xb8;
	[tilespmem:$0xBB20] =	vst v63  }
0x151: {  	_ =	swait.ge [sflag:s16], $0x100  }
0x152: {  	[sflag:s16] =	ssyncset.done $0x0  }
0x153: {  	s0 =	simm.s32 $0x160;
	[sflag:s16] =	ssyncadd.s32 $0xFFFFFF00  }
0x154: {  	s24 =	simm.s32 $0x1920;
	v9 =	vld [tilespmem:s0+$0x50]  }
0x155: {  	v3 =	vld [tilespmem:s24+$0x10]  }
0x156: {  	v7 =	vld [tilespmem:s24+$0xFFFFFFE0]  }
0x157: {  	v2 =	vld [tilespmem:s0+$0xFFFFFFF0]  }
0x158: {  	v8 =	vld [tilespmem:s24+$0xFFFFFFF0]  }
0x159: {  	v1 =	vld [tilespmem:s0+$0x20]  }
0x15a: {  	v10 =	vld [tilespmem:s24+$0x0]  }
0x15b: {  	v5 =	vld [tilespmem:s0+$0xFFFFFFC0];
	v3 =	vadd.f32 v3, v9  }
0x15c: {  	v4 =	vld [tilespmem:s0+$0xFFFFFFA0]  }
0x15d: {  	v6 =	vld [tilespmem:s0+$0xFFFFFFB0];
	v11 =	vmul.f32 $2.000000030e-01, v3  }
0x15e: {  	v16 =	vld [tilespmem:s0+$0xFFFFFFD0];
	vm1 =	vgt.f32 v3, $0.0e+00  }
0x15f: {  	v14 =	vld [tilespmem:s0+$0xFFFFFFE0];
	v3 =	vsel vm1, v3, v11  }
0x160: {  	v15 =	vld [tilespmem:s0+$0x0];
	v8 =	vadd.f32 v8, v2;
	v3 =	vmul.f32 $1.442695020e+00, v3  }
0x161: {  	s4 =	simm.s32 $0x1960;
	v17 =	vld [tilespmem:s0+$0x30];
	v10 =	vadd.f32 v10, v1  }
0x162: {  	v19 =	vld [tilespmem:s4+$0x10];
	(erf) = vpow2.f32 v3;
	v3 =	vadd.f32 v7, v5;
	v7 =	vmul.f32 $2.000000030e-01, v8  }
0x163: {  	s3 =	simm.s32 $0x220;
	v21 =	vld [tilespmem:s4+$0xFFFFFFF0];
	vm1 =	vgt.f32 v8, $0.0e+00;
	v11 =	vmul.f32 $2.000000030e-01, v10  }
0x164: {  	vm2 =	vgt.f32 v10, $0.0e+00;
	v12 =	vmul.f32 $2.000000030e-01, v3;
	v8 =	vsel vm1, v8, v7;
	v7 =	vld [tilespmem:s3+$0x50]  }
0x165: {  	v10 =	vsel vm2, v10, v11;
	v11 =	vld [tilespmem:s3+$0xFFFFFFF0];
	vm1 =	vgt.f32 v3, $0.0e+00;
	v8 =	vmul.f32 $1.442695020e+00, v8  }
0x166: {  	v20 =	vld [tilespmem:s4+$0xFFFFFFE0];
	v10 =	vmul.f32 $1.442695020e+00, v10;
	v3 =	vsel vm1, v3, v12  }
0x167: {  	v12 =	vld [tilespmem:s3+$0xFFFFFFC0];
	v3 =	vmul.f32 $1.442695020e+00, v3;
	(erf) = vpow2.f32 v8  }
0x168: {  	v18 =	vld [tilespmem:s0+$0x40];
	(erf) = vpow2.f32 v10  }
0x169: {  	v22 =	vld [tilespmem:s4+$0x0];
	(erf) = vpow2.f32 v3;
	v19 =	vadd.f32 v19, v7  }
0x16a: {  	v27 =	vadd.f32 v21, v11;
	v3 =	vld [tilespmem:s3+$0x20]  }
0x16b: {  	v13 =	vld [tilespmem:s0+$0x10];
	v23 =	vpop (erf);
	v25 =	vmul.f32 $2.000000030e-01, v19;
	vm1 =	vgt.f32 v19, $0.0e+00  }
0x16c: {  	v8 =	vld [tilespmem:s3+$0xFFFFFFB0];
	v28 =	vadd.f32 v20, v12;
	v20 =	vmul.f32 $2.000000030e-01, v27;
	v24 =	vbroadcast v23, $0x8  }
0x16d: {  	v10 =	vld [tilespmem:s3+$0xFFFFFFA0];
	vm2 =	vgt.f32 v27, $0.0e+00;
	v19 =	vsel vm1, v19, v25  }
0x16e: {  	v27 =	vsel vm2, v27, v20;
	v20 =	vld [tilespmem:s3+$0x30];
	v21 =	vmul.f32 v24, v9;
	v25 =	vmul.f32 $1.442695020e+00, v19  }
0x16f: {  	v26 =	vmul.f32 v24, v17;
	v24 =	vmul.f32 v24, v18;
	v18 =	vld [tilespmem:s3+$0xFFFFFFE0];
	v31 =	vadd.f32 v22, v3  }
0x170: {  	v23 =	vsel vm0, v21, v23;
	v17 =	vpop (erf);
	v21 =	vld [tilespmem:s3+$0x0]  }
0x171: {  	v22 =	vld [tilespmem:s3+$0x10];
	v32 =	vmul.f32 $2.000000030e-01, v31;
	(erf) = vpow2.f32 v25;
	v19 =	vpop (erf)  }
0x172: {  	vm1 =	vgt.f32 v28, $0.0e+00;
	v30 =	vmul.f32 $2.000000030e-01, v28;
	v9 =	vld [tilespmem:s3+$0xFFFFFFD0];
	vm3 =	vgt.f32 v31, $0.0e+00;
	v25 =	vpop (erf)  }
0x173: {  	s13 =	simm.s32 $0x4;
	s24 =	simm.s32 $0x2E0;
	v29 =	vmul.f32 $1.442695020e+00, v27;
	[tilespmem:s0+$0x50] =	vst v23;
	v23 =	vld [tilespmem:s3+$0x40];
	v31 =	vsel vm3, v31, v32;
	v27 =	vbroadcast v25, $0x8  }
.LBB2_10:
0x174: {  	v32 =	vld [tilespmem:s24+$0x50];
	v28 =	vsel vm1, v28, v30;
	v30 =	vmul.f32 $1.442695020e+00, v31;
	s4 =	sadd.s32 $0x40, s4;
	v31 =	vbroadcast v17, $0x8;
	[tilespmem:s0+$0x30] =	vst v26;
	v33 =	vmovc v18  }
0x175: {  	s13 =	sadd.s32 $0x4, s13;
	v18 =	vld [tilespmem:s4+$0x10];
	v26 =	vmul.f32 $1.442695020e+00, v28;
	(erf) = vpow2.f32 v29;
	[tilespmem:s0+$0x40] =	vst v24;
	v29 =	vmov v21  }
0x176: {  	p0 =	slt.u32 s13, $0xC;
	v24 =	vbroadcast v19, $0x8;
	v21 =	vld [tilespmem:s4+$0xFFFFFFE0];
	(erf) = vpow2.f32 v30;
	v34 =	vmov v22  }
0x177: {  	v22 =	vld [tilespmem:s24+$0xFFFFFFF0];
	(erf) = vpow2.f32 v26;
	v26 =	vmul.f32 v27, v5;
	v5 =	vmov v12  }
0x178: {  	v30 =	vmul.f32 v31, v2;
	v2 =	vmovc v11;
	v35 =	vmul.f32 v24, v1;
	v1 =	vmov v3;
	v28 =	vld [tilespmem:s4+$0xFFFFFFF0]  }
0x179: {  	v38 =	vmul.f32 v27, v4;
	v4 =	vmovc v10;
	v27 =	vmul.f32 v27, v6;
	v3 =	vld [tilespmem:s24+$0x20];
	v26 =	vsel vm0, v26, v25  }
0x17a: {  	v16 =	vmul.f32 v31, v16;
	v14 =	vmul.f32 v31, v14;
	v25 =	vld [tilespmem:s4+$0x0];
	v18 =	vadd.f32 v18, v32;
	v36 =	vpop (erf);
	[tilespmem:s0+$0xFFFFFFC0] =	vst v26  }
0x17b: {  	v15 =	vmul.f32 v24, v15;
	v6 =	vmovc v8;
	v26 =	vsel vm0, v30, v17;
	v12 =	vld [tilespmem:s24+$0xFFFFFFC0];
	v31 =	vbroadcast v36, $0x8;
	[tilespmem:s0+$0xFFFFFFA0] =	vst v38  }
0x17c: {  	v37 =	vmul.f32 v24, v13;
	v13 =	vsel vm0, v35, v19;
	v10 =	vld [tilespmem:s24+$0xFFFFFFA0];
	v30 =	vmul.f32 $2.000000030e-01, v18;
	[tilespmem:s0+$0xFFFFFFF0] =	vst v26;
	v11 =	vmovc v22  }
0x17d: {  	vm1 =	vgt.f32 v18, $0.0e+00;
	v8 =	vld [tilespmem:s24+$0xFFFFFFB0];
	v35 =	vadd.f32 v28, v11;
	v22 =	vmul.f32 v31, v7;
	[tilespmem:s0+$0x20] =	vst v13;
	v7 =	vmovc v32  }
0x17e: {  	v26 =	vmul.f32 v31, v20;
	v24 =	vmul.f32 v31, v23;
	v32 =	vld [tilespmem:s24+$0xFFFFFFD0];
	v13 =	vsel vm1, v18, v30;
	v17 =	vpop (erf);
	[tilespmem:s0+$0xFFFFFFB0] =	vst v27  }
.Ltmp4:
0x17f: {  	v18 =	vld [tilespmem:s24+$0xFFFFFFE0];
	v23 =	vadd.f32 v25, v3;
	v38 =	vmul.f32 $1.442695020e+00, v13;
	v20 =	vsel vm0, v22, v36;
	v19 =	vpop (erf);
	[tilespmem:s0+$0xFFFFFFD0] =	vst v16;
	(pc) =	sbr.rel @p0 .LBB2_10-.Ltmp4, $4  }
0x180: {  	vm2 =	vgt.f32 v35, $0.0e+00;
	v27 =	vmul.f32 $2.000000030e-01, v35;
	v28 =	vadd.f32 v21, v12;
	v21 =	vld [tilespmem:s24+$0x0];
	[tilespmem:s3+$0x50] =	vst v20;
	v25 =	vpop (erf)  }
0x181: {  	v16 =	vmovc v9;
	vm3 =	vgt.f32 v23, $0.0e+00;
	v31 =	vmul.f32 $2.000000030e-01, v23;
	v22 =	vld [tilespmem:s24+$0x10];
	(erf) = vpow2.f32 v38;
	[tilespmem:s0+$0xFFFFFFE0] =	vst v14;
	v14 =	vmovc v33  }
0x182: {  	v33 =	vsel vm2, v35, v27;
	v13 =	vmovc v34;
	vm1 =	vgt.f32 v28, $0.0e+00;
	v30 =	vmul.f32 $2.000000030e-01, v28;
	v20 =	vld [tilespmem:s24+$0x30];
	[tilespmem:s0+$0x0] =	vst v15;
	v15 =	vmovc v29  }
0x183: {  	v27 =	vbroadcast v25, $0x8;
	v29 =	vmul.f32 $1.442695020e+00, v33;
	v31 =	vsel vm3, v23, v31;
	v23 =	vld [tilespmem:s24+$0x40];
	[tilespmem:s0+$0x10] =	vst v37;
	v9 =	vmovc v32;
	s0 =	smov.u32 s3;
	s3 =	smov.u32 s24;
	s24 =	sadd.s32 $0xC0, s24  }
0x184: {  	v28 =	vsel vm1, v28, v30;
	v50 =	vmul.f32 $1.442695020e+00, v31;
	v51 =	vbroadcast v17, $0x8  }
0x185: {  	v52 =	vbroadcast v19, $0x8;
	v28 =	vmul.f32 $1.442695020e+00, v28  }
0x186: {  	(erf) = vpow2.f32 v29;
	v5 =	vmul.f32 v27, v5  }
0x187: {  	[tilespmem:s0+$0x30] =	vst v26;
	v4 =	vmul.f32 v27, v4;
	(erf) = vpow2.f32 v50  }
0x188: {  	[tilespmem:s0+$0x40] =	vst v24;
	v55 =	vmul.f32 v27, v6;
	(erf) = vpow2.f32 v28  }
0x189: {  	v2 =	vmul.f32 v51, v2;
	[tilespmem:s0+$0xFFFFFFA0] =	vst v4  }
0x18a: {  	v1 =	vmul.f32 v52, v1;
	v5 =	vsel vm0, v5, v25;
	[tilespmem:s0+$0xFFFFFFB0] =	vst v55  }
0x18b: {  	v57 =	vmul.f32 v51, v14;
	[tilespmem:s0+$0xFFFFFFC0] =	vst v5;
	v2 =	vsel vm0, v2, v17  }
0x18c: {  	v1 =	vsel vm0, v1, v19;
	[tilespmem:s0+$0xFFFFFFF0] =	vst v2;
	v2 =	vmul.f32 v51, v16;
	v53 =	vpop (erf)  }
0x18d: {  	[tilespmem:s0+$0xFFFFFFE0] =	vst v57;
	v54 =	vbroadcast v53, $0x8  }
0x18e: {  	[tilespmem:s0+$0xFFFFFFD0] =	vst v2;
	v2 =	vmul.f32 v52, v15  }
0x18f: {  	v13 =	vmul.f32 v52, v13;
	[tilespmem:s0+$0x20] =	vst v1;
	v56 =	vmul.f32 v54, v7;
	v1 =	vpop (erf)  }
0x190: {  	v61 =	vmul.f32 v54, v20;
	[tilespmem:s0+$0x0] =	vst v2;
	v58 =	vpop (erf);
	v2 =	vbroadcast v1, $0x8  }
0x191: {  	[tilespmem:s0+$0x10] =	vst v13;
	v5 =	vmul.f32 v54, v23;
	v59 =	vpop (erf);
	v62 =	vbroadcast v58, $0x8  }
0x192: {  	[tilespmem:s3+$0x30] =	vst v61;
	v60 =	vbroadcast v59, $0x8;
	v63 =	vmul.f32 v2, v11  }
0x193: {  	v6 =	vsel vm0, v56, v53;
	[tilespmem:s3+$0x40] =	vst v5  }
0x194: {  	[tilespmem:s3+$0x50] =	vst v6;
	v3 =	vmul.f32 v62, v3;
	v10 =	vmul.f32 v60, v10;
	v1 =	vsel vm0, v63, v1  }
0x195: {  	[tilespmem:s3+$0xFFFFFFF0] =	vst v1  }
0x196: {  	v12 =	vmul.f32 v60, v12;
	v4 =	vmul.f32 v60, v8;
	v1 =	vsel vm0, v3, v58;
	[tilespmem:s3+$0xFFFFFFA0] =	vst v10  }
0x197: {  	[tilespmem:s3+$0x20] =	vst v1  }
0x198: {  	v3 =	vmul.f32 v2, v9;
	v6 =	vsel vm0, v12, v59;
	[tilespmem:s3+$0xFFFFFFB0] =	vst v4  }
0x199: {  	v1 =	vmul.f32 v2, v18;
	[tilespmem:s3+$0xFFFFFFC0] =	vst v6  }
0x19a: {  	v2 =	vmul.f32 v62, v21;
	[tilespmem:s3+$0xFFFFFFD0] =	vst v3  }
0x19b: {  	v3 =	vmul.f32 v62, v22;
	[tilespmem:s3+$0xFFFFFFE0] =	vst v1  }
0x19c: {  	[tilespmem:s3+$0x0] =	vst v2  }
0x19d: {  	[tilespmem:s3+$0x10] =	vst v3  }
0x19e: {  	[spmem:s2] =	stream.indirect.scatter.add.f32 [tilespmem:s9], [sflag:$0x3], $0x30, s31, s29, $0xb8;
	[tilespmem:$0xBB20] =	vst v63  }
0x19f: {  	_ =	swait.ge [sflag:s22], $0x300  }
0x1a0: {  	[sflag:s22] =	ssyncset.done $0x0  }
0x1a1: {  	s4 =	stileid.u32;
	[sflag:s22] =	ssyncadd.s32 $0xFFFFFD00  }
0x1a2: {  	s0 =	sshll.u32 s4, $0x6;
	[bflag:$0x0] =	sbarrier.arrive $0xFFFF  }
0x1a3: {  	s13 =	sshrl.u32 s8, $0x3;
	s0 =	sor.u32 $0x1C07, s0;
	s4 =	rddreg [dreg:$0x8]  }
0x1a4: {  	[hbm:s4], [sflag:s0] =	dma.local [spmem:s13], $0x300  }
0x1a5: {  	_ =	swait.ge [sflag:s10], $0x300  }
0x1a6: {  	[sflag:s10] =	ssyncset.done $0x0;
	s24 =	rddreg [dreg:$0x9]  }
0x1a7: {  	s31 =	rddreg [dreg:$0x17];
	[sflag:s10] =	ssyncadd.s32 $0xFFFFFD00  }
0x1a8: {  	[hbm:s24], [sflag:s0] =	dma.local [spmem:s31], $0x300  }
0x1a9: {  	_ =	swait.ge [sflag:s10], $0x300  }
0x1aa: {  	[sflag:s10] =	ssyncset.done $0x0;
	s4 =	rddreg [dreg:$0xa]  }
0x1ab: {  	s13 =	rddreg [dreg:$0x18];
	[sflag:s10] =	ssyncadd.s32 $0xFFFFFD00  }
0x1ac: {  	[hbm:s4], [sflag:s0] =	dma.local [spmem:s13], $0x300  }
0x1ad: {  	_ =	swait.ge [sflag:s10], $0x300  }
0x1ae: {  	[sflag:s10] =	ssyncset.done $0x0;
	s24 =	rddreg [dreg:$0xb]  }
0x1af: {  	s31 =	rddreg [dreg:$0x19];
	[sflag:s10] =	ssyncadd.s32 $0xFFFFFD00  }
0x1b0: {  	[hbm:s24], [sflag:s0] =	dma.local [spmem:s31], $0x300  }
0x1b1: {  	_ =	swait.ge [sflag:s10], $0x300  }
0x1b2: {  	[sflag:s10] =	ssyncset.done $0x0;
	s13 =	rddreg [dreg:$0xc]  }
0x1b3: {  	s24 =	rddreg [dreg:$0x1a];
	[sflag:s10] =	ssyncadd.s32 $0xFFFFFD00  }
0x1b4: {  	[hbm:s13], [sflag:s0] =	dma.local [spmem:s24], $0x300  }
0x1b5: {  	_ =	swait.ge [sflag:s10], $0x300  }
0x1b6: {  	s30 =	sadd.s32 $0x1, s30;
	s31 =	rddreg [dreg:$0x16]  }
0x1b7: {  	p0 =	sne.s32 s30, s31  }
.Ltmp5:
0x1b8: {  	_ = 	snop;
	(pc) =	sbr.rel @p0 .LBB2_1-.Ltmp5, $3  }
0x1b9: {  	_ =	sdelay $0x1  }
0x1ba: {  	[sflag:s10] =	ssyncset.done $0x0  }
0x1bb: {  	[sflag:s10] =	ssyncadd.s32 $0xFFFFFD00  }
0x1bc: {  	_ =	sfence.sel $0x180000  }
0x1bd: {  	[bflag:$0x0] =	sbarrier.arrive $0xFFFF  }
0x1be: {  	_ =	strace $0x9000004A  }
0x1bf: {  	s0 =	stileid.u32;
	[bflag:$0x2] =	sbarrier.arrive $0xFFFF  }
0x1c0: {  	p0 =	sne.s32 s0, $0x0;
	s0 =	rddreg [dreg:$0x3]  }
0x1c1: {  	s0 =	sadd.s32 @!p0 $0x100000, s0  }
0x1c2: {  	[sflag:s0] =	ssyncadd.tile.s32 @!p0 $0x1;
	_ =	shalt  }
.Lfunc_end2:
_tile_overlayer_lowered:
.L_overlay_start_2:
0x1c3: {  	(tag) =	ssettag $0x2  }
0x1c4: {  	s0 =	rddreg [dreg:$0x0];
	s2 =	stileid.u32  }
0x1c5: {  	s1 =	rddreg [dreg:$0x1];
	p0 =	sne.s32 s2, $0x0  }
0x1c6: {  	s3 =	rddreg [dreg:$0x2];
	[bflag:$0x3] =	sbarrier.arrive $0xFFFF;
	s2 =	simm.s32 @!p0 $0x1C07  }
0x1c7: {  	[timem:s3], [sflag:s2] =	dma.local @!p0 [hbm:s0], s1  }
0x1c8: {  	s0 =	simm.s32 @!p0 $0x7  }
0x1c9: {  	_ =	swait.ge @!p0 [sflag:s0], s1  }
0x1ca: {  	s1 =	ssub.s32 @!p0 $0x0, s1;
	[sflag:s0] =	ssyncset.done @!p0 $0x0  }
0x1cb: {  	[sflag:s0] =	ssyncadd.s32 @!p0 s1  }
0x1cc: {  	[bflag:$0x3] =	sbarrier.arrive $0xFFFF  }
0x1cd: {  	_ =	shalt  }

// kernel: kernel.7.cloned.1.call-start
scs
__scs_entry_jumppad:
0x0: {  	(pc) =	sbr.rel $0x88, $3  }
0x1: {  	(tag) =	ssettag $0x0;
	lr =	simm.s32 $0x1  }
0x2: {  	[smem:$0x3F97] =	sst lr;
	_ =	strace $0xD0000000  }
0x3: {  	_ = 	snop  }
0x4: {  	_ = 	snop  }
0x5: {  	_ = 	snop  }
0x6: {  	_ = 	snop  }
0x7: {  	_ = 	snop  }
__scs_overlays_trampoline_lowered:
0x8: {  	[smem:$0x3FA6] =	sst s0  }
0x9: {  	[smem:$0x3FA7] =	sst s1  }
0xa: {  	[smem:$0x3FA8] =	sst s2  }
0xb: {  	[smem:$0x3FA9] =	sst s3  }
0xc: {  	[smem:$0x3FAA] =	sst s4  }
0xd: {  	[smem:$0x3FAB] =	sst s5  }
0xe: {  	[smem:$0x3FAC] =	sst s6  }
0xf: {  	[smem:$0x3FAD] =	sst s7  }
0x10: {  	[smem:$0x3FAE] =	sst s8  }
0x11: {  	[smem:$0x3FAF] =	sst s9;
	s0 =	simm.s32 @!p0 $0x0  }
0x12: {  	s1 =	sld [smem:$0x3F95];
	s0 =	simm.s32 @p0 $0x1  }
0x13: {  	[smem:$0x3FB0] =	sst s0;
	s0 =	simm.s32 @!p1 $0x0  }
0x14: {  	s2 =	sld [smem:$0x3F94];
	s0 =	simm.s32 @p1 $0x1  }
0x15: {  	[smem:$0x3FB1] =	sst s0;
	s0 =	simm.s32 @!p2 $0x0  }
0x16: {  	s3 =	sld [smem:$0x3FDB];
	s0 =	simm.s32 @p2 $0x1  }
0x17: {  	s4 =	simm.s32 $0x1BF5;
	[smem:$0x3FB3] =	sst s0  }
0x18: {  	s0 =	sld [smem:$0x3F96];
	_ =	swait.ge [sflag:s4], $0x0  }
0x19: {  	s7 =	sld [smem:$0x3F97]  }
0x1a: {  	s8 =	sadd.s32 $0xFFFFE003, lr  }
0x1b: {  	s9 =	sadd.s32 $0xFFFFFEF7, lr;
	s5 =	simm.s32 $0xFFFFFFFF;
	p2 =	slt.u32 s8, $0xFFFFF086  }
0x1c: {  	p1 =	slt.u32 s9, $0xF7A;
	s5 =	simm.s32 @!p2 $0x0  }
0x1d: {  	s5 =	simm.s32 @p1 $0x1;
	p0 =	seq.s32 s7, s2  }
0x1e: {  	s7 =	smul.u32 @!p0 $0xF7A, s2;
	p2 =	seq.s32 @!p0 s5, $0x0  }
0x1f: {  	s9 =	smul.u32 $0xF7A, s1;
	s8 =	simm.s32 @!p0 $0x1BF5;
	p2 =	por !p2, p0  }
0x20: {  	[sflag:s8] =	ssyncset.s32 @!p0 $0xFFFFF086;
	s6 =	sadd.s32 @!p0 s3, s7;
	s7 =	simm.s32 @!p0 $0x108  }
0x21: {  	s3 =	sadd.s32 s3, s9;
	s6 =	sadd.s32 @!p0 $0x88, s6;
	s7 =	simm.s32 @p2 $0x1082  }
0x22: {  	[simem:s7], [sflag:s8] =	dma.local @!p0 [hbm:s6], $0xF7A  }
0x23: {  	s9 =	sor.u32 $0xD0000000, s2;
	s6 =	simm.s32 $0x108;
	_ =	swait.ge @!p0 [sflag:s8], $0x0  }
0x24: {  	s3 =	sadd.s32 $0x88, s3;
	s6 =	simm.s32 @!p1 $0x1082;
	[sflag:s4] =	ssyncset.s32 $0xFFFFF086  }
0x25: {  	[simem:s6], [sflag:s4] =	dma.local [hbm:s3], $0xF7A  }
0x26: {  	[smem:$0x3F97] =	sst s1;
	(tag) =	ssettag s2;
	_ =	strace s9  }
0x27: {  	s1 =	sld [smem:$0x3FA7]  }
0x28: {  	s2 =	sld [smem:$0x3FA8]  }
0x29: {  	s4 =	sld [smem:$0x3FAA]  }
0x2a: {  	p0 =	seq.s32 s5, $0x0;
	s5 =	sld [smem:$0x3FAB]  }
0x2b: {  	s6 =	sld [smem:$0x3FAC]  }
0x2c: {  	s7 =	sld [smem:$0x3FAD]  }
0x2d: {  	s3 =	simm.s32 $0x108;
	s8 =	sld [smem:$0x3FAE]  }
0x2e: {  	s3 =	simm.s32 @!p0 $0x1082;
	s9 =	sld [smem:$0x3FAF]  }
0x2f: {  	lr =	sadd.s32 s0, s3;
	s0 =	sld [smem:$0x3FA6]  }
0x30: {  	s3 =	sld [smem:$0x3FA9]  }
0x31: {  	[smem:$0x3FB2] =	sst s10  }
0x32: {  	s10 =	sld [smem:$0x3FB0];
	_ =	sdelay $0x3  }
0x33: {  	p0 =	seq.s32 s10, $0x1;
	s10 =	sld [smem:$0x3FB2];
	_ =	sdelay $0x3  }
0x34: {  	[smem:$0x3FB2] =	sst s10  }
0x35: {  	s10 =	sld [smem:$0x3FB1];
	_ =	sdelay $0x3  }
0x36: {  	p1 =	seq.s32 s10, $0x1;
	s10 =	sld [smem:$0x3FB2];
	_ =	sdelay $0x3  }
0x37: {  	[smem:$0x3FB2] =	sst s10  }
0x38: {  	s10 =	sld [smem:$0x3FB3]  }
0x39: {  	_ = 	snop;
	(pc) =	sbr.ind lr, $3  }
0x3a: {  	_ = 	snop  }
0x3b: {  	_ = 	snop  }
0x3c: {  	p2 =	seq.s32 s10, $0x1;
	s10 =	sld [smem:$0x3FB2]  }
0x3d: {  	_ =	shalt  }
0x3e: {  	_ =	shalt  }
0x3f: {  	_ =	shalt  }
0x40: {  	_ =	shalt  }
0x41: {  	_ =	shalt  }
0x42: {  	_ =	shalt  }
0x43: {  	_ =	shalt  }
0x44: {  	_ =	shalt  }
0x45: {  	_ =	shalt  }
0x46: {  	_ =	shalt  }
0x47: {  	_ =	shalt  }
0x48: {  	_ =	shalt  }
0x49: {  	_ =	shalt  }
0x4a: {  	_ =	shalt  }
0x4b: {  	_ =	shalt  }
0x4c: {  	_ =	shalt  }
0x4d: {  	_ =	shalt  }
0x4e: {  	_ =	shalt  }
0x4f: {  	_ =	shalt  }
0x50: {  	_ =	shalt  }
0x51: {  	_ =	shalt  }
0x52: {  	_ =	shalt  }
0x53: {  	_ =	shalt  }
0x54: {  	_ =	shalt  }
0x55: {  	_ =	shalt  }
0x56: {  	_ =	shalt  }
0x57: {  	_ =	shalt  }
0x58: {  	_ =	shalt  }
0x59: {  	_ =	shalt  }
0x5a: {  	_ =	shalt  }
0x5b: {  	_ =	shalt  }
0x5c: {  	_ =	shalt  }
0x5d: {  	_ =	shalt  }
0x5e: {  	_ =	shalt  }
0x5f: {  	_ =	shalt  }
0x60: {  	_ =	shalt  }
0x61: {  	_ =	shalt  }
0x62: {  	_ =	shalt  }
0x63: {  	_ =	shalt  }
0x64: {  	_ =	shalt  }
0x65: {  	_ =	shalt  }
0x66: {  	_ =	shalt  }
0x67: {  	_ =	shalt  }
0x68: {  	_ =	shalt  }
0x69: {  	_ =	shalt  }
0x6a: {  	_ =	shalt  }
0x6b: {  	_ =	shalt  }
0x6c: {  	_ =	shalt  }
0x6d: {  	_ =	shalt  }
0x6e: {  	_ =	shalt  }
0x6f: {  	_ =	shalt  }
0x70: {  	_ =	shalt  }
0x71: {  	_ =	shalt  }
0x72: {  	_ =	shalt  }
0x73: {  	_ =	shalt  }
0x74: {  	_ =	shalt  }
0x75: {  	_ =	shalt  }
0x76: {  	_ =	shalt  }
0x77: {  	_ =	shalt  }
0x78: {  	_ =	shalt  }
0x79: {  	_ =	shalt  }
0x7a: {  	_ =	shalt  }
0x7b: {  	_ =	shalt  }
0x7c: {  	_ =	shalt  }
0x7d: {  	_ =	shalt  }
0x7e: {  	_ =	shalt  }
0x7f: {  	_ =	shalt  }
0x80: {  	_ =	shalt  }
0x81: {  	_ =	shalt  }
0x82: {  	_ =	shalt  }
0x83: {  	_ =	shalt  }
0x84: {  	_ =	shalt  }
0x85: {  	_ =	shalt  }
0x86: {  	_ =	shalt  }
0x87: {  	_ =	shalt  }
.Lfunc_end0:
.L_simem_size_0:
called_computation_lowered:
.L_overlay_start_0:
0x88: {  	s2 =	sld [smem:$0x3FD9]  }
0x89: {  	s3 =	sld [smem:$0x3FFE];
	_ =	sdelay $0x1  }
0x8a: {  	s1 =	srdreg.scid  }
0x8b: {  	s0 =	sand.u32 $0x1, s1  }
0x8c: {  	s17 =	sshll.u32 s0, $0xA;
	s2 =	sadd.s32 s3, s2  }
0x8d: {  	s2 =	sadd.s32 s2, s17  }
0x8e: {  	[smem:$0x3FBE] =	sst s2  }
0x8f: {  	_ = 	snop  }
0x90: {  	s2 =	sld [smem:$0x3FD0];
	(tm) =	ssettm $0x1  }
0x91: {  	s18 =	sld [smem:$0x3FFB];
	_ =	sdelay $0x3  }
0x92: {  	_ =	strace s18  }
0x93: {  	s3 =	sld [smem:$0x3FFC];
	_ =	sdelay $0x3  }
0x94: {  	_ =	strace s3  }
0x95: {  	s3 =	sld [smem:$0x3FFD];
	_ =	sdelay $0x3  }
0x96: {  	_ =	strace s3  }
0x97: {  	_ =	strace $0x8FFFFFFF  }
0x98: {  	s19 =	sld [smem:$0x3FDB];
	_ =	sdelay $0x1  }
0x99: {  	s4 =	simm.s32 $_scs_section_size  }
0x9a: {  	s5 =	simm.s32 $_size__tile_overlayer_lowered;
	s6 =	simm.s32 $_tile_overlayer_lowered  }
0x9b: {  	s22 =	simm.s32 $0x1BFF;
	s21 =	sshll.u32 s6, $0x1;
	s3 =	sadd.s32 s4, s19  }
0x9c: {  	s7 =	simm.s32 $0x0;
	s20 =	sshll.u32 s5, $0x1;
	s5 =	sadd.s32 s21, s3  }
0x9d: {  	[timem:s7], [sflag:s22] =	dma.local [hbm:s5], s20  }
0x9e: {  	_ =	swait.ge [sflag:s22], s20  }
0x9f: {  	s4 =	ssub.s32 $0x0, s20;
	[sflag:s22] =	ssyncset.done $0x0  }
0xa0: {  	[sflag:s22] =	ssyncadd.s32 s4;
	_ =	sdelay $0x1  }
0xa1: {  	s23 =	simm.s32 $0x1B8B  }
0xa2: {  	_ =	swait.ge [sflag:s23], $0x1  }
0xa3: {  	[sflag:s23] =	ssyncset.done $0x0  }
0xa4: {  	s25 =	simm.s32 $0x1B8E;
	s24 =	sld [smem:$0x3FFE];
	[sflag:s23] =	ssyncadd.s32 $0xFFFFFFFF  }
0xa5: {  	s26 =	simm.s32 $execute0_lowered;
	[smem:$0x3FD2] =	sst s25  }
0xa6: {  	s5 =	sshll.u32 s26, $0x1;
	_ =	strace $0x80000046;
	[dreg:$0x1] =	wrdreg $0xFFFFFFFF  }
0xa7: {  	s28 =	simm.s32 $_size_execute0_lowered;
	s3 =	sadd.s32 s3, s5;
	[dreg:$0x0] =	wrdreg $0x0  }
0xa8: {  	s5 =	sshll.u32 s28, $0x1;
	[dreg:$0x2] =	wrdreg s3  }
0xa9: {  	[dreg:$0x3] =	wrdreg s5  }
0xaa: {  	[dreg:$0x4] =	wrdreg $0xC0  }
0xab: {  	_ =	task [dreg:s7], $0x5FFFF  }
0xac: {  	[dreg:$0x1] =	wrdreg $0xFFFFFFFF  }
0xad: {  	[dreg:$0x0] =	wrdreg $0x60  }
0xae: {  	[dreg:$0x2] =	wrdreg s24  }
0xaf: {  	[dreg:$0x3] =	wrdreg s2  }
0xb0: {  	[dreg:$0x4] =	wrdreg $0x7A600  }
0xb1: {  	[dreg:$0x5] =	wrdreg $0x9  }
0xb2: {  	_ =	task.clear_ibuf [dreg:s7], $0x6FFFF;
	_ =	strace $0x90000046  }
0xb3: {  	s29 =	simm.s32 $0x9;
	_ =	strace $0x80000048  }
0xb4: {  	_ =	swait.ge [sflag:s29], $0x1  }
0xb5: {  	[sflag:s29] =	ssyncadd.s32 $0xFFFFFFFF  }
0xb6: {  	_ =	strace $0x90000048  }
0xb7: {  	_ =	sfence  }
0xb8: {  	s30 =	sld [smem:$0x0];
	_ =	sdelay $0x2  }
0xb9: {  	s31 =	sshll.u32 s1, $0xD;
	s1 =	sshrl.u32 s1, $0x2  }
0xba: {  	s3 =	sand.u32 $0x4000, s31;
	s1 =	sadd.s32 s1, s30  }
0xbb: {  	s0 =	sor.u32 s3, s0;
	s1 =	sshll.u32 s1, $0x11  }
0xbc: {  	s0 =	sor.u32 s1, s0  }
0xbd: {  	s0 =	sadd.s32 $0x8F2B, s0  }
0xbe: {  	[sflag:s0] =	ssyncadd.remote.s32 $0x1  }
0xbf: {  	_ =	sfence.sel $0xFFFF  }
0xc0: {  	[dreg:$0x0] =	wrdreg $0xFFFFFFFF;
	(pc) =	sbr.abs _section_cstart, $3  }
0xc1: {  	[dreg:$0x1] =	wrdreg $0xFFFFFFFF  }
0xc2: {  	_ =	task.clear_ibuf [dreg:s7], $0x2FFFF;
	_ =	strace $0x9FFFFFFF  }
0xc3: {  	(tm) =	ssettm $0x7FFFFFFF  }
tec
execute0_lowered:
.L_overlay_start_1:
0x0: {  	(tag) =	ssettag $0x1  }
0x1: {  	s0 =	rddreg [dreg:$0x0]  }
0x2: {  	s1 =	rddreg [dreg:$0x1]  }
0x3: {  	s2 =	rddreg [dreg:$0x2];
	s3 =	simm.s32 $0x0  }
0x4: {  	s14 =	srdreg.scid;
	s12 =	stileid.u32;
	s28 =	simm.s32 $0x7A50  }
0x5: {  	s29 =	simm.s32 $0x10;
	s30 =	simm.s32 $0x0;
	[smem:$0x7FF] =	sst s3  }
0x6: {  	s5 =	sadd.s32 $0x1600, s0;
	s3 =	sand.u32 $0x1, s14;
	s6 =	sadd.s32 $0x2D600, s0  }
0x7: {  	s8 =	smul.u32 $0x5A000, s12;
	s7 =	sadd.s32 $0x32600, s0;
	s0 =	sadd.s32 $0x3C400, s0  }
0x8: {  	s11 =	smul.u32 $0x16800, s12;
	_ =	strace $0x80000047;
	s4 =	ssub.s32 $0x2, s3  }
0x9: {  	s10 =	sshll.u32 s3, $0x4;
	s3 =	smul.u32 $0x168000, s3;
	s9 =	sshrl.u32 s4, $0x1  }
0xa: {  	s8 =	sshrl.u32 s8, $0x2;
	s15 =	sor.u32 s12, s10;
	s12 =	sadd.s32 $0x4800, s11  }
0xb: {  	s21 =	sadd.s32 $0x9000, s11;
	s4 =	ssub.s32 s4, s9;
	s10 =	sadd.s32 s8, s2  }
0xc: {  	s8 =	sadd.s32 s11, s2;
	s19 =	sadd.s32 s11, s3;
	s14 =	sadd.s32 s3, s12  }
0xd: {  	s9 =	smul.u32 $0x2710, s15;
	s22 =	sadd.s32 s3, s21;
	s15 =	sadd.s32 $0xD800, s11  }
0xe: {  	s11 =	sadd.s32 $0x12000, s11;
	s16 =	sadd.s32 $0x2D00, s10;
	s17 =	sadd.s32 $0x5A00, s10  }
0xf: {  	s18 =	sadd.s32 $0x8700, s10;
	s13 =	sadd.s32 $0xB400, s10;
	[dreg:$0x4] =	wrdreg s16  }
0x10: {  	s14 =	sshrl.u32 s14, $0x3;
	s25 =	sadd.s32 $0xE100, s10;
	[dreg:$0x5] =	wrdreg s17  }
0x11: {  	s26 =	sadd.s32 $0x10E00, s10;
	s10 =	sadd.s32 $0x13B00, s10;
	[dreg:$0x6] =	wrdreg s18  }
0x12: {  	s4 =	smax.u32 s4, $0x1;
	[dreg:$0x7] =	wrdreg s13;
	s13 =	sshrl.u32 s19, $0x3  }
0x13: {  	s20 =	sadd.s32 s0, s14;
	s14 =	sshrl.u32 s22, $0x3;
	[dreg:$0xd] =	wrdreg s25  }
0x14: {  	s16 =	sadd.s32 s3, s15;
	s3 =	sadd.s32 s3, s11;
	[dreg:$0xe] =	wrdreg s26  }
0x15: {  	s24 =	sshrl.u32 s9, $0x3;
	[dreg:$0xf] =	wrdreg s10;
	s25 =	sadd.s32 $0xC0, s9  }
0x16: {  	s26 =	sadd.s32 $0x120, s9;
	s19 =	sadd.s32 s12, s2;
	s22 =	sadd.s32 s11, s2  }
0x17: {  	[dreg:$0x16] =	wrdreg s4;
	s9 =	simm.s32 $0xC0;
	s10 =	simm.s32 $0x7  }
0x18: {  	s11 =	simm.s32 $0x60;
	s12 =	simm.s32 $0x1;
	s13 =	sadd.s32 s0, s13  }
0x19: {  	[dreg:$0x9] =	wrdreg s20;
	s14 =	sadd.s32 s0, s14;
	s23 =	sshrl.u32 s16, $0x3  }
0x1a: {  	s3 =	sshrl.u32 s3, $0x3;
	s31 =	sadd.s32 $0xC, s24;
	[dreg:$0x8] =	wrdreg s13  }
0x1b: {  	s16 =	sadd.s32 s7, s24;
	s17 =	sadd.s32 s1, s24;
	[dreg:$0xa] =	wrdreg s14  }
0x1c: {  	s20 =	sadd.s32 s21, s2;
	s21 =	sadd.s32 s15, s2;
	[dreg:$0x12] =	wrdreg s16  }
0x1d: {  	s15 =	simm.s32 $0x3D80;
	s14 =	sadd.s32 s0, s23;
	[dreg:$0x13] =	wrdreg s17  }
0x1e: {  	s0 =	sadd.s32 s0, s3;
	s3 =	sadd.s32 s1, s31;
	[dreg:$0xb] =	wrdreg s14  }
0x1f: {  	s23 =	sshrl.u32 s20, $0x3;
	s16 =	simm.s32 $0x2;
	[dreg:$0xc] =	wrdreg s0  }
0x20: {  	s17 =	simm.s32 $0x4;
	s20 =	simm.s32 $0x3CC0;
	[dreg:$0x11] =	wrdreg s3  }
0x21: {  	s13 =	simm.s32 $0x5;
	s14 =	sadd.s32 s7, s31;
	[dreg:$0x18] =	wrdreg s23  }
0x22: {  	s0 =	sadd.s32 $0x4E0, s24;
	s24 =	sshrl.u32 s21, $0x3;
	[dreg:$0x10] =	wrdreg s14  }
0x23: {  	s31 =	sshrl.u32 s22, $0x3;
	s21 =	simm.s32 $0x3;
	[dreg:$0x19] =	wrdreg s24  }
0x24: {  	s22 =	simm.s32 $0x79E0;
	s18 =	sadd.s32 s7, s0;
	[dreg:$0x1a] =	wrdreg s31  }
0x25: {  	v0 =	vimm.f32 $0.0e+00;
	v38 =	vimm.s32 $0x1;
	s0 =	sadd.s32 s1, s0;
	s24 =	simm.s32 $0x36C0;
	[dreg:$0x14] =	wrdreg s18  }
0x26: {  	v47 =	vimm.s32 $0x2;
	v51 =	vimm.s32 $0x3;
	v53 =	vimm.s32 $0x4;
	s14 =	simm.s32 $0x3D20;
	[dreg:$0x15] =	wrdreg s0;
	s0 =	sshrl.u32 s19, $0x3  }
0x27: {  	v42 =	vimm.s32 $0x5;
	v6 =	vimm.s32 $0x6;
	v46 =	vimm.s32 $0x7;
	s18 =	simm.s32 $0x3DE0;
	s19 =	simm.s32 $0x73E0;
	[dreg:$0x17] =	wrdreg s0  }
.LBB2_1:
0x28: {  	s0 =	simm.s32 $0x0;
	s3 =	simm.s32 $0x240  }
.LBB2_2:
0x29: {  	p0 =	sne.s32 s3, $0xB1C0;
	[tilespmem:s0+$0x140] =	vst v0  }
0x2a: {  	[tilespmem:s0+$0xC0] =	vst v0  }
0x2b: {  	[tilespmem:s0+$0xD0] =	vst v0  }
0x2c: {  	[tilespmem:s0+$0xE0] =	vst v0  }
.Ltmp0:
0x2d: {  	[tilespmem:s0+$0xF0] =	vst v0;
	(pc) =	sbr.rel @p0 .LBB2_2-.Ltmp0, $4  }
0x2e: {  	[tilespmem:s0+$0x100] =	vst v0  }
0x2f: {  	[tilespmem:s0+$0x110] =	vst v0  }
0x30: {  	[tilespmem:s0+$0x120] =	vst v0  }
0x31: {  	[tilespmem:s0+$0x130] =	vst v0;
	s0 =	sshra.s32 s3, $0x2;
	s3 =	sadd.s32 $0x240, s3  }
0x32: {  	[tilespmem:s0+$0x140] =	vst v0  }
0x33: {  	[tilespmem:s0+$0xC0] =	vst v0  }
0x34: {  	[tilespmem:s0+$0xD0] =	vst v0  }
0x35: {  	[tilespmem:s0+$0xE0] =	vst v0  }
0x36: {  	[tilespmem:s0+$0xF0] =	vst v0  }
0x37: {  	[tilespmem:s0+$0x100] =	vst v0  }
0x38: {  	[tilespmem:s0+$0x110] =	vst v0  }
0x39: {  	[tilespmem:s0+$0x120] =	vst v0  }
0x3a: {  	[tilespmem:s0+$0x130] =	vst v0  }
0x3b: {  	[spmem:s8] =	stream.linear.scatter [tilespmem:s9], [sflag:$0x7], $0x2D00, $0x38;
	[tilespmem:$0x1E260] =	vst v63  }
0x3c: {  	_ =	swait.ge [sflag:s10], $0x2D00  }
0x3d: {  	[sflag:s10] =	ssyncset.done $0x0  }
0x3e: {  	s23 =	rddreg [dreg:$0x4];
	[sflag:s10] =	ssyncadd.s32 $0xFFFFD300  }
0x3f: {  	[spmem:s23] =	stream.linear.scatter [tilespmem:s9], [sflag:$0x7], $0x2D00, $0x38;
	[tilespmem:$0x1E260] =	vst v63  }
0x40: {  	_ =	swait.ge [sflag:s10], $0x2D00  }
0x41: {  	[sflag:s10] =	ssyncset.done $0x0  }
0x42: {  	s3 =	rddreg [dreg:$0x5];
	[sflag:s10] =	ssyncadd.s32 $0xFFFFD300  }
0x43: {  	[spmem:s3] =	stream.linear.scatter [tilespmem:s9], [sflag:$0x7], $0x2D00, $0x38;
	[tilespmem:$0x1E260] =	vst v63  }
0x44: {  	_ =	swait.ge [sflag:s10], $0x2D00  }
0x45: {  	[sflag:s10] =	ssyncset.done $0x0  }
0x46: {  	s4 =	rddreg [dreg:$0x6];
	[sflag:s10] =	ssyncadd.s32 $0xFFFFD300  }
0x47: {  	[spmem:s4] =	stream.linear.scatter [tilespmem:s9], [sflag:$0x7], $0x2D00, $0x38;
	[tilespmem:$0x1E260] =	vst v63  }
0x48: {  	_ =	swait.ge [sflag:s10], $0x2D00  }
0x49: {  	[sflag:s10] =	ssyncset.done $0x0  }
0x4a: {  	s23 =	rddreg [dreg:$0x7];
	[sflag:s10] =	ssyncadd.s32 $0xFFFFD300  }
0x4b: {  	[spmem:s23] =	stream.linear.scatter [tilespmem:s9], [sflag:$0x7], $0x2D00, $0x38;
	[tilespmem:$0x1E260] =	vst v63  }
0x4c: {  	_ =	swait.ge [sflag:s10], $0x2D00  }
0x4d: {  	[sflag:s10] =	ssyncset.done $0x0  }
0x4e: {  	s3 =	rddreg [dreg:$0xd];
	[sflag:s10] =	ssyncadd.s32 $0xFFFFD300  }
0x4f: {  	[spmem:s3] =	stream.linear.scatter [tilespmem:s9], [sflag:$0x7], $0x2D00, $0x38;
	[tilespmem:$0x1E260] =	vst v63  }
0x50: {  	_ =	swait.ge [sflag:s10], $0x2D00  }
0x51: {  	[sflag:s10] =	ssyncset.done $0x0  }
0x52: {  	s4 =	rddreg [dreg:$0xe];
	[sflag:s10] =	ssyncadd.s32 $0xFFFFD300  }
0x53: {  	[spmem:s4] =	stream.linear.scatter [tilespmem:s9], [sflag:$0x7], $0x2D00, $0x38;
	[tilespmem:$0x1E260] =	vst v63  }
0x54: {  	_ =	swait.ge [sflag:s10], $0x2D00  }
0x55: {  	[sflag:s10] =	ssyncset.done $0x0  }
0x56: {  	s23 =	rddreg [dreg:$0xf];
	[sflag:s10] =	ssyncadd.s32 $0xFFFFD300  }
0x57: {  	[spmem:s23] =	stream.linear.scatter [tilespmem:s9], [sflag:$0x7], $0x2D00, $0x38;
	[tilespmem:$0x1E260] =	vst v63  }
0x58: {  	_ =	swait.ge [sflag:s10], $0x2D00  }
0x59: {  	[sflag:s10] =	ssyncset.done $0x0  }
0x5a: {  	[sflag:s10] =	ssyncadd.s32 $0xFFFFD300  }
0x5b: {  	[bflag:$0x0] =	sbarrier.arrive $0xFFFF  }
0x5c: {  	s31 =	simm.s32 $0x0;
	s3 =	rddreg [dreg:$0x12]  }
0x5d: {  	[tilespmem:s31], [sflag:$0x1] =	stream.linear.gather [hbm4b:s3+s31], $0x60, $0x38;
	[tilespmem:$0x1E260] =	vst v63  }
0x5e: {  	s4 =	rddreg [dreg:$0x13]  }
0x5f: {  	[tilespmem:s11], [sflag:$0x1] =	stream.linear.gather [hbm4b:s4+s31], $0x60, $0x38;
	[tilespmem:$0x1E260] =	vst v63  }
0x60: {  	_ =	swait.ge [sflag:s12], $0x60  }
0x61: {  	[sflag:s12] =	ssyncset.done $0x0  }
0x62: {  	[sflag:s12] =	ssyncadd.s32 $0xFFFFFFA0  }
0x63: {  	_ =	swait.ge [sflag:s12], $0x60  }
0x64: {  	[sflag:s12] =	ssyncset.done $0x0  }
0x65: {  	[sflag:s12] =	ssyncadd.s32 $0xFFFFFFA0  }
0x66: {  	[tilespmem:s9], [sflag:$0x2] =	stream.indirect.gather [hbm4b:s5+s11], $0x90, s31, s11, $0xb8;
	[tilespmem:$0x1E260] =	vst v63  }
0x67: {  	_ = 	snop  }
0x68: {  	[tilespmem:s24], [sflag:$0x2] =	stream.indirect.gather [hbm4b:s6+s11], $0x10, s11, s11, $0xb8;
	[tilespmem:$0x1E260] =	vst v63  }
0x69: {  	s23 =	rddreg [dreg:$0x10]  }
0x6a: {  	[tilespmem:s14], [sflag:$0x4] =	stream.linear.gather [hbm4b:s23+s31], $0x60, $0x38;
	[tilespmem:$0x1E260] =	vst v63  }
0x6b: {  	s24 =	rddreg [dreg:$0x11]  }
0x6c: {  	[tilespmem:s15], [sflag:$0x4] =	stream.linear.gather [hbm4b:s24+s31], $0x60, $0x38;
	[tilespmem:$0x1E260] =	vst v63  }
.LBB2_4:
0x6d: {  	_ =	swait.ge [sflag:s16], $0x3600  }
0x6e: {  	[sflag:s16] =	ssyncset.done $0x0  }
0x6f: {  	[sflag:s16] =	ssyncadd.s32 $0xFFFFCA00  }
0x70: {  	_ =	swait.ge [sflag:s16], $0x600  }
0x71: {  	[sflag:s16] =	ssyncset.done $0x0  }
0x72: {  	[sflag:s16] =	ssyncadd.s32 $0xFFFFFA00  }
0x73: {  	v0 =	vld [tilespmem:$0x60]  }
0x74: {  	v1 =	vld [tilespmem:$0x70]  }
0x75: {  	v2 =	vld [tilespmem:$0x80]  }
0x76: {  	v3 =	vld [tilespmem:$0x90]  }
0x77: {  	v4 =	vld [tilespmem:$0xA0]  }
0x78: {  	[tilespmem:$0x3CC0] =	vst v0;
	v0 =	vld [tilespmem:$0xB0]  }
0x79: {  	[tilespmem:$0x3CD0] =	vst v1  }
0x7a: {  	[tilespmem:$0x3CE0] =	vst v2  }
0x7b: {  	[tilespmem:$0x3CF0] =	vst v3  }
0x7c: {  	p0 =	seq.s32 s31, $0x0;
	[tilespmem:$0x3D00] =	vst v4  }
0x7d: {  	s0 =	simm.s32 @!p0 $0x6;
	[tilespmem:$0x3D10] =	vst v0  }
0x7e: {  	_ =	swait.ge @!p0 [sflag:s0], $0x3600  }
0x7f: {  	[sflag:s0] =	ssyncset.done @!p0 $0x0  }
0x80: {  	[sflag:s0] =	ssyncadd.s32 @!p0 $0xFFFFCA00  }
0x81: {  	_ =	swait.ge [sflag:s17], $0x60  }
0x82: {  	[sflag:s17] =	ssyncset.done $0x0  }
0x83: {  	p0 =	seq.s32 s31, $0x33;
	[sflag:s17] =	ssyncadd.s32 $0xFFFFFFA0  }
0x84: {  	s0 =	smul.u32 @!p0 $0xC0, s31;
	_ =	swait.ge [sflag:s17], $0x60  }
0x85: {  	[sflag:s17] =	ssyncset.done $0x0  }
0x86: {  	s3 =	sadd.s32 @!p0 s0, s25;
	[sflag:s17] =	ssyncadd.s32 $0xFFFFFFA0  }
0x87: {  	[tilespmem:s18], [sflag:$0x5] =	stream.indirect.gather [hbm4b:s5+s11], $0x90, s14, s11, $0xb8;
	[tilespmem:$0x1E260] =	vst v63  }
0x88: {  	s3 =	sshrl.u32 @!p0 s3, $0x3  }
0x89: {  	[tilespmem:s19], [sflag:$0x5] =	stream.indirect.gather [hbm4b:s6+s11], $0x10, s15, s11, $0xb8;
	[tilespmem:$0x1E260] =	vst v63  }
0x8a: {  	s23 =	simm.s32 @!p0 $0x0;
	s4 =	sadd.s32 @!p0 s7, s3  }
0x8b: {  	[tilespmem:s23], [sflag:$0x1] =	stream.linear.gather @!p0 [hbm4b:s4+s23], $0x60, $0x38;
	[tilespmem:$0x1E260] =	vst v63  }
0x8c: {  	s3 =	sadd.s32 @!p0 s1, s3;
	s4 =	simm.s32 @!p0 $0x60  }
0x8d: {  	[tilespmem:s4], [sflag:$0x1] =	stream.linear.gather @!p0 [hbm4b:s3+s23], $0x60, $0x38;
	[tilespmem:$0x1E260] =	vst v63  }
0x8e: {  	s4 =	simm.s32 $0x1E0  }
0x8f: {  	s3 =	simm.s32 $0x36E0;
	v0 =	vld [tilespmem:s4+$0x110]  }
0x90: {  	v1 =	vld [tilespmem:s3+$0x10]  }
0x91: {  	v2 =	vld [tilespmem:s3+$0xFFFFFFE0]  }
0x92: {  	v7 =	vld [tilespmem:s4+$0xFFFFFEE0]  }
0x93: {  	v3 =	vld [tilespmem:s4+$0xFFFFFFF0]  }
0x94: {  	v4 =	vld [tilespmem:s3+$0xFFFFFFF0]  }
0x95: {  	v5 =	vld [tilespmem:s4+$0x80]  }
0x96: {  	v9 =	vld [tilespmem:s3+$0x0];
	v0 =	vadd.f32 v1, v0  }
0x97: {  	v1 =	vld [tilespmem:s4+$0xFFFFFF60];
	[tilespmem:$0x1FFF0] =	vst v7  }
0x98: {  	v15 =	vld [tilespmem:s4+$0xFFFFFEF0];
	v10 =	vmul.f32 $2.000000030e-01, v0  }
0x99: {  	v3 =	vadd.f32 v4, v3;
	v16 =	vld [tilespmem:s4+$0xFFFFFF00];
	vm0 =	vgt.f32 v0, $0.0e+00  }
0x9a: {  	v17 =	vld [tilespmem:s4+$0xFFFFFF10];
	v0 =	vsel vm0, v0, v10  }
0x9b: {  	v4 =	vadd.f32 v9, v5;
	v18 =	vld [tilespmem:s4+$0xFFFFFF20];
	v5 =	vmul.f32 $2.000000030e-01, v3;
	v0 =	vmul.f32 $1.442695020e+00, v0  }
0x9c: {  	v19 =	vld [tilespmem:s4+$0xFFFFFF30];
	vm14 =	vgt.f32 v3, $0.0e+00  }
0x9d: {  	v20 =	vld [tilespmem:s4+$0xFFFFFF40];
	v3 =	vsel vm14, v3, v5;
	(erf) = vpow2.f32 v0  }
0x9e: {  	v21 =	vld [tilespmem:s4+$0xFFFFFF50];
	v3 =	vmul.f32 $1.442695020e+00, v3  }
0x9f: {  	v22 =	vld [tilespmem:s4+$0xFFFFFF70];
	v1 =	vadd.f32 v2, v1  }
0xa0: {  	v23 =	vld [tilespmem:s4+$0xFFFFFF80];
	v2 =	vmul.f32 $2.000000030e-01, v4;
	(erf) = vpow2.f32 v3  }
0xa1: {  	v24 =	vld [tilespmem:s4+$0xFFFFFF90];
	vm1 =	vgt.f32 v4, $0.0e+00;
	v0 =	vmul.f32 $2.000000030e-01, v1  }
0xa2: {  	v25 =	vld [tilespmem:s4+$0xFFFFFFA0];
	vm15 =	vgt.f32 v1, $0.0e+00;
	v2 =	vsel vm1, v4, v2  }
0xa3: {  	v27 =	vld [tilespmem:s4+$0xFFFFFFB0];
	v0 =	vsel vm15, v1, v0;
	v1 =	vmul.f32 $1.442695020e+00, v2  }
0xa4: {  	v26 =	vld [tilespmem:s4+$0xFFFFFFC0];
	v0 =	vmul.f32 $1.442695020e+00, v0  }
0xa5: {  	v28 =	vld [tilespmem:s4+$0xFFFFFFD0];
	(erf) = vpow2.f32 v1  }
0xa6: {  	v54 =	vimm.s32 $0x0;
	v29 =	vld [tilespmem:s4+$0xFFFFFFE0];
	(erf) = vpow2.f32 v0;
	v44 =	vpop (erf)  }
0xa7: {  	v33 =	vld [tilespmem:s4+$0x0];
	v10 =	vperm.xlane v44, v54;
	v1 =	vperm.xlane v44, v46  }
0xa8: {  	v0 =	vld [tilespmem:s4+$0x100];
	v12 =	vperm.xlane v44, v38;
	v9 =	vperm.xlane v44, v47  }
0xa9: {  	v35 =	vld [tilespmem:s4+$0x10];
	v11 =	vperm.xlane v44, v51;
	v13 =	vperm.xlane v44, v42;
	v42 =	vpop (erf)  }
0xaa: {  	v36 =	vld [tilespmem:s4+$0x20];
	v14 =	vperm.xlane v44, v53;
	v50 =	vperm.xlane v42, v54  }
0xab: {  	v40 =	vld [tilespmem:s4+$0x30];
	v48 =	vperm.xlane v42, v38;
	v52 =	vperm.xlane v42, v47  }
0xac: {  	v7 =	vimm.s32 $0x5;
	v45 =	vld [tilespmem:s4+$0x40];
	v49 =	vperm.xlane v42, v51;
	v62 =	vperm.xlane v42, v53  }
0xad: {  	v8 =	vimm.s32 $0x7;
	v41 =	vld [tilespmem:s4+$0x50];
	[tilespmem:s4+$0x110] =	vst v44;
	v59 =	vperm.xlane v42, v7;
	v0 =	vmul.f32 v0, v1  }
0xae: {  	v34 =	vld [tilespmem:s4+$0x60];
	v60 =	vperm.xlane v42, v6;
	v58 =	vperm.xlane v42, v8;
	[tilespmem:s4+$0xFFFFFFF0] =	vst v42;
	v46 =	vpop (erf)  }
0xaf: {  	v30 =	vld [tilespmem:s4+$0x90];
	[tilespmem:s4+$0x100] =	vst v0;
	v61 =	vperm.xlane v46, v54;
	v57 =	vperm.xlane v46, v38  }
0xb0: {  	v31 =	vld [tilespmem:s4+$0xA0];
	v39 =	vpop (erf);
	v56 =	vperm.xlane v46, v47;
	v55 =	vperm.xlane v46, v53;
	[tilespmem:s4+$0x80] =	vst v46  }
0xb1: {  	v32 =	vld [tilespmem:s4+$0xB0];
	v43 =	vperm.xlane v39, v54;
	v4 =	vperm.xlane v39, v53;
	[tilespmem:s4+$0xFFFFFF60] =	vst v39  }
0xb2: {  	v0 =	vperm.xlane v39, v7;
	v53 =	vperm.xlane v46, v7;
	v7 =	vld [tilespmem:$0x1FFF0]  }
0xb3: {  	v37 =	vld [tilespmem:s4+$0x70];
	v2 =	vperm.xlane v39, v38;
	v5 =	vperm.xlane v39, v47  }
0xb4: {  	v42 =	vld [tilespmem:s4+$0xE0];
	v1 =	vperm.xlane v39, v51;
	v3 =	vperm.xlane v39, v6  }
0xb5: {  	v63 =	vperm.xlane v39, v8;
	v54 =	vperm.xlane v46, v51;
	v38 =	vld [tilespmem:s4+$0xC0]  }
0xb6: {  	v39 =	vld [tilespmem:s4+$0xD0];
	v51 =	vperm.xlane v46, v6;
	v47 =	vperm.xlane v46, v8  }
0xb7: {  	s24 =	simm.s32 $0x0;
	s23 =	simm.s32 $0x420;
	v8 =	vimm.s32 $0x6;
	v46 =	vmul.f32 v7, v43;
	v43 =	vperm.xlane v44, v6;
	v44 =	vld [tilespmem:s4+$0xF0]  }
.LBB2_5:
0xb8: {  	v6 =	vld [tilespmem:s23+$0x110];
	v2 =	vmul.f32 v15, v2;
	v5 =	vmul.f32 v16, v5;
	s3 =	sadd.s32 $0x40, s3  }
0xb9: {  	s24 =	sadd.s32 $0x4, s24;
	v1 =	vmul.f32 v17, v1;
	v4 =	vmul.f32 v18, v4;
	v15 =	vld [tilespmem:s3+$0x10];
	[tilespmem:s4+$0xFFFFFEE0] =	vst v46  }
0xba: {  	v0 =	vmul.f32 v19, v0;
	p1 =	slt.u32 s24, $0x5C;
	v18 =	vld [tilespmem:s3+$0xFFFFFFE0];
	[tilespmem:s4+$0xFFFFFEF0] =	vst v2;
	v2 =	vmul.f32 v20, v3  }
0xbb: {  	v16 =	vmul.f32 v22, v50;
	v3 =	vld [tilespmem:s23+$0xFFFFFFF0];
	[tilespmem:s4+$0xFFFFFF00] =	vst v5;
	v5 =	vmul.f32 v21, v63  }
0xbc: {  	v19 =	vmul.f32 v24, v52;
	v17 =	vld [tilespmem:s3+$0xFFFFFFF0];
	[tilespmem:s4+$0xFFFFFF10] =	vst v1;
	v1 =	vmul.f32 v23, v48  }
0xbd: {  	v21 =	vmul.f32 v27, v62;
	v20 =	vld [tilespmem:s23+$0x80];
	[tilespmem:s4+$0xFFFFFF20] =	vst v4;
	v4 =	vmul.f32 v25, v49  }
0xbe: {  	v23 =	vmul.f32 v28, v60;
	v22 =	vld [tilespmem:s3+$0x0];
	v6 =	vadd.f32 v15, v6;
	[tilespmem:s4+$0xFFFFFF30] =	vst v0;
	v0 =	vmul.f32 v26, v59  }
0xbf: {  	v25 =	vmul.f32 v33, v61;
	v24 =	vld [tilespmem:s23+$0xFFFFFF60];
	[tilespmem:s4+$0xFFFFFF40] =	vst v2;
	v2 =	vmul.f32 v29, v58  }
0xc0: {  	v46 =	vld [tilespmem:s23+$0xFFFFFEE0];
	v26 =	vmul.f32 $2.000000030e-01, v6;
	[tilespmem:s4+$0xFFFFFF50] =	vst v5;
	v5 =	vmul.f32 v35, v57  }
0xc1: {  	v27 =	vmul.f32 v36, v56;
	vm0 =	vgt.f32 v6, $0.0e+00;
	v15 =	vld [tilespmem:s23+$0xFFFFFEF0];
	v3 =	vadd.f32 v17, v3;
	[tilespmem:s4+$0xFFFFFF70] =	vst v16  }
0xc2: {  	v16 =	vld [tilespmem:s23+$0xFFFFFF00];
	v6 =	vsel vm0, v6, v26;
	[tilespmem:s4+$0xFFFFFF80] =	vst v1;
	v1 =	vmul.f32 v40, v54;
	v26 =	vmul.f32 v45, v55  }
0xc3: {  	v17 =	vld [tilespmem:s23+$0xFFFFFF10];
	v28 =	vmul.f32 $2.000000030e-01, v3;
	v22 =	vadd.f32 v22, v20;
	v6 =	vmul.f32 $1.442695020e+00, v6;
	[tilespmem:s4+$0xFFFFFF90] =	vst v19  }
0xc4: {  	vm0 =	vgt.f32 v3, $0.0e+00;
	v24 =	vadd.f32 v18, v24;
	v18 =	vld [tilespmem:s23+$0xFFFFFF20];
	[tilespmem:s4+$0xFFFFFFA0] =	vst v4;
	v4 =	vmul.f32 v41, v53  }
0xc5: {  	v19 =	vld [tilespmem:s23+$0xFFFFFF30];
	vm1 =	vgt.f32 v22, $0.0e+00;
	v29 =	vmul.f32 $2.000000030e-01, v22;
	(erf) = vpow2.f32 v6;
	[tilespmem:s4+$0xFFFFFFB0] =	vst v21  }
0xc6: {  	v3 =	vsel vm0, v3, v28;
	vm2 =	vgt.f32 v24, $0.0e+00;
	v6 =	vmul.f32 $2.000000030e-01, v24;
	v20 =	vld [tilespmem:s23+$0xFFFFFF40];
	[tilespmem:s4+$0xFFFFFFC0] =	vst v0  }
0xc7: {  	v0 =	vmul.f32 $1.442695020e+00, v3;
	v21 =	vld [tilespmem:s23+$0xFFFFFF50];
	v3 =	vsel vm1, v22, v29;
	[tilespmem:s4+$0xFFFFFFD0] =	vst v23;
	v29 =	vmul.f32 v34, v51  }
0xc8: {  	v6 =	vsel vm2, v24, v6;
	v22 =	vld [tilespmem:s23+$0xFFFFFF70];
	v3 =	vmul.f32 $1.442695020e+00, v3;
	[tilespmem:s4+$0xFFFFFFE0] =	vst v2;
	v2 =	vmul.f32 v37, v47  }
0xc9: {  	v6 =	vmul.f32 $1.442695020e+00, v6;
	v23 =	vld [tilespmem:s23+$0xFFFFFF80];
	(erf) = vpow2.f32 v0;
	[tilespmem:s4+$0x0] =	vst v25  }
0xca: {  	v0 =	vmul.f32 v30, v10;
	v24 =	vld [tilespmem:s23+$0xFFFFFF90];
	(erf) = vpow2.f32 v3;
	[tilespmem:s4+$0x10] =	vst v5  }
0xcb: {  	v3 =	vmul.f32 v31, v12;
	v25 =	vld [tilespmem:s23+$0xFFFFFFA0];
	(erf) = vpow2.f32 v6;
	[tilespmem:s4+$0x20] =	vst v27  }
0xcc: {  	v56 =	vimm.s32 $0x0;
	v6 =	vmul.f32 v38, v11;
	v5 =	vld [tilespmem:s23+$0x100];
	[tilespmem:s4+$0x30] =	vst v1;
	v1 =	vmul.f32 v32, v9  }
0xcd: {  	v55 =	vimm.s32 $0x2;
	v30 =	vmul.f32 v39, v14;
	v31 =	vmul.f32 v42, v13;
	v27 =	vld [tilespmem:s23+$0xFFFFFFB0];
	[tilespmem:s4+$0x40] =	vst v26  }
0xce: {  	v54 =	vimm.s32 $0x3;
	v47 =	vimm.s32 $0x7;
	v32 =	vmul.f32 v44, v43;
	v26 =	vld [tilespmem:s23+$0xFFFFFFC0];
	v7 =	vpop (erf);
	[tilespmem:s4+$0x50] =	vst v4  }
0xcf: {  	v51 =	vimm.s32 $0x1;
	v28 =	vld [tilespmem:s23+$0xFFFFFFD0];
	v10 =	vperm.xlane v7, v56;
	v4 =	vperm.xlane v7, v47;
	[tilespmem:s4+$0x60] =	vst v29  }
0xd0: {  	v53 =	vimm.s32 $0x4;
	v12 =	vperm.xlane v7, v51;
	v9 =	vperm.xlane v7, v55;
	v29 =	vld [tilespmem:s23+$0xFFFFFFE0];
	[tilespmem:s4+$0x70] =	vst v2  }
0xd1: {  	v44 =	vimm.s32 $0x5;
	v11 =	vperm.xlane v7, v54;
	v33 =	vld [tilespmem:s23+$0x0];
	v2 =	vmul.f32 v5, v4;
	[tilespmem:s4+$0x90] =	vst v0  }
0xd2: {  	v14 =	vperm.xlane v7, v53;
	v13 =	vperm.xlane v7, v44;
	v35 =	vld [tilespmem:s23+$0x10];
	v38 =	vpop (erf);
	[tilespmem:s4+$0xA0] =	vst v3  }
0xd3: {  	v50 =	vperm.xlane v38, v56;
	v48 =	vperm.xlane v38, v51;
	v36 =	vld [tilespmem:s23+$0x20];
	[tilespmem:s23+$0x100] =	vst v2;
	v42 =	vpop (erf)  }
0xd4: {  	v52 =	vperm.xlane v38, v55;
	v49 =	vperm.xlane v38, v54;
	v40 =	vld [tilespmem:s23+$0x30];
	v39 =	vpop (erf);
	[tilespmem:s4+$0xB0] =	vst v1  }
0xd5: {  	v43 =	vperm.xlane v39, v56;
	v2 =	vperm.xlane v39, v51;
	v45 =	vld [tilespmem:s23+$0x40];
	[tilespmem:s4+$0xC0] =	vst v6  }
0xd6: {  	v5 =	vperm.xlane v39, v55;
	v1 =	vperm.xlane v39, v54;
	v41 =	vld [tilespmem:s23+$0x50];
	[tilespmem:s4+$0xD0] =	vst v30  }
0xd7: {  	v4 =	vperm.xlane v39, v53;
	v0 =	vperm.xlane v39, v44;
	v34 =	vld [tilespmem:s23+$0x60];
	[tilespmem:s4+$0xE0] =	vst v31  }
0xd8: {  	v3 =	vperm.xlane v39, v8;
	v63 =	vperm.xlane v39, v47;
	v37 =	vld [tilespmem:s23+$0x70];
	[tilespmem:s4+$0xF0] =	vst v32;
	s4 =	smov.u32 s23  }
0xd9: {  	v62 =	vperm.xlane v38, v53;
	v59 =	vperm.xlane v38, v44;
	[tilespmem:s23+$0xFFFFFF60] =	vst v39;
	v30 =	vld [tilespmem:s23+$0x90]  }
0xda: {  	v60 =	vperm.xlane v38, v8;
	v58 =	vperm.xlane v38, v47;
	[tilespmem:s23+$0xFFFFFFF0] =	vst v38;
	v31 =	vld [tilespmem:s23+$0xA0]  }
.Ltmp1:
0xdb: {  	v61 =	vperm.xlane v42, v56;
	v57 =	vperm.xlane v42, v51;
	[tilespmem:s23+$0x80] =	vst v42;
	v32 =	vld [tilespmem:s23+$0xB0];
	(pc) =	sbr.rel @p1 .LBB2_5-.Ltmp1, $4  }
0xdc: {  	v56 =	vperm.xlane v42, v55;
	v54 =	vperm.xlane v42, v54;
	[tilespmem:s23+$0x110] =	vst v7;
	v38 =	vld [tilespmem:s23+$0xC0]  }
0xdd: {  	v55 =	vperm.xlane v42, v53;
	v53 =	vperm.xlane v42, v44;
	v39 =	vld [tilespmem:s23+$0xD0]  }
0xde: {  	v51 =	vperm.xlane v42, v8;
	v47 =	vperm.xlane v42, v47;
	v42 =	vld [tilespmem:s23+$0xE0]  }
0xdf: {  	v46 =	vmul.f32 v46, v43;
	v43 =	vperm.xlane v7, v8;
	s23 =	sadd.s32 $0x240, s23;
	v44 =	vld [tilespmem:s4+$0xF0]  }
0xe0: {  	v2 =	vmul.f32 v15, v2  }
0xe1: {  	v5 =	vmul.f32 v16, v5;
	[tilespmem:s4+$0xFFFFFEE0] =	vst v46  }
0xe2: {  	v1 =	vmul.f32 v17, v1;
	[tilespmem:s4+$0xFFFFFEF0] =	vst v2  }
0xe3: {  	v0 =	vmul.f32 v19, v0;
	[tilespmem:s4+$0xFFFFFF00] =	vst v5  }
0xe4: {  	v2 =	vmul.f32 v18, v4;
	[tilespmem:s4+$0xFFFFFF10] =	vst v1  }
0xe5: {  	v1 =	vmul.f32 v20, v3;
	[tilespmem:s4+$0xFFFFFF30] =	vst v0  }
0xe6: {  	v0 =	vmul.f32 v22, v50;
	[tilespmem:s4+$0xFFFFFF20] =	vst v2  }
0xe7: {  	v2 =	vmul.f32 v21, v63;
	[tilespmem:s4+$0xFFFFFF40] =	vst v1  }
0xe8: {  	v1 =	vmul.f32 v23, v48;
	[tilespmem:s4+$0xFFFFFF70] =	vst v0  }
0xe9: {  	v0 =	vmul.f32 v25, v49;
	[tilespmem:s4+$0xFFFFFF50] =	vst v2  }
0xea: {  	v2 =	vmul.f32 v24, v52;
	[tilespmem:s4+$0xFFFFFF80] =	vst v1  }
0xeb: {  	v1 =	vmul.f32 v27, v62;
	[tilespmem:s4+$0xFFFFFFA0] =	vst v0  }
0xec: {  	v0 =	vmul.f32 v28, v60;
	[tilespmem:s4+$0xFFFFFF90] =	vst v2  }
0xed: {  	v2 =	vmul.f32 v26, v59;
	[tilespmem:s4+$0xFFFFFFB0] =	vst v1  }
0xee: {  	v1 =	vmul.f32 v29, v58;
	[tilespmem:s4+$0xFFFFFFD0] =	vst v0  }
0xef: {  	v0 =	vmul.f32 v35, v57;
	[tilespmem:s4+$0xFFFFFFC0] =	vst v2  }
0xf0: {  	v2 =	vmul.f32 v33, v61;
	[tilespmem:s4+$0xFFFFFFE0] =	vst v1  }
0xf1: {  	v1 =	vmul.f32 v36, v56;
	[tilespmem:s4+$0x10] =	vst v0  }
0xf2: {  	v0 =	vmul.f32 v45, v55;
	[tilespmem:s4+$0x0] =	vst v2  }
0xf3: {  	v2 =	vmul.f32 v40, v54;
	[tilespmem:s4+$0x20] =	vst v1  }
0xf4: {  	v1 =	vmul.f32 v41, v53;
	[tilespmem:s4+$0x40] =	vst v0  }
0xf5: {  	v0 =	vmul.f32 v37, v47;
	[tilespmem:s4+$0x30] =	vst v2  }
0xf6: {  	v2 =	vmul.f32 v34, v51;
	[tilespmem:s4+$0x50] =	vst v1  }
0xf7: {  	v1 =	vmul.f32 v30, v10;
	[tilespmem:s4+$0x70] =	vst v0  }
0xf8: {  	v0 =	vmul.f32 v32, v9;
	[tilespmem:s4+$0x60] =	vst v2  }
0xf9: {  	v2 =	vmul.f32 v31, v12;
	[tilespmem:s4+$0x90] =	vst v1  }
0xfa: {  	v1 =	vmul.f32 v38, v11;
	[tilespmem:s4+$0xB0] =	vst v0  }
0xfb: {  	v0 =	vmul.f32 v42, v13;
	[tilespmem:s4+$0xA0] =	vst v2  }
0xfc: {  	v2 =	vmul.f32 v39, v14;
	[tilespmem:s4+$0xC0] =	vst v1  }
0xfd: {  	v1 =	vmul.f32 v44, v43;
	[tilespmem:s4+$0xE0] =	vst v0  }
0xfe: {  	[tilespmem:s4+$0xD0] =	vst v2  }
0xff: {  	[tilespmem:s4+$0xF0] =	vst v1  }
0x100: {  	[spmem:s2] =	stream.indirect.scatter.add.f32 [tilespmem:s9], [sflag:$0x3], $0x90, s20, s11, $0xb8;
	[tilespmem:$0x1E260] =	vst v63  }
0x101: {  	_ =	swait.ge [sflag:s13], $0x3600  }
0x102: {  	[sflag:s13] =	ssyncset.done $0x0  }
0x103: {  	[sflag:s13] =	ssyncadd.s32 $0xFFFFCA00  }
0x104: {  	_ =	swait.ge [sflag:s13], $0x600  }
0x105: {  	[sflag:s13] =	ssyncset.done $0x0  }
0x106: {  	[sflag:s13] =	ssyncadd.s32 $0xFFFFFA00  }
0x107: {  	v0 =	vld [tilespmem:$0x3D80]  }
0x108: {  	v1 =	vld [tilespmem:$0x3D90]  }
0x109: {  	v2 =	vld [tilespmem:$0x3DA0]  }
0x10a: {  	v3 =	vld [tilespmem:$0x3DB0]  }
0x10b: {  	v4 =	vld [tilespmem:$0x3DC0]  }
0x10c: {  	[tilespmem:$0x79E0] =	vst v0;
	v0 =	vld [tilespmem:$0x3DD0]  }
0x10d: {  	[tilespmem:$0x79F0] =	vst v1  }
0x10e: {  	[tilespmem:$0x7A00] =	vst v2  }
0x10f: {  	[tilespmem:$0x7A10] =	vst v3  }
0x110: {  	[tilespmem:$0x7A20] =	vst v4  }
0x111: {  	[tilespmem:$0x7A30] =	vst v0  }
0x112: {  	_ =	swait.ge [sflag:s21], $0x3600  }
0x113: {  	[sflag:s21] =	ssyncset.done $0x0  }
0x114: {  	s3 =	simm.s32 @!p0 $0x1;
	[sflag:s21] =	ssyncadd.s32 $0xFFFFCA00  }
0x115: {  	_ =	swait.ge @!p0 [sflag:s3], $0x60  }
0x116: {  	[sflag:s3] =	ssyncset.done @!p0 $0x0  }
0x117: {  	[sflag:s3] =	ssyncadd.s32 @!p0 $0xFFFFFFA0  }
0x118: {  	_ =	swait.ge @!p0 [sflag:s3], $0x60  }
0x119: {  	s23 =	simm.s32 @!p0 $0xC0;
	s0 =	sadd.s32 @!p0 s0, s26;
	[sflag:s3] =	ssyncset.done @!p0 $0x0  }
0x11a: {  	s4 =	simm.s32 @!p0 $0x0;
	[sflag:s3] =	ssyncadd.s32 @!p0 $0xFFFFFFA0;
	s3 =	simm.s32 @!p0 $0x60  }
0x11b: {  	[tilespmem:s23], [sflag:$0x2] =	stream.indirect.gather @!p0 [hbm4b:s5+s3], $0x90, s4, s3, $0xb8;
	[tilespmem:$0x1E260] =	vst v63  }
0x11c: {  	s0 =	sshrl.u32 @!p0 s0, $0x3;
	s23 =	simm.s32 @!p0 $0x36C0  }
0x11d: {  	[tilespmem:s23], [sflag:$0x2] =	stream.indirect.gather @!p0 [hbm4b:s6+s3], $0x10, s3, s3, $0xb8;
	[tilespmem:$0x1E260] =	vst v63  }
0x11e: {  	s3 =	sadd.s32 @!p0 s7, s0;
	s23 =	simm.s32 @!p0 $0x3D20  }
0x11f: {  	[tilespmem:s23], [sflag:$0x4] =	stream.linear.gather @!p0 [hbm4b:s3+s4], $0x60, $0x38;
	[tilespmem:$0x1E260] =	vst v63  }
0x120: {  	s0 =	sadd.s32 @!p0 s1, s0;
	s3 =	simm.s32 @!p0 $0x3D80  }
0x121: {  	[tilespmem:s3], [sflag:$0x4] =	stream.linear.gather @!p0 [hbm4b:s0+s4], $0x60, $0x38;
	[tilespmem:$0x1E260] =	vst v63  }
0x122: {  	s0 =	simm.s32 $0x3F00  }
0x123: {  	s3 =	simm.s32 $0x7400;
	v0 =	vld [tilespmem:s0+$0x110]  }
0x124: {  	v1 =	vld [tilespmem:s3+$0x10]  }
0x125: {  	v2 =	vld [tilespmem:s3+$0xFFFFFFE0]  }
0x126: {  	v3 =	vld [tilespmem:s0+$0xFFFFFFF0]  }
0x127: {  	v4 =	vld [tilespmem:s3+$0xFFFFFFF0]  }
0x128: {  	v5 =	vld [tilespmem:s0+$0x80]  }
0x129: {  	v6 =	vld [tilespmem:s3+$0x0];
	v0 =	vadd.f32 v1, v0  }
0x12a: {  	v7 =	vld [tilespmem:s0+$0xFFFFFEE0]  }
0x12b: {  	v15 =	vld [tilespmem:s0+$0xFFFFFEF0];
	v9 =	vmul.f32 $2.000000030e-01, v0  }
0x12c: {  	v16 =	vld [tilespmem:s0+$0xFFFFFF00];
	v3 =	vadd.f32 v4, v3;
	vm0 =	vgt.f32 v0, $0.0e+00  }
0x12d: {  	v1 =	vld [tilespmem:s0+$0xFFFFFF60];
	v0 =	vsel vm0, v0, v9  }
0x12e: {  	v17 =	vld [tilespmem:s0+$0xFFFFFF10];
	v4 =	vadd.f32 v6, v5;
	v5 =	vmul.f32 $2.000000030e-01, v3;
	v0 =	vmul.f32 $1.442695020e+00, v0  }
0x12f: {  	v18 =	vld [tilespmem:s0+$0xFFFFFF20];
	vm14 =	vgt.f32 v3, $0.0e+00  }
0x130: {  	v19 =	vld [tilespmem:s0+$0xFFFFFF30];
	v3 =	vsel vm14, v3, v5;
	(erf) = vpow2.f32 v0  }
0x131: {  	v20 =	vld [tilespmem:s0+$0xFFFFFF40];
	v3 =	vmul.f32 $1.442695020e+00, v3  }
0x132: {  	v21 =	vld [tilespmem:s0+$0xFFFFFF50];
	v1 =	vadd.f32 v2, v1  }
0x133: {  	v22 =	vld [tilespmem:s0+$0xFFFFFF70];
	v2 =	vmul.f32 $2.000000030e-01, v4;
	(erf) = vpow2.f32 v3  }
0x134: {  	v23 =	vld [tilespmem:s0+$0xFFFFFF80];
	vm1 =	vgt.f32 v4, $0.0e+00;
	v0 =	vmul.f32 $2.000000030e-01, v1  }
0x135: {  	v24 =	vld [tilespmem:s0+$0xFFFFFF90];
	vm15 =	vgt.f32 v1, $0.0e+00;
	v2 =	vsel vm1, v4, v2  }
0x136: {  	v25 =	vld [tilespmem:s0+$0xFFFFFFA0];
	v0 =	vsel vm15, v1, v0;
	v1 =	vmul.f32 $1.442695020e+00, v2  }
0x137: {  	v27 =	vld [tilespmem:s0+$0xFFFFFFB0];
	v0 =	vmul.f32 $1.442695020e+00, v0  }
0x138: {  	v55 =	vimm.s32 $0x0;
	v47 =	vimm.s32 $0x7;
	v26 =	vld [tilespmem:s0+$0xFFFFFFC0];
	(erf) = vpow2.f32 v1  }
0x139: {  	v54 =	vimm.s32 $0x2;
	v53 =	vimm.s32 $0x3;
	v28 =	vld [tilespmem:s0+$0xFFFFFFD0];
	(erf) = vpow2.f32 v0;
	v6 =	vpop (erf)  }
0x13a: {  	v38 =	vimm.s32 $0x1;
	v29 =	vld [tilespmem:s0+$0xFFFFFFE0];
	v10 =	vperm.xlane v6, v55;
	v1 =	vperm.xlane v6, v47  }
0x13b: {  	v51 =	vimm.s32 $0x4;
	v33 =	vld [tilespmem:s0+$0x0];
	v12 =	vperm.xlane v6, v38;
	v9 =	vperm.xlane v6, v54  }
0x13c: {  	v46 =	vimm.s32 $0x5;
	v0 =	vld [tilespmem:s0+$0x100];
	v11 =	vperm.xlane v6, v53;
	v14 =	vperm.xlane v6, v51;
	v42 =	vpop (erf)  }
0x13d: {  	v35 =	vld [tilespmem:s0+$0x10];
	v13 =	vperm.xlane v6, v46;
	v50 =	vperm.xlane v42, v55  }
0x13e: {  	v36 =	vld [tilespmem:s0+$0x20];
	v48 =	vperm.xlane v42, v38;
	v52 =	vperm.xlane v42, v54  }
0x13f: {  	v40 =	vld [tilespmem:s0+$0x30];
	v49 =	vperm.xlane v42, v53;
	v62 =	vperm.xlane v42, v51  }
0x140: {  	v45 =	vld [tilespmem:s0+$0x40];
	v59 =	vperm.xlane v42, v46;
	v60 =	vperm.xlane v42, v8  }
0x141: {  	v41 =	vld [tilespmem:s0+$0x50];
	v58 =	vperm.xlane v42, v47;
	v0 =	vmul.f32 v0, v1;
	v43 =	vpop (erf)  }
0x142: {  	v34 =	vld [tilespmem:s0+$0x60];
	v39 =	vpop (erf);
	v61 =	vperm.xlane v43, v55;
	v57 =	vperm.xlane v43, v38  }
0x143: {  	v30 =	vld [tilespmem:s0+$0x90];
	v56 =	vperm.xlane v43, v54;
	v44 =	vperm.xlane v39, v55  }
0x144: {  	v31 =	vld [tilespmem:s0+$0xA0];
	v2 =	vperm.xlane v39, v38;
	v5 =	vperm.xlane v39, v54  }
0x145: {  	v32 =	vld [tilespmem:s0+$0xB0];
	v1 =	vperm.xlane v39, v53;
	v4 =	vperm.xlane v39, v51  }
0x146: {  	v37 =	vld [tilespmem:s0+$0x70];
	[tilespmem:s0+$0x100] =	vst v0;
	v0 =	vperm.xlane v39, v46;
	v3 =	vperm.xlane v39, v8  }
0x147: {  	[tilespmem:s0+$0xFFFFFFF0] =	vst v42;
	v42 =	vld [tilespmem:s0+$0xE0];
	v63 =	vperm.xlane v39, v47;
	v54 =	vperm.xlane v43, v53  }
0x148: {  	[tilespmem:s0+$0x110] =	vst v6;
	v38 =	vld [tilespmem:s0+$0xC0];
	v55 =	vperm.xlane v43, v51;
	v53 =	vperm.xlane v43, v46  }
0x149: {  	[tilespmem:s0+$0xFFFFFF60] =	vst v39;
	v39 =	vld [tilespmem:s0+$0xD0];
	v51 =	vperm.xlane v43, v8;
	v47 =	vperm.xlane v43, v47  }
0x14a: {  	s23 =	simm.s32 $0x4140;
	s4 =	simm.s32 $0x0;
	[tilespmem:s0+$0x80] =	vst v43;
	v43 =	vperm.xlane v6, v8;
	v46 =	vmul.f32 v7, v44;
	v44 =	vld [tilespmem:s0+$0xF0]  }
.LBB2_7:
0x14b: {  	v6 =	vld [tilespmem:s23+$0x110];
	v2 =	vmul.f32 v15, v2;
	v5 =	vmul.f32 v16, v5;
	s3 =	sadd.s32 $0x40, s3  }
0x14c: {  	s4 =	sadd.s32 $0x4, s4;
	v1 =	vmul.f32 v17, v1;
	v4 =	vmul.f32 v18, v4;
	v7 =	vld [tilespmem:s3+$0x10];
	[tilespmem:s0+$0xFFFFFEE0] =	vst v46  }
0x14d: {  	v0 =	vmul.f32 v19, v0;
	p0 =	slt.u32 s4, $0x5C;
	v18 =	vld [tilespmem:s3+$0xFFFFFFE0];
	[tilespmem:s0+$0xFFFFFEF0] =	vst v2;
	v2 =	vmul.f32 v20, v3  }
0x14e: {  	v16 =	vmul.f32 v22, v50;
	v3 =	vld [tilespmem:s23+$0xFFFFFFF0];
	[tilespmem:s0+$0xFFFFFF00] =	vst v5;
	v5 =	vmul.f32 v21, v63  }
0x14f: {  	v19 =	vmul.f32 v24, v52;
	v17 =	vld [tilespmem:s3+$0xFFFFFFF0];
	[tilespmem:s0+$0xFFFFFF10] =	vst v1;
	v1 =	vmul.f32 v23, v48  }
0x150: {  	v21 =	vmul.f32 v27, v62;
	v20 =	vld [tilespmem:s23+$0x80];
	[tilespmem:s0+$0xFFFFFF20] =	vst v4;
	v4 =	vmul.f32 v25, v49  }
0x151: {  	v22 =	vld [tilespmem:s3+$0x0];
	v6 =	vadd.f32 v7, v6;
	[tilespmem:s0+$0xFFFFFF30] =	vst v0;
	v0 =	vmul.f32 v26, v59;
	v7 =	vmul.f32 v28, v60  }
0x152: {  	v24 =	vmul.f32 v33, v61;
	v23 =	vld [tilespmem:s23+$0xFFFFFF60];
	[tilespmem:s0+$0xFFFFFF40] =	vst v2;
	v2 =	vmul.f32 v29, v58  }
0x153: {  	v46 =	vld [tilespmem:s23+$0xFFFFFEE0];
	v25 =	vmul.f32 $2.000000030e-01, v6;
	[tilespmem:s0+$0xFFFFFF50] =	vst v5;
	v5 =	vmul.f32 v35, v57  }
0x154: {  	v26 =	vmul.f32 v36, v56;
	vm0 =	vgt.f32 v6, $0.0e+00;
	v15 =	vld [tilespmem:s23+$0xFFFFFEF0];
	v3 =	vadd.f32 v17, v3;
	[tilespmem:s0+$0xFFFFFF70] =	vst v16  }
0x155: {  	v28 =	vmul.f32 v45, v55;
	v16 =	vld [tilespmem:s23+$0xFFFFFF00];
	v6 =	vsel vm0, v6, v25;
	[tilespmem:s0+$0xFFFFFF80] =	vst v1;
	v1 =	vmul.f32 v40, v54  }
0x156: {  	v17 =	vld [tilespmem:s23+$0xFFFFFF10];
	v25 =	vmul.f32 $2.000000030e-01, v3;
	v22 =	vadd.f32 v22, v20;
	v6 =	vmul.f32 $1.442695020e+00, v6;
	[tilespmem:s0+$0xFFFFFF90] =	vst v19  }
0x157: {  	vm0 =	vgt.f32 v3, $0.0e+00;
	v23 =	vadd.f32 v18, v23;
	v18 =	vld [tilespmem:s23+$0xFFFFFF20];
	[tilespmem:s0+$0xFFFFFFA0] =	vst v4;
	v4 =	vmul.f32 v41, v53  }
0x158: {  	v19 =	vld [tilespmem:s23+$0xFFFFFF30];
	vm1 =	vgt.f32 v22, $0.0e+00;
	v27 =	vmul.f32 $2.000000030e-01, v22;
	(erf) = vpow2.f32 v6;
	[tilespmem:s0+$0xFFFFFFB0] =	vst v21  }
0x159: {  	v3 =	vsel vm0, v3, v25;
	vm2 =	vgt.f32 v23, $0.0e+00;
	v6 =	vmul.f32 $2.000000030e-01, v23;
	v20 =	vld [tilespmem:s23+$0xFFFFFF40];
	[tilespmem:s0+$0xFFFFFFC0] =	vst v0  }
0x15a: {  	v0 =	vmul.f32 $1.442695020e+00, v3;
	v21 =	vld [tilespmem:s23+$0xFFFFFF50];
	v3 =	vsel vm1, v22, v27;
	[tilespmem:s0+$0xFFFFFFD0] =	vst v7;
	v7 =	vmul.f32 v34, v51  }
0x15b: {  	v6 =	vsel vm2, v23, v6;
	v22 =	vld [tilespmem:s23+$0xFFFFFF70];
	v3 =	vmul.f32 $1.442695020e+00, v3;
	[tilespmem:s0+$0xFFFFFFE0] =	vst v2;
	v2 =	vmul.f32 v37, v47  }
0x15c: {  	v6 =	vmul.f32 $1.442695020e+00, v6;
	v23 =	vld [tilespmem:s23+$0xFFFFFF80];
	(erf) = vpow2.f32 v0;
	[tilespmem:s0+$0x0] =	vst v24  }
0x15d: {  	v0 =	vmul.f32 v30, v10;
	v24 =	vld [tilespmem:s23+$0xFFFFFF90];
	(erf) = vpow2.f32 v3;
	[tilespmem:s0+$0x10] =	vst v5  }
0x15e: {  	v3 =	vmul.f32 v31, v12;
	v25 =	vld [tilespmem:s23+$0xFFFFFFA0];
	(erf) = vpow2.f32 v6;
	[tilespmem:s0+$0x20] =	vst v26  }
0x15f: {  	v55 =	vimm.s32 $0x0;
	v6 =	vmul.f32 v38, v11;
	v5 =	vld [tilespmem:s23+$0x100];
	[tilespmem:s0+$0x30] =	vst v1;
	v1 =	vmul.f32 v32, v9  }
0x160: {  	v54 =	vimm.s32 $0x2;
	v30 =	vmul.f32 v39, v14;
	v31 =	vmul.f32 v42, v13;
	v27 =	vld [tilespmem:s23+$0xFFFFFFB0];
	[tilespmem:s0+$0x40] =	vst v28  }
0x161: {  	v53 =	vimm.s32 $0x3;
	v32 =	vmul.f32 v44, v43;
	v44 =	vimm.s32 $0x7;
	v26 =	vld [tilespmem:s23+$0xFFFFFFC0];
	v8 =	vpop (erf);
	[tilespmem:s0+$0x50] =	vst v4  }
0x162: {  	v47 =	vimm.s32 $0x1;
	v28 =	vld [tilespmem:s23+$0xFFFFFFD0];
	v10 =	vperm.xlane v8, v55;
	v4 =	vperm.xlane v8, v44;
	[tilespmem:s0+$0x60] =	vst v7  }
0x163: {  	v51 =	vimm.s32 $0x4;
	v12 =	vperm.xlane v8, v47;
	v9 =	vperm.xlane v8, v54;
	v29 =	vld [tilespmem:s23+$0xFFFFFFE0];
	[tilespmem:s0+$0x70] =	vst v2  }
0x164: {  	v39 =	vimm.s32 $0x5;
	v11 =	vperm.xlane v8, v53;
	v33 =	vld [tilespmem:s23+$0x0];
	v2 =	vmul.f32 v5, v4;
	[tilespmem:s0+$0x90] =	vst v0  }
0x165: {  	v14 =	vperm.xlane v8, v51;
	v13 =	vperm.xlane v8, v39;
	v35 =	vld [tilespmem:s23+$0x10];
	v7 =	vpop (erf);
	[tilespmem:s0+$0xA0] =	vst v3  }
0x166: {  	v50 =	vperm.xlane v7, v55;
	v48 =	vperm.xlane v7, v47;
	v36 =	vld [tilespmem:s23+$0x20];
	[tilespmem:s23+$0x100] =	vst v2;
	v42 =	vpop (erf)  }
0x167: {  	v52 =	vperm.xlane v7, v54;
	v49 =	vperm.xlane v7, v53;
	v40 =	vld [tilespmem:s23+$0x30];
	v38 =	vpop (erf);
	[tilespmem:s0+$0xB0] =	vst v1  }
0x168: {  	v43 =	vperm.xlane v38, v55;
	v2 =	vperm.xlane v38, v47;
	v45 =	vld [tilespmem:s23+$0x40];
	[tilespmem:s0+$0xC0] =	vst v6;
	v6 =	vimm.s32 $0x6  }
0x169: {  	v5 =	vperm.xlane v38, v54;
	v1 =	vperm.xlane v38, v53;
	v41 =	vld [tilespmem:s23+$0x50];
	[tilespmem:s0+$0xD0] =	vst v30  }
0x16a: {  	v4 =	vperm.xlane v38, v51;
	v0 =	vperm.xlane v38, v39;
	v34 =	vld [tilespmem:s23+$0x60];
	[tilespmem:s0+$0xE0] =	vst v31  }
0x16b: {  	v63 =	vperm.xlane v38, v44;
	v3 =	vperm.xlane v38, v6;
	v37 =	vld [tilespmem:s23+$0x70];
	[tilespmem:s0+$0xF0] =	vst v32;
	s0 =	smov.u32 s23  }
0x16c: {  	v62 =	vperm.xlane v7, v51;
	v59 =	vperm.xlane v7, v39;
	[tilespmem:s23+$0xFFFFFF60] =	vst v38;
	v30 =	vld [tilespmem:s23+$0x90]  }
0x16d: {  	v58 =	vperm.xlane v7, v44;
	v60 =	vperm.xlane v7, v6;
	[tilespmem:s23+$0xFFFFFFF0] =	vst v7;
	v31 =	vld [tilespmem:s23+$0xA0]  }
.Ltmp2:
0x16e: {  	v61 =	vperm.xlane v42, v55;
	v57 =	vperm.xlane v42, v47;
	[tilespmem:s23+$0x80] =	vst v42;
	v32 =	vld [tilespmem:s23+$0xB0];
	(pc) =	sbr.rel @p0 .LBB2_7-.Ltmp2, $4  }
0x16f: {  	v56 =	vperm.xlane v42, v54;
	v54 =	vperm.xlane v42, v53;
	[tilespmem:s23+$0x110] =	vst v8;
	v38 =	vld [tilespmem:s23+$0xC0]  }
0x170: {  	v55 =	vperm.xlane v42, v51;
	v53 =	vperm.xlane v42, v39;
	v39 =	vld [tilespmem:s23+$0xD0]  }
0x171: {  	v47 =	vperm.xlane v42, v44;
	v51 =	vperm.xlane v42, v6;
	v42 =	vld [tilespmem:s23+$0xE0]  }
0x172: {  	v46 =	vmul.f32 v46, v43;
	v43 =	vperm.xlane v8, v6;
	s23 =	sadd.s32 $0x240, s23;
	v44 =	vld [tilespmem:s0+$0xF0]  }
0x173: {  	v2 =	vmul.f32 v15, v2  }
0x174: {  	v5 =	vmul.f32 v16, v5;
	[tilespmem:s0+$0xFFFFFEE0] =	vst v46  }
0x175: {  	v1 =	vmul.f32 v17, v1;
	[tilespmem:s0+$0xFFFFFEF0] =	vst v2  }
0x176: {  	v18 =	vmul.f32 v18, v4;
	[tilespmem:s0+$0xFFFFFF00] =	vst v5  }
0x177: {  	v0 =	vmul.f32 v19, v0;
	[tilespmem:s0+$0xFFFFFF10] =	vst v1  }
0x178: {  	v19 =	vmul.f32 v20, v3;
	[tilespmem:s0+$0xFFFFFF20] =	vst v18  }
0x179: {  	v20 =	vmul.f32 v21, v63;
	[tilespmem:s0+$0xFFFFFF30] =	vst v0  }
0x17a: {  	v21 =	vmul.f32 v22, v50;
	[tilespmem:s0+$0xFFFFFF40] =	vst v19  }
0x17b: {  	v22 =	vmul.f32 v23, v48;
	[tilespmem:s0+$0xFFFFFF50] =	vst v20  }
0x17c: {  	v23 =	vmul.f32 v24, v52;
	[tilespmem:s0+$0xFFFFFF70] =	vst v21  }
0x17d: {  	v24 =	vmul.f32 v25, v49;
	[tilespmem:s0+$0xFFFFFF80] =	vst v22  }
0x17e: {  	v25 =	vmul.f32 v27, v62;
	[tilespmem:s0+$0xFFFFFF90] =	vst v23  }
0x17f: {  	v27 =	vmul.f32 v26, v59;
	[tilespmem:s0+$0xFFFFFFA0] =	vst v24  }
0x180: {  	v28 =	vmul.f32 v28, v60;
	[tilespmem:s0+$0xFFFFFFB0] =	vst v25  }
0x181: {  	v29 =	vmul.f32 v29, v58;
	[tilespmem:s0+$0xFFFFFFC0] =	vst v27  }
0x182: {  	v48 =	vmul.f32 v35, v57;
	[tilespmem:s0+$0xFFFFFFD0] =	vst v28  }
0x183: {  	v49 =	vmul.f32 v36, v56;
	[tilespmem:s0+$0xFFFFFFE0] =	vst v29  }
0x184: {  	v50 =	vmul.f32 v40, v54;
	[tilespmem:s0+$0x10] =	vst v48  }
0x185: {  	v52 =	vmul.f32 v45, v55;
	[tilespmem:s0+$0x20] =	vst v49  }
0x186: {  	v54 =	vmul.f32 v41, v53;
	[tilespmem:s0+$0x30] =	vst v50  }
0x187: {  	v55 =	vmul.f32 v34, v51;
	[tilespmem:s0+$0x40] =	vst v52  }
0x188: {  	v56 =	vmul.f32 v37, v47;
	[tilespmem:s0+$0x50] =	vst v54  }
0x189: {  	v57 =	vmul.f32 v30, v10;
	[tilespmem:s0+$0x60] =	vst v55  }
0x18a: {  	v58 =	vmul.f32 v31, v12;
	[tilespmem:s0+$0x70] =	vst v56  }
0x18b: {  	v59 =	vmul.f32 v32, v9;
	[tilespmem:s0+$0x90] =	vst v57  }
0x18c: {  	v46 =	vmul.f32 v33, v61;
	[tilespmem:s0+$0xA0] =	vst v58  }
0x18d: {  	s31 =	sadd.s32 $0x1, s31;
	v60 =	vmul.f32 v38, v11;
	[tilespmem:s0+$0xB0] =	vst v59  }
0x18e: {  	p0 =	sne.s32 s31, $0x34;
	v61 =	vmul.f32 v39, v14;
	[tilespmem:s0+$0x0] =	vst v46  }
.Ltmp3:
0x18f: {  	v62 =	vmul.f32 v42, v13;
	[tilespmem:s0+$0xC0] =	vst v60;
	(pc) =	sbr.rel @p0 .LBB2_4-.Ltmp3, $4  }
0x190: {  	v63 =	vmul.f32 v44, v43;
	[tilespmem:s0+$0xD0] =	vst v61  }
0x191: {  	[tilespmem:s0+$0xE0] =	vst v62  }
0x192: {  	v47 =	vimm.s32 $0x2;
	v51 =	vimm.s32 $0x3;
	v53 =	vimm.s32 $0x4;
	[tilespmem:s0+$0xF0] =	vst v63  }
0x193: {  	v38 =	vimm.s32 $0x1;
	v42 =	vimm.s32 $0x5;
	v46 =	vimm.s32 $0x7;
	[spmem:s2] =	stream.indirect.scatter.add.f32 [tilespmem:s18], [sflag:$0x6], $0x90, s22, s11, $0xb8;
	[tilespmem:$0x1E260] =	vst v63  }
0x194: {  	s0 =	simm.s32 $0x6  }
0x195: {  	_ =	swait.ge [sflag:s0], $0x3600  }
0x196: {  	s24 =	simm.s32 $0x0;
	[sflag:s0] =	ssyncset.done $0x0  }
0x197: {  	s4 =	simm.s32 $0x7A40;
	s3 =	rddreg [dreg:$0x14];
	[sflag:s0] =	ssyncadd.s32 $0xFFFFCA00  }
0x198: {  	[tilespmem:s4], [sflag:$0x7] =	stream.linear.gather [hbm4b:s3+s24], $0x10, $0x38;
	[tilespmem:$0x1E260] =	vst v63  }
0x199: {  	_ =	swait.ge [sflag:s10], $0x10  }
0x19a: {  	[sflag:s10] =	ssyncset.done $0x0  }
0x19b: {  	s31 =	rddreg [dreg:$0x15];
	[sflag:s10] =	ssyncadd.s32 $0xFFFFFFF0  }
0x19c: {  	[tilespmem:s28], [sflag:$0x7] =	stream.linear.gather [hbm4b:s31+s24], $0x10, $0x38;
	[tilespmem:$0x1E260] =	vst v63  }
0x19d: {  	_ =	swait.ge [sflag:s10], $0x10  }
0x19e: {  	[sflag:s10] =	ssyncset.done $0x0  }
0x19f: {  	[sflag:s10] =	ssyncadd.s32 $0xFFFFFFF0  }
0x1a0: {  	[tilespmem:s9], [sflag:$0x2] =	stream.indirect.gather [hbm4b:s5+s29], $0x90, s4, s29, $0xb8;
	[tilespmem:$0x1E260] =	vst v63  }
0x1a1: {  	_ =	swait.ge [sflag:s16], $0x900  }
0x1a2: {  	[sflag:s16] =	ssyncset.done $0x0  }
0x1a3: {  	s24 =	simm.s32 $0x36C0;
	[sflag:s16] =	ssyncadd.s32 $0xFFFFF700  }
0x1a4: {  	[tilespmem:s24], [sflag:$0x2] =	stream.indirect.gather [hbm4b:s6+s29], $0x10, s28, s29, $0xb8;
	[tilespmem:$0x1E260] =	vst v63  }
0x1a5: {  	_ =	swait.ge [sflag:s16], $0x100  }
0x1a6: {  	[sflag:s16] =	ssyncset.done $0x0  }
0x1a7: {  	s0 =	simm.s32 $0x1E0;
	[sflag:s16] =	ssyncadd.s32 $0xFFFFFF00  }
0x1a8: {  	s3 =	simm.s32 $0x36E0;
	v0 =	vld [tilespmem:s0+$0x110]  }
0x1a9: {  	v1 =	vld [tilespmem:s3+$0x10];
	_ =	sdelay $0x1  }
0x1aa: {  	v2 =	vld [tilespmem:s3+$0xFFFFFFE0]  }
0x1ab: {  	v3 =	vld [tilespmem:s0+$0xFFFFFFF0]  }
0x1ac: {  	v4 =	vld [tilespmem:s3+$0xFFFFFFF0]  }
0x1ad: {  	v5 =	vld [tilespmem:s0+$0x80];
	v0 =	vadd.f32 v1, v0  }
0x1ae: {  	v6 =	vld [tilespmem:s3+$0x0]  }
0x1af: {  	v7 =	vld [tilespmem:s0+$0xFFFFFEE0];
	v8 =	vmul.f32 $2.000000030e-01, v0  }
0x1b0: {  	v15 =	vld [tilespmem:s0+$0xFFFFFEF0];
	vm0 =	vgt.f32 v0, $0.0e+00  }
0x1b1: {  	v16 =	vld [tilespmem:s0+$0xFFFFFF00];
	v3 =	vadd.f32 v4, v3;
	v0 =	vsel vm0, v0, v8  }
0x1b2: {  	v1 =	vld [tilespmem:s0+$0xFFFFFF60];
	v0 =	vmul.f32 $1.442695020e+00, v0  }
0x1b3: {  	v17 =	vld [tilespmem:s0+$0xFFFFFF10];
	v4 =	vadd.f32 v6, v5;
	v5 =	vmul.f32 $2.000000030e-01, v3  }
0x1b4: {  	v18 =	vld [tilespmem:s0+$0xFFFFFF20];
	vm14 =	vgt.f32 v3, $0.0e+00;
	(erf) = vpow2.f32 v0  }
0x1b5: {  	v19 =	vld [tilespmem:s0+$0xFFFFFF30];
	v3 =	vsel vm14, v3, v5  }
0x1b6: {  	v20 =	vld [tilespmem:s0+$0xFFFFFF40];
	v3 =	vmul.f32 $1.442695020e+00, v3  }
0x1b7: {  	v21 =	vld [tilespmem:s0+$0xFFFFFF50];
	v1 =	vadd.f32 v2, v1  }
0x1b8: {  	v22 =	vld [tilespmem:s0+$0xFFFFFF70];
	v2 =	vmul.f32 $2.000000030e-01, v4;
	(erf) = vpow2.f32 v3  }
0x1b9: {  	v23 =	vld [tilespmem:s0+$0xFFFFFF80];
	vm1 =	vgt.f32 v4, $0.0e+00;
	v0 =	vmul.f32 $2.000000030e-01, v1  }
0x1ba: {  	v24 =	vld [tilespmem:s0+$0xFFFFFF90];
	vm15 =	vgt.f32 v1, $0.0e+00;
	v2 =	vsel vm1, v4, v2  }
0x1bb: {  	v25 =	vld [tilespmem:s0+$0xFFFFFFA0];
	v0 =	vsel vm15, v1, v0;
	v1 =	vmul.f32 $1.442695020e+00, v2  }
0x1bc: {  	v27 =	vld [tilespmem:s0+$0xFFFFFFB0]  }
0x1bd: {  	v26 =	vld [tilespmem:s0+$0xFFFFFFC0];
	v0 =	vmul.f32 $1.442695020e+00, v0;
	(erf) = vpow2.f32 v1;
	v6 =	vpop (erf)  }
0x1be: {  	v54 =	vimm.s32 $0x0;
	v28 =	vld [tilespmem:s0+$0xFFFFFFD0];
	v2 =	vperm.xlane v6, v47  }
0x1bf: {  	v29 =	vld [tilespmem:s0+$0xFFFFFFE0];
	(erf) = vpow2.f32 v0;
	v10 =	vperm.xlane v6, v54  }
0x1c0: {  	v0 =	vld [tilespmem:s0+$0x100];
	v1 =	vperm.xlane v6, v46;
	v12 =	vperm.xlane v6, v38;
	[tilespmem:$0x1FFE0] =	vst v2  }
0x1c1: {  	v11 =	vperm.xlane v6, v51;
	v14 =	vperm.xlane v6, v53;
	v8 =	vpop (erf);
	v33 =	vld [tilespmem:s0+$0x0]  }
0x1c2: {  	v13 =	vperm.xlane v6, v42;
	v50 =	vperm.xlane v8, v54;
	v35 =	vld [tilespmem:s0+$0x10]  }
0x1c3: {  	v48 =	vperm.xlane v8, v38;
	v52 =	vperm.xlane v8, v47;
	v36 =	vld [tilespmem:s0+$0x20]  }
0x1c4: {  	v9 =	vimm.s32 $0x6;
	v49 =	vperm.xlane v8, v51;
	v62 =	vperm.xlane v8, v53;
	v40 =	vld [tilespmem:s0+$0x30]  }
0x1c5: {  	v59 =	vperm.xlane v8, v42;
	v60 =	vperm.xlane v8, v9;
	v45 =	vld [tilespmem:s0+$0x40]  }
0x1c6: {  	v58 =	vperm.xlane v8, v46;
	v0 =	vmul.f32 v0, v1;
	v43 =	vpop (erf);
	v41 =	vld [tilespmem:s0+$0x50]  }
0x1c7: {  	v34 =	vld [tilespmem:s0+$0x60];
	v61 =	vperm.xlane v43, v54;
	v57 =	vperm.xlane v43, v38  }
0x1c8: {  	v30 =	vld [tilespmem:s0+$0x90];
	v39 =	vpop (erf);
	v56 =	vperm.xlane v43, v47;
	v55 =	vperm.xlane v43, v53  }
0x1c9: {  	v31 =	vld [tilespmem:s0+$0xA0];
	v44 =	vperm.xlane v39, v54;
	v2 =	vperm.xlane v39, v38  }
0x1ca: {  	v32 =	vld [tilespmem:s0+$0xB0];
	v5 =	vperm.xlane v39, v47;
	v1 =	vperm.xlane v39, v51  }
0x1cb: {  	v37 =	vld [tilespmem:s0+$0x70];
	[tilespmem:s0+$0x100] =	vst v0;
	v4 =	vperm.xlane v39, v53;
	v0 =	vperm.xlane v39, v42  }
0x1cc: {  	[tilespmem:s0+$0x110] =	vst v6;
	v3 =	vperm.xlane v39, v9;
	v63 =	vperm.xlane v39, v46;
	v38 =	vld [tilespmem:s0+$0xC0]  }
0x1cd: {  	v54 =	vperm.xlane v43, v51;
	[tilespmem:s0+$0xFFFFFF60] =	vst v39;
	v53 =	vperm.xlane v43, v42;
	v39 =	vld [tilespmem:s0+$0xD0]  }
0x1ce: {  	[tilespmem:s0+$0xFFFFFFF0] =	vst v8;
	v51 =	vperm.xlane v43, v9;
	v47 =	vperm.xlane v43, v46;
	v42 =	vld [tilespmem:s0+$0xE0]  }
0x1cf: {  	s23 =	simm.s32 $0x420;
	s4 =	simm.s32 $0x0;
	[tilespmem:s0+$0x80] =	vst v43;
	v43 =	vperm.xlane v6, v9;
	v46 =	vmul.f32 v7, v44;
	v44 =	vld [tilespmem:s0+$0xF0]  }
.LBB2_10:
0x1d0: {  	v2 =	vmul.f32 v15, v2  }
0x1d1: {  	s3 =	sadd.s32 $0x40, s3;
	[tilespmem:s0+$0xFFFFFEE0] =	vst v46;
	v5 =	vmul.f32 v16, v5  }
0x1d2: {  	v8 =	vld [tilespmem:s3+$0xFFFFFFE0];
	[tilespmem:s0+$0xFFFFFEF0] =	vst v2;
	v1 =	vmul.f32 v17, v1  }
0x1d3: {  	v4 =	vmul.f32 v18, v4;
	[tilespmem:s0+$0xFFFFFF00] =	vst v5  }
0x1d4: {  	v6 =	vld [tilespmem:s23+$0x110];
	v0 =	vmul.f32 v19, v0;
	[tilespmem:s0+$0xFFFFFF10] =	vst v1  }
0x1d5: {  	v7 =	vld [tilespmem:s3+$0x10];
	v16 =	vmul.f32 v22, v50;
	[tilespmem:s0+$0xFFFFFF20] =	vst v4  }
0x1d6: {  	v2 =	vmul.f32 v20, v3;
	v3 =	vld [tilespmem:s23+$0xFFFFFFF0];
	v18 =	vmul.f32 v24, v52;
	[tilespmem:s0+$0xFFFFFF30] =	vst v0  }
0x1d7: {  	v17 =	vld [tilespmem:s3+$0xFFFFFFF0];
	v20 =	vmul.f32 v27, v62;
	[tilespmem:s0+$0xFFFFFF70] =	vst v16  }
0x1d8: {  	v19 =	vld [tilespmem:s23+$0x80];
	v24 =	vmul.f32 v33, v61;
	[tilespmem:s0+$0xFFFFFF90] =	vst v18  }
0x1d9: {  	v5 =	vmul.f32 v21, v63;
	v21 =	vld [tilespmem:s3+$0x0];
	[tilespmem:s0+$0xFFFFFFB0] =	vst v20  }
0x1da: {  	[tilespmem:s0+$0x0] =	vst v24;
	v22 =	vld [tilespmem:s23+$0xFFFFFF60]  }
0x1db: {  	v1 =	vmul.f32 v23, v48;
	v4 =	vmul.f32 v25, v49;
	v6 =	vadd.f32 v7, v6;
	[tilespmem:s0+$0xFFFFFF40] =	vst v2;
	v9 =	vld [tilespmem:s23+$0xFFFFFEE0]  }
0x1dc: {  	v0 =	vmul.f32 v26, v59;
	v7 =	vmul.f32 v28, v60;
	v46 =	vld [tilespmem:s23+$0xFFFFFEF0];
	[tilespmem:s0+$0xFFFFFF50] =	vst v5  }
0x1dd: {  	v26 =	vmul.f32 v36, v56;
	v16 =	vld [tilespmem:s23+$0xFFFFFF00];
	v23 =	vmul.f32 $2.000000030e-01, v6;
	[tilespmem:s0+$0xFFFFFF80] =	vst v1  }
0x1de: {  	v28 =	vmul.f32 v45, v55;
	vm0 =	vgt.f32 v6, $0.0e+00;
	[tilespmem:s0+$0xFFFFFFA0] =	vst v4;
	v3 =	vadd.f32 v17, v3;
	v17 =	vld [tilespmem:s23+$0xFFFFFF10]  }
0x1df: {  	v2 =	vmul.f32 v29, v58;
	v5 =	vmul.f32 v35, v57;
	[tilespmem:s0+$0xFFFFFFC0] =	vst v0;
	v18 =	vld [tilespmem:s23+$0xFFFFFF20];
	v6 =	vsel vm0, v6, v23  }
0x1e0: {  	v1 =	vmul.f32 v40, v54;
	[tilespmem:s0+$0xFFFFFFD0] =	vst v7;
	v20 =	vld [tilespmem:s23+$0xFFFFFF40];
	v6 =	vmul.f32 $1.442695020e+00, v6  }
0x1e1: {  	v4 =	vmul.f32 v41, v53;
	[tilespmem:s0+$0xFFFFFFE0] =	vst v2;
	v24 =	vld [tilespmem:s23+$0xFFFFFF90];
	v23 =	vmul.f32 $2.000000030e-01, v3;
	v25 =	vadd.f32 v21, v19  }
0x1e2: {  	[tilespmem:s0+$0x30] =	vst v1;
	v1 =	vld [tilespmem:$0x1FFE0];
	vm15 =	vgt.f32 v3, $0.0e+00;
	v8 =	vadd.f32 v8, v22;
	(erf) = vpow2.f32 v6  }
0x1e3: {  	v7 =	vmul.f32 v34, v51;
	[tilespmem:s0+$0x10] =	vst v5;
	v5 =	vld [tilespmem:s23+$0x100];
	v22 =	vmul.f32 $2.000000030e-01, v25;
	v3 =	vsel vm15, v3, v23  }
0x1e4: {  	v27 =	vld [tilespmem:s23+$0xFFFFFFB0];
	vm1 =	vgt.f32 v25, $0.0e+00;
	v6 =	vmul.f32 $2.000000030e-01, v8;
	v0 =	vmul.f32 $1.442695020e+00, v3  }
0x1e5: {  	[tilespmem:s0+$0x20] =	vst v26;
	v2 =	vmul.f32 v37, v47;
	v26 =	vld [tilespmem:s23+$0xFFFFFFC0];
	vm2 =	vgt.f32 v8, $0.0e+00;
	v3 =	vsel vm1, v25, v22  }
0x1e6: {  	[tilespmem:s0+$0x40] =	vst v28;
	v28 =	vld [tilespmem:s23+$0xFFFFFFD0];
	v6 =	vsel vm2, v8, v6;
	v3 =	vmul.f32 $1.442695020e+00, v3;
	(erf) = vpow2.f32 v0  }
0x1e7: {  	v29 =	vld [tilespmem:s23+$0xFFFFFFE0];
	v1 =	vmul.f32 v32, v1;
	v6 =	vmul.f32 $1.442695020e+00, v6  }
0x1e8: {  	v51 =	vimm.s32 $0x2;
	v19 =	vld [tilespmem:s23+$0xFFFFFF30];
	v0 =	vmul.f32 v30, v10;
	(erf) = vpow2.f32 v3  }
0x1e9: {  	v47 =	vimm.s32 $0x3;
	[tilespmem:s0+$0x50] =	vst v4;
	v21 =	vld [tilespmem:s23+$0xFFFFFF50];
	v8 =	vmul.f32 v39, v14;
	(erf) = vpow2.f32 v6  }
0x1ea: {  	[tilespmem:s0+$0x60] =	vst v7;
	v33 =	vld [tilespmem:s23+$0x0];
	v30 =	vmul.f32 v42, v13;
	v10 =	vimm.s32 $0x7;
	v3 =	vmul.f32 v31, v12  }
0x1eb: {  	v35 =	vld [tilespmem:s23+$0x10];
	[tilespmem:$0x1FFD0] =	vst v9;
	v31 =	vmul.f32 v44, v43;
	v6 =	vmul.f32 v38, v11;
	v38 =	vimm.s32 $0x0;
	v9 =	vpop (erf)  }
0x1ec: {  	[tilespmem:s0+$0x70] =	vst v2;
	v36 =	vld [tilespmem:s23+$0x20];
	v39 =	vimm.s32 $0x1;
	v15 =	vperm.xlane v9, v38;
	v4 =	vperm.xlane v9, v10  }
0x1ed: {  	v40 =	vld [tilespmem:s23+$0x30];
	[tilespmem:s0+$0xB0] =	vst v1;
	v44 =	vimm.s32 $0x4;
	v12 =	vperm.xlane v9, v39;
	v58 =	vperm.xlane v9, v51  }
0x1ee: {  	v53 =	vimm.s32 $0x5;
	v45 =	vld [tilespmem:s23+$0x40];
	[tilespmem:s0+$0x90] =	vst v0;
	v11 =	vperm.xlane v9, v47;
	v14 =	vperm.xlane v9, v44  }
0x1ef: {  	v41 =	vld [tilespmem:s23+$0x50];
	[tilespmem:s0+$0xA0] =	vst v3;
	v13 =	vperm.xlane v9, v53;
	v2 =	vmul.f32 v5, v4;
	v7 =	vpop (erf)  }
0x1f0: {  	v34 =	vld [tilespmem:s23+$0x60];
	[tilespmem:s0+$0xC0] =	vst v6;
	v50 =	vperm.xlane v7, v38;
	v48 =	vperm.xlane v7, v39  }
0x1f1: {  	v37 =	vld [tilespmem:s23+$0x70];
	v6 =	vimm.s32 $0x6;
	[tilespmem:$0x1FFE0] =	vst v58;
	v52 =	vperm.xlane v7, v51;
	v49 =	vperm.xlane v7, v47;
	v42 =	vpop (erf)  }
0x1f2: {  	v23 =	vld [tilespmem:s23+$0xFFFFFF80];
	v62 =	vperm.xlane v7, v44;
	[tilespmem:s23+$0xFFFFFFF0] =	vst v7;
	v60 =	vperm.xlane v7, v6;
	v59 =	vpop (erf)  }
0x1f3: {  	v22 =	vld [tilespmem:s23+$0xFFFFFF70];
	v58 =	vperm.xlane v7, v10;
	[tilespmem:s23+$0x100] =	vst v2;
	v43 =	vperm.xlane v59, v38  }
0x1f4: {  	v25 =	vld [tilespmem:s23+$0xFFFFFFA0];
	[tilespmem:s0+$0xD0] =	vst v8;
	v2 =	vperm.xlane v59, v39;
	v5 =	vperm.xlane v59, v51  }
0x1f5: {  	[tilespmem:s0+$0xE0] =	vst v30;
	v30 =	vld [tilespmem:s23+$0x90];
	v1 =	vperm.xlane v59, v47;
	v4 =	vperm.xlane v59, v44  }
0x1f6: {  	s4 =	sadd.s32 $0x4, s4;
	[tilespmem:s0+$0xF0] =	vst v31;
	v0 =	vperm.xlane v59, v53;
	v3 =	vperm.xlane v59, v6;
	v31 =	vld [tilespmem:s23+$0xA0]  }
0x1f7: {  	p0 =	slt.u32 s4, $0xC;
	v63 =	vperm.xlane v59, v10;
	[tilespmem:s23+$0xFFFFFF60] =	vst v59;
	v59 =	vperm.xlane v7, v53;
	v7 =	vld [tilespmem:$0x1FFD0]  }
.Ltmp4:
0x1f8: {  	v61 =	vperm.xlane v42, v38;
	v57 =	vperm.xlane v42, v39;
	v32 =	vld [tilespmem:s23+$0xB0];
	(pc) =	sbr.rel @p0 .LBB2_10-.Ltmp4, $4  }
0x1f9: {  	v56 =	vperm.xlane v42, v51;
	v54 =	vperm.xlane v42, v47;
	v38 =	vld [tilespmem:s23+$0xC0]  }
0x1fa: {  	[tilespmem:s23+$0x80] =	vst v42;
	v55 =	vperm.xlane v42, v44;
	v53 =	vperm.xlane v42, v53;
	v39 =	vld [tilespmem:s23+$0xD0]  }
0x1fb: {  	s0 =	smov.u32 s23;
	[tilespmem:s23+$0x110] =	vst v9;
	v51 =	vperm.xlane v42, v6;
	v47 =	vperm.xlane v42, v10;
	v42 =	vld [tilespmem:s23+$0xE0]  }
0x1fc: {  	v10 =	vmovc v15;
	v15 =	vmov v46;
	s23 =	sadd.s32 $0x240, s23;
	v44 =	vld [tilespmem:s0+$0xF0];
	v46 =	vmul.f32 v7, v43;
	v43 =	vperm.xlane v9, v6  }
0x1fd: {  	v2 =	vmul.f32 v15, v2  }
0x1fe: {  	v5 =	vmul.f32 v16, v5;
	[tilespmem:s0+$0xFFFFFEE0] =	vst v46  }
0x1ff: {  	v1 =	vmul.f32 v17, v1;
	[tilespmem:s0+$0xFFFFFEF0] =	vst v2  }
0x200: {  	v0 =	vmul.f32 v19, v0;
	[tilespmem:s0+$0xFFFFFF00] =	vst v5  }
0x201: {  	v2 =	vmul.f32 v18, v4;
	[tilespmem:s0+$0xFFFFFF10] =	vst v1  }
0x202: {  	v1 =	vmul.f32 v20, v3;
	[tilespmem:s0+$0xFFFFFF30] =	vst v0  }
0x203: {  	v0 =	vmul.f32 v22, v50;
	[tilespmem:s0+$0xFFFFFF20] =	vst v2  }
0x204: {  	v2 =	vmul.f32 v21, v63;
	[tilespmem:s0+$0xFFFFFF40] =	vst v1  }
0x205: {  	v1 =	vmul.f32 v23, v48;
	[tilespmem:s0+$0xFFFFFF70] =	vst v0  }
0x206: {  	v0 =	vmul.f32 v25, v49;
	[tilespmem:s0+$0xFFFFFF50] =	vst v2  }
0x207: {  	v2 =	vmul.f32 v24, v52;
	[tilespmem:s0+$0xFFFFFF80] =	vst v1  }
0x208: {  	v1 =	vmul.f32 v27, v62;
	[tilespmem:s0+$0xFFFFFFA0] =	vst v0  }
0x209: {  	v0 =	vmul.f32 v28, v60;
	[tilespmem:s0+$0xFFFFFF90] =	vst v2  }
0x20a: {  	v2 =	vmul.f32 v26, v59;
	[tilespmem:s0+$0xFFFFFFB0] =	vst v1  }
0x20b: {  	v1 =	vmul.f32 v29, v58;
	[tilespmem:s0+$0xFFFFFFD0] =	vst v0  }
0x20c: {  	v0 =	vmul.f32 v35, v57;
	[tilespmem:s0+$0xFFFFFFC0] =	vst v2  }
0x20d: {  	v2 =	vmul.f32 v33, v61;
	[tilespmem:s0+$0xFFFFFFE0] =	vst v1  }
0x20e: {  	v1 =	vmul.f32 v36, v56;
	[tilespmem:s0+$0x10] =	vst v0  }
0x20f: {  	v0 =	vmul.f32 v45, v55;
	[tilespmem:s0+$0x0] =	vst v2  }
0x210: {  	v2 =	vmul.f32 v40, v54;
	[tilespmem:s0+$0x20] =	vst v1  }
0x211: {  	v1 =	vmul.f32 v41, v53;
	[tilespmem:s0+$0x40] =	vst v0  }
0x212: {  	v0 =	vmul.f32 v37, v47;
	[tilespmem:s0+$0x30] =	vst v2  }
0x213: {  	v2 =	vmul.f32 v34, v51;
	[tilespmem:s0+$0x50] =	vst v1  }
0x214: {  	[tilespmem:s0+$0x70] =	vst v0  }
0x215: {  	[tilespmem:s0+$0x60] =	vst v2  }
0x216: {  	v0 =	vld [tilespmem:$0x1FFE0]  }
0x217: {  	v1 =	vmul.f32 v30, v10  }
0x218: {  	v2 =	vmul.f32 v31, v12  }
0x219: {  	[tilespmem:s0+$0x90] =	vst v1;
	v1 =	vmul.f32 v38, v11  }
0x21a: {  	[tilespmem:s0+$0xA0] =	vst v2;
	v2 =	vmul.f32 v39, v14  }
0x21b: {  	[tilespmem:s0+$0xC0] =	vst v1;
	v0 =	vmul.f32 v32, v0  }
0x21c: {  	v1 =	vmul.f32 v44, v43;
	[tilespmem:s0+$0xD0] =	vst v2  }
0x21d: {  	[tilespmem:s0+$0xB0] =	vst v0;
	v0 =	vmul.f32 v42, v13  }
0x21e: {  	[tilespmem:s0+$0xF0] =	vst v1  }
0x21f: {  	[tilespmem:s0+$0xE0] =	vst v0  }
0x220: {  	[spmem:s2] =	stream.indirect.scatter.add.f32 [tilespmem:s9], [sflag:$0x3], $0x90, s28, s29, $0xb8;
	[tilespmem:$0x1E260] =	vst v63  }
0x221: {  	_ =	swait.ge [sflag:s21], $0x900  }
0x222: {  	[sflag:s21] =	ssyncset.done $0x0  }
0x223: {  	s4 =	stileid.u32;
	[sflag:s21] =	ssyncadd.s32 $0xFFFFF700  }
0x224: {  	s0 =	sshll.u32 s4, $0x6;
	[bflag:$0x0] =	sbarrier.arrive $0xFFFF  }
0x225: {  	s3 =	sshrl.u32 s8, $0x3;
	s0 =	sor.u32 $0x1C07, s0;
	s4 =	rddreg [dreg:$0x8]  }
0x226: {  	[hbm:s4], [sflag:s0] =	dma.local [spmem:s3], $0x900  }
0x227: {  	_ =	swait.ge [sflag:s10], $0x900  }
0x228: {  	[sflag:s10] =	ssyncset.done $0x0;
	s23 =	rddreg [dreg:$0x9]  }
0x229: {  	s31 =	rddreg [dreg:$0x17];
	[sflag:s10] =	ssyncadd.s32 $0xFFFFF700  }
0x22a: {  	[hbm:s23], [sflag:s0] =	dma.local [spmem:s31], $0x900  }
0x22b: {  	_ =	swait.ge [sflag:s10], $0x900  }
0x22c: {  	[sflag:s10] =	ssyncset.done $0x0;
	s23 =	rddreg [dreg:$0xa]  }
0x22d: {  	s31 =	rddreg [dreg:$0x18];
	[sflag:s10] =	ssyncadd.s32 $0xFFFFF700  }
0x22e: {  	[hbm:s23], [sflag:s0] =	dma.local [spmem:s31], $0x900  }
0x22f: {  	_ =	swait.ge [sflag:s10], $0x900  }
0x230: {  	[sflag:s10] =	ssyncset.done $0x0;
	s23 =	rddreg [dreg:$0xb]  }
0x231: {  	s31 =	rddreg [dreg:$0x19];
	[sflag:s10] =	ssyncadd.s32 $0xFFFFF700  }
0x232: {  	[hbm:s23], [sflag:s0] =	dma.local [spmem:s31], $0x900  }
0x233: {  	_ =	swait.ge [sflag:s10], $0x900  }
0x234: {  	[sflag:s10] =	ssyncset.done $0x0;
	s4 =	rddreg [dreg:$0xc]  }
0x235: {  	s23 =	rddreg [dreg:$0x1a];
	[sflag:s10] =	ssyncadd.s32 $0xFFFFF700  }
0x236: {  	[hbm:s4], [sflag:s0] =	dma.local [spmem:s23], $0x900  }
0x237: {  	_ =	swait.ge [sflag:s10], $0x900  }
0x238: {  	s30 =	sadd.s32 $0x1, s30;
	s31 =	rddreg [dreg:$0x16]  }
0x239: {  	p0 =	sne.s32 s30, s31  }
.Ltmp5:
0x23a: {  	_ = 	snop;
	(pc) =	sbr.rel @p0 .LBB2_1-.Ltmp5, $4  }
0x23b: {  	_ = 	snop  }
0x23c: {  	v46 =	vimm.s32 $0x7  }
0x23d: {  	v47 =	vimm.s32 $0x2;
	v53 =	vimm.s32 $0x4;
	v51 =	vimm.s32 $0x3;
	[sflag:s10] =	ssyncset.done $0x0  }
0x23e: {  	v38 =	vimm.s32 $0x1;
	v42 =	vimm.s32 $0x5;
	v0 =	vimm.f32 $0.0e+00;
	[sflag:s10] =	ssyncadd.s32 $0xFFFFF700  }
0x23f: {  	_ =	sfence.sel $0x180000  }
0x240: {  	[bflag:$0x0] =	sbarrier.arrive $0xFFFF  }
0x241: {  	_ =	strace $0x90000047  }
0x242: {  	s0 =	stileid.u32;
	[bflag:$0x2] =	sbarrier.arrive $0xFFFF  }
0x243: {  	p0 =	sne.s32 s0, $0x0;
	s0 =	rddreg [dreg:$0x3]  }
0x244: {  	s0 =	sadd.s32 @!p0 $0x100000, s0  }
0x245: {  	[sflag:s0] =	ssyncadd.tile.s32 @!p0 $0x1;
	_ =	shalt  }
.Lfunc_end2:
_tile_overlayer_lowered:
.L_overlay_start_2:
0x246: {  	(tag) =	ssettag $0x2  }
0x247: {  	s0 =	rddreg [dreg:$0x0];
	s2 =	stileid.u32  }
0x248: {  	s1 =	rddreg [dreg:$0x1];
	p0 =	sne.s32 s2, $0x0  }
0x249: {  	s3 =	rddreg [dreg:$0x2];
	[bflag:$0x3] =	sbarrier.arrive $0xFFFF;
	s2 =	simm.s32 @!p0 $0x1C07  }
0x24a: {  	[timem:s3], [sflag:s2] =	dma.local @!p0 [hbm:s0], s1  }
0x24b: {  	s0 =	simm.s32 @!p0 $0x7  }
0x24c: {  	_ =	swait.ge @!p0 [sflag:s0], s1  }
0x24d: {  	s1 =	ssub.s32 @!p0 $0x0, s1;
	[sflag:s0] =	ssyncset.done @!p0 $0x0  }
0x24e: {  	[sflag:s0] =	ssyncadd.s32 @!p0 s1  }
0x24f: {  	[bflag:$0x3] =	sbarrier.arrive $0xFFFF  }
0x250: {  	_ =	shalt  }

</sc_bundles>
